<compile_context>
chip_gen: v7x
topology: tpu7x:2x2x1
jax: 0.10.2.dev20260603
libtpu: 0.0.44.dev20260713+nightly
codegen_flags: <defaults>
</compile_context>

<pallas_src>
import functools

import jax
import jax.numpy as jnp
from jax import lax
from jax.experimental import pallas as pl
from jax.experimental.pallas import tpu as pltpu
from jax.experimental.pallas import tpu_sc as plsc

NPAD = 10240
TILES = 32
EPT = 10240
EPAD = TILES * EPT
K = 512
NB = EPT // K
NG = K // 16
NSB = NB // 2
NR = NPAD // 16

_CP = pltpu.CompilerParams(needs_layout_passes=False, use_tc_tiling_on_sc=False)


def _proj_nodes_kernel(x_ref, wi_ref, wj_ref, a_ref, b_ref):
    xv = x_ref[...]
    a_ref[...] = (2.0 * jnp.dot(xv, wi_ref[...],
                                preferred_element_type=jnp.float32)).astype(jnp.bfloat16)
    b_ref[...] = (2.0 * jnp.dot(xv, wj_ref[...],
                                preferred_element_type=jnp.float32)).astype(jnp.bfloat16)


def _proj_edges_kernel(ea_ref, w2_ref, c_ref):
    c_ref[...] = 2.0 * jnp.dot(ea_ref[...], w2_ref[...],
                               preferred_element_type=jnp.float32)


def _f32(x):
    return plsc.bitcast(x, jnp.float32)


def _make_sc_kernels(H):
    mesh = plsc.VectorSubcoreMesh(core_axis_name="c", subcore_axis_name="s")

    @functools.partial(
        pl.kernel,
        out_type=(
            jax.ShapeDtypeStruct((EPAD,), jnp.float32),
            jax.ShapeDtypeStruct((2, NR, 16), jnp.float32),
        ),
        mesh=mesh,
        scratch_types=(
            pltpu.VMEM((K,), jnp.int32),
            pltpu.VMEM((K,), jnp.int32),
            pltpu.VMEM((K,), jnp.int32),
            pltpu.VMEM((K,), jnp.int32),
            pltpu.VMEM((K,), jnp.int32),
            pltpu.VMEM((K, H), jnp.bfloat16),
            pltpu.VMEM((K, H), jnp.bfloat16),
            pltpu.VMEM((K, H), jnp.bfloat16),
            pltpu.VMEM((K, H), jnp.bfloat16),
            pltpu.VMEM((K // 2, 2 * H), jnp.float32),
            pltpu.VMEM((16 * K,), jnp.float32),
            pltpu.VMEM((K,), jnp.float32),
            pltpu.VMEM((K,), jnp.float32),
            pltpu.VMEM((NR, 16), jnp.float32),
            pltpu.VMEM((5, 128), jnp.int32),
            pltpu.VMEM((H,), jnp.float32),
            pltpu.VMEM_SHARED((NR, 16), jnp.float32),
            pltpu.SemaphoreType.DMA,
            pltpu.SemaphoreType.DMA,
            pltpu.SemaphoreType.DMA,
            pltpu.SemaphoreType.DMA,
            pltpu.SemaphoreType.DMA,
            pltpu.SemaphoreType.DMA,
            pltpu.SemaphoreType.DMA,
        ),
        compiler_params=_CP,
    )
    def edge_kernel(a_hbm, b_hbm, c_hbm, i_hbm, j_hbm, ws_hbm,
                    ex_hbm, dn_hbm,
                    idxi0, idxi1, idxj0, idxj1, cidx,
                    bufa0, bufa1, bufb0, bufb1, bufc,
                    wbuf, exv0, exv1, dnv, rowidx, ws_v, shared_dn,
                    semi0, semi1, semg0, semg1, semo0, semo1, semc):
        cid = lax.axis_index("c")
        sid = lax.axis_index("s")
        wid = cid * 16 + sid
        e0 = wid * EPT
        idxi = (idxi0, idxi1)
        idxj = (idxj0, idxj1)
        bufa = (bufa0, bufa1)
        bufb = (bufb0, bufb1)
        exv = (exv0, exv1)
        semi = (semi0, semi1)
        semg = (semg0, semg1)
        semo = (semo0, semo1)

        def idx_descs(par, bb):
            eb = e0 + bb * K
            return (
                pltpu.make_async_copy(i_hbm.at[pl.ds(eb, K)], idxi[par], semi[par]),
                pltpu.make_async_copy(j_hbm.at[pl.ds(eb, K)], idxj[par], semi[par]),
            )

        def gather_descs(par, bb):
            return (
                pltpu.make_async_copy(a_hbm.at[idxi[par]], bufa[par], semg[par]),
                pltpu.make_async_copy(b_hbm.at[idxj[par]], bufb[par], semg[par]),
            )

        def c_desc(bb):
            eb = e0 + bb * K
            return pltpu.make_async_copy(c_hbm.at[pl.ds(eb // 2, K // 2)],
                                         bufc, semc)

        def out_desc(par, bb):
            eb = e0 + bb * K
            return pltpu.make_async_copy(exv[par], ex_hbm.at[pl.ds(eb, K)], semo[par])

        pltpu.sync_copy(ws_hbm, ws_v)
        wsv = [ws_v[pl.ds(16 * k, 16)] for k in range(4)]
        ws2v = [2.0 * w for w in wsv]
        iota = lax.iota(jnp.int32, 16)
        iota_k = iota * K
        mask_hi = jnp.full((16,), -65536, jnp.int32)
        zero16 = jnp.zeros((16,), jnp.float32)

        @plsc.parallel_loop(0, NR)
        def _(r):
            dnv[r] = zero16

        for p in range(5):
            for o in range(8):
                rowidx[p, pl.ds(o * 16, 16)] = iota + (p * 128 + o * 16)

        @pl.when(sid == 0)
        def _():
            pltpu.sync_copy(dnv, shared_dn)
        plsc.subcore_barrier()

        def compute(par, bb):
            for o in range(NG):
                sl = pl.ds(o * 16, 16)
                cidx[sl] = idxi[par][sl]

            ba, bb_, bc = bufa[par], bufb[par], bufc

            @plsc.parallel_loop(0, K // 2, unroll=2)
            def _(rr):
                e2 = rr * 2
                for sub in range(2):
                    e = e2 + sub
                    acc = None
                    for ch in range(2):
                        sl = pl.ds(32 * ch, 32)
                        va = plsc.bitcast(ba[e, sl], jnp.int32)
                        vb = plsc.bitcast(bb_[e, sl], jnp.int32)
                        for half in range(2):
                            k = ch * 2 + half
                            ce = bc[rr, pl.ds(sub * 64 + 16 * k, 16)]
                            if half == 0:
                                ae = _f32(va << 16)
                                be = _f32(vb << 16)
                            else:
                                ae = _f32(va & mask_hi)
                                be = _f32(vb & mask_hi)
                            s = (ae + be) + ce
                            t = jnp.exp(s)
                            r = wsv[k] - ws2v[k] / (t + 1.0)
                            acc = r if acc is None else acc + r
                    plsc.store_scatter(wbuf, [iota_k + e], acc)

            ev = exv[par]

            @plsc.parallel_loop(0, NG, unroll=2)
            def _(g):
                gb = g * 16
                accs = [wbuf[pl.ds(l * K + gb, 16)] for l in range(4)]
                for q in range(1, 4):
                    for l in range(4):
                        accs[l] = accs[l] + wbuf[pl.ds((q * 4 + l) * K + gb, 16)]
                acc = (accs[0] + accs[1]) + (accs[2] + accs[3])
                ex16 = jnp.exp(acc)
                ev[pl.ds(gb, 16)] = ex16
                dst = cidx[pl.ds(gb, 16)]
                plsc.addupdate_scatter(dnv, [dst >> 4, dst & 15], ex16)

        for d in idx_descs(0, 0):
            d.start()
        for d in idx_descs(0, 0):
            d.wait()
        for d in gather_descs(0, 0):
            d.start()
        c_desc(0).start()
        for d in idx_descs(1, 1):
            d.start()

        def hyper_body(hb, carry):
            for u in (0, 1):
                bb = hb * 2 + u
                par = u
                opar = 1 - u

                if u == 0:
                    for d in idx_descs(opar, bb + 1):
                        d.wait()
                    for d in gather_descs(opar, bb + 1):
                        d.start()
                else:
                    @pl.when(hb < NSB - 1)
                    def _():
                        for d in idx_descs(opar, bb + 1):
                            d.wait()
                        for d in gather_descs(opar, bb + 1):
                            d.start()

                for d in gather_descs(par, bb):
                    d.wait()
                c_desc(bb).wait()

                @pl.when(hb >= 1)
                def _():
                    out_desc(par, bb - 2).wait()

                compute(par, bb)

                if u == 0:
                    c_desc(bb + 1).start()
                else:
                    @pl.when(hb < NSB - 1)
                    def _():
                        c_desc(bb + 1).start()

                @pl.when(hb < NSB - 1)
                def _():
                    for d in idx_descs(par, bb + 2):
                        d.start()

                out_desc(par, bb).start()
            return carry

        lax.fori_loop(0, NSB, hyper_body, 0)
        out_desc(0, NB - 2).wait()
        out_desc(1, NB - 1).wait()

        for p in range(5):
            pltpu.sync_copy(dnv.at[pl.ds(p * 128, 128)],
                            shared_dn.at[rowidx.at[p]], add=True)
        plsc.subcore_barrier()
        pltpu.sync_copy(shared_dn.at[pl.ds(sid * (NR // 16), NR // 16)],
                        dn_hbm.at[cid, pl.ds(sid * (NR // 16), NR // 16)])

    @functools.partial(
        pl.kernel,
        out_type=jax.ShapeDtypeStruct((EPAD,), jnp.float32),
        mesh=mesh,
        scratch_types=(
            pltpu.VMEM((NR, 16), jnp.float32),
            pltpu.VMEM((NR, 16), jnp.float32),
            pltpu.VMEM((EPT,), jnp.float32),
            pltpu.VMEM((EPT,), jnp.int32),
            pltpu.VMEM((EPT,), jnp.float32),
            pltpu.SemaphoreType.DMA,
        ),
        compiler_params=_CP,
    )
    def norm_kernel(dn_hbm, ex_hbm, i_hbm, al_hbm,
                    dn0, dn1, ex_v, idx_v, al_v, sem):
        cid = lax.axis_index("c")
        sid = lax.axis_index("s")
        wid = cid * 16 + sid
        e0 = wid * EPT
        cp1 = pltpu.make_async_copy(dn_hbm.at[0], dn0, sem)
        cp2 = pltpu.make_async_copy(dn_hbm.at[1], dn1, sem)
        cp3 = pltpu.make_async_copy(ex_hbm.at[pl.ds(e0, EPT)], ex_v, sem)
        cp4 = pltpu.make_async_copy(i_hbm.at[pl.ds(e0, EPT)], idx_v, sem)
        for cp in (cp1, cp2, cp3, cp4):
            cp.start()
        cp1.wait()
        cp2.wait()

        @plsc.parallel_loop(0, NR)
        def _(r):
            dn0[r] = 1.0 / ((dn0[r] + dn1[r]) + 1e-16)

        cp3.wait()
        cp4.wait()

        @plsc.parallel_loop(0, EPT // 16, unroll=2)
        def _(g):
            sl = pl.ds(g * 16, 16)
            dst = idx_v[sl]
            inv = plsc.load_gather(dn0, [dst >> 4, dst & 15])
            al_v[sl] = ex_v[sl] * inv

        pltpu.sync_copy(al_v, al_hbm.at[pl.ds(e0, EPT)])

    return edge_kernel, norm_kernel


def kernel(x, edge_index, edge_attr, W_i, W_j, W_e, w_s):
    N, C = x.shape
    E, DE = edge_attr.shape
    H = W_i.shape[0]

    i_pad = jnp.concatenate(
        [edge_index[1], jnp.full((EPAD - E,), N, jnp.int32)], axis=0)
    j_pad = jnp.concatenate(
        [edge_index[0], jnp.zeros((EPAD - E,), jnp.int32)], axis=0)

    ws = w_s.reshape(H)
    ws_re = jnp.concatenate(
        [ws[0:32:2], ws[1:32:2], ws[32:64:2], ws[33:64:2]])

    nblk = 1024
    a2, b2 = pl.pallas_call(
        _proj_nodes_kernel,
        grid=(NPAD // nblk,),
        in_specs=[
            pl.BlockSpec((nblk, C), lambda g: (g, 0)),
            pl.BlockSpec((C, H), lambda g: (0, 0)),
            pl.BlockSpec((C, H), lambda g: (0, 0)),
        ],
        out_specs=[
            pl.BlockSpec((nblk, H), lambda g: (g, 0)),
            pl.BlockSpec((nblk, H), lambda g: (g, 0)),
        ],
        out_shape=[
            jax.ShapeDtypeStruct((NPAD, H), jnp.bfloat16),
            jax.ShapeDtypeStruct((NPAD, H), jnp.bfloat16),
        ],
    )(x, W_i.T, W_j.T)

    wet = W_e.T
    zde = jnp.zeros((DE, H), jnp.float32)
    w2 = jnp.concatenate([
        jnp.concatenate([wet, zde], axis=1),
        jnp.concatenate([zde, wet], axis=1),
    ], axis=0)
    perm = jnp.concatenate([
        jnp.arange(0, 32, 2), jnp.arange(1, 32, 2),
        jnp.arange(32, 64, 2), jnp.arange(33, 64, 2)])
    perm2 = jnp.concatenate([perm, perm + H])
    w2 = w2[:, perm2]

    ea_v = edge_attr.reshape(E // 2, 2 * DE)
    eblk = 16384
    c2 = pl.pallas_call(
        _proj_edges_kernel,
        grid=(EPAD // eblk,),
        in_specs=[
            pl.BlockSpec((eblk // 2, 2 * DE), lambda g: (g, 0)),
            pl.BlockSpec((2 * DE, 2 * H), lambda g: (0, 0)),
        ],
        out_specs=pl.BlockSpec((eblk // 2, 2 * H), lambda g: (g, 0)),
        out_shape=jax.ShapeDtypeStruct((EPAD // 2, 2 * H), jnp.float32),
    )(ea_v, w2)

    edge_kernel, norm_kernel = _make_sc_kernels(H)
    ex, dn = edge_kernel(a2, b2, c2, i_pad, j_pad, ws_re)
    alpha = norm_kernel(dn, ex, i_pad)
    return alpha[:E]

# --- scband reference (transcript-rebuilt; emitter-appended) ---
"""Pipeline reference for scband-edge-attention-57234734186660 (READ-ONLY COPY).

The authoritative reference and input builder live on the scoring server;
editing this copy changes nothing except your own understanding.
"""

import jax, jax.numpy as jnp
import numpy as np

N = 10000
E = 320000
C = 128
DE = 16
H = 64
TEMPERATURE = 1.0


def _xavier_uniform(key, shape):
    fan_out, fan_in = shape
    a = float(np.sqrt(6.0 / (fan_in + fan_out)))
    return jax.random.uniform(key, shape, minval=-a, maxval=a, dtype=jnp.float32)


def setup_inputs(seed: int = 0) -> dict:
    key = jax.random.key(seed)
    ks = jax.random.split(key, 7)
    x = jax.random.normal(ks[0], (N, C), dtype=jnp.float32)
    edge_index = jax.random.randint(ks[1], (2, E), 0, N, dtype=jnp.int32)
    edge_attr = jax.random.normal(ks[2], (E, DE), dtype=jnp.float32)
    W_i = _xavier_uniform(ks[3], (H, C))
    W_j = _xavier_uniform(ks[4], (H, C))
    W_e = _xavier_uniform(ks[5], (H, DE))
    w_s = _xavier_uniform(ks[6], (1, H))
    return {"x": x, "edge_index": edge_index, "edge_attr": edge_attr,
            "W_i": W_i, "W_j": W_j, "W_e": W_e, "w_s": w_s}


def reference(x, edge_index, edge_attr, W_i, W_j, W_e, w_s):
    j = edge_index[0]
    i = edge_index[1]
    # gather node features for both endpoints (SparseCore gather)
    h = jnp.tanh(x[i] @ W_i.T + x[j] @ W_j.T + edge_attr @ W_e.T)
    # dropout is identity in eval mode (p applied only in training)
    logits = (h @ w_s.T).squeeze(-1) / TEMPERATURE
    # softmax over edges grouped by destination node i
    m = jax.ops.segment_max(logits, i, num_segments=N)
    m = jnp.where(jnp.isfinite(m), m, 0.0)
    ex = jnp.exp(logits - m[i])
    denom = jax.ops.segment_sum(ex, i, num_segments=N)
    alpha = ex / (denom[i] + 1e-16)
    return alpha

if __name__ == "__main__":
    import jax
    _d = setup_inputs()
    print(jax.jit(kernel)(*tuple(_d.values())))

</pallas_src>

<mosaic_0001>
#map = affine_map<(d0, d1) -> (0, 0, 0)>
#map1 = affine_map<(d0, d1) -> (0)>
module attributes {stable_mosaic.version = 14 : i64} {
  func.func @norm_kernel(%arg0: i32, %arg1: i32, %arg2: memref<2x640x16xf32, #tpu.memory_space<hbm>>, %arg3: memref<327680xf32, #tpu.memory_space<hbm>>, %arg4: memref<327680xi32, #tpu.memory_space<hbm>>, %arg5: memref<327680xf32, #tpu.memory_space<hbm>>, %arg6: memref<640x16xf32, #tpu.memory_space<vmem>>, %arg7: memref<640x16xf32, #tpu.memory_space<vmem>>, %arg8: memref<10240xf32, #tpu.memory_space<vmem>>, %arg9: memref<10240xi32, #tpu.memory_space<vmem>>, %arg10: memref<10240xf32, #tpu.memory_space<vmem>>, %arg11: memref<!tpu.dma_semaphore, #tpu.memory_space<semaphore_mem>>) attributes {dimension_semantics = [#tpu.dimension_semantics<core_parallel>, #tpu.dimension_semantics<subcore_parallel>], iteration_bounds = array<i64: 2, 16>, scalar_prefetch = 0 : i64, scratch_operands = 6 : i64, tpu.core_type = #tpu.core_type<sc_vector_subcore>, window_params = [{transform_indices = #map}, {transform_indices = #map1}, {transform_indices = #map1}, {transform_indices = #map1}]} {
    %mul3A = arith.constant 16 : i32
    %mul3A_0 = arith.muli %arg0, %mul3A : i32
    %add3A = arith.addi %mul3A_0, %arg1 : i32
    %mul3A_1 = arith.constant 10240 : i32
    %mul3A_2 = arith.muli %add3A, %mul3A_1 : i32
    %dma_start3A = arith.constant 0 : i32
    %dma_start3A_3 = arith.constant 0 : i32
    %dma_start3A_4 = arith.constant 0 : i32
    %dma_start3A_5 = tpu.memref_slice %arg2[%dma_start3A, %dma_start3A_3, %dma_start3A_4] : memref<2x640x16xf32, #tpu.memory_space<hbm>> -> memref<1x640x16xf32, #tpu.memory_space<hbm>>
    %dma_start3A_6 = tpu.memref_squeeze %dma_start3A_5 : memref<1x640x16xf32, #tpu.memory_space<hbm>> -> memref<640x16xf32, #tpu.memory_space<hbm>>
    %dma_start3A_7 = arith.constant 0 : i32
    %dma_start3A_8 = arith.constant 0 : i32
    %dma_start3A_9 = tpu.memref_slice %arg2[%dma_start3A, %dma_start3A_7, %dma_start3A_8] : memref<2x640x16xf32, #tpu.memory_space<hbm>> -> memref<1x640x16xf32, #tpu.memory_space<hbm>>
    %dma_start3A_10 = tpu.memref_squeeze %dma_start3A_9 : memref<1x640x16xf32, #tpu.memory_space<hbm>> -> memref<640x16xf32, #tpu.memory_space<hbm>>
    tpu.enqueue_dma source(%dma_start3A_10 : memref<640x16xf32, #tpu.memory_space<hbm>>) target(%arg6 : memref<640x16xf32, #tpu.memory_space<vmem>>) target_semaphore(%arg11 : memref<!tpu.dma_semaphore, #tpu.memory_space<semaphore_mem>>)
    %dma_start3A_11 = arith.constant 1 : i32
    %dma_start3A_12 = arith.constant 0 : i32
    %dma_start3A_13 = arith.constant 0 : i32
    %dma_start3A_14 = tpu.memref_slice %arg2[%dma_start3A_11, %dma_start3A_12, %dma_start3A_13] : memref<2x640x16xf32, #tpu.memory_space<hbm>> -> memref<1x640x16xf32, #tpu.memory_space<hbm>>
    %dma_start3A_15 = tpu.memref_squeeze %dma_start3A_14 : memref<1x640x16xf32, #tpu.memory_space<hbm>> -> memref<640x16xf32, #tpu.memory_space<hbm>>
    %dma_start3A_16 = arith.constant 0 : i32
    %dma_start3A_17 = arith.constant 0 : i32
    %dma_start3A_18 = tpu.memref_slice %arg2[%dma_start3A_11, %dma_start3A_16, %dma_start3A_17] : memref<2x640x16xf32, #tpu.memory_space<hbm>> -> memref<1x640x16xf32, #tpu.memory_space<hbm>>
    %dma_start3A_19 = tpu.memref_squeeze %dma_start3A_18 : memref<1x640x16xf32, #tpu.memory_space<hbm>> -> memref<640x16xf32, #tpu.memory_space<hbm>>
    tpu.enqueue_dma source(%dma_start3A_19 : memref<640x16xf32, #tpu.memory_space<hbm>>) target(%arg7 : memref<640x16xf32, #tpu.memory_space<vmem>>) target_semaphore(%arg11 : memref<!tpu.dma_semaphore, #tpu.memory_space<semaphore_mem>>)
    %dma_start3A_20 = tpu.memref_slice %arg3[%mul3A_2] : memref<327680xf32, #tpu.memory_space<hbm>> -> memref<10240xf32, #tpu.memory_space<hbm>>
    %dma_start3A_21 = tpu.memref_slice %arg3[%mul3A_2] : memref<327680xf32, #tpu.memory_space<hbm>> -> memref<10240xf32, #tpu.memory_space<hbm>>
    tpu.enqueue_dma source(%dma_start3A_21 : memref<10240xf32, #tpu.memory_space<hbm>>) target(%arg8 : memref<10240xf32, #tpu.memory_space<vmem>>) target_semaphore(%arg11 : memref<!tpu.dma_semaphore, #tpu.memory_space<semaphore_mem>>)
    %dma_start3A_22 = tpu.memref_slice %arg4[%mul3A_2] : memref<327680xi32, #tpu.memory_space<hbm>> -> memref<10240xi32, #tpu.memory_space<hbm>>
    %dma_start3A_23 = tpu.memref_slice %arg4[%mul3A_2] : memref<327680xi32, #tpu.memory_space<hbm>> -> memref<10240xi32, #tpu.memory_space<hbm>>
    tpu.enqueue_dma source(%dma_start3A_23 : memref<10240xi32, #tpu.memory_space<hbm>>) target(%arg9 : memref<10240xi32, #tpu.memory_space<vmem>>) target_semaphore(%arg11 : memref<!tpu.dma_semaphore, #tpu.memory_space<semaphore_mem>>)
    %dma_wait3A = arith.constant 0 : i32
    %dma_wait3A_24 = arith.constant 0 : i32
    %dma_wait3A_25 = arith.constant 0 : i32
    %dma_wait3A_26 = tpu.memref_slice %arg2[%dma_wait3A, %dma_wait3A_24, %dma_wait3A_25] : memref<2x640x16xf32, #tpu.memory_space<hbm>> -> memref<1x640x16xf32, #tpu.memory_space<hbm>>
    %dma_wait3A_27 = tpu.memref_squeeze %dma_wait3A_26 : memref<1x640x16xf32, #tpu.memory_space<hbm>> -> memref<640x16xf32, #tpu.memory_space<hbm>>
    %dma_wait3A_28 = arith.constant 0 : i32
    %dma_wait3A_29 = arith.constant 0 : i32
    %dma_wait3A_30 = tpu.memref_slice %arg2[%dma_wait3A, %dma_wait3A_28, %dma_wait3A_29] : memref<2x640x16xf32, #tpu.memory_space<hbm>> -> memref<1x640x16xf32, #tpu.memory_space<hbm>>
    %dma_wait3A_31 = tpu.memref_squeeze %dma_wait3A_30 : memref<1x640x16xf32, #tpu.memory_space<hbm>> -> memref<640x16xf32, #tpu.memory_space<hbm>>
    tpu.wait_dma2 semaphore(%arg11 : memref<!tpu.dma_semaphore, #tpu.memory_space<semaphore_mem>>) src(%dma_wait3A_31 : memref<640x16xf32, #tpu.memory_space<hbm>>) dst(%arg6 : memref<640x16xf32, #tpu.memory_space<vmem>>)
    %dma_wait3A_32 = arith.constant 1 : i32
    %dma_wait3A_33 = arith.constant 0 : i32
    %dma_wait3A_34 = arith.constant 0 : i32
    %dma_wait3A_35 = tpu.memref_slice %arg2[%dma_wait3A_32, %dma_wait3A_33, %dma_wait3A_34] : memref<2x640x16xf32, #tpu.memory_space<hbm>> -> memref<1x640x16xf32, #tpu.memory_space<hbm>>
    %dma_wait3A_36 = tpu.memref_squeeze %dma_wait3A_35 : memref<1x640x16xf32, #tpu.memory_space<hbm>> -> memref<640x16xf32, #tpu.memory_space<hbm>>
    %dma_wait3A_37 = arith.constant 0 : i32
    %dma_wait3A_38 = arith.constant 0 : i32
    %dma_wait3A_39 = tpu.memref_slice %arg2[%dma_wait3A_32, %dma_wait3A_37, %dma_wait3A_38] : memref<2x640x16xf32, #tpu.memory_space<hbm>> -> memref<1x640x16xf32, #tpu.memory_space<hbm>>
    %dma_wait3A_40 = tpu.memref_squeeze %dma_wait3A_39 : memref<1x640x16xf32, #tpu.memory_space<hbm>> -> memref<640x16xf32, #tpu.memory_space<hbm>>
    tpu.wait_dma2 semaphore(%arg11 : memref<!tpu.dma_semaphore, #tpu.memory_space<semaphore_mem>>) src(%dma_wait3A_40 : memref<640x16xf32, #tpu.memory_space<hbm>>) dst(%arg7 : memref<640x16xf32, #tpu.memory_space<vmem>>)
    %parallel_loop3A = arith.constant 0 : i32
    %parallel_loop3A_41 = arith.constant 640 : i32
    %parallel_loop3A_42 = arith.constant 1 : i32
    scf.for %parallel_loop3A_50 = %parallel_loop3A to %parallel_loop3A_41 step %parallel_loop3A_42  : i32 {
      %parallel_loop3A_51 = arith.index_cast %parallel_loop3A_50 : i32 to index
      %parallel_loop3A_52 = arith.constant 0 : index
      %parallel_loop3A_53 = tpu.vector_load %arg6[%parallel_loop3A_51, %parallel_loop3A_52] {strides = array<i32>} : memref<640x16xf32, #tpu.memory_space<vmem>>, vector<16xf32>,
      %parallel_loop3A_54 = arith.index_cast %parallel_loop3A_50 : i32 to index
      %parallel_loop3A_55 = arith.constant 0 : index
      %parallel_loop3A_56 = tpu.vector_load %arg7[%parallel_loop3A_54, %parallel_loop3A_55] {strides = array<i32>} : memref<640x16xf32, #tpu.memory_space<vmem>>, vector<16xf32>,
      %parallel_loop3A_57 = arith.addf %parallel_loop3A_53, %parallel_loop3A_56 : vector<16xf32>
      %parallel_loop3A_58 = arith.constant 1.000000e-16 : f32
      %parallel_loop3A_59 = vector.broadcast %parallel_loop3A_58 : f32 to vector<16xf32>
      %parallel_loop3A_60 = arith.addf %parallel_loop3A_57, %parallel_loop3A_59 : vector<16xf32>
      %parallel_loop3A_61 = arith.constant 1.000000e+00 : f32
      %parallel_loop3A_62 = vector.broadcast %parallel_loop3A_61 : f32 to vector<16xf32>
      %parallel_loop3A_63 = arith.divf %parallel_loop3A_62, %parallel_loop3A_60 : vector<16xf32>
      %parallel_loop3A_64 = arith.index_cast %parallel_loop3A_50 : i32 to index
      %parallel_loop3A_65 = arith.constant 0 : index
      %parallel_loop3A_66 = tpu.vector_load %arg6[%parallel_loop3A_64, %parallel_loop3A_65] {strides = array<i32>} : memref<640x16xf32, #tpu.memory_space<vmem>>, vector<16xf32>,
      tpu.vector_store %arg6[%parallel_loop3A_64, %parallel_loop3A_65], %parallel_loop3A_63 {strides = array<i32>} : memref<640x16xf32, #tpu.memory_space<vmem>>, vector<16xf32>,
    } {sc.loop_unroll_factor = 1 : i64, sc.parallel_access}
    %dma_wait3A_43 = tpu.memref_slice %arg3[%mul3A_2] : memref<327680xf32, #tpu.memory_space<hbm>> -> memref<10240xf32, #tpu.memory_space<hbm>>
    %dma_wait3A_44 = tpu.memref_slice %arg3[%mul3A_2] : memref<327680xf32, #tpu.memory_space<hbm>> -> memref<10240xf32, #tpu.memory_space<hbm>>
    tpu.wait_dma2 semaphore(%arg11 : memref<!tpu.dma_semaphore, #tpu.memory_space<semaphore_mem>>) src(%dma_wait3A_44 : memref<10240xf32, #tpu.memory_space<hbm>>) dst(%arg8 : memref<10240xf32, #tpu.memory_space<vmem>>)
    %dma_wait3A_45 = tpu.memref_slice %arg4[%mul3A_2] : memref<327680xi32, #tpu.memory_space<hbm>> -> memref<10240xi32, #tpu.memory_space<hbm>>
    %dma_wait3A_46 = tpu.memref_slice %arg4[%mul3A_2] : memref<327680xi32, #tpu.memory_space<hbm>> -> memref<10240xi32, #tpu.memory_space<hbm>>
    tpu.wait_dma2 semaphore(%arg11 : memref<!tpu.dma_semaphore, #tpu.memory_space<semaphore_mem>>) src(%dma_wait3A_46 : memref<10240xi32, #tpu.memory_space<hbm>>) dst(%arg9 : memref<10240xi32, #tpu.memory_space<vmem>>)
    %parallel_loop3A_47 = arith.constant 0 : i32
    %parallel_loop3A_48 = arith.constant 640 : i32
    %parallel_loop3A_49 = arith.constant 1 : i32
    scf.for %parallel_loop3A_50 = %parallel_loop3A_47 to %parallel_loop3A_48 step %parallel_loop3A_49  : i32 {
      %parallel_loop3A_51 = arith.constant 16 : i32
      %parallel_loop3A_52 = arith.muli %parallel_loop3A_50, %parallel_loop3A_51 : i32
      %parallel_loop3A_53 = arith.index_cast %parallel_loop3A_52 : i32 to index
      %parallel_loop3A_54 = tpu.vector_load %arg9[%parallel_loop3A_53] {strides = array<i32>} : memref<10240xi32, #tpu.memory_space<vmem>>, vector<16xi32>,
      %parallel_loop3A_55 = arith.constant 4 : i32
      %parallel_loop3A_56 = vector.broadcast %parallel_loop3A_55 : i32 to vector<16xi32>
      %parallel_loop3A_57 = arith.shrsi %parallel_loop3A_54, %parallel_loop3A_56 : vector<16xi32>
      %parallel_loop3A_58 = arith.constant 15 : i32
      %parallel_loop3A_59 = vector.broadcast %parallel_loop3A_58 : i32 to vector<16xi32>
      %parallel_loop3A_60 = arith.andi %parallel_loop3A_54, %parallel_loop3A_59 : vector<16xi32>
      %parallel_loop3A_61 = tpu.vector_load_idx %arg6[%parallel_loop3A_57, %parallel_loop3A_60] : memref<640x16xf32, #tpu.memory_space<vmem>>[vector<16xi32>, vector<16xi32>], vector<16xf32>,
      %parallel_loop3A_62 = arith.index_cast %parallel_loop3A_52 : i32 to index
      %parallel_loop3A_63 = tpu.vector_load %arg8[%parallel_loop3A_62] {strides = array<i32>} : memref<10240xf32, #tpu.memory_space<vmem>>, vector<16xf32>,
      %parallel_loop3A_64 = arith.mulf %parallel_loop3A_63, %parallel_loop3A_61 : vector<16xf32>
      %parallel_loop3A_65 = arith.index_cast %parallel_loop3A_52 : i32 to index
      %parallel_loop3A_66 = tpu.vector_load %arg10[%parallel_loop3A_65] {strides = array<i32>} : memref<10240xf32, #tpu.memory_space<vmem>>, vector<16xf32>,
      tpu.vector_store %arg10[%parallel_loop3A_65], %parallel_loop3A_64 {strides = array<i32>} : memref<10240xf32, #tpu.memory_space<vmem>>, vector<16xf32>,
    } {sc.loop_unroll_factor = 2 : i64, sc.parallel_access}
    "tpu.region"() ({
      %run_scoped3A = tpu.sem_alloc : memref<!tpu.dma_semaphore, #tpu.memory_space<semaphore_mem>>
      %dma_start3A_50 = tpu.memref_slice %arg5[%mul3A_2] : memref<327680xf32, #tpu.memory_space<hbm>> -> memref<10240xf32, #tpu.memory_space<hbm>>
      %dma_start3A_51 = tpu.memref_slice %arg5[%mul3A_2] : memref<327680xf32, #tpu.memory_space<hbm>> -> memref<10240xf32, #tpu.memory_space<hbm>>
      tpu.enqueue_dma source(%arg10 : memref<10240xf32, #tpu.memory_space<vmem>>) target(%dma_start3A_51 : memref<10240xf32, #tpu.memory_space<hbm>>) target_semaphore(%run_scoped3A : memref<!tpu.dma_semaphore, #tpu.memory_space<semaphore_mem>>)
      %dma_wait3A_52 = tpu.memref_slice %arg5[%mul3A_2] : memref<327680xf32, #tpu.memory_space<hbm>> -> memref<10240xf32, #tpu.memory_space<hbm>>
      %dma_wait3A_53 = tpu.memref_slice %arg5[%mul3A_2] : memref<327680xf32, #tpu.memory_space<hbm>> -> memref<10240xf32, #tpu.memory_space<hbm>>
      tpu.wait_dma2 semaphore(%run_scoped3A : memref<!tpu.dma_semaphore, #tpu.memory_space<semaphore_mem>>) src(%arg10 : memref<10240xf32, #tpu.memory_space<vmem>>) dst(%dma_wait3A_53 : memref<10240xf32, #tpu.memory_space<hbm>>)
      tpu.yield
    }) : () -> ()
    return
  }
}

#map = affine_map<(d0, d1) -> (0, 0)>
#map1 = affine_map<(d0, d1) -> (0)>
#map2 = affine_map<(d0, d1) -> (0, 0, 0)>
module attributes {stable_mosaic.version = 14 : i64} {
  func.func @edge_kernel(%arg0: i32, %arg1: i32, %arg2: memref<10240x64xbf16, #tpu.memory_space<hbm>>, %arg3: memref<10240x64xbf16, #tpu.memory_space<hbm>>, %arg4: memref<163840x128xf32, #tpu.memory_space<hbm>>, %arg5: memref<327680xi32, #tpu.memory_space<hbm>>, %arg6: memref<327680xi32, #tpu.memory_space<hbm>>, %arg7: memref<64xf32, #tpu.memory_space<hbm>>, %arg8: memref<327680xf32, #tpu.memory_space<hbm>>, %arg9: memref<2x640x16xf32, #tpu.memory_space<hbm>>, %arg10: memref<512xi32, #tpu.memory_space<vmem>>, %arg11: memref<512xi32, #tpu.memory_space<vmem>>, %arg12: memref<512xi32, #tpu.memory_space<vmem>>, %arg13: memref<512xi32, #tpu.memory_space<vmem>>, %arg14: memref<512xi32, #tpu.memory_space<vmem>>, %arg15: memref<512x64xbf16, #tpu.memory_space<vmem>>, %arg16: memref<512x64xbf16, #tpu.memory_space<vmem>>, %arg17: memref<512x64xbf16, #tpu.memory_space<vmem>>, %arg18: memref<512x64xbf16, #tpu.memory_space<vmem>>, %arg19: memref<256x128xf32, #tpu.memory_space<vmem>>, %arg20: memref<8192xf32, #tpu.memory_space<vmem>>, %arg21: memref<512xf32, #tpu.memory_space<vmem>>, %arg22: memref<512xf32, #tpu.memory_space<vmem>>, %arg23: memref<640x16xf32, #tpu.memory_space<vmem>>, %arg24: memref<5x128xi32, #tpu.memory_space<vmem>>, %arg25: memref<64xf32, #tpu.memory_space<vmem>>, %arg26: memref<640x16xf32, #tpu.memory_space<vmem_shared>>, %arg27: memref<!tpu.dma_semaphore, #tpu.memory_space<semaphore_mem>>, %arg28: memref<!tpu.dma_semaphore, #tpu.memory_space<semaphore_mem>>, %arg29: memref<!tpu.dma_semaphore, #tpu.memory_space<semaphore_mem>>, %arg30: memref<!tpu.dma_semaphore, #tpu.memory_space<semaphore_mem>>, %arg31: memref<!tpu.dma_semaphore, #tpu.memory_space<semaphore_mem>>, %arg32: memref<!tpu.dma_semaphore, #tpu.memory_space<semaphore_mem>>, %arg33: memref<!tpu.dma_semaphore, #tpu.memory_space<semaphore_mem>>) attributes {dimension_semantics = [#tpu.dimension_semantics<core_parallel>, #tpu.dimension_semantics<subcore_parallel>], iteration_bounds = array<i64: 2, 16>, scalar_prefetch = 0 : i64, scratch_operands = 24 : i64, tpu.core_type = #tpu.core_type<sc_vector_subcore>, window_params = [{transform_indices = #map}, {transform_indices = #map}, {transform_indices = #map}, {transform_indices = #map1}, {transform_indices = #map1}, {transform_indices = #map1}, {transform_indices = #map1}, {transform_indices = #map2}]} {
    %mul3A = arith.constant 16 : i32
    %mul3A_0 = arith.muli %arg0, %mul3A : i32
    %add3A = arith.addi %mul3A_0, %arg1 : i32
    %mul3A_1 = arith.constant 10240 : i32
    %mul3A_2 = arith.muli %add3A, %mul3A_1 : i32
    "tpu.region"() ({
      %run_scoped3A_377 = tpu.sem_alloc : memref<!tpu.dma_semaphore, #tpu.memory_space<semaphore_mem>>
      tpu.enqueue_dma source(%arg7 : memref<64xf32, #tpu.memory_space<hbm>>) target(%arg25 : memref<64xf32, #tpu.memory_space<vmem>>) target_semaphore(%run_scoped3A_377 : memref<!tpu.dma_semaphore, #tpu.memory_space<semaphore_mem>>)
      tpu.wait_dma2 semaphore(%run_scoped3A_377 : memref<!tpu.dma_semaphore, #tpu.memory_space<semaphore_mem>>) src(%arg7 : memref<64xf32, #tpu.memory_space<hbm>>) dst(%arg25 : memref<64xf32, #tpu.memory_space<vmem>>)
      tpu.yield
    }) : () -> ()
    %get3A = arith.constant 0 : index
    %get3A_3 = tpu.vector_load %arg25[%get3A] {strides = array<i32>} : memref<64xf32, #tpu.memory_space<vmem>>, vector<16xf32>,
    %get3A_4 = arith.constant 16 : index
    %get3A_5 = tpu.vector_load %arg25[%get3A_4] {strides = array<i32>} : memref<64xf32, #tpu.memory_space<vmem>>, vector<16xf32>,
    %get3A_6 = arith.constant 32 : index
    %get3A_7 = tpu.vector_load %arg25[%get3A_6] {strides = array<i32>} : memref<64xf32, #tpu.memory_space<vmem>>, vector<16xf32>,
    %get3A_8 = arith.constant 48 : index
    %get3A_9 = tpu.vector_load %arg25[%get3A_8] {strides = array<i32>} : memref<64xf32, #tpu.memory_space<vmem>>, vector<16xf32>,
    %mul3A_10 = arith.constant 2.000000e+00 : f32
    %mul3A_11 = vector.broadcast %mul3A_10 : f32 to vector<16xf32>
    %mul3A_12 = arith.mulf %mul3A_11, %get3A_3 : vector<16xf32>
    %mul3A_13 = arith.constant 2.000000e+00 : f32
    %mul3A_14 = vector.broadcast %mul3A_13 : f32 to vector<16xf32>
    %mul3A_15 = arith.mulf %mul3A_14, %get3A_5 : vector<16xf32>
    %mul3A_16 = arith.constant 2.000000e+00 : f32
    %mul3A_17 = vector.broadcast %mul3A_16 : f32 to vector<16xf32>
    %mul3A_18 = arith.mulf %mul3A_17, %get3A_7 : vector<16xf32>
    %mul3A_19 = arith.constant 2.000000e+00 : f32
    %mul3A_20 = vector.broadcast %mul3A_19 : f32 to vector<16xf32>
    %mul3A_21 = arith.mulf %mul3A_20, %get3A_9 : vector<16xf32>
    %iota3A = tpu.iota {dimensions = array<i32: 0>} : vector<16xi32>
    %mul3A_22 = arith.constant 512 : i32
    %mul3A_23 = vector.broadcast %mul3A_22 : i32 to vector<16xi32>
    %mul3A_24 = arith.muli %iota3A, %mul3A_23 : vector<16xi32>
    %broadcast_in_dim3A = arith.constant -65536 : i32
    %broadcast_in_dim3A_25 = vector.broadcast %broadcast_in_dim3A : i32 to vector<16xi32>
    %broadcast_in_dim3A_26 = arith.constant 0.000000e+00 : f32
    %broadcast_in_dim3A_27 = vector.broadcast %broadcast_in_dim3A_26 : f32 to vector<16xf32>
    %parallel_loop3A = arith.constant 0 : i32
    %parallel_loop3A_28 = arith.constant 640 : i32
    %parallel_loop3A_29 = arith.constant 1 : i32
    scf.for %parallel_loop3A_377 = %parallel_loop3A to %parallel_loop3A_28 step %parallel_loop3A_29  : i32 {
      %parallel_loop3A_378 = arith.index_cast %parallel_loop3A_377 : i32 to index
      %parallel_loop3A_379 = arith.constant 0 : index
      %parallel_loop3A_380 = tpu.vector_load %arg23[%parallel_loop3A_378, %parallel_loop3A_379] {strides = array<i32>} : memref<640x16xf32, #tpu.memory_space<vmem>>, vector<16xf32>,
      tpu.vector_store %arg23[%parallel_loop3A_378, %parallel_loop3A_379], %broadcast_in_dim3A_27 {strides = array<i32>} : memref<640x16xf32, #tpu.memory_space<vmem>>, vector<16xf32>,
    } {sc.loop_unroll_factor = 1 : i64, sc.parallel_access}
    %add3A_30 = arith.constant 0 : i32
    %add3A_31 = vector.broadcast %add3A_30 : i32 to vector<16xi32>
    %add3A_32 = arith.addi %iota3A, %add3A_31 : vector<16xi32>
    %swap3A = arith.constant 0 : i32
    %swap3A_33 = arith.index_cast %swap3A : i32 to index
    %swap3A_34 = arith.constant 0 : index
    %swap3A_35 = tpu.vector_load %arg24[%swap3A_33, %swap3A_34] {strides = array<i32>} : memref<5x128xi32, #tpu.memory_space<vmem>>, vector<16xi32>,
    tpu.vector_store %arg24[%swap3A_33, %swap3A_34], %add3A_32 {strides = array<i32>} : memref<5x128xi32, #tpu.memory_space<vmem>>, vector<16xi32>,
    %add3A_36 = arith.constant 16 : i32
    %add3A_37 = vector.broadcast %add3A_36 : i32 to vector<16xi32>
    %add3A_38 = arith.addi %iota3A, %add3A_37 : vector<16xi32>
    %swap3A_39 = arith.constant 0 : i32
    %swap3A_40 = arith.index_cast %swap3A_39 : i32 to index
    %swap3A_41 = arith.constant 16 : index
    %swap3A_42 = tpu.vector_load %arg24[%swap3A_40, %swap3A_41] {strides = array<i32>} : memref<5x128xi32, #tpu.memory_space<vmem>>, vector<16xi32>,
    tpu.vector_store %arg24[%swap3A_40, %swap3A_41], %add3A_38 {strides = array<i32>} : memref<5x128xi32, #tpu.memory_space<vmem>>, vector<16xi32>,
    %add3A_43 = arith.constant 32 : i32
    %add3A_44 = vector.broadcast %add3A_43 : i32 to vector<16xi32>
    %add3A_45 = arith.addi %iota3A, %add3A_44 : vector<16xi32>
    %swap3A_46 = arith.constant 0 : i32
    %swap3A_47 = arith.index_cast %swap3A_46 : i32 to index
    %swap3A_48 = arith.constant 32 : index
    %swap3A_49 = tpu.vector_load %arg24[%swap3A_47, %swap3A_48] {strides = array<i32>} : memref<5x128xi32, #tpu.memory_space<vmem>>, vector<16xi32>,
    tpu.vector_store %arg24[%swap3A_47, %swap3A_48], %add3A_45 {strides = array<i32>} : memref<5x128xi32, #tpu.memory_space<vmem>>, vector<16xi32>,
    %add3A_50 = arith.constant 48 : i32
    %add3A_51 = vector.broadcast %add3A_50 : i32 to vector<16xi32>
    %add3A_52 = arith.addi %iota3A, %add3A_51 : vector<16xi32>
    %swap3A_53 = arith.constant 0 : i32
    %swap3A_54 = arith.index_cast %swap3A_53 : i32 to index
    %swap3A_55 = arith.constant 48 : index
    %swap3A_56 = tpu.vector_load %arg24[%swap3A_54, %swap3A_55] {strides = array<i32>} : memref<5x128xi32, #tpu.memory_space<vmem>>, vector<16xi32>,
    tpu.vector_store %arg24[%swap3A_54, %swap3A_55], %add3A_52 {strides = array<i32>} : memref<5x128xi32, #tpu.memory_space<vmem>>, vector<16xi32>,
    %add3A_57 = arith.constant 64 : i32
    %add3A_58 = vector.broadcast %add3A_57 : i32 to vector<16xi32>
    %add3A_59 = arith.addi %iota3A, %add3A_58 : vector<16xi32>
    %swap3A_60 = arith.constant 0 : i32
    %swap3A_61 = arith.index_cast %swap3A_60 : i32 to index
    %swap3A_62 = arith.constant 64 : index
    %swap3A_63 = tpu.vector_load %arg24[%swap3A_61, %swap3A_62] {strides = array<i32>} : memref<5x128xi32, #tpu.memory_space<vmem>>, vector<16xi32>,
    tpu.vector_store %arg24[%swap3A_61, %swap3A_62], %add3A_59 {strides = array<i32>} : memref<5x128xi32, #tpu.memory_space<vmem>>, vector<16xi32>,
    %add3A_64 = arith.constant 80 : i32
    %add3A_65 = vector.broadcast %add3A_64 : i32 to vector<16xi32>
    %add3A_66 = arith.addi %iota3A, %add3A_65 : vector<16xi32>
    %swap3A_67 = arith.constant 0 : i32
    %swap3A_68 = arith.index_cast %swap3A_67 : i32 to index
    %swap3A_69 = arith.constant 80 : index
    %swap3A_70 = tpu.vector_load %arg24[%swap3A_68, %swap3A_69] {strides = array<i32>} : memref<5x128xi32, #tpu.memory_space<vmem>>, vector<16xi32>,
    tpu.vector_store %arg24[%swap3A_68, %swap3A_69], %add3A_66 {strides = array<i32>} : memref<5x128xi32, #tpu.memory_space<vmem>>, vector<16xi32>,
    %add3A_71 = arith.constant 96 : i32
    %add3A_72 = vector.broadcast %add3A_71 : i32 to vector<16xi32>
    %add3A_73 = arith.addi %iota3A, %add3A_72 : vector<16xi32>
    %swap3A_74 = arith.constant 0 : i32
    %swap3A_75 = arith.index_cast %swap3A_74 : i32 to index
    %swap3A_76 = arith.constant 96 : index
    %swap3A_77 = tpu.vector_load %arg24[%swap3A_75, %swap3A_76] {strides = array<i32>} : memref<5x128xi32, #tpu.memory_space<vmem>>, vector<16xi32>,
    tpu.vector_store %arg24[%swap3A_75, %swap3A_76], %add3A_73 {strides = array<i32>} : memref<5x128xi32, #tpu.memory_space<vmem>>, vector<16xi32>,
    %add3A_78 = arith.constant 112 : i32
    %add3A_79 = vector.broadcast %add3A_78 : i32 to vector<16xi32>
    %add3A_80 = arith.addi %iota3A, %add3A_79 : vector<16xi32>
    %swap3A_81 = arith.constant 0 : i32
    %swap3A_82 = arith.index_cast %swap3A_81 : i32 to index
    %swap3A_83 = arith.constant 112 : index
    %swap3A_84 = tpu.vector_load %arg24[%swap3A_82, %swap3A_83] {strides = array<i32>} : memref<5x128xi32, #tpu.memory_space<vmem>>, vector<16xi32>,
    tpu.vector_store %arg24[%swap3A_82, %swap3A_83], %add3A_80 {strides = array<i32>} : memref<5x128xi32, #tpu.memory_space<vmem>>, vector<16xi32>,
    %add3A_85 = arith.constant 128 : i32
    %add3A_86 = vector.broadcast %add3A_85 : i32 to vector<16xi32>
    %add3A_87 = arith.addi %iota3A, %add3A_86 : vector<16xi32>
    %swap3A_88 = arith.constant 1 : i32
    %swap3A_89 = arith.index_cast %swap3A_88 : i32 to index
    %swap3A_90 = arith.constant 0 : index
    %swap3A_91 = tpu.vector_load %arg24[%swap3A_89, %swap3A_90] {strides = array<i32>} : memref<5x128xi32, #tpu.memory_space<vmem>>, vector<16xi32>,
    tpu.vector_store %arg24[%swap3A_89, %swap3A_90], %add3A_87 {strides = array<i32>} : memref<5x128xi32, #tpu.memory_space<vmem>>, vector<16xi32>,
    %add3A_92 = arith.constant 144 : i32
    %add3A_93 = vector.broadcast %add3A_92 : i32 to vector<16xi32>
    %add3A_94 = arith.addi %iota3A, %add3A_93 : vector<16xi32>
    %swap3A_95 = arith.constant 1 : i32
    %swap3A_96 = arith.index_cast %swap3A_95 : i32 to index
    %swap3A_97 = arith.constant 16 : index
    %swap3A_98 = tpu.vector_load %arg24[%swap3A_96, %swap3A_97] {strides = array<i32>} : memref<5x128xi32, #tpu.memory_space<vmem>>, vector<16xi32>,
    tpu.vector_store %arg24[%swap3A_96, %swap3A_97], %add3A_94 {strides = array<i32>} : memref<5x128xi32, #tpu.memory_space<vmem>>, vector<16xi32>,
    %add3A_99 = arith.constant 160 : i32
    %add3A_100 = vector.broadcast %add3A_99 : i32 to vector<16xi32>
    %add3A_101 = arith.addi %iota3A, %add3A_100 : vector<16xi32>
    %swap3A_102 = arith.constant 1 : i32
    %swap3A_103 = arith.index_cast %swap3A_102 : i32 to index
    %swap3A_104 = arith.constant 32 : index
    %swap3A_105 = tpu.vector_load %arg24[%swap3A_103, %swap3A_104] {strides = array<i32>} : memref<5x128xi32, #tpu.memory_space<vmem>>, vector<16xi32>,
    tpu.vector_store %arg24[%swap3A_103, %swap3A_104], %add3A_101 {strides = array<i32>} : memref<5x128xi32, #tpu.memory_space<vmem>>, vector<16xi32>,
    %add3A_106 = arith.constant 176 : i32
    %add3A_107 = vector.broadcast %add3A_106 : i32 to vector<16xi32>
    %add3A_108 = arith.addi %iota3A, %add3A_107 : vector<16xi32>
    %swap3A_109 = arith.constant 1 : i32
    %swap3A_110 = arith.index_cast %swap3A_109 : i32 to index
    %swap3A_111 = arith.constant 48 : index
    %swap3A_112 = tpu.vector_load %arg24[%swap3A_110, %swap3A_111] {strides = array<i32>} : memref<5x128xi32, #tpu.memory_space<vmem>>, vector<16xi32>,
    tpu.vector_store %arg24[%swap3A_110, %swap3A_111], %add3A_108 {strides = array<i32>} : memref<5x128xi32, #tpu.memory_space<vmem>>, vector<16xi32>,
    %add3A_113 = arith.constant 192 : i32
    %add3A_114 = vector.broadcast %add3A_113 : i32 to vector<16xi32>
    %add3A_115 = arith.addi %iota3A, %add3A_114 : vector<16xi32>
    %swap3A_116 = arith.constant 1 : i32
    %swap3A_117 = arith.index_cast %swap3A_116 : i32 to index
    %swap3A_118 = arith.constant 64 : index
    %swap3A_119 = tpu.vector_load %arg24[%swap3A_117, %swap3A_118] {strides = array<i32>} : memref<5x128xi32, #tpu.memory_space<vmem>>, vector<16xi32>,
    tpu.vector_store %arg24[%swap3A_117, %swap3A_118], %add3A_115 {strides = array<i32>} : memref<5x128xi32, #tpu.memory_space<vmem>>, vector<16xi32>,
    %add3A_120 = arith.constant 208 : i32
    %add3A_121 = vector.broadcast %add3A_120 : i32 to vector<16xi32>
    %add3A_122 = arith.addi %iota3A, %add3A_121 : vector<16xi32>
    %swap3A_123 = arith.constant 1 : i32
    %swap3A_124 = arith.index_cast %swap3A_123 : i32 to index
    %swap3A_125 = arith.constant 80 : index
    %swap3A_126 = tpu.vector_load %arg24[%swap3A_124, %swap3A_125] {strides = array<i32>} : memref<5x128xi32, #tpu.memory_space<vmem>>, vector<16xi32>,
    tpu.vector_store %arg24[%swap3A_124, %swap3A_125], %add3A_122 {strides = array<i32>} : memref<5x128xi32, #tpu.memory_space<vmem>>, vector<16xi32>,
    %add3A_127 = arith.constant 224 : i32
    %add3A_128 = vector.broadcast %add3A_127 : i32 to vector<16xi32>
    %add3A_129 = arith.addi %iota3A, %add3A_128 : vector<16xi32>
    %swap3A_130 = arith.constant 1 : i32
    %swap3A_131 = arith.index_cast %swap3A_130 : i32 to index
    %swap3A_132 = arith.constant 96 : index
    %swap3A_133 = tpu.vector_load %arg24[%swap3A_131, %swap3A_132] {strides = array<i32>} : memref<5x128xi32, #tpu.memory_space<vmem>>, vector<16xi32>,
    tpu.vector_store %arg24[%swap3A_131, %swap3A_132], %add3A_129 {strides = array<i32>} : memref<5x128xi32, #tpu.memory_space<vmem>>, vector<16xi32>,
    %add3A_134 = arith.constant 240 : i32
    %add3A_135 = vector.broadcast %add3A_134 : i32 to vector<16xi32>
    %add3A_136 = arith.addi %iota3A, %add3A_135 : vector<16xi32>
    %swap3A_137 = arith.constant 1 : i32
    %swap3A_138 = arith.index_cast %swap3A_137 : i32 to index
    %swap3A_139 = arith.constant 112 : index
    %swap3A_140 = tpu.vector_load %arg24[%swap3A_138, %swap3A_139] {strides = array<i32>} : memref<5x128xi32, #tpu.memory_space<vmem>>, vector<16xi32>,
    tpu.vector_store %arg24[%swap3A_138, %swap3A_139], %add3A_136 {strides = array<i32>} : memref<5x128xi32, #tpu.memory_space<vmem>>, vector<16xi32>,
    %add3A_141 = arith.constant 256 : i32
    %add3A_142 = vector.broadcast %add3A_141 : i32 to vector<16xi32>
    %add3A_143 = arith.addi %iota3A, %add3A_142 : vector<16xi32>
    %swap3A_144 = arith.constant 2 : i32
    %swap3A_145 = arith.index_cast %swap3A_144 : i32 to index
    %swap3A_146 = arith.constant 0 : index
    %swap3A_147 = tpu.vector_load %arg24[%swap3A_145, %swap3A_146] {strides = array<i32>} : memref<5x128xi32, #tpu.memory_space<vmem>>, vector<16xi32>,
    tpu.vector_store %arg24[%swap3A_145, %swap3A_146], %add3A_143 {strides = array<i32>} : memref<5x128xi32, #tpu.memory_space<vmem>>, vector<16xi32>,
    %add3A_148 = arith.constant 272 : i32
    %add3A_149 = vector.broadcast %add3A_148 : i32 to vector<16xi32>
    %add3A_150 = arith.addi %iota3A, %add3A_149 : vector<16xi32>
    %swap3A_151 = arith.constant 2 : i32
    %swap3A_152 = arith.index_cast %swap3A_151 : i32 to index
    %swap3A_153 = arith.constant 16 : index
    %swap3A_154 = tpu.vector_load %arg24[%swap3A_152, %swap3A_153] {strides = array<i32>} : memref<5x128xi32, #tpu.memory_space<vmem>>, vector<16xi32>,
    tpu.vector_store %arg24[%swap3A_152, %swap3A_153], %add3A_150 {strides = array<i32>} : memref<5x128xi32, #tpu.memory_space<vmem>>, vector<16xi32>,
    %add3A_155 = arith.constant 288 : i32
    %add3A_156 = vector.broadcast %add3A_155 : i32 to vector<16xi32>
    %add3A_157 = arith.addi %iota3A, %add3A_156 : vector<16xi32>
    %swap3A_158 = arith.constant 2 : i32
    %swap3A_159 = arith.index_cast %swap3A_158 : i32 to index
    %swap3A_160 = arith.constant 32 : index
    %swap3A_161 = tpu.vector_load %arg24[%swap3A_159, %swap3A_160] {strides = array<i32>} : memref<5x128xi32, #tpu.memory_space<vmem>>, vector<16xi32>,
    tpu.vector_store %arg24[%swap3A_159, %swap3A_160], %add3A_157 {strides = array<i32>} : memref<5x128xi32, #tpu.memory_space<vmem>>, vector<16xi32>,
    %add3A_162 = arith.constant 304 : i32
    %add3A_163 = vector.broadcast %add3A_162 : i32 to vector<16xi32>
    %add3A_164 = arith.addi %iota3A, %add3A_163 : vector<16xi32>
    %swap3A_165 = arith.constant 2 : i32
    %swap3A_166 = arith.index_cast %swap3A_165 : i32 to index
    %swap3A_167 = arith.constant 48 : index
    %swap3A_168 = tpu.vector_load %arg24[%swap3A_166, %swap3A_167] {strides = array<i32>} : memref<5x128xi32, #tpu.memory_space<vmem>>, vector<16xi32>,
    tpu.vector_store %arg24[%swap3A_166, %swap3A_167], %add3A_164 {strides = array<i32>} : memref<5x128xi32, #tpu.memory_space<vmem>>, vector<16xi32>,
    %add3A_169 = arith.constant 320 : i32
    %add3A_170 = vector.broadcast %add3A_169 : i32 to vector<16xi32>
    %add3A_171 = arith.addi %iota3A, %add3A_170 : vector<16xi32>
    %swap3A_172 = arith.constant 2 : i32
    %swap3A_173 = arith.index_cast %swap3A_172 : i32 to index
    %swap3A_174 = arith.constant 64 : index
    %swap3A_175 = tpu.vector_load %arg24[%swap3A_173, %swap3A_174] {strides = array<i32>} : memref<5x128xi32, #tpu.memory_space<vmem>>, vector<16xi32>,
    tpu.vector_store %arg24[%swap3A_173, %swap3A_174], %add3A_171 {strides = array<i32>} : memref<5x128xi32, #tpu.memory_space<vmem>>, vector<16xi32>,
    %add3A_176 = arith.constant 336 : i32
    %add3A_177 = vector.broadcast %add3A_176 : i32 to vector<16xi32>
    %add3A_178 = arith.addi %iota3A, %add3A_177 : vector<16xi32>
    %swap3A_179 = arith.constant 2 : i32
    %swap3A_180 = arith.index_cast %swap3A_179 : i32 to index
    %swap3A_181 = arith.constant 80 : index
    %swap3A_182 = tpu.vector_load %arg24[%swap3A_180, %swap3A_181] {strides = array<i32>} : memref<5x128xi32, #tpu.memory_space<vmem>>, vector<16xi32>,
    tpu.vector_store %arg24[%swap3A_180, %swap3A_181], %add3A_178 {strides = array<i32>} : memref<5x128xi32, #tpu.memory_space<vmem>>, vector<16xi32>,
    %add3A_183 = arith.constant 352 : i32
    %add3A_184 = vector.broadcast %add3A_183 : i32 to vector<16xi32>
    %add3A_185 = arith.addi %iota3A, %add3A_184 : vector<16xi32>
    %swap3A_186 = arith.constant 2 : i32
    %swap3A_187 = arith.index_cast %swap3A_186 : i32 to index
    %swap3A_188 = arith.constant 96 : index
    %swap3A_189 = tpu.vector_load %arg24[%swap3A_187, %swap3A_188] {strides = array<i32>} : memref<5x128xi32, #tpu.memory_space<vmem>>, vector<16xi32>,
    tpu.vector_store %arg24[%swap3A_187, %swap3A_188], %add3A_185 {strides = array<i32>} : memref<5x128xi32, #tpu.memory_space<vmem>>, vector<16xi32>,
    %add3A_190 = arith.constant 368 : i32
    %add3A_191 = vector.broadcast %add3A_190 : i32 to vector<16xi32>
    %add3A_192 = arith.addi %iota3A, %add3A_191 : vector<16xi32>
    %swap3A_193 = arith.constant 2 : i32
    %swap3A_194 = arith.index_cast %swap3A_193 : i32 to index
    %swap3A_195 = arith.constant 112 : index
    %swap3A_196 = tpu.vector_load %arg24[%swap3A_194, %swap3A_195] {strides = array<i32>} : memref<5x128xi32, #tpu.memory_space<vmem>>, vector<16xi32>,
    tpu.vector_store %arg24[%swap3A_194, %swap3A_195], %add3A_192 {strides = array<i32>} : memref<5x128xi32, #tpu.memory_space<vmem>>, vector<16xi32>,
    %add3A_197 = arith.constant 384 : i32
    %add3A_198 = vector.broadcast %add3A_197 : i32 to vector<16xi32>
    %add3A_199 = arith.addi %iota3A, %add3A_198 : vector<16xi32>
    %swap3A_200 = arith.constant 3 : i32
    %swap3A_201 = arith.index_cast %swap3A_200 : i32 to index
    %swap3A_202 = arith.constant 0 : index
    %swap3A_203 = tpu.vector_load %arg24[%swap3A_201, %swap3A_202] {strides = array<i32>} : memref<5x128xi32, #tpu.memory_space<vmem>>, vector<16xi32>,
    tpu.vector_store %arg24[%swap3A_201, %swap3A_202], %add3A_199 {strides = array<i32>} : memref<5x128xi32, #tpu.memory_space<vmem>>, vector<16xi32>,
    %add3A_204 = arith.constant 400 : i32
    %add3A_205 = vector.broadcast %add3A_204 : i32 to vector<16xi32>
    %add3A_206 = arith.addi %iota3A, %add3A_205 : vector<16xi32>
    %swap3A_207 = arith.constant 3 : i32
    %swap3A_208 = arith.index_cast %swap3A_207 : i32 to index
    %swap3A_209 = arith.constant 16 : index
    %swap3A_210 = tpu.vector_load %arg24[%swap3A_208, %swap3A_209] {strides = array<i32>} : memref<5x128xi32, #tpu.memory_space<vmem>>, vector<16xi32>,
    tpu.vector_store %arg24[%swap3A_208, %swap3A_209], %add3A_206 {strides = array<i32>} : memref<5x128xi32, #tpu.memory_space<vmem>>, vector<16xi32>,
    %add3A_211 = arith.constant 416 : i32
    %add3A_212 = vector.broadcast %add3A_211 : i32 to vector<16xi32>
    %add3A_213 = arith.addi %iota3A, %add3A_212 : vector<16xi32>
    %swap3A_214 = arith.constant 3 : i32
    %swap3A_215 = arith.index_cast %swap3A_214 : i32 to index
    %swap3A_216 = arith.constant 32 : index
    %swap3A_217 = tpu.vector_load %arg24[%swap3A_215, %swap3A_216] {strides = array<i32>} : memref<5x128xi32, #tpu.memory_space<vmem>>, vector<16xi32>,
    tpu.vector_store %arg24[%swap3A_215, %swap3A_216], %add3A_213 {strides = array<i32>} : memref<5x128xi32, #tpu.memory_space<vmem>>, vector<16xi32>,
    %add3A_218 = arith.constant 432 : i32
    %add3A_219 = vector.broadcast %add3A_218 : i32 to vector<16xi32>
    %add3A_220 = arith.addi %iota3A, %add3A_219 : vector<16xi32>
    %swap3A_221 = arith.constant 3 : i32
    %swap3A_222 = arith.index_cast %swap3A_221 : i32 to index
    %swap3A_223 = arith.constant 48 : index
    %swap3A_224 = tpu.vector_load %arg24[%swap3A_222, %swap3A_223] {strides = array<i32>} : memref<5x128xi32, #tpu.memory_space<vmem>>, vector<16xi32>,
    tpu.vector_store %arg24[%swap3A_222, %swap3A_223], %add3A_220 {strides = array<i32>} : memref<5x128xi32, #tpu.memory_space<vmem>>, vector<16xi32>,
    %add3A_225 = arith.constant 448 : i32
    %add3A_226 = vector.broadcast %add3A_225 : i32 to vector<16xi32>
    %add3A_227 = arith.addi %iota3A, %add3A_226 : vector<16xi32>
    %swap3A_228 = arith.constant 3 : i32
    %swap3A_229 = arith.index_cast %swap3A_228 : i32 to index
    %swap3A_230 = arith.constant 64 : index
    %swap3A_231 = tpu.vector_load %arg24[%swap3A_229, %swap3A_230] {strides = array<i32>} : memref<5x128xi32, #tpu.memory_space<vmem>>, vector<16xi32>,
    tpu.vector_store %arg24[%swap3A_229, %swap3A_230], %add3A_227 {strides = array<i32>} : memref<5x128xi32, #tpu.memory_space<vmem>>, vector<16xi32>,
    %add3A_232 = arith.constant 464 : i32
    %add3A_233 = vector.broadcast %add3A_232 : i32 to vector<16xi32>
    %add3A_234 = arith.addi %iota3A, %add3A_233 : vector<16xi32>
    %swap3A_235 = arith.constant 3 : i32
    %swap3A_236 = arith.index_cast %swap3A_235 : i32 to index
    %swap3A_237 = arith.constant 80 : index
    %swap3A_238 = tpu.vector_load %arg24[%swap3A_236, %swap3A_237] {strides = array<i32>} : memref<5x128xi32, #tpu.memory_space<vmem>>, vector<16xi32>,
    tpu.vector_store %arg24[%swap3A_236, %swap3A_237], %add3A_234 {strides = array<i32>} : memref<5x128xi32, #tpu.memory_space<vmem>>, vector<16xi32>,
    %add3A_239 = arith.constant 480 : i32
    %add3A_240 = vector.broadcast %add3A_239 : i32 to vector<16xi32>
    %add3A_241 = arith.addi %iota3A, %add3A_240 : vector<16xi32>
    %swap3A_242 = arith.constant 3 : i32
    %swap3A_243 = arith.index_cast %swap3A_242 : i32 to index
    %swap3A_244 = arith.constant 96 : index
    %swap3A_245 = tpu.vector_load %arg24[%swap3A_243, %swap3A_244] {strides = array<i32>} : memref<5x128xi32, #tpu.memory_space<vmem>>, vector<16xi32>,
    tpu.vector_store %arg24[%swap3A_243, %swap3A_244], %add3A_241 {strides = array<i32>} : memref<5x128xi32, #tpu.memory_space<vmem>>, vector<16xi32>,
    %add3A_246 = arith.constant 496 : i32
    %add3A_247 = vector.broadcast %add3A_246 : i32 to vector<16xi32>
    %add3A_248 = arith.addi %iota3A, %add3A_247 : vector<16xi32>
    %swap3A_249 = arith.constant 3 : i32
    %swap3A_250 = arith.index_cast %swap3A_249 : i32 to index
    %swap3A_251 = arith.constant 112 : index
    %swap3A_252 = tpu.vector_load %arg24[%swap3A_250, %swap3A_251] {strides = array<i32>} : memref<5x128xi32, #tpu.memory_space<vmem>>, vector<16xi32>,
    tpu.vector_store %arg24[%swap3A_250, %swap3A_251], %add3A_248 {strides = array<i32>} : memref<5x128xi32, #tpu.memory_space<vmem>>, vector<16xi32>,
    %add3A_253 = arith.constant 512 : i32
    %add3A_254 = vector.broadcast %add3A_253 : i32 to vector<16xi32>
    %add3A_255 = arith.addi %iota3A, %add3A_254 : vector<16xi32>
    %swap3A_256 = arith.constant 4 : i32
    %swap3A_257 = arith.index_cast %swap3A_256 : i32 to index
    %swap3A_258 = arith.constant 0 : index
    %swap3A_259 = tpu.vector_load %arg24[%swap3A_257, %swap3A_258] {strides = array<i32>} : memref<5x128xi32, #tpu.memory_space<vmem>>, vector<16xi32>,
    tpu.vector_store %arg24[%swap3A_257, %swap3A_258], %add3A_255 {strides = array<i32>} : memref<5x128xi32, #tpu.memory_space<vmem>>, vector<16xi32>,
    %add3A_260 = arith.constant 528 : i32
    %add3A_261 = vector.broadcast %add3A_260 : i32 to vector<16xi32>
    %add3A_262 = arith.addi %iota3A, %add3A_261 : vector<16xi32>
    %swap3A_263 = arith.constant 4 : i32
    %swap3A_264 = arith.index_cast %swap3A_263 : i32 to index
    %swap3A_265 = arith.constant 16 : index
    %swap3A_266 = tpu.vector_load %arg24[%swap3A_264, %swap3A_265] {strides = array<i32>} : memref<5x128xi32, #tpu.memory_space<vmem>>, vector<16xi32>,
    tpu.vector_store %arg24[%swap3A_264, %swap3A_265], %add3A_262 {strides = array<i32>} : memref<5x128xi32, #tpu.memory_space<vmem>>, vector<16xi32>,
    %add3A_267 = arith.constant 544 : i32
    %add3A_268 = vector.broadcast %add3A_267 : i32 to vector<16xi32>
    %add3A_269 = arith.addi %iota3A, %add3A_268 : vector<16xi32>
    %swap3A_270 = arith.constant 4 : i32
    %swap3A_271 = arith.index_cast %swap3A_270 : i32 to index
    %swap3A_272 = arith.constant 32 : index
    %swap3A_273 = tpu.vector_load %arg24[%swap3A_271, %swap3A_272] {strides = array<i32>} : memref<5x128xi32, #tpu.memory_space<vmem>>, vector<16xi32>,
    tpu.vector_store %arg24[%swap3A_271, %swap3A_272], %add3A_269 {strides = array<i32>} : memref<5x128xi32, #tpu.memory_space<vmem>>, vector<16xi32>,
    %add3A_274 = arith.constant 560 : i32
    %add3A_275 = vector.broadcast %add3A_274 : i32 to vector<16xi32>
    %add3A_276 = arith.addi %iota3A, %add3A_275 : vector<16xi32>
    %swap3A_277 = arith.constant 4 : i32
    %swap3A_278 = arith.index_cast %swap3A_277 : i32 to index
    %swap3A_279 = arith.constant 48 : index
    %swap3A_280 = tpu.vector_load %arg24[%swap3A_278, %swap3A_279] {strides = array<i32>} : memref<5x128xi32, #tpu.memory_space<vmem>>, vector<16xi32>,
    tpu.vector_store %arg24[%swap3A_278, %swap3A_279], %add3A_276 {strides = array<i32>} : memref<5x128xi32, #tpu.memory_space<vmem>>, vector<16xi32>,
    %add3A_281 = arith.constant 576 : i32
    %add3A_282 = vector.broadcast %add3A_281 : i32 to vector<16xi32>
    %add3A_283 = arith.addi %iota3A, %add3A_282 : vector<16xi32>
    %swap3A_284 = arith.constant 4 : i32
    %swap3A_285 = arith.index_cast %swap3A_284 : i32 to index
    %swap3A_286 = arith.constant 64 : index
    %swap3A_287 = tpu.vector_load %arg24[%swap3A_285, %swap3A_286] {strides = array<i32>} : memref<5x128xi32, #tpu.memory_space<vmem>>, vector<16xi32>,
    tpu.vector_store %arg24[%swap3A_285, %swap3A_286], %add3A_283 {strides = array<i32>} : memref<5x128xi32, #tpu.memory_space<vmem>>, vector<16xi32>,
    %add3A_288 = arith.constant 592 : i32
    %add3A_289 = vector.broadcast %add3A_288 : i32 to vector<16xi32>
    %add3A_290 = arith.addi %iota3A, %add3A_289 : vector<16xi32>
    %swap3A_291 = arith.constant 4 : i32
    %swap3A_292 = arith.index_cast %swap3A_291 : i32 to index
    %swap3A_293 = arith.constant 80 : index
    %swap3A_294 = tpu.vector_load %arg24[%swap3A_292, %swap3A_293] {strides = array<i32>} : memref<5x128xi32, #tpu.memory_space<vmem>>, vector<16xi32>,
    tpu.vector_store %arg24[%swap3A_292, %swap3A_293], %add3A_290 {strides = array<i32>} : memref<5x128xi32, #tpu.memory_space<vmem>>, vector<16xi32>,
    %add3A_295 = arith.constant 608 : i32
    %add3A_296 = vector.broadcast %add3A_295 : i32 to vector<16xi32>
    %add3A_297 = arith.addi %iota3A, %add3A_296 : vector<16xi32>
    %swap3A_298 = arith.constant 4 : i32
    %swap3A_299 = arith.index_cast %swap3A_298 : i32 to index
    %swap3A_300 = arith.constant 96 : index
    %swap3A_301 = tpu.vector_load %arg24[%swap3A_299, %swap3A_300] {strides = array<i32>} : memref<5x128xi32, #tpu.memory_space<vmem>>, vector<16xi32>,
    tpu.vector_store %arg24[%swap3A_299, %swap3A_300], %add3A_297 {strides = array<i32>} : memref<5x128xi32, #tpu.memory_space<vmem>>, vector<16xi32>,
    %add3A_302 = arith.constant 624 : i32
    %add3A_303 = vector.broadcast %add3A_302 : i32 to vector<16xi32>
    %add3A_304 = arith.addi %iota3A, %add3A_303 : vector<16xi32>
    %swap3A_305 = arith.constant 4 : i32
    %swap3A_306 = arith.index_cast %swap3A_305 : i32 to index
    %swap3A_307 = arith.constant 112 : index
    %swap3A_308 = tpu.vector_load %arg24[%swap3A_306, %swap3A_307] {strides = array<i32>} : memref<5x128xi32, #tpu.memory_space<vmem>>, vector<16xi32>,
    tpu.vector_store %arg24[%swap3A_306, %swap3A_307], %add3A_304 {strides = array<i32>} : memref<5x128xi32, #tpu.memory_space<vmem>>, vector<16xi32>,
    %eq3A = arith.constant 0 : i32
    %eq3A_309 = arith.cmpi eq, %arg1, %eq3A : i32
    %convert_element_type3A = arith.extui %eq3A_309 : i1 to i32
    %cond3A = arith.constant 0 : i32
    %cond3A_310 = arith.cmpi ne, %convert_element_type3A, %cond3A : i32
    scf.if %cond3A_310 {
      "tpu.region"() ({
        %run_scoped3A_377 = tpu.sem_alloc : memref<!tpu.dma_semaphore, #tpu.memory_space<semaphore_mem>>
        tpu.enqueue_dma source(%arg23 : memref<640x16xf32, #tpu.memory_space<vmem>>) target(%arg26 : memref<640x16xf32, #tpu.memory_space<vmem_shared>>) target_semaphore(%run_scoped3A_377 : memref<!tpu.dma_semaphore, #tpu.memory_space<semaphore_mem>>)
        tpu.wait_dma2 semaphore(%run_scoped3A_377 : memref<!tpu.dma_semaphore, #tpu.memory_space<semaphore_mem>>) src(%arg23 : memref<640x16xf32, #tpu.memory_space<vmem>>) dst(%arg26 : memref<640x16xf32, #tpu.memory_space<vmem_shared>>)
        tpu.yield
      }) : () -> ()
    } else {
    }
    %barrier3A = arith.constant 0 : index
    tpu.barrier barrier_id(%barrier3A)
    %add3A_311 = arith.constant 0 : i32
    %add3A_312 = arith.addi %mul3A_2, %add3A_311 : i32
    %dma_start3A = tpu.memref_slice %arg5[%add3A_312] : memref<327680xi32, #tpu.memory_space<hbm>> -> memref<512xi32, #tpu.memory_space<hbm>>
    %dma_start3A_313 = tpu.memref_slice %arg5[%add3A_312] : memref<327680xi32, #tpu.memory_space<hbm>> -> memref<512xi32, #tpu.memory_space<hbm>>
    tpu.enqueue_dma source(%dma_start3A_313 : memref<512xi32, #tpu.memory_space<hbm>>) target(%arg10 : memref<512xi32, #tpu.memory_space<vmem>>) target_semaphore(%arg27 : memref<!tpu.dma_semaphore, #tpu.memory_space<semaphore_mem>>)
    %dma_start3A_314 = tpu.memref_slice %arg6[%add3A_312] : memref<327680xi32, #tpu.memory_space<hbm>> -> memref<512xi32, #tpu.memory_space<hbm>>
    %dma_start3A_315 = tpu.memref_slice %arg6[%add3A_312] : memref<327680xi32, #tpu.memory_space<hbm>> -> memref<512xi32, #tpu.memory_space<hbm>>
    tpu.enqueue_dma source(%dma_start3A_315 : memref<512xi32, #tpu.memory_space<hbm>>) target(%arg12 : memref<512xi32, #tpu.memory_space<vmem>>) target_semaphore(%arg27 : memref<!tpu.dma_semaphore, #tpu.memory_space<semaphore_mem>>)
    %add3A_316 = arith.constant 0 : i32
    %add3A_317 = arith.addi %mul3A_2, %add3A_316 : i32
    %dma_wait3A = tpu.memref_slice %arg5[%add3A_317] : memref<327680xi32, #tpu.memory_space<hbm>> -> memref<512xi32, #tpu.memory_space<hbm>>
    %dma_wait3A_318 = tpu.memref_slice %arg5[%add3A_317] : memref<327680xi32, #tpu.memory_space<hbm>> -> memref<512xi32, #tpu.memory_space<hbm>>
    tpu.wait_dma2 semaphore(%arg27 : memref<!tpu.dma_semaphore, #tpu.memory_space<semaphore_mem>>) src(%dma_wait3A_318 : memref<512xi32, #tpu.memory_space<hbm>>) dst(%arg10 : memref<512xi32, #tpu.memory_space<vmem>>)
    %dma_wait3A_319 = tpu.memref_slice %arg6[%add3A_317] : memref<327680xi32, #tpu.memory_space<hbm>> -> memref<512xi32, #tpu.memory_space<hbm>>
    %dma_wait3A_320 = tpu.memref_slice %arg6[%add3A_317] : memref<327680xi32, #tpu.memory_space<hbm>> -> memref<512xi32, #tpu.memory_space<hbm>>
    tpu.wait_dma2 semaphore(%arg27 : memref<!tpu.dma_semaphore, #tpu.memory_space<semaphore_mem>>) src(%dma_wait3A_320 : memref<512xi32, #tpu.memory_space<hbm>>) dst(%arg12 : memref<512xi32, #tpu.memory_space<vmem>>)
    %dma_start3A_321 = arith.constant 0 : i32
    %dma_start3A_322 = arith.constant 0 : i32
    %dma_start3A_323 = tpu.memref_slice %arg2[%dma_start3A_321, %dma_start3A_322] : memref<10240x64xbf16, #tpu.memory_space<hbm>> -> memref<10240x64xbf16, #tpu.memory_space<hbm>>
    tpu.enqueue_indirect_dma source(%dma_start3A_323 : memref<10240x64xbf16, #tpu.memory_space<hbm>>) target(%arg15 : memref<512x64xbf16, #tpu.memory_space<vmem>>) offsets(%arg10 : memref<512xi32, #tpu.memory_space<vmem>>) semaphore(%arg29 : memref<!tpu.dma_semaphore, #tpu.memory_space<semaphore_mem>>)
    %dma_start3A_324 = arith.constant 0 : i32
    %dma_start3A_325 = arith.constant 0 : i32
    %dma_start3A_326 = tpu.memref_slice %arg3[%dma_start3A_324, %dma_start3A_325] : memref<10240x64xbf16, #tpu.memory_space<hbm>> -> memref<10240x64xbf16, #tpu.memory_space<hbm>>
    tpu.enqueue_indirect_dma source(%dma_start3A_326 : memref<10240x64xbf16, #tpu.memory_space<hbm>>) target(%arg17 : memref<512x64xbf16, #tpu.memory_space<vmem>>) offsets(%arg12 : memref<512xi32, #tpu.memory_space<vmem>>) semaphore(%arg29 : memref<!tpu.dma_semaphore, #tpu.memory_space<semaphore_mem>>)
    %add3A_327 = arith.constant 0 : i32
    %add3A_328 = arith.addi %mul3A_2, %add3A_327 : i32
    %jit3A = arith.constant 2 : i32
    %div3A = arith.divsi %add3A_328, %jit3A : i32
    %sign3A = arith.constant 0 : i32
    %sign3A_329 = arith.cmpi sgt, %add3A_328, %sign3A : i32
    %sign3A_330 = arith.extui %sign3A_329 : i1 to i32
    %sign3A_331 = arith.constant 0 : i32
    %sign3A_332 = arith.cmpi slt, %add3A_328, %sign3A_331 : i32
    %sign3A_333 = arith.extui %sign3A_332 : i1 to i32
    %sign3A_334 = arith.subi %sign3A_330, %sign3A_333 : i32
    %sign3A_335 = arith.constant 0 : i32
    %sign3A_336 = arith.cmpi sgt, %jit3A, %sign3A_335 : i32
    %sign3A_337 = arith.extui %sign3A_336 : i1 to i32
    %sign3A_338 = arith.constant 0 : i32
    %sign3A_339 = arith.cmpi slt, %jit3A, %sign3A_338 : i32
    %sign3A_340 = arith.extui %sign3A_339 : i1 to i32
    %sign3A_341 = arith.subi %sign3A_337, %sign3A_340 : i32
    %ne3A = arith.cmpi ne, %sign3A_334, %sign3A_341 : i32
    %rem3A = arith.remsi %add3A_328, %jit3A : i32
    %ne3A_342 = arith.constant 0 : i32
    %ne3A_343 = arith.cmpi ne, %rem3A, %ne3A_342 : i32
    %and3A = arith.andi %ne3A, %ne3A_343 : i1
    %sub3A = arith.constant 1 : i32
    %sub3A_344 = arith.subi %div3A, %sub3A : i32
    %select_n3A = arith.select %and3A, %sub3A_344, %div3A : i32
    %dma_start3A_345 = arith.constant 0 : i32
    %dma_start3A_346 = tpu.memref_slice %arg4[%select_n3A, %dma_start3A_345] : memref<163840x128xf32, #tpu.memory_space<hbm>> -> memref<256x128xf32, #tpu.memory_space<hbm>>
    %dma_start3A_347 = arith.constant 0 : i32
    %dma_start3A_348 = tpu.memref_slice %arg4[%select_n3A, %dma_start3A_347] : memref<163840x128xf32, #tpu.memory_space<hbm>> -> memref<256x128xf32, #tpu.memory_space<hbm>>
    tpu.enqueue_dma source(%dma_start3A_348 : memref<256x128xf32, #tpu.memory_space<hbm>>) target(%arg19 : memref<256x128xf32, #tpu.memory_space<vmem>>) target_semaphore(%arg33 : memref<!tpu.dma_semaphore, #tpu.memory_space<semaphore_mem>>)
    %add3A_349 = arith.constant 512 : i32
    %add3A_350 = arith.addi %mul3A_2, %add3A_349 : i32
    %dma_start3A_351 = tpu.memref_slice %arg5[%add3A_350] : memref<327680xi32, #tpu.memory_space<hbm>> -> memref<512xi32, #tpu.memory_space<hbm>>
    %dma_start3A_352 = tpu.memref_slice %arg5[%add3A_350] : memref<327680xi32, #tpu.memory_space<hbm>> -> memref<512xi32, #tpu.memory_space<hbm>>
    tpu.enqueue_dma source(%dma_start3A_352 : memref<512xi32, #tpu.memory_space<hbm>>) target(%arg11 : memref<512xi32, #tpu.memory_space<vmem>>) target_semaphore(%arg28 : memref<!tpu.dma_semaphore, #tpu.memory_space<semaphore_mem>>)
    %dma_start3A_353 = tpu.memref_slice %arg6[%add3A_350] : memref<327680xi32, #tpu.memory_space<hbm>> -> memref<512xi32, #tpu.memory_space<hbm>>
    %dma_start3A_354 = tpu.memref_slice %arg6[%add3A_350] : memref<327680xi32, #tpu.memory_space<hbm>> -> memref<512xi32, #tpu.memory_space<hbm>>
    tpu.enqueue_dma source(%dma_start3A_354 : memref<512xi32, #tpu.memory_space<hbm>>) target(%arg13 : memref<512xi32, #tpu.memory_space<vmem>>) target_semaphore(%arg28 : memref<!tpu.dma_semaphore, #tpu.memory_space<semaphore_mem>>)
    %scan3A = arith.constant 0 : i32
    %scan3A_355 = arith.constant 0 : i32
    %scan3A_356 = arith.constant 10 : i32
    %scan3A_357 = arith.addi %scan3A_355, %scan3A_356 : i32
    %scan3A_358 = arith.constant 1 : i32
    scf.for %scan3A_377 = %scan3A_355 to %scan3A_357 step %scan3A_358  : i32 {
      %mul3A_378 = arith.constant 2 : i32
      %mul3A_379 = arith.muli %scan3A_377, %mul3A_378 : i32
      %add3A_380 = arith.constant 0 : i32
      %add3A_381 = arith.addi %mul3A_379, %add3A_380 : i32
      %add3A_382 = arith.constant 1 : i32
      %add3A_383 = arith.addi %add3A_381, %add3A_382 : i32
      %mul3A_384 = arith.constant 512 : i32
      %mul3A_385 = arith.muli %add3A_383, %mul3A_384 : i32
      %add3A_386 = arith.addi %mul3A_2, %mul3A_385 : i32
      %dma_wait3A_387 = tpu.memref_slice %arg5[%add3A_386] : memref<327680xi32, #tpu.memory_space<hbm>> -> memref<512xi32, #tpu.memory_space<hbm>>
      %dma_wait3A_388 = tpu.memref_slice %arg5[%add3A_386] : memref<327680xi32, #tpu.memory_space<hbm>> -> memref<512xi32, #tpu.memory_space<hbm>>
      tpu.wait_dma2 semaphore(%arg28 : memref<!tpu.dma_semaphore, #tpu.memory_space<semaphore_mem>>) src(%dma_wait3A_388 : memref<512xi32, #tpu.memory_space<hbm>>) dst(%arg11 : memref<512xi32, #tpu.memory_space<vmem>>)
      %dma_wait3A_389 = tpu.memref_slice %arg6[%add3A_386] : memref<327680xi32, #tpu.memory_space<hbm>> -> memref<512xi32, #tpu.memory_space<hbm>>
      %dma_wait3A_390 = tpu.memref_slice %arg6[%add3A_386] : memref<327680xi32, #tpu.memory_space<hbm>> -> memref<512xi32, #tpu.memory_space<hbm>>
      tpu.wait_dma2 semaphore(%arg28 : memref<!tpu.dma_semaphore, #tpu.memory_space<semaphore_mem>>) src(%dma_wait3A_390 : memref<512xi32, #tpu.memory_space<hbm>>) dst(%arg13 : memref<512xi32, #tpu.memory_space<vmem>>)
      %add3A_391 = arith.constant 1 : i32
      %add3A_392 = arith.addi %add3A_381, %add3A_391 : i32
      %dma_start3A_393 = arith.constant 0 : i32
      %dma_start3A_394 = arith.constant 0 : i32
      %dma_start3A_395 = tpu.memref_slice %arg2[%dma_start3A_393, %dma_start3A_394] : memref<10240x64xbf16, #tpu.memory_space<hbm>> -> memref<10240x64xbf16, #tpu.memory_space<hbm>>
      tpu.enqueue_indirect_dma source(%dma_start3A_395 : memref<10240x64xbf16, #tpu.memory_space<hbm>>) target(%arg16 : memref<512x64xbf16, #tpu.memory_space<vmem>>) offsets(%arg11 : memref<512xi32, #tpu.memory_space<vmem>>) semaphore(%arg30 : memref<!tpu.dma_semaphore, #tpu.memory_space<semaphore_mem>>)
      %dma_start3A_396 = arith.constant 0 : i32
      %dma_start3A_397 = arith.constant 0 : i32
      %dma_start3A_398 = tpu.memref_slice %arg3[%dma_start3A_396, %dma_start3A_397] : memref<10240x64xbf16, #tpu.memory_space<hbm>> -> memref<10240x64xbf16, #tpu.memory_space<hbm>>
      tpu.enqueue_indirect_dma source(%dma_start3A_398 : memref<10240x64xbf16, #tpu.memory_space<hbm>>) target(%arg18 : memref<512x64xbf16, #tpu.memory_space<vmem>>) offsets(%arg13 : memref<512xi32, #tpu.memory_space<vmem>>) semaphore(%arg30 : memref<!tpu.dma_semaphore, #tpu.memory_space<semaphore_mem>>)
      %dma_wait3A_399 = arith.constant 0 : i32
      %dma_wait3A_400 = arith.constant 0 : i32
      %dma_wait3A_401 = tpu.memref_slice %arg2[%dma_wait3A_399, %dma_wait3A_400] : memref<10240x64xbf16, #tpu.memory_space<hbm>> -> memref<10240x64xbf16, #tpu.memory_space<hbm>>
      tpu.wait_indirect_dma semaphore(%arg29 : memref<!tpu.dma_semaphore, #tpu.memory_space<semaphore_mem>>) src(%dma_wait3A_401 : memref<10240x64xbf16, #tpu.memory_space<hbm>>) dst(%arg15 : memref<512x64xbf16, #tpu.memory_space<vmem>>)
      %dma_wait3A_402 = arith.constant 0 : i32
      %dma_wait3A_403 = arith.constant 0 : i32
      %dma_wait3A_404 = tpu.memref_slice %arg3[%dma_wait3A_402, %dma_wait3A_403] : memref<10240x64xbf16, #tpu.memory_space<hbm>> -> memref<10240x64xbf16, #tpu.memory_space<hbm>>
      tpu.wait_indirect_dma semaphore(%arg29 : memref<!tpu.dma_semaphore, #tpu.memory_space<semaphore_mem>>) src(%dma_wait3A_404 : memref<10240x64xbf16, #tpu.memory_space<hbm>>) dst(%arg17 : memref<512x64xbf16, #tpu.memory_space<vmem>>)
      %mul3A_405 = arith.constant 512 : i32
      %mul3A_406 = arith.muli %add3A_381, %mul3A_405 : i32
      %add3A_407 = arith.addi %mul3A_2, %mul3A_406 : i32
      %jit3A_408 = arith.constant 2 : i32
      %div3A_409 = arith.divsi %add3A_407, %jit3A_408 : i32
      %sign3A_410 = arith.constant 0 : i32
      %sign3A_411 = arith.cmpi sgt, %add3A_407, %sign3A_410 : i32
      %sign3A_412 = arith.extui %sign3A_411 : i1 to i32
      %sign3A_413 = arith.constant 0 : i32
      %sign3A_414 = arith.cmpi slt, %add3A_407, %sign3A_413 : i32
      %sign3A_415 = arith.extui %sign3A_414 : i1 to i32
      %sign3A_416 = arith.subi %sign3A_412, %sign3A_415 : i32
      %sign3A_417 = arith.constant 0 : i32
      %sign3A_418 = arith.cmpi sgt, %jit3A_408, %sign3A_417 : i32
      %sign3A_419 = arith.extui %sign3A_418 : i1 to i32
      %sign3A_420 = arith.constant 0 : i32
      %sign3A_421 = arith.cmpi slt, %jit3A_408, %sign3A_420 : i32
      %sign3A_422 = arith.extui %sign3A_421 : i1 to i32
      %sign3A_423 = arith.subi %sign3A_419, %sign3A_422 : i32
      %ne3A_424 = arith.cmpi ne, %sign3A_416, %sign3A_423 : i32
      %rem3A_425 = arith.remsi %add3A_407, %jit3A_408 : i32
      %ne3A_426 = arith.constant 0 : i32
      %ne3A_427 = arith.cmpi ne, %rem3A_425, %ne3A_426 : i32
      %and3A_428 = arith.andi %ne3A_424, %ne3A_427 : i1
      %sub3A_429 = arith.constant 1 : i32
      %sub3A_430 = arith.subi %div3A_409, %sub3A_429 : i32
      %select_n3A_431 = arith.select %and3A_428, %sub3A_430, %div3A_409 : i32
      %dma_wait3A_432 = arith.constant 0 : i32
      %dma_wait3A_433 = tpu.memref_slice %arg4[%select_n3A_431, %dma_wait3A_432] : memref<163840x128xf32, #tpu.memory_space<hbm>> -> memref<256x128xf32, #tpu.memory_space<hbm>>
      %dma_wait3A_434 = arith.constant 0 : i32
      %dma_wait3A_435 = tpu.memref_slice %arg4[%select_n3A_431, %dma_wait3A_434] : memref<163840x128xf32, #tpu.memory_space<hbm>> -> memref<256x128xf32, #tpu.memory_space<hbm>>
      tpu.wait_dma2 semaphore(%arg33 : memref<!tpu.dma_semaphore, #tpu.memory_space<semaphore_mem>>) src(%dma_wait3A_435 : memref<256x128xf32, #tpu.memory_space<hbm>>) dst(%arg19 : memref<256x128xf32, #tpu.memory_space<vmem>>)
      %ge3A = arith.constant 1 : i32
      %ge3A_436 = arith.cmpi sge, %scan3A_377, %ge3A : i32
      %convert_element_type3A_437 = arith.extui %ge3A_436 : i1 to i32
      %cond3A_438 = arith.constant 0 : i32
      %cond3A_439 = arith.cmpi ne, %convert_element_type3A_437, %cond3A_438 : i32
      scf.if %cond3A_439 {
        %sub3A_816 = arith.constant 2 : i32
        %sub3A_817 = arith.subi %add3A_381, %sub3A_816 : i32
        %mul3A_818 = arith.constant 512 : i32
        %mul3A_819 = arith.muli %sub3A_817, %mul3A_818 : i32
        %add3A_820 = arith.addi %mul3A_2, %mul3A_819 : i32
        %dma_wait3A_821 = tpu.memref_slice %arg8[%add3A_820] : memref<327680xf32, #tpu.memory_space<hbm>> -> memref<512xf32, #tpu.memory_space<hbm>>
        %dma_wait3A_822 = tpu.memref_slice %arg8[%add3A_820] : memref<327680xf32, #tpu.memory_space<hbm>> -> memref<512xf32, #tpu.memory_space<hbm>>
        tpu.wait_dma2 semaphore(%arg31 : memref<!tpu.dma_semaphore, #tpu.memory_space<semaphore_mem>>) src(%arg21 : memref<512xf32, #tpu.memory_space<vmem>>) dst(%dma_wait3A_822 : memref<512xf32, #tpu.memory_space<hbm>>)
      } else {
      }
      %get3A_440 = arith.constant 0 : index
      %get3A_441 = tpu.vector_load %arg10[%get3A_440] {strides = array<i32>} : memref<512xi32, #tpu.memory_space<vmem>>, vector<16xi32>,
      %swap3A_442 = arith.constant 0 : index
      %swap3A_443 = tpu.vector_load %arg14[%swap3A_442] {strides = array<i32>} : memref<512xi32, #tpu.memory_space<vmem>>, vector<16xi32>,
      tpu.vector_store %arg14[%swap3A_442], %get3A_441 {strides = array<i32>} : memref<512xi32, #tpu.memory_space<vmem>>, vector<16xi32>,
      %get3A_444 = arith.constant 16 : index
      %get3A_445 = tpu.vector_load %arg10[%get3A_444] {strides = array<i32>} : memref<512xi32, #tpu.memory_space<vmem>>, vector<16xi32>,
      %swap3A_446 = arith.constant 16 : index
      %swap3A_447 = tpu.vector_load %arg14[%swap3A_446] {strides = array<i32>} : memref<512xi32, #tpu.memory_space<vmem>>, vector<16xi32>,
      tpu.vector_store %arg14[%swap3A_446], %get3A_445 {strides = array<i32>} : memref<512xi32, #tpu.memory_space<vmem>>, vector<16xi32>,
      %get3A_448 = arith.constant 32 : index
      %get3A_449 = tpu.vector_load %arg10[%get3A_448] {strides = array<i32>} : memref<512xi32, #tpu.memory_space<vmem>>, vector<16xi32>,
      %swap3A_450 = arith.constant 32 : index
      %swap3A_451 = tpu.vector_load %arg14[%swap3A_450] {strides = array<i32>} : memref<512xi32, #tpu.memory_space<vmem>>, vector<16xi32>,
      tpu.vector_store %arg14[%swap3A_450], %get3A_449 {strides = array<i32>} : memref<512xi32, #tpu.memory_space<vmem>>, vector<16xi32>,
      %get3A_452 = arith.constant 48 : index
      %get3A_453 = tpu.vector_load %arg10[%get3A_452] {strides = array<i32>} : memref<512xi32, #tpu.memory_space<vmem>>, vector<16xi32>,
      %swap3A_454 = arith.constant 48 : index
      %swap3A_455 = tpu.vector_load %arg14[%swap3A_454] {strides = array<i32>} : memref<512xi32, #tpu.memory_space<vmem>>, vector<16xi32>,
      tpu.vector_store %arg14[%swap3A_454], %get3A_453 {strides = array<i32>} : memref<512xi32, #tpu.memory_space<vmem>>, vector<16xi32>,
      %get3A_456 = arith.constant 64 : index
      %get3A_457 = tpu.vector_load %arg10[%get3A_456] {strides = array<i32>} : memref<512xi32, #tpu.memory_space<vmem>>, vector<16xi32>,
      %swap3A_458 = arith.constant 64 : index
      %swap3A_459 = tpu.vector_load %arg14[%swap3A_458] {strides = array<i32>} : memref<512xi32, #tpu.memory_space<vmem>>, vector<16xi32>,
      tpu.vector_store %arg14[%swap3A_458], %get3A_457 {strides = array<i32>} : memref<512xi32, #tpu.memory_space<vmem>>, vector<16xi32>,
      %get3A_460 = arith.constant 80 : index
      %get3A_461 = tpu.vector_load %arg10[%get3A_460] {strides = array<i32>} : memref<512xi32, #tpu.memory_space<vmem>>, vector<16xi32>,
      %swap3A_462 = arith.constant 80 : index
      %swap3A_463 = tpu.vector_load %arg14[%swap3A_462] {strides = array<i32>} : memref<512xi32, #tpu.memory_space<vmem>>, vector<16xi32>,
      tpu.vector_store %arg14[%swap3A_462], %get3A_461 {strides = array<i32>} : memref<512xi32, #tpu.memory_space<vmem>>, vector<16xi32>,
      %get3A_464 = arith.constant 96 : index
      %get3A_465 = tpu.vector_load %arg10[%get3A_464] {strides = array<i32>} : memref<512xi32, #tpu.memory_space<vmem>>, vector<16xi32>,
      %swap3A_466 = arith.constant 96 : index
      %swap3A_467 = tpu.vector_load %arg14[%swap3A_466] {strides = array<i32>} : memref<512xi32, #tpu.memory_space<vmem>>, vector<16xi32>,
      tpu.vector_store %arg14[%swap3A_466], %get3A_465 {strides = array<i32>} : memref<512xi32, #tpu.memory_space<vmem>>, vector<16xi32>,
      %get3A_468 = arith.constant 112 : index
      %get3A_469 = tpu.vector_load %arg10[%get3A_468] {strides = array<i32>} : memref<512xi32, #tpu.memory_space<vmem>>, vector<16xi32>,
      %swap3A_470 = arith.constant 112 : index
      %swap3A_471 = tpu.vector_load %arg14[%swap3A_470] {strides = array<i32>} : memref<512xi32, #tpu.memory_space<vmem>>, vector<16xi32>,
      tpu.vector_store %arg14[%swap3A_470], %get3A_469 {strides = array<i32>} : memref<512xi32, #tpu.memory_space<vmem>>, vector<16xi32>,
      %get3A_472 = arith.constant 128 : index
      %get3A_473 = tpu.vector_load %arg10[%get3A_472] {strides = array<i32>} : memref<512xi32, #tpu.memory_space<vmem>>, vector<16xi32>,
      %swap3A_474 = arith.constant 128 : index
      %swap3A_475 = tpu.vector_load %arg14[%swap3A_474] {strides = array<i32>} : memref<512xi32, #tpu.memory_space<vmem>>, vector<16xi32>,
      tpu.vector_store %arg14[%swap3A_474], %get3A_473 {strides = array<i32>} : memref<512xi32, #tpu.memory_space<vmem>>, vector<16xi32>,
      %get3A_476 = arith.constant 144 : index
      %get3A_477 = tpu.vector_load %arg10[%get3A_476] {strides = array<i32>} : memref<512xi32, #tpu.memory_space<vmem>>, vector<16xi32>,
      %swap3A_478 = arith.constant 144 : index
      %swap3A_479 = tpu.vector_load %arg14[%swap3A_478] {strides = array<i32>} : memref<512xi32, #tpu.memory_space<vmem>>, vector<16xi32>,
      tpu.vector_store %arg14[%swap3A_478], %get3A_477 {strides = array<i32>} : memref<512xi32, #tpu.memory_space<vmem>>, vector<16xi32>,
      %get3A_480 = arith.constant 160 : index
      %get3A_481 = tpu.vector_load %arg10[%get3A_480] {strides = array<i32>} : memref<512xi32, #tpu.memory_space<vmem>>, vector<16xi32>,
      %swap3A_482 = arith.constant 160 : index
      %swap3A_483 = tpu.vector_load %arg14[%swap3A_482] {strides = array<i32>} : memref<512xi32, #tpu.memory_space<vmem>>, vector<16xi32>,
      tpu.vector_store %arg14[%swap3A_482], %get3A_481 {strides = array<i32>} : memref<512xi32, #tpu.memory_space<vmem>>, vector<16xi32>,
      %get3A_484 = arith.constant 176 : index
      %get3A_485 = tpu.vector_load %arg10[%get3A_484] {strides = array<i32>} : memref<512xi32, #tpu.memory_space<vmem>>, vector<16xi32>,
      %swap3A_486 = arith.constant 176 : index
      %swap3A_487 = tpu.vector_load %arg14[%swap3A_486] {strides = array<i32>} : memref<512xi32, #tpu.memory_space<vmem>>, vector<16xi32>,
      tpu.vector_store %arg14[%swap3A_486], %get3A_485 {strides = array<i32>} : memref<512xi32, #tpu.memory_space<vmem>>, vector<16xi32>,
      %get3A_488 = arith.constant 192 : index
      %get3A_489 = tpu.vector_load %arg10[%get3A_488] {strides = array<i32>} : memref<512xi32, #tpu.memory_space<vmem>>, vector<16xi32>,
      %swap3A_490 = arith.constant 192 : index
      %swap3A_491 = tpu.vector_load %arg14[%swap3A_490] {strides = array<i32>} : memref<512xi32, #tpu.memory_space<vmem>>, vector<16xi32>,
      tpu.vector_store %arg14[%swap3A_490], %get3A_489 {strides = array<i32>} : memref<512xi32, #tpu.memory_space<vmem>>, vector<16xi32>,
      %get3A_492 = arith.constant 208 : index
      %get3A_493 = tpu.vector_load %arg10[%get3A_492] {strides = array<i32>} : memref<512xi32, #tpu.memory_space<vmem>>, vector<16xi32>,
      %swap3A_494 = arith.constant 208 : index
      %swap3A_495 = tpu.vector_load %arg14[%swap3A_494] {strides = array<i32>} : memref<512xi32, #tpu.memory_space<vmem>>, vector<16xi32>,
      tpu.vector_store %arg14[%swap3A_494], %get3A_493 {strides = array<i32>} : memref<512xi32, #tpu.memory_space<vmem>>, vector<16xi32>,
      %get3A_496 = arith.constant 224 : index
      %get3A_497 = tpu.vector_load %arg10[%get3A_496] {strides = array<i32>} : memref<512xi32, #tpu.memory_space<vmem>>, vector<16xi32>,
      %swap3A_498 = arith.constant 224 : index
      %swap3A_499 = tpu.vector_load %arg14[%swap3A_498] {strides = array<i32>} : memref<512xi32, #tpu.memory_space<vmem>>, vector<16xi32>,
      tpu.vector_store %arg14[%swap3A_498], %get3A_497 {strides = array<i32>} : memref<512xi32, #tpu.memory_space<vmem>>, vector<16xi32>,
      %get3A_500 = arith.constant 240 : index
      %get3A_501 = tpu.vector_load %arg10[%get3A_500] {strides = array<i32>} : memref<512xi32, #tpu.memory_space<vmem>>, vector<16xi32>,
      %swap3A_502 = arith.constant 240 : index
      %swap3A_503 = tpu.vector_load %arg14[%swap3A_502] {strides = array<i32>} : memref<512xi32, #tpu.memory_space<vmem>>, vector<16xi32>,
      tpu.vector_store %arg14[%swap3A_502], %get3A_501 {strides = array<i32>} : memref<512xi32, #tpu.memory_space<vmem>>, vector<16xi32>,
      %get3A_504 = arith.constant 256 : index
      %get3A_505 = tpu.vector_load %arg10[%get3A_504] {strides = array<i32>} : memref<512xi32, #tpu.memory_space<vmem>>, vector<16xi32>,
      %swap3A_506 = arith.constant 256 : index
      %swap3A_507 = tpu.vector_load %arg14[%swap3A_506] {strides = array<i32>} : memref<512xi32, #tpu.memory_space<vmem>>, vector<16xi32>,
      tpu.vector_store %arg14[%swap3A_506], %get3A_505 {strides = array<i32>} : memref<512xi32, #tpu.memory_space<vmem>>, vector<16xi32>,
      %get3A_508 = arith.constant 272 : index
      %get3A_509 = tpu.vector_load %arg10[%get3A_508] {strides = array<i32>} : memref<512xi32, #tpu.memory_space<vmem>>, vector<16xi32>,
      %swap3A_510 = arith.constant 272 : index
      %swap3A_511 = tpu.vector_load %arg14[%swap3A_510] {strides = array<i32>} : memref<512xi32, #tpu.memory_space<vmem>>, vector<16xi32>,
      tpu.vector_store %arg14[%swap3A_510], %get3A_509 {strides = array<i32>} : memref<512xi32, #tpu.memory_space<vmem>>, vector<16xi32>,
      %get3A_512 = arith.constant 288 : index
      %get3A_513 = tpu.vector_load %arg10[%get3A_512] {strides = array<i32>} : memref<512xi32, #tpu.memory_space<vmem>>, vector<16xi32>,
      %swap3A_514 = arith.constant 288 : index
      %swap3A_515 = tpu.vector_load %arg14[%swap3A_514] {strides = array<i32>} : memref<512xi32, #tpu.memory_space<vmem>>, vector<16xi32>,
      tpu.vector_store %arg14[%swap3A_514], %get3A_513 {strides = array<i32>} : memref<512xi32, #tpu.memory_space<vmem>>, vector<16xi32>,
      %get3A_516 = arith.constant 304 : index
      %get3A_517 = tpu.vector_load %arg10[%get3A_516] {strides = array<i32>} : memref<512xi32, #tpu.memory_space<vmem>>, vector<16xi32>,
      %swap3A_518 = arith.constant 304 : index
      %swap3A_519 = tpu.vector_load %arg14[%swap3A_518] {strides = array<i32>} : memref<512xi32, #tpu.memory_space<vmem>>, vector<16xi32>,
      tpu.vector_store %arg14[%swap3A_518], %get3A_517 {strides = array<i32>} : memref<512xi32, #tpu.memory_space<vmem>>, vector<16xi32>,
      %get3A_520 = arith.constant 320 : index
      %get3A_521 = tpu.vector_load %arg10[%get3A_520] {strides = array<i32>} : memref<512xi32, #tpu.memory_space<vmem>>, vector<16xi32>,
      %swap3A_522 = arith.constant 320 : index
      %swap3A_523 = tpu.vector_load %arg14[%swap3A_522] {strides = array<i32>} : memref<512xi32, #tpu.memory_space<vmem>>, vector<16xi32>,
      tpu.vector_store %arg14[%swap3A_522], %get3A_521 {strides = array<i32>} : memref<512xi32, #tpu.memory_space<vmem>>, vector<16xi32>,
      %get3A_524 = arith.constant 336 : index
      %get3A_525 = tpu.vector_load %arg10[%get3A_524] {strides = array<i32>} : memref<512xi32, #tpu.memory_space<vmem>>, vector<16xi32>,
      %swap3A_526 = arith.constant 336 : index
      %swap3A_527 = tpu.vector_load %arg14[%swap3A_526] {strides = array<i32>} : memref<512xi32, #tpu.memory_space<vmem>>, vector<16xi32>,
      tpu.vector_store %arg14[%swap3A_526], %get3A_525 {strides = array<i32>} : memref<512xi32, #tpu.memory_space<vmem>>, vector<16xi32>,
      %get3A_528 = arith.constant 352 : index
      %get3A_529 = tpu.vector_load %arg10[%get3A_528] {strides = array<i32>} : memref<512xi32, #tpu.memory_space<vmem>>, vector<16xi32>,
      %swap3A_530 = arith.constant 352 : index
      %swap3A_531 = tpu.vector_load %arg14[%swap3A_530] {strides = array<i32>} : memref<512xi32, #tpu.memory_space<vmem>>, vector<16xi32>,
      tpu.vector_store %arg14[%swap3A_530], %get3A_529 {strides = array<i32>} : memref<512xi32, #tpu.memory_space<vmem>>, vector<16xi32>,
      %get3A_532 = arith.constant 368 : index
      %get3A_533 = tpu.vector_load %arg10[%get3A_532] {strides = array<i32>} : memref<512xi32, #tpu.memory_space<vmem>>, vector<16xi32>,
      %swap3A_534 = arith.constant 368 : index
      %swap3A_535 = tpu.vector_load %arg14[%swap3A_534] {strides = array<i32>} : memref<512xi32, #tpu.memory_space<vmem>>, vector<16xi32>,
      tpu.vector_store %arg14[%swap3A_534], %get3A_533 {strides = array<i32>} : memref<512xi32, #tpu.memory_space<vmem>>, vector<16xi32>,
      %get3A_536 = arith.constant 384 : index
      %get3A_537 = tpu.vector_load %arg10[%get3A_536] {strides = array<i32>} : memref<512xi32, #tpu.memory_space<vmem>>, vector<16xi32>,
      %swap3A_538 = arith.constant 384 : index
      %swap3A_539 = tpu.vector_load %arg14[%swap3A_538] {strides = array<i32>} : memref<512xi32, #tpu.memory_space<vmem>>, vector<16xi32>,
      tpu.vector_store %arg14[%swap3A_538], %get3A_537 {strides = array<i32>} : memref<512xi32, #tpu.memory_space<vmem>>, vector<16xi32>,
      %get3A_540 = arith.constant 400 : index
      %get3A_541 = tpu.vector_load %arg10[%get3A_540] {strides = array<i32>} : memref<512xi32, #tpu.memory_space<vmem>>, vector<16xi32>,
      %swap3A_542 = arith.constant 400 : index
      %swap3A_543 = tpu.vector_load %arg14[%swap3A_542] {strides = array<i32>} : memref<512xi32, #tpu.memory_space<vmem>>, vector<16xi32>,
      tpu.vector_store %arg14[%swap3A_542], %get3A_541 {strides = array<i32>} : memref<512xi32, #tpu.memory_space<vmem>>, vector<16xi32>,
      %get3A_544 = arith.constant 416 : index
      %get3A_545 = tpu.vector_load %arg10[%get3A_544] {strides = array<i32>} : memref<512xi32, #tpu.memory_space<vmem>>, vector<16xi32>,
      %swap3A_546 = arith.constant 416 : index
      %swap3A_547 = tpu.vector_load %arg14[%swap3A_546] {strides = array<i32>} : memref<512xi32, #tpu.memory_space<vmem>>, vector<16xi32>,
      tpu.vector_store %arg14[%swap3A_546], %get3A_545 {strides = array<i32>} : memref<512xi32, #tpu.memory_space<vmem>>, vector<16xi32>,
      %get3A_548 = arith.constant 432 : index
      %get3A_549 = tpu.vector_load %arg10[%get3A_548] {strides = array<i32>} : memref<512xi32, #tpu.memory_space<vmem>>, vector<16xi32>,
      %swap3A_550 = arith.constant 432 : index
      %swap3A_551 = tpu.vector_load %arg14[%swap3A_550] {strides = array<i32>} : memref<512xi32, #tpu.memory_space<vmem>>, vector<16xi32>,
      tpu.vector_store %arg14[%swap3A_550], %get3A_549 {strides = array<i32>} : memref<512xi32, #tpu.memory_space<vmem>>, vector<16xi32>,
      %get3A_552 = arith.constant 448 : index
      %get3A_553 = tpu.vector_load %arg10[%get3A_552] {strides = array<i32>} : memref<512xi32, #tpu.memory_space<vmem>>, vector<16xi32>,
      %swap3A_554 = arith.constant 448 : index
      %swap3A_555 = tpu.vector_load %arg14[%swap3A_554] {strides = array<i32>} : memref<512xi32, #tpu.memory_space<vmem>>, vector<16xi32>,
      tpu.vector_store %arg14[%swap3A_554], %get3A_553 {strides = array<i32>} : memref<512xi32, #tpu.memory_space<vmem>>, vector<16xi32>,
      %get3A_556 = arith.constant 464 : index
      %get3A_557 = tpu.vector_load %arg10[%get3A_556] {strides = array<i32>} : memref<512xi32, #tpu.memory_space<vmem>>, vector<16xi32>,
      %swap3A_558 = arith.constant 464 : index
      %swap3A_559 = tpu.vector_load %arg14[%swap3A_558] {strides = array<i32>} : memref<512xi32, #tpu.memory_space<vmem>>, vector<16xi32>,
      tpu.vector_store %arg14[%swap3A_558], %get3A_557 {strides = array<i32>} : memref<512xi32, #tpu.memory_space<vmem>>, vector<16xi32>,
      %get3A_560 = arith.constant 480 : index
      %get3A_561 = tpu.vector_load %arg10[%get3A_560] {strides = array<i32>} : memref<512xi32, #tpu.memory_space<vmem>>, vector<16xi32>,
      %swap3A_562 = arith.constant 480 : index
      %swap3A_563 = tpu.vector_load %arg14[%swap3A_562] {strides = array<i32>} : memref<512xi32, #tpu.memory_space<vmem>>, vector<16xi32>,
      tpu.vector_store %arg14[%swap3A_562], %get3A_561 {strides = array<i32>} : memref<512xi32, #tpu.memory_space<vmem>>, vector<16xi32>,
      %get3A_564 = arith.constant 496 : index
      %get3A_565 = tpu.vector_load %arg10[%get3A_564] {strides = array<i32>} : memref<512xi32, #tpu.memory_space<vmem>>, vector<16xi32>,
      %swap3A_566 = arith.constant 496 : index
      %swap3A_567 = tpu.vector_load %arg14[%swap3A_566] {strides = array<i32>} : memref<512xi32, #tpu.memory_space<vmem>>, vector<16xi32>,
      tpu.vector_store %arg14[%swap3A_566], %get3A_565 {strides = array<i32>} : memref<512xi32, #tpu.memory_space<vmem>>, vector<16xi32>,
      %parallel_loop3A_568 = arith.constant 0 : i32
      %parallel_loop3A_569 = arith.constant 256 : i32
      %parallel_loop3A_570 = arith.constant 1 : i32
      scf.for %parallel_loop3A_816 = %parallel_loop3A_568 to %parallel_loop3A_569 step %parallel_loop3A_570  : i32 {
        %parallel_loop3A_817 = arith.constant 2 : i32
        %parallel_loop3A_818 = arith.muli %parallel_loop3A_816, %parallel_loop3A_817 : i32
        %parallel_loop3A_819 = arith.constant 0 : i32
        %parallel_loop3A_820 = arith.addi %parallel_loop3A_818, %parallel_loop3A_819 : i32
        %parallel_loop3A_821 = arith.index_cast %parallel_loop3A_820 : i32 to index
        %parallel_loop3A_822 = arith.constant 0 : index
        %parallel_loop3A_823 = tpu.vector_load %arg15[%parallel_loop3A_821, %parallel_loop3A_822] {strides = array<i32>} : memref<512x64xbf16, #tpu.memory_space<vmem>>, vector<32xbf16>,
        %parallel_loop3A_824 = vector.bitcast %parallel_loop3A_823 : vector<32xbf16> to vector<16xi32>
        %parallel_loop3A_825 = arith.index_cast %parallel_loop3A_820 : i32 to index
        %parallel_loop3A_826 = arith.constant 0 : index
        %parallel_loop3A_827 = tpu.vector_load %arg17[%parallel_loop3A_825, %parallel_loop3A_826] {strides = array<i32>} : memref<512x64xbf16, #tpu.memory_space<vmem>>, vector<32xbf16>,
        %parallel_loop3A_828 = vector.bitcast %parallel_loop3A_827 : vector<32xbf16> to vector<16xi32>
        %parallel_loop3A_829 = arith.index_cast %parallel_loop3A_816 : i32 to index
        %parallel_loop3A_830 = arith.constant 0 : index
        %parallel_loop3A_831 = tpu.vector_load %arg19[%parallel_loop3A_829, %parallel_loop3A_830] {strides = array<i32>} : memref<256x128xf32, #tpu.memory_space<vmem>>, vector<16xf32>,
        %parallel_loop3A_832 = arith.constant 16 : i32
        %parallel_loop3A_833 = vector.broadcast %parallel_loop3A_832 : i32 to vector<16xi32>
        %parallel_loop3A_834 = arith.shli %parallel_loop3A_824, %parallel_loop3A_833 : vector<16xi32>
        %parallel_loop3A_835 = vector.bitcast %parallel_loop3A_834 : vector<16xi32> to vector<16xf32>
        %parallel_loop3A_836 = arith.constant 16 : i32
        %parallel_loop3A_837 = vector.broadcast %parallel_loop3A_836 : i32 to vector<16xi32>
        %parallel_loop3A_838 = arith.shli %parallel_loop3A_828, %parallel_loop3A_837 : vector<16xi32>
        %parallel_loop3A_839 = vector.bitcast %parallel_loop3A_838 : vector<16xi32> to vector<16xf32>
        %parallel_loop3A_840 = arith.addf %parallel_loop3A_835, %parallel_loop3A_839 : vector<16xf32>
        %parallel_loop3A_841 = arith.addf %parallel_loop3A_840, %parallel_loop3A_831 : vector<16xf32>
        %parallel_loop3A_842 = math.exp %parallel_loop3A_841 : vector<16xf32>
        %parallel_loop3A_843 = arith.constant 1.000000e+00 : f32
        %parallel_loop3A_844 = vector.broadcast %parallel_loop3A_843 : f32 to vector<16xf32>
        %parallel_loop3A_845 = arith.addf %parallel_loop3A_842, %parallel_loop3A_844 : vector<16xf32>
        %parallel_loop3A_846 = arith.divf %mul3A_12, %parallel_loop3A_845 : vector<16xf32>
        %parallel_loop3A_847 = arith.subf %get3A_3, %parallel_loop3A_846 : vector<16xf32>
        %parallel_loop3A_848 = arith.index_cast %parallel_loop3A_816 : i32 to index
        %parallel_loop3A_849 = arith.constant 16 : index
        %parallel_loop3A_850 = tpu.vector_load %arg19[%parallel_loop3A_848, %parallel_loop3A_849] {strides = array<i32>} : memref<256x128xf32, #tpu.memory_space<vmem>>, vector<16xf32>,
        %parallel_loop3A_851 = arith.andi %parallel_loop3A_824, %broadcast_in_dim3A_25 : vector<16xi32>
        %parallel_loop3A_852 = vector.bitcast %parallel_loop3A_851 : vector<16xi32> to vector<16xf32>
        %parallel_loop3A_853 = arith.andi %parallel_loop3A_828, %broadcast_in_dim3A_25 : vector<16xi32>
        %parallel_loop3A_854 = vector.bitcast %parallel_loop3A_853 : vector<16xi32> to vector<16xf32>
        %parallel_loop3A_855 = arith.addf %parallel_loop3A_852, %parallel_loop3A_854 : vector<16xf32>
        %parallel_loop3A_856 = arith.addf %parallel_loop3A_855, %parallel_loop3A_850 : vector<16xf32>
        %parallel_loop3A_857 = math.exp %parallel_loop3A_856 : vector<16xf32>
        %parallel_loop3A_858 = arith.constant 1.000000e+00 : f32
        %parallel_loop3A_859 = vector.broadcast %parallel_loop3A_858 : f32 to vector<16xf32>
        %parallel_loop3A_860 = arith.addf %parallel_loop3A_857, %parallel_loop3A_859 : vector<16xf32>
        %parallel_loop3A_861 = arith.divf %mul3A_15, %parallel_loop3A_860 : vector<16xf32>
        %parallel_loop3A_862 = arith.subf %get3A_5, %parallel_loop3A_861 : vector<16xf32>
        %parallel_loop3A_863 = arith.addf %parallel_loop3A_847, %parallel_loop3A_862 : vector<16xf32>
        %parallel_loop3A_864 = arith.index_cast %parallel_loop3A_820 : i32 to index
        %parallel_loop3A_865 = arith.constant 32 : index
        %parallel_loop3A_866 = tpu.vector_load %arg15[%parallel_loop3A_864, %parallel_loop3A_865] {strides = array<i32>} : memref<512x64xbf16, #tpu.memory_space<vmem>>, vector<32xbf16>,
        %parallel_loop3A_867 = vector.bitcast %parallel_loop3A_866 : vector<32xbf16> to vector<16xi32>
        %parallel_loop3A_868 = arith.index_cast %parallel_loop3A_820 : i32 to index
        %parallel_loop3A_869 = arith.constant 32 : index
        %parallel_loop3A_870 = tpu.vector_load %arg17[%parallel_loop3A_868, %parallel_loop3A_869] {strides = array<i32>} : memref<512x64xbf16, #tpu.memory_space<vmem>>, vector<32xbf16>,
        %parallel_loop3A_871 = vector.bitcast %parallel_loop3A_870 : vector<32xbf16> to vector<16xi32>
        %parallel_loop3A_872 = arith.index_cast %parallel_loop3A_816 : i32 to index
        %parallel_loop3A_873 = arith.constant 32 : index
        %parallel_loop3A_874 = tpu.vector_load %arg19[%parallel_loop3A_872, %parallel_loop3A_873] {strides = array<i32>} : memref<256x128xf32, #tpu.memory_space<vmem>>, vector<16xf32>,
        %parallel_loop3A_875 = arith.constant 16 : i32
        %parallel_loop3A_876 = vector.broadcast %parallel_loop3A_875 : i32 to vector<16xi32>
        %parallel_loop3A_877 = arith.shli %parallel_loop3A_867, %parallel_loop3A_876 : vector<16xi32>
        %parallel_loop3A_878 = vector.bitcast %parallel_loop3A_877 : vector<16xi32> to vector<16xf32>
        %parallel_loop3A_879 = arith.constant 16 : i32
        %parallel_loop3A_880 = vector.broadcast %parallel_loop3A_879 : i32 to vector<16xi32>
        %parallel_loop3A_881 = arith.shli %parallel_loop3A_871, %parallel_loop3A_880 : vector<16xi32>
        %parallel_loop3A_882 = vector.bitcast %parallel_loop3A_881 : vector<16xi32> to vector<16xf32>
        %parallel_loop3A_883 = arith.addf %parallel_loop3A_878, %parallel_loop3A_882 : vector<16xf32>
        %parallel_loop3A_884 = arith.addf %parallel_loop3A_883, %parallel_loop3A_874 : vector<16xf32>
        %parallel_loop3A_885 = math.exp %parallel_loop3A_884 : vector<16xf32>
        %parallel_loop3A_886 = arith.constant 1.000000e+00 : f32
        %parallel_loop3A_887 = vector.broadcast %parallel_loop3A_886 : f32 to vector<16xf32>
        %parallel_loop3A_888 = arith.addf %parallel_loop3A_885, %parallel_loop3A_887 : vector<16xf32>
        %parallel_loop3A_889 = arith.divf %mul3A_18, %parallel_loop3A_888 : vector<16xf32>
        %parallel_loop3A_890 = arith.subf %get3A_7, %parallel_loop3A_889 : vector<16xf32>
        %parallel_loop3A_891 = arith.addf %parallel_loop3A_863, %parallel_loop3A_890 : vector<16xf32>
        %parallel_loop3A_892 = arith.index_cast %parallel_loop3A_816 : i32 to index
        %parallel_loop3A_893 = arith.constant 48 : index
        %parallel_loop3A_894 = tpu.vector_load %arg19[%parallel_loop3A_892, %parallel_loop3A_893] {strides = array<i32>} : memref<256x128xf32, #tpu.memory_space<vmem>>, vector<16xf32>,
        %parallel_loop3A_895 = arith.andi %parallel_loop3A_867, %broadcast_in_dim3A_25 : vector<16xi32>
        %parallel_loop3A_896 = vector.bitcast %parallel_loop3A_895 : vector<16xi32> to vector<16xf32>
        %parallel_loop3A_897 = arith.andi %parallel_loop3A_871, %broadcast_in_dim3A_25 : vector<16xi32>
        %parallel_loop3A_898 = vector.bitcast %parallel_loop3A_897 : vector<16xi32> to vector<16xf32>
        %parallel_loop3A_899 = arith.addf %parallel_loop3A_896, %parallel_loop3A_898 : vector<16xf32>
        %parallel_loop3A_900 = arith.addf %parallel_loop3A_899, %parallel_loop3A_894 : vector<16xf32>
        %parallel_loop3A_901 = math.exp %parallel_loop3A_900 : vector<16xf32>
        %parallel_loop3A_902 = arith.constant 1.000000e+00 : f32
        %parallel_loop3A_903 = vector.broadcast %parallel_loop3A_902 : f32 to vector<16xf32>
        %parallel_loop3A_904 = arith.addf %parallel_loop3A_901, %parallel_loop3A_903 : vector<16xf32>
        %parallel_loop3A_905 = arith.divf %mul3A_21, %parallel_loop3A_904 : vector<16xf32>
        %parallel_loop3A_906 = arith.subf %get3A_9, %parallel_loop3A_905 : vector<16xf32>
        %parallel_loop3A_907 = arith.addf %parallel_loop3A_891, %parallel_loop3A_906 : vector<16xf32>
        %parallel_loop3A_908 = vector.broadcast %parallel_loop3A_820 : i32 to vector<16xi32>
        %parallel_loop3A_909 = arith.addi %mul3A_24, %parallel_loop3A_908 : vector<16xi32>
        tpu.vector_store_idx %arg20[%parallel_loop3A_909], %parallel_loop3A_907 : memref<8192xf32, #tpu.memory_space<vmem>>[vector<16xi32>], vector<16xf32>,
        %parallel_loop3A_910 = arith.constant 1 : i32
        %parallel_loop3A_911 = arith.addi %parallel_loop3A_818, %parallel_loop3A_910 : i32
        %parallel_loop3A_912 = arith.index_cast %parallel_loop3A_911 : i32 to index
        %parallel_loop3A_913 = arith.constant 0 : index
        %parallel_loop3A_914 = tpu.vector_load %arg15[%parallel_loop3A_912, %parallel_loop3A_913] {strides = array<i32>} : memref<512x64xbf16, #tpu.memory_space<vmem>>, vector<32xbf16>,
        %parallel_loop3A_915 = vector.bitcast %parallel_loop3A_914 : vector<32xbf16> to vector<16xi32>
        %parallel_loop3A_916 = arith.index_cast %parallel_loop3A_911 : i32 to index
        %parallel_loop3A_917 = arith.constant 0 : index
        %parallel_loop3A_918 = tpu.vector_load %arg17[%parallel_loop3A_916, %parallel_loop3A_917] {strides = array<i32>} : memref<512x64xbf16, #tpu.memory_space<vmem>>, vector<32xbf16>,
        %parallel_loop3A_919 = vector.bitcast %parallel_loop3A_918 : vector<32xbf16> to vector<16xi32>
        %parallel_loop3A_920 = arith.index_cast %parallel_loop3A_816 : i32 to index
        %parallel_loop3A_921 = arith.constant 64 : index
        %parallel_loop3A_922 = tpu.vector_load %arg19[%parallel_loop3A_920, %parallel_loop3A_921] {strides = array<i32>} : memref<256x128xf32, #tpu.memory_space<vmem>>, vector<16xf32>,
        %parallel_loop3A_923 = arith.constant 16 : i32
        %parallel_loop3A_924 = vector.broadcast %parallel_loop3A_923 : i32 to vector<16xi32>
        %parallel_loop3A_925 = arith.shli %parallel_loop3A_915, %parallel_loop3A_924 : vector<16xi32>
        %parallel_loop3A_926 = vector.bitcast %parallel_loop3A_925 : vector<16xi32> to vector<16xf32>
        %parallel_loop3A_927 = arith.constant 16 : i32
        %parallel_loop3A_928 = vector.broadcast %parallel_loop3A_927 : i32 to vector<16xi32>
        %parallel_loop3A_929 = arith.shli %parallel_loop3A_919, %parallel_loop3A_928 : vector<16xi32>
        %parallel_loop3A_930 = vector.bitcast %parallel_loop3A_929 : vector<16xi32> to vector<16xf32>
        %parallel_loop3A_931 = arith.addf %parallel_loop3A_926, %parallel_loop3A_930 : vector<16xf32>
        %parallel_loop3A_932 = arith.addf %parallel_loop3A_931, %parallel_loop3A_922 : vector<16xf32>
        %parallel_loop3A_933 = math.exp %parallel_loop3A_932 : vector<16xf32>
        %parallel_loop3A_934 = arith.constant 1.000000e+00 : f32
        %parallel_loop3A_935 = vector.broadcast %parallel_loop3A_934 : f32 to vector<16xf32>
        %parallel_loop3A_936 = arith.addf %parallel_loop3A_933, %parallel_loop3A_935 : vector<16xf32>
        %parallel_loop3A_937 = arith.divf %mul3A_12, %parallel_loop3A_936 : vector<16xf32>
        %parallel_loop3A_938 = arith.subf %get3A_3, %parallel_loop3A_937 : vector<16xf32>
        %parallel_loop3A_939 = arith.index_cast %parallel_loop3A_816 : i32 to index
        %parallel_loop3A_940 = arith.constant 80 : index
        %parallel_loop3A_941 = tpu.vector_load %arg19[%parallel_loop3A_939, %parallel_loop3A_940] {strides = array<i32>} : memref<256x128xf32, #tpu.memory_space<vmem>>, vector<16xf32>,
        %parallel_loop3A_942 = arith.andi %parallel_loop3A_915, %broadcast_in_dim3A_25 : vector<16xi32>
        %parallel_loop3A_943 = vector.bitcast %parallel_loop3A_942 : vector<16xi32> to vector<16xf32>
        %parallel_loop3A_944 = arith.andi %parallel_loop3A_919, %broadcast_in_dim3A_25 : vector<16xi32>
        %parallel_loop3A_945 = vector.bitcast %parallel_loop3A_944 : vector<16xi32> to vector<16xf32>
        %parallel_loop3A_946 = arith.addf %parallel_loop3A_943, %parallel_loop3A_945 : vector<16xf32>
        %parallel_loop3A_947 = arith.addf %parallel_loop3A_946, %parallel_loop3A_941 : vector<16xf32>
        %parallel_loop3A_948 = math.exp %parallel_loop3A_947 : vector<16xf32>
        %parallel_loop3A_949 = arith.constant 1.000000e+00 : f32
        %parallel_loop3A_950 = vector.broadcast %parallel_loop3A_949 : f32 to vector<16xf32>
        %parallel_loop3A_951 = arith.addf %parallel_loop3A_948, %parallel_loop3A_950 : vector<16xf32>
        %parallel_loop3A_952 = arith.divf %mul3A_15, %parallel_loop3A_951 : vector<16xf32>
        %parallel_loop3A_953 = arith.subf %get3A_5, %parallel_loop3A_952 : vector<16xf32>
        %parallel_loop3A_954 = arith.addf %parallel_loop3A_938, %parallel_loop3A_953 : vector<16xf32>
        %parallel_loop3A_955 = arith.index_cast %parallel_loop3A_911 : i32 to index
        %parallel_loop3A_956 = arith.constant 32 : index
        %parallel_loop3A_957 = tpu.vector_load %arg15[%parallel_loop3A_955, %parallel_loop3A_956] {strides = array<i32>} : memref<512x64xbf16, #tpu.memory_space<vmem>>, vector<32xbf16>,
        %parallel_loop3A_958 = vector.bitcast %parallel_loop3A_957 : vector<32xbf16> to vector<16xi32>
        %parallel_loop3A_959 = arith.index_cast %parallel_loop3A_911 : i32 to index
        %parallel_loop3A_960 = arith.constant 32 : index
        %parallel_loop3A_961 = tpu.vector_load %arg17[%parallel_loop3A_959, %parallel_loop3A_960] {strides = array<i32>} : memref<512x64xbf16, #tpu.memory_space<vmem>>, vector<32xbf16>,
        %parallel_loop3A_962 = vector.bitcast %parallel_loop3A_961 : vector<32xbf16> to vector<16xi32>
        %parallel_loop3A_963 = arith.index_cast %parallel_loop3A_816 : i32 to index
        %parallel_loop3A_964 = arith.constant 96 : index
        %parallel_loop3A_965 = tpu.vector_load %arg19[%parallel_loop3A_963, %parallel_loop3A_964] {strides = array<i32>} : memref<256x128xf32, #tpu.memory_space<vmem>>, vector<16xf32>,
        %parallel_loop3A_966 = arith.constant 16 : i32
        %parallel_loop3A_967 = vector.broadcast %parallel_loop3A_966 : i32 to vector<16xi32>
        %parallel_loop3A_968 = arith.shli %parallel_loop3A_958, %parallel_loop3A_967 : vector<16xi32>
        %parallel_loop3A_969 = vector.bitcast %parallel_loop3A_968 : vector<16xi32> to vector<16xf32>
        %parallel_loop3A_970 = arith.constant 16 : i32
        %parallel_loop3A_971 = vector.broadcast %parallel_loop3A_970 : i32 to vector<16xi32>
        %parallel_loop3A_972 = arith.shli %parallel_loop3A_962, %parallel_loop3A_971 : vector<16xi32>
        %parallel_loop3A_973 = vector.bitcast %parallel_loop3A_972 : vector<16xi32> to vector<16xf32>
        %parallel_loop3A_974 = arith.addf %parallel_loop3A_969, %parallel_loop3A_973 : vector<16xf32>
        %parallel_loop3A_975 = arith.addf %parallel_loop3A_974, %parallel_loop3A_965 : vector<16xf32>
        %parallel_loop3A_976 = math.exp %parallel_loop3A_975 : vector<16xf32>
        %parallel_loop3A_977 = arith.constant 1.000000e+00 : f32
        %parallel_loop3A_978 = vector.broadcast %parallel_loop3A_977 : f32 to vector<16xf32>
        %parallel_loop3A_979 = arith.addf %parallel_loop3A_976, %parallel_loop3A_978 : vector<16xf32>
        %parallel_loop3A_980 = arith.divf %mul3A_18, %parallel_loop3A_979 : vector<16xf32>
        %parallel_loop3A_981 = arith.subf %get3A_7, %parallel_loop3A_980 : vector<16xf32>
        %parallel_loop3A_982 = arith.addf %parallel_loop3A_954, %parallel_loop3A_981 : vector<16xf32>
        %parallel_loop3A_983 = arith.index_cast %parallel_loop3A_816 : i32 to index
        %parallel_loop3A_984 = arith.constant 112 : index
        %parallel_loop3A_985 = tpu.vector_load %arg19[%parallel_loop3A_983, %parallel_loop3A_984] {strides = array<i32>} : memref<256x128xf32, #tpu.memory_space<vmem>>, vector<16xf32>,
        %parallel_loop3A_986 = arith.andi %parallel_loop3A_958, %broadcast_in_dim3A_25 : vector<16xi32>
        %parallel_loop3A_987 = vector.bitcast %parallel_loop3A_986 : vector<16xi32> to vector<16xf32>
        %parallel_loop3A_988 = arith.andi %parallel_loop3A_962, %broadcast_in_dim3A_25 : vector<16xi32>
        %parallel_loop3A_989 = vector.bitcast %parallel_loop3A_988 : vector<16xi32> to vector<16xf32>
        %parallel_loop3A_990 = arith.addf %parallel_loop3A_987, %parallel_loop3A_989 : vector<16xf32>
        %parallel_loop3A_991 = arith.addf %parallel_loop3A_990, %parallel_loop3A_985 : vector<16xf32>
        %parallel_loop3A_992 = math.exp %parallel_loop3A_991 : vector<16xf32>
        %parallel_loop3A_993 = arith.constant 1.000000e+00 : f32
        %parallel_loop3A_994 = vector.broadcast %parallel_loop3A_993 : f32 to vector<16xf32>
        %parallel_loop3A_995 = arith.addf %parallel_loop3A_992, %parallel_loop3A_994 : vector<16xf32>
        %parallel_loop3A_996 = arith.divf %mul3A_21, %parallel_loop3A_995 : vector<16xf32>
        %parallel_loop3A_997 = arith.subf %get3A_9, %parallel_loop3A_996 : vector<16xf32>
        %parallel_loop3A_998 = arith.addf %parallel_loop3A_982, %parallel_loop3A_997 : vector<16xf32>
        %parallel_loop3A_999 = vector.broadcast %parallel_loop3A_911 : i32 to vector<16xi32>
        %parallel_loop3A_1000 = arith.addi %mul3A_24, %parallel_loop3A_999 : vector<16xi32>
        tpu.vector_store_idx %arg20[%parallel_loop3A_1000], %parallel_loop3A_998 : memref<8192xf32, #tpu.memory_space<vmem>>[vector<16xi32>], vector<16xf32>,
      } {sc.loop_unroll_factor = 2 : i64, sc.parallel_access}
      %parallel_loop3A_571 = arith.constant 0 : i32
      %parallel_loop3A_572 = arith.constant 32 : i32
      %parallel_loop3A_573 = arith.constant 1 : i32
      scf.for %parallel_loop3A_816 = %parallel_loop3A_571 to %parallel_loop3A_572 step %parallel_loop3A_573  : i32 {
        %parallel_loop3A_817 = arith.constant 16 : i32
        %parallel_loop3A_818 = arith.muli %parallel_loop3A_816, %parallel_loop3A_817 : i32
        %parallel_loop3A_819 = arith.constant 0 : i32
        %parallel_loop3A_820 = arith.addi %parallel_loop3A_819, %parallel_loop3A_818 : i32
        %parallel_loop3A_821 = arith.index_cast %parallel_loop3A_820 : i32 to index
        %parallel_loop3A_822 = tpu.vector_load %arg20[%parallel_loop3A_821] {strides = array<i32>} : memref<8192xf32, #tpu.memory_space<vmem>>, vector<16xf32>,
        %parallel_loop3A_823 = arith.constant 512 : i32
        %parallel_loop3A_824 = arith.addi %parallel_loop3A_823, %parallel_loop3A_818 : i32
        %parallel_loop3A_825 = arith.index_cast %parallel_loop3A_824 : i32 to index
        %parallel_loop3A_826 = tpu.vector_load %arg20[%parallel_loop3A_825] {strides = array<i32>} : memref<8192xf32, #tpu.memory_space<vmem>>, vector<16xf32>,
        %parallel_loop3A_827 = arith.constant 1024 : i32
        %parallel_loop3A_828 = arith.addi %parallel_loop3A_827, %parallel_loop3A_818 : i32
        %parallel_loop3A_829 = arith.index_cast %parallel_loop3A_828 : i32 to index
        %parallel_loop3A_830 = tpu.vector_load %arg20[%parallel_loop3A_829] {strides = array<i32>} : memref<8192xf32, #tpu.memory_space<vmem>>, vector<16xf32>,
        %parallel_loop3A_831 = arith.constant 1536 : i32
        %parallel_loop3A_832 = arith.addi %parallel_loop3A_831, %parallel_loop3A_818 : i32
        %parallel_loop3A_833 = arith.index_cast %parallel_loop3A_832 : i32 to index
        %parallel_loop3A_834 = tpu.vector_load %arg20[%parallel_loop3A_833] {strides = array<i32>} : memref<8192xf32, #tpu.memory_space<vmem>>, vector<16xf32>,
        %parallel_loop3A_835 = arith.constant 2048 : i32
        %parallel_loop3A_836 = arith.addi %parallel_loop3A_835, %parallel_loop3A_818 : i32
        %parallel_loop3A_837 = arith.index_cast %parallel_loop3A_836 : i32 to index
        %parallel_loop3A_838 = tpu.vector_load %arg20[%parallel_loop3A_837] {strides = array<i32>} : memref<8192xf32, #tpu.memory_space<vmem>>, vector<16xf32>,
        %parallel_loop3A_839 = arith.addf %parallel_loop3A_822, %parallel_loop3A_838 : vector<16xf32>
        %parallel_loop3A_840 = arith.constant 2560 : i32
        %parallel_loop3A_841 = arith.addi %parallel_loop3A_840, %parallel_loop3A_818 : i32
        %parallel_loop3A_842 = arith.index_cast %parallel_loop3A_841 : i32 to index
        %parallel_loop3A_843 = tpu.vector_load %arg20[%parallel_loop3A_842] {strides = array<i32>} : memref<8192xf32, #tpu.memory_space<vmem>>, vector<16xf32>,
        %parallel_loop3A_844 = arith.addf %parallel_loop3A_826, %parallel_loop3A_843 : vector<16xf32>
        %parallel_loop3A_845 = arith.constant 3072 : i32
        %parallel_loop3A_846 = arith.addi %parallel_loop3A_845, %parallel_loop3A_818 : i32
        %parallel_loop3A_847 = arith.index_cast %parallel_loop3A_846 : i32 to index
        %parallel_loop3A_848 = tpu.vector_load %arg20[%parallel_loop3A_847] {strides = array<i32>} : memref<8192xf32, #tpu.memory_space<vmem>>, vector<16xf32>,
        %parallel_loop3A_849 = arith.addf %parallel_loop3A_830, %parallel_loop3A_848 : vector<16xf32>
        %parallel_loop3A_850 = arith.constant 3584 : i32
        %parallel_loop3A_851 = arith.addi %parallel_loop3A_850, %parallel_loop3A_818 : i32
        %parallel_loop3A_852 = arith.index_cast %parallel_loop3A_851 : i32 to index
        %parallel_loop3A_853 = tpu.vector_load %arg20[%parallel_loop3A_852] {strides = array<i32>} : memref<8192xf32, #tpu.memory_space<vmem>>, vector<16xf32>,
        %parallel_loop3A_854 = arith.addf %parallel_loop3A_834, %parallel_loop3A_853 : vector<16xf32>
        %parallel_loop3A_855 = arith.constant 4096 : i32
        %parallel_loop3A_856 = arith.addi %parallel_loop3A_855, %parallel_loop3A_818 : i32
        %parallel_loop3A_857 = arith.index_cast %parallel_loop3A_856 : i32 to index
        %parallel_loop3A_858 = tpu.vector_load %arg20[%parallel_loop3A_857] {strides = array<i32>} : memref<8192xf32, #tpu.memory_space<vmem>>, vector<16xf32>,
        %parallel_loop3A_859 = arith.addf %parallel_loop3A_839, %parallel_loop3A_858 : vector<16xf32>
        %parallel_loop3A_860 = arith.constant 4608 : i32
        %parallel_loop3A_861 = arith.addi %parallel_loop3A_860, %parallel_loop3A_818 : i32
        %parallel_loop3A_862 = arith.index_cast %parallel_loop3A_861 : i32 to index
        %parallel_loop3A_863 = tpu.vector_load %arg20[%parallel_loop3A_862] {strides = array<i32>} : memref<8192xf32, #tpu.memory_space<vmem>>, vector<16xf32>,
        %parallel_loop3A_864 = arith.addf %parallel_loop3A_844, %parallel_loop3A_863 : vector<16xf32>
        %parallel_loop3A_865 = arith.constant 5120 : i32
        %parallel_loop3A_866 = arith.addi %parallel_loop3A_865, %parallel_loop3A_818 : i32
        %parallel_loop3A_867 = arith.index_cast %parallel_loop3A_866 : i32 to index
        %parallel_loop3A_868 = tpu.vector_load %arg20[%parallel_loop3A_867] {strides = array<i32>} : memref<8192xf32, #tpu.memory_space<vmem>>, vector<16xf32>,
        %parallel_loop3A_869 = arith.addf %parallel_loop3A_849, %parallel_loop3A_868 : vector<16xf32>
        %parallel_loop3A_870 = arith.constant 5632 : i32
        %parallel_loop3A_871 = arith.addi %parallel_loop3A_870, %parallel_loop3A_818 : i32
        %parallel_loop3A_872 = arith.index_cast %parallel_loop3A_871 : i32 to index
        %parallel_loop3A_873 = tpu.vector_load %arg20[%parallel_loop3A_872] {strides = array<i32>} : memref<8192xf32, #tpu.memory_space<vmem>>, vector<16xf32>,
        %parallel_loop3A_874 = arith.addf %parallel_loop3A_854, %parallel_loop3A_873 : vector<16xf32>
        %parallel_loop3A_875 = arith.constant 6144 : i32
        %parallel_loop3A_876 = arith.addi %parallel_loop3A_875, %parallel_loop3A_818 : i32
        %parallel_loop3A_877 = arith.index_cast %parallel_loop3A_876 : i32 to index
        %parallel_loop3A_878 = tpu.vector_load %arg20[%parallel_loop3A_877] {strides = array<i32>} : memref<8192xf32, #tpu.memory_space<vmem>>, vector<16xf32>,
        %parallel_loop3A_879 = arith.addf %parallel_loop3A_859, %parallel_loop3A_878 : vector<16xf32>
        %parallel_loop3A_880 = arith.constant 6656 : i32
        %parallel_loop3A_881 = arith.addi %parallel_loop3A_880, %parallel_loop3A_818 : i32
        %parallel_loop3A_882 = arith.index_cast %parallel_loop3A_881 : i32 to index
        %parallel_loop3A_883 = tpu.vector_load %arg20[%parallel_loop3A_882] {strides = array<i32>} : memref<8192xf32, #tpu.memory_space<vmem>>, vector<16xf32>,
        %parallel_loop3A_884 = arith.addf %parallel_loop3A_864, %parallel_loop3A_883 : vector<16xf32>
        %parallel_loop3A_885 = arith.constant 7168 : i32
        %parallel_loop3A_886 = arith.addi %parallel_loop3A_885, %parallel_loop3A_818 : i32
        %parallel_loop3A_887 = arith.index_cast %parallel_loop3A_886 : i32 to index
        %parallel_loop3A_888 = tpu.vector_load %arg20[%parallel_loop3A_887] {strides = array<i32>} : memref<8192xf32, #tpu.memory_space<vmem>>, vector<16xf32>,
        %parallel_loop3A_889 = arith.addf %parallel_loop3A_869, %parallel_loop3A_888 : vector<16xf32>
        %parallel_loop3A_890 = arith.constant 7680 : i32
        %parallel_loop3A_891 = arith.addi %parallel_loop3A_890, %parallel_loop3A_818 : i32
        %parallel_loop3A_892 = arith.index_cast %parallel_loop3A_891 : i32 to index
        %parallel_loop3A_893 = tpu.vector_load %arg20[%parallel_loop3A_892] {strides = array<i32>} : memref<8192xf32, #tpu.memory_space<vmem>>, vector<16xf32>,
        %parallel_loop3A_894 = arith.addf %parallel_loop3A_874, %parallel_loop3A_893 : vector<16xf32>
        %parallel_loop3A_895 = arith.addf %parallel_loop3A_879, %parallel_loop3A_884 : vector<16xf32>
        %parallel_loop3A_896 = arith.addf %parallel_loop3A_889, %parallel_loop3A_894 : vector<16xf32>
        %parallel_loop3A_897 = arith.addf %parallel_loop3A_895, %parallel_loop3A_896 : vector<16xf32>
        %parallel_loop3A_898 = math.exp %parallel_loop3A_897 : vector<16xf32>
        %parallel_loop3A_899 = arith.index_cast %parallel_loop3A_818 : i32 to index
        %parallel_loop3A_900 = tpu.vector_load %arg21[%parallel_loop3A_899] {strides = array<i32>} : memref<512xf32, #tpu.memory_space<vmem>>, vector<16xf32>,
        tpu.vector_store %arg21[%parallel_loop3A_899], %parallel_loop3A_898 {strides = array<i32>} : memref<512xf32, #tpu.memory_space<vmem>>, vector<16xf32>,
        %parallel_loop3A_901 = arith.index_cast %parallel_loop3A_818 : i32 to index
        %parallel_loop3A_902 = tpu.vector_load %arg14[%parallel_loop3A_901] {strides = array<i32>} : memref<512xi32, #tpu.memory_space<vmem>>, vector<16xi32>,
        %parallel_loop3A_903 = arith.constant 4 : i32
        %parallel_loop3A_904 = vector.broadcast %parallel_loop3A_903 : i32 to vector<16xi32>
        %parallel_loop3A_905 = arith.shrsi %parallel_loop3A_902, %parallel_loop3A_904 : vector<16xi32>
        %parallel_loop3A_906 = arith.constant 15 : i32
        %parallel_loop3A_907 = vector.broadcast %parallel_loop3A_906 : i32 to vector<16xi32>
        %parallel_loop3A_908 = arith.andi %parallel_loop3A_902, %parallel_loop3A_907 : vector<16xi32>
        tpu.vector_store_idx %arg23[%parallel_loop3A_905, %parallel_loop3A_908], %parallel_loop3A_898 {add = true} : memref<640x16xf32, #tpu.memory_space<vmem>>[vector<16xi32>, vector<16xi32>], vector<16xf32>,
      } {sc.loop_unroll_factor = 2 : i64, sc.parallel_access}
      %add3A_574 = arith.constant 1 : i32
      %add3A_575 = arith.addi %add3A_381, %add3A_574 : i32
      %mul3A_576 = arith.constant 512 : i32
      %mul3A_577 = arith.muli %add3A_575, %mul3A_576 : i32
      %add3A_578 = arith.addi %mul3A_2, %mul3A_577 : i32
      %jit3A_579 = arith.constant 2 : i32
      %div3A_580 = arith.divsi %add3A_578, %jit3A_579 : i32
      %sign3A_581 = arith.constant 0 : i32
      %sign3A_582 = arith.cmpi sgt, %add3A_578, %sign3A_581 : i32
      %sign3A_583 = arith.extui %sign3A_582 : i1 to i32
      %sign3A_584 = arith.constant 0 : i32
      %sign3A_585 = arith.cmpi slt, %add3A_578, %sign3A_584 : i32
      %sign3A_586 = arith.extui %sign3A_585 : i1 to i32
      %sign3A_587 = arith.subi %sign3A_583, %sign3A_586 : i32
      %sign3A_588 = arith.constant 0 : i32
      %sign3A_589 = arith.cmpi sgt, %jit3A_579, %sign3A_588 : i32
      %sign3A_590 = arith.extui %sign3A_589 : i1 to i32
      %sign3A_591 = arith.constant 0 : i32
      %sign3A_592 = arith.cmpi slt, %jit3A_579, %sign3A_591 : i32
      %sign3A_593 = arith.extui %sign3A_592 : i1 to i32
      %sign3A_594 = arith.subi %sign3A_590, %sign3A_593 : i32
      %ne3A_595 = arith.cmpi ne, %sign3A_587, %sign3A_594 : i32
      %rem3A_596 = arith.remsi %add3A_578, %jit3A_579 : i32
      %ne3A_597 = arith.constant 0 : i32
      %ne3A_598 = arith.cmpi ne, %rem3A_596, %ne3A_597 : i32
      %and3A_599 = arith.andi %ne3A_595, %ne3A_598 : i1
      %sub3A_600 = arith.constant 1 : i32
      %sub3A_601 = arith.subi %div3A_580, %sub3A_600 : i32
      %select_n3A_602 = arith.select %and3A_599, %sub3A_601, %div3A_580 : i32
      %dma_start3A_603 = arith.constant 0 : i32
      %dma_start3A_604 = tpu.memref_slice %arg4[%select_n3A_602, %dma_start3A_603] : memref<163840x128xf32, #tpu.memory_space<hbm>> -> memref<256x128xf32, #tpu.memory_space<hbm>>
      %dma_start3A_605 = arith.constant 0 : i32
      %dma_start3A_606 = tpu.memref_slice %arg4[%select_n3A_602, %dma_start3A_605] : memref<163840x128xf32, #tpu.memory_space<hbm>> -> memref<256x128xf32, #tpu.memory_space<hbm>>
      tpu.enqueue_dma source(%dma_start3A_606 : memref<256x128xf32, #tpu.memory_space<hbm>>) target(%arg19 : memref<256x128xf32, #tpu.memory_space<vmem>>) target_semaphore(%arg33 : memref<!tpu.dma_semaphore, #tpu.memory_space<semaphore_mem>>)
      %lt3A = arith.constant 9 : i32
      %lt3A_607 = arith.cmpi slt, %scan3A_377, %lt3A : i32
      %convert_element_type3A_608 = arith.extui %lt3A_607 : i1 to i32
      %cond3A_609 = arith.constant 0 : i32
      %cond3A_610 = arith.cmpi ne, %convert_element_type3A_608, %cond3A_609 : i32
      scf.if %cond3A_610 {
        %add3A_816 = arith.constant 2 : i32
        %add3A_817 = arith.addi %add3A_381, %add3A_816 : i32
        %mul3A_818 = arith.constant 512 : i32
        %mul3A_819 = arith.muli %add3A_817, %mul3A_818 : i32
        %add3A_820 = arith.addi %mul3A_2, %mul3A_819 : i32
        %dma_start3A_821 = tpu.memref_slice %arg5[%add3A_820] : memref<327680xi32, #tpu.memory_space<hbm>> -> memref<512xi32, #tpu.memory_space<hbm>>
        %dma_start3A_822 = tpu.memref_slice %arg5[%add3A_820] : memref<327680xi32, #tpu.memory_space<hbm>> -> memref<512xi32, #tpu.memory_space<hbm>>
        tpu.enqueue_dma source(%dma_start3A_822 : memref<512xi32, #tpu.memory_space<hbm>>) target(%arg10 : memref<512xi32, #tpu.memory_space<vmem>>) target_semaphore(%arg27 : memref<!tpu.dma_semaphore, #tpu.memory_space<semaphore_mem>>)
        %dma_start3A_823 = tpu.memref_slice %arg6[%add3A_820] : memref<327680xi32, #tpu.memory_space<hbm>> -> memref<512xi32, #tpu.memory_space<hbm>>
        %dma_start3A_824 = tpu.memref_slice %arg6[%add3A_820] : memref<327680xi32, #tpu.memory_space<hbm>> -> memref<512xi32, #tpu.memory_space<hbm>>
        tpu.enqueue_dma source(%dma_start3A_824 : memref<512xi32, #tpu.memory_space<hbm>>) target(%arg12 : memref<512xi32, #tpu.memory_space<vmem>>) target_semaphore(%arg27 : memref<!tpu.dma_semaphore, #tpu.memory_space<semaphore_mem>>)
      } else {
      }
      %mul3A_611 = arith.constant 512 : i32
      %mul3A_612 = arith.muli %add3A_381, %mul3A_611 : i32
      %add3A_613 = arith.addi %mul3A_2, %mul3A_612 : i32
      %dma_start3A_614 = tpu.memref_slice %arg8[%add3A_613] : memref<327680xf32, #tpu.memory_space<hbm>> -> memref<512xf32, #tpu.memory_space<hbm>>
      %dma_start3A_615 = tpu.memref_slice %arg8[%add3A_613] : memref<327680xf32, #tpu.memory_space<hbm>> -> memref<512xf32, #tpu.memory_space<hbm>>
      tpu.enqueue_dma source(%arg21 : memref<512xf32, #tpu.memory_space<vmem>>) target(%dma_start3A_615 : memref<512xf32, #tpu.memory_space<hbm>>) target_semaphore(%arg31 : memref<!tpu.dma_semaphore, #tpu.memory_space<semaphore_mem>>)
      %mul3A_616 = arith.constant 2 : i32
      %mul3A_617 = arith.muli %scan3A_377, %mul3A_616 : i32
      %add3A_618 = arith.constant 1 : i32
      %add3A_619 = arith.addi %mul3A_617, %add3A_618 : i32
      %lt3A_620 = arith.constant 9 : i32
      %lt3A_621 = arith.cmpi slt, %scan3A_377, %lt3A_620 : i32
      %convert_element_type3A_622 = arith.extui %lt3A_621 : i1 to i32
      %cond3A_623 = arith.constant 0 : i32
      %cond3A_624 = arith.cmpi ne, %convert_element_type3A_622, %cond3A_623 : i32
      scf.if %cond3A_624 {
        %add3A_816 = arith.constant 1 : i32
        %add3A_817 = arith.addi %add3A_619, %add3A_816 : i32
        %mul3A_818 = arith.constant 512 : i32
        %mul3A_819 = arith.muli %add3A_817, %mul3A_818 : i32
        %add3A_820 = arith.addi %mul3A_2, %mul3A_819 : i32
        %dma_wait3A_821 = tpu.memref_slice %arg5[%add3A_820] : memref<327680xi32, #tpu.memory_space<hbm>> -> memref<512xi32, #tpu.memory_space<hbm>>
        %dma_wait3A_822 = tpu.memref_slice %arg5[%add3A_820] : memref<327680xi32, #tpu.memory_space<hbm>> -> memref<512xi32, #tpu.memory_space<hbm>>
        tpu.wait_dma2 semaphore(%arg27 : memref<!tpu.dma_semaphore, #tpu.memory_space<semaphore_mem>>) src(%dma_wait3A_822 : memref<512xi32, #tpu.memory_space<hbm>>) dst(%arg10 : memref<512xi32, #tpu.memory_space<vmem>>)
        %dma_wait3A_823 = tpu.memref_slice %arg6[%add3A_820] : memref<327680xi32, #tpu.memory_space<hbm>> -> memref<512xi32, #tpu.memory_space<hbm>>
        %dma_wait3A_824 = tpu.memref_slice %arg6[%add3A_820] : memref<327680xi32, #tpu.memory_space<hbm>> -> memref<512xi32, #tpu.memory_space<hbm>>
        tpu.wait_dma2 semaphore(%arg27 : memref<!tpu.dma_semaphore, #tpu.memory_space<semaphore_mem>>) src(%dma_wait3A_824 : memref<512xi32, #tpu.memory_space<hbm>>) dst(%arg12 : memref<512xi32, #tpu.memory_space<vmem>>)
        %add3A_825 = arith.constant 1 : i32
        %add3A_826 = arith.addi %add3A_619, %add3A_825 : i32
        %dma_start3A_827 = arith.constant 0 : i32
        %dma_start3A_828 = arith.constant 0 : i32
        %dma_start3A_829 = tpu.memref_slice %arg2[%dma_start3A_827, %dma_start3A_828] : memref<10240x64xbf16, #tpu.memory_space<hbm>> -> memref<10240x64xbf16, #tpu.memory_space<hbm>>
        tpu.enqueue_indirect_dma source(%dma_start3A_829 : memref<10240x64xbf16, #tpu.memory_space<hbm>>) target(%arg15 : memref<512x64xbf16, #tpu.memory_space<vmem>>) offsets(%arg10 : memref<512xi32, #tpu.memory_space<vmem>>) semaphore(%arg29 : memref<!tpu.dma_semaphore, #tpu.memory_space<semaphore_mem>>)
        %dma_start3A_830 = arith.constant 0 : i32
        %dma_start3A_831 = arith.constant 0 : i32
        %dma_start3A_832 = tpu.memref_slice %arg3[%dma_start3A_830, %dma_start3A_831] : memref<10240x64xbf16, #tpu.memory_space<hbm>> -> memref<10240x64xbf16, #tpu.memory_space<hbm>>
        tpu.enqueue_indirect_dma source(%dma_start3A_832 : memref<10240x64xbf16, #tpu.memory_space<hbm>>) target(%arg17 : memref<512x64xbf16, #tpu.memory_space<vmem>>) offsets(%arg12 : memref<512xi32, #tpu.memory_space<vmem>>) semaphore(%arg29 : memref<!tpu.dma_semaphore, #tpu.memory_space<semaphore_mem>>)
      } else {
      }
      %dma_wait3A_625 = arith.constant 0 : i32
      %dma_wait3A_626 = arith.constant 0 : i32
      %dma_wait3A_627 = tpu.memref_slice %arg2[%dma_wait3A_625, %dma_wait3A_626] : memref<10240x64xbf16, #tpu.memory_space<hbm>> -> memref<10240x64xbf16, #tpu.memory_space<hbm>>
      tpu.wait_indirect_dma semaphore(%arg30 : memref<!tpu.dma_semaphore, #tpu.memory_space<semaphore_mem>>) src(%dma_wait3A_627 : memref<10240x64xbf16, #tpu.memory_space<hbm>>) dst(%arg16 : memref<512x64xbf16, #tpu.memory_space<vmem>>)
      %dma_wait3A_628 = arith.constant 0 : i32
      %dma_wait3A_629 = arith.constant 0 : i32
      %dma_wait3A_630 = tpu.memref_slice %arg3[%dma_wait3A_628, %dma_wait3A_629] : memref<10240x64xbf16, #tpu.memory_space<hbm>> -> memref<10240x64xbf16, #tpu.memory_space<hbm>>
      tpu.wait_indirect_dma semaphore(%arg30 : memref<!tpu.dma_semaphore, #tpu.memory_space<semaphore_mem>>) src(%dma_wait3A_630 : memref<10240x64xbf16, #tpu.memory_space<hbm>>) dst(%arg18 : memref<512x64xbf16, #tpu.memory_space<vmem>>)
      %mul3A_631 = arith.constant 512 : i32
      %mul3A_632 = arith.muli %add3A_619, %mul3A_631 : i32
      %add3A_633 = arith.addi %mul3A_2, %mul3A_632 : i32
      %jit3A_634 = arith.constant 2 : i32
      %div3A_635 = arith.divsi %add3A_633, %jit3A_634 : i32
      %sign3A_636 = arith.constant 0 : i32
      %sign3A_637 = arith.cmpi sgt, %add3A_633, %sign3A_636 : i32
      %sign3A_638 = arith.extui %sign3A_637 : i1 to i32
      %sign3A_639 = arith.constant 0 : i32
      %sign3A_640 = arith.cmpi slt, %add3A_633, %sign3A_639 : i32
      %sign3A_641 = arith.extui %sign3A_640 : i1 to i32
      %sign3A_642 = arith.subi %sign3A_638, %sign3A_641 : i32
      %sign3A_643 = arith.constant 0 : i32
      %sign3A_644 = arith.cmpi sgt, %jit3A_634, %sign3A_643 : i32
      %sign3A_645 = arith.extui %sign3A_644 : i1 to i32
      %sign3A_646 = arith.constant 0 : i32
      %sign3A_647 = arith.cmpi slt, %jit3A_634, %sign3A_646 : i32
      %sign3A_648 = arith.extui %sign3A_647 : i1 to i32
      %sign3A_649 = arith.subi %sign3A_645, %sign3A_648 : i32
      %ne3A_650 = arith.cmpi ne, %sign3A_642, %sign3A_649 : i32
      %rem3A_651 = arith.remsi %add3A_633, %jit3A_634 : i32
      %ne3A_652 = arith.constant 0 : i32
      %ne3A_653 = arith.cmpi ne, %rem3A_651, %ne3A_652 : i32
      %and3A_654 = arith.andi %ne3A_650, %ne3A_653 : i1
      %sub3A_655 = arith.constant 1 : i32
      %sub3A_656 = arith.subi %div3A_635, %sub3A_655 : i32
      %select_n3A_657 = arith.select %and3A_654, %sub3A_656, %div3A_635 : i32
      %dma_wait3A_658 = arith.constant 0 : i32
      %dma_wait3A_659 = tpu.memref_slice %arg4[%select_n3A_657, %dma_wait3A_658] : memref<163840x128xf32, #tpu.memory_space<hbm>> -> memref<256x128xf32, #tpu.memory_space<hbm>>
      %dma_wait3A_660 = arith.constant 0 : i32
      %dma_wait3A_661 = tpu.memref_slice %arg4[%select_n3A_657, %dma_wait3A_660] : memref<163840x128xf32, #tpu.memory_space<hbm>> -> memref<256x128xf32, #tpu.memory_space<hbm>>
      tpu.wait_dma2 semaphore(%arg33 : memref<!tpu.dma_semaphore, #tpu.memory_space<semaphore_mem>>) src(%dma_wait3A_661 : memref<256x128xf32, #tpu.memory_space<hbm>>) dst(%arg19 : memref<256x128xf32, #tpu.memory_space<vmem>>)
      %ge3A_662 = arith.constant 1 : i32
      %ge3A_663 = arith.cmpi sge, %scan3A_377, %ge3A_662 : i32
      %convert_element_type3A_664 = arith.extui %ge3A_663 : i1 to i32
      %cond3A_665 = arith.constant 0 : i32
      %cond3A_666 = arith.cmpi ne, %convert_element_type3A_664, %cond3A_665 : i32
      scf.if %cond3A_666 {
        %sub3A_816 = arith.constant 2 : i32
        %sub3A_817 = arith.subi %add3A_619, %sub3A_816 : i32
        %mul3A_818 = arith.constant 512 : i32
        %mul3A_819 = arith.muli %sub3A_817, %mul3A_818 : i32
        %add3A_820 = arith.addi %mul3A_2, %mul3A_819 : i32
        %dma_wait3A_821 = tpu.memref_slice %arg8[%add3A_820] : memref<327680xf32, #tpu.memory_space<hbm>> -> memref<512xf32, #tpu.memory_space<hbm>>
        %dma_wait3A_822 = tpu.memref_slice %arg8[%add3A_820] : memref<327680xf32, #tpu.memory_space<hbm>> -> memref<512xf32, #tpu.memory_space<hbm>>
        tpu.wait_dma2 semaphore(%arg32 : memref<!tpu.dma_semaphore, #tpu.memory_space<semaphore_mem>>) src(%arg22 : memref<512xf32, #tpu.memory_space<vmem>>) dst(%dma_wait3A_822 : memref<512xf32, #tpu.memory_space<hbm>>)
      } else {
      }
      %get3A_667 = arith.constant 0 : index
      %get3A_668 = tpu.vector_load %arg11[%get3A_667] {strides = array<i32>} : memref<512xi32, #tpu.memory_space<vmem>>, vector<16xi32>,
      %swap3A_669 = arith.constant 0 : index
      %swap3A_670 = tpu.vector_load %arg14[%swap3A_669] {strides = array<i32>} : memref<512xi32, #tpu.memory_space<vmem>>, vector<16xi32>,
      tpu.vector_store %arg14[%swap3A_669], %get3A_668 {strides = array<i32>} : memref<512xi32, #tpu.memory_space<vmem>>, vector<16xi32>,
      %get3A_671 = arith.constant 16 : index
      %get3A_672 = tpu.vector_load %arg11[%get3A_671] {strides = array<i32>} : memref<512xi32, #tpu.memory_space<vmem>>, vector<16xi32>,
      %swap3A_673 = arith.constant 16 : index
      %swap3A_674 = tpu.vector_load %arg14[%swap3A_673] {strides = array<i32>} : memref<512xi32, #tpu.memory_space<vmem>>, vector<16xi32>,
      tpu.vector_store %arg14[%swap3A_673], %get3A_672 {strides = array<i32>} : memref<512xi32, #tpu.memory_space<vmem>>, vector<16xi32>,
      %get3A_675 = arith.constant 32 : index
      %get3A_676 = tpu.vector_load %arg11[%get3A_675] {strides = array<i32>} : memref<512xi32, #tpu.memory_space<vmem>>, vector<16xi32>,
      %swap3A_677 = arith.constant 32 : index
      %swap3A_678 = tpu.vector_load %arg14[%swap3A_677] {strides = array<i32>} : memref<512xi32, #tpu.memory_space<vmem>>, vector<16xi32>,
      tpu.vector_store %arg14[%swap3A_677], %get3A_676 {strides = array<i32>} : memref<512xi32, #tpu.memory_space<vmem>>, vector<16xi32>,
      %get3A_679 = arith.constant 48 : index
      %get3A_680 = tpu.vector_load %arg11[%get3A_679] {strides = array<i32>} : memref<512xi32, #tpu.memory_space<vmem>>, vector<16xi32>,
      %swap3A_681 = arith.constant 48 : index
      %swap3A_682 = tpu.vector_load %arg14[%swap3A_681] {strides = array<i32>} : memref<512xi32, #tpu.memory_space<vmem>>, vector<16xi32>,
      tpu.vector_store %arg14[%swap3A_681], %get3A_680 {strides = array<i32>} : memref<512xi32, #tpu.memory_space<vmem>>, vector<16xi32>,
      %get3A_683 = arith.constant 64 : index
      %get3A_684 = tpu.vector_load %arg11[%get3A_683] {strides = array<i32>} : memref<512xi32, #tpu.memory_space<vmem>>, vector<16xi32>,
      %swap3A_685 = arith.constant 64 : index
      %swap3A_686 = tpu.vector_load %arg14[%swap3A_685] {strides = array<i32>} : memref<512xi32, #tpu.memory_space<vmem>>, vector<16xi32>,
      tpu.vector_store %arg14[%swap3A_685], %get3A_684 {strides = array<i32>} : memref<512xi32, #tpu.memory_space<vmem>>, vector<16xi32>,
      %get3A_687 = arith.constant 80 : index
      %get3A_688 = tpu.vector_load %arg11[%get3A_687] {strides = array<i32>} : memref<512xi32, #tpu.memory_space<vmem>>, vector<16xi32>,
      %swap3A_689 = arith.constant 80 : index
      %swap3A_690 = tpu.vector_load %arg14[%swap3A_689] {strides = array<i32>} : memref<512xi32, #tpu.memory_space<vmem>>, vector<16xi32>,
      tpu.vector_store %arg14[%swap3A_689], %get3A_688 {strides = array<i32>} : memref<512xi32, #tpu.memory_space<vmem>>, vector<16xi32>,
      %get3A_691 = arith.constant 96 : index
      %get3A_692 = tpu.vector_load %arg11[%get3A_691] {strides = array<i32>} : memref<512xi32, #tpu.memory_space<vmem>>, vector<16xi32>,
      %swap3A_693 = arith.constant 96 : index
      %swap3A_694 = tpu.vector_load %arg14[%swap3A_693] {strides = array<i32>} : memref<512xi32, #tpu.memory_space<vmem>>, vector<16xi32>,
      tpu.vector_store %arg14[%swap3A_693], %get3A_692 {strides = array<i32>} : memref<512xi32, #tpu.memory_space<vmem>>, vector<16xi32>,
      %get3A_695 = arith.constant 112 : index
      %get3A_696 = tpu.vector_load %arg11[%get3A_695] {strides = array<i32>} : memref<512xi32, #tpu.memory_space<vmem>>, vector<16xi32>,
      %swap3A_697 = arith.constant 112 : index
      %swap3A_698 = tpu.vector_load %arg14[%swap3A_697] {strides = array<i32>} : memref<512xi32, #tpu.memory_space<vmem>>, vector<16xi32>,
      tpu.vector_store %arg14[%swap3A_697], %get3A_696 {strides = array<i32>} : memref<512xi32, #tpu.memory_space<vmem>>, vector<16xi32>,
      %get3A_699 = arith.constant 128 : index
      %get3A_700 = tpu.vector_load %arg11[%get3A_699] {strides = array<i32>} : memref<512xi32, #tpu.memory_space<vmem>>, vector<16xi32>,
      %swap3A_701 = arith.constant 128 : index
      %swap3A_702 = tpu.vector_load %arg14[%swap3A_701] {strides = array<i32>} : memref<512xi32, #tpu.memory_space<vmem>>, vector<16xi32>,
      tpu.vector_store %arg14[%swap3A_701], %get3A_700 {strides = array<i32>} : memref<512xi32, #tpu.memory_space<vmem>>, vector<16xi32>,
      %get3A_703 = arith.constant 144 : index
      %get3A_704 = tpu.vector_load %arg11[%get3A_703] {strides = array<i32>} : memref<512xi32, #tpu.memory_space<vmem>>, vector<16xi32>,
      %swap3A_705 = arith.constant 144 : index
      %swap3A_706 = tpu.vector_load %arg14[%swap3A_705] {strides = array<i32>} : memref<512xi32, #tpu.memory_space<vmem>>, vector<16xi32>,
      tpu.vector_store %arg14[%swap3A_705], %get3A_704 {strides = array<i32>} : memref<512xi32, #tpu.memory_space<vmem>>, vector<16xi32>,
      %get3A_707 = arith.constant 160 : index
      %get3A_708 = tpu.vector_load %arg11[%get3A_707] {strides = array<i32>} : memref<512xi32, #tpu.memory_space<vmem>>, vector<16xi32>,
      %swap3A_709 = arith.constant 160 : index
      %swap3A_710 = tpu.vector_load %arg14[%swap3A_709] {strides = array<i32>} : memref<512xi32, #tpu.memory_space<vmem>>, vector<16xi32>,
      tpu.vector_store %arg14[%swap3A_709], %get3A_708 {strides = array<i32>} : memref<512xi32, #tpu.memory_space<vmem>>, vector<16xi32>,
      %get3A_711 = arith.constant 176 : index
      %get3A_712 = tpu.vector_load %arg11[%get3A_711] {strides = array<i32>} : memref<512xi32, #tpu.memory_space<vmem>>, vector<16xi32>,
      %swap3A_713 = arith.constant 176 : index
      %swap3A_714 = tpu.vector_load %arg14[%swap3A_713] {strides = array<i32>} : memref<512xi32, #tpu.memory_space<vmem>>, vector<16xi32>,
      tpu.vector_store %arg14[%swap3A_713], %get3A_712 {strides = array<i32>} : memref<512xi32, #tpu.memory_space<vmem>>, vector<16xi32>,
      %get3A_715 = arith.constant 192 : index
      %get3A_716 = tpu.vector_load %arg11[%get3A_715] {strides = array<i32>} : memref<512xi32, #tpu.memory_space<vmem>>, vector<16xi32>,
      %swap3A_717 = arith.constant 192 : index
      %swap3A_718 = tpu.vector_load %arg14[%swap3A_717] {strides = array<i32>} : memref<512xi32, #tpu.memory_space<vmem>>, vector<16xi32>,
      tpu.vector_store %arg14[%swap3A_717], %get3A_716 {strides = array<i32>} : memref<512xi32, #tpu.memory_space<vmem>>, vector<16xi32>,
      %get3A_719 = arith.constant 208 : index
      %get3A_720 = tpu.vector_load %arg11[%get3A_719] {strides = array<i32>} : memref<512xi32, #tpu.memory_space<vmem>>, vector<16xi32>,
      %swap3A_721 = arith.constant 208 : index
      %swap3A_722 = tpu.vector_load %arg14[%swap3A_721] {strides = array<i32>} : memref<512xi32, #tpu.memory_space<vmem>>, vector<16xi32>,
      tpu.vector_store %arg14[%swap3A_721], %get3A_720 {strides = array<i32>} : memref<512xi32, #tpu.memory_space<vmem>>, vector<16xi32>,
      %get3A_723 = arith.constant 224 : index
      %get3A_724 = tpu.vector_load %arg11[%get3A_723] {strides = array<i32>} : memref<512xi32, #tpu.memory_space<vmem>>, vector<16xi32>,
      %swap3A_725 = arith.constant 224 : index
      %swap3A_726 = tpu.vector_load %arg14[%swap3A_725] {strides = array<i32>} : memref<512xi32, #tpu.memory_space<vmem>>, vector<16xi32>,
      tpu.vector_store %arg14[%swap3A_725], %get3A_724 {strides = array<i32>} : memref<512xi32, #tpu.memory_space<vmem>>, vector<16xi32>,
      %get3A_727 = arith.constant 240 : index
      %get3A_728 = tpu.vector_load %arg11[%get3A_727] {strides = array<i32>} : memref<512xi32, #tpu.memory_space<vmem>>, vector<16xi32>,
      %swap3A_729 = arith.constant 240 : index
      %swap3A_730 = tpu.vector_load %arg14[%swap3A_729] {strides = array<i32>} : memref<512xi32, #tpu.memory_space<vmem>>, vector<16xi32>,
      tpu.vector_store %arg14[%swap3A_729], %get3A_728 {strides = array<i32>} : memref<512xi32, #tpu.memory_space<vmem>>, vector<16xi32>,
      %get3A_731 = arith.constant 256 : index
      %get3A_732 = tpu.vector_load %arg11[%get3A_731] {strides = array<i32>} : memref<512xi32, #tpu.memory_space<vmem>>, vector<16xi32>,
      %swap3A_733 = arith.constant 256 : index
      %swap3A_734 = tpu.vector_load %arg14[%swap3A_733] {strides = array<i32>} : memref<512xi32, #tpu.memory_space<vmem>>, vector<16xi32>,
      tpu.vector_store %arg14[%swap3A_733], %get3A_732 {strides = array<i32>} : memref<512xi32, #tpu.memory_space<vmem>>, vector<16xi32>,
      %get3A_735 = arith.constant 272 : index
      %get3A_736 = tpu.vector_load %arg11[%get3A_735] {strides = array<i32>} : memref<512xi32, #tpu.memory_space<vmem>>, vector<16xi32>,
      %swap3A_737 = arith.constant 272 : index
      %swap3A_738 = tpu.vector_load %arg14[%swap3A_737] {strides = array<i32>} : memref<512xi32, #tpu.memory_space<vmem>>, vector<16xi32>,
      tpu.vector_store %arg14[%swap3A_737], %get3A_736 {strides = array<i32>} : memref<512xi32, #tpu.memory_space<vmem>>, vector<16xi32>,
      %get3A_739 = arith.constant 288 : index
      %get3A_740 = tpu.vector_load %arg11[%get3A_739] {strides = array<i32>} : memref<512xi32, #tpu.memory_space<vmem>>, vector<16xi32>,
      %swap3A_741 = arith.constant 288 : index
      %swap3A_742 = tpu.vector_load %arg14[%swap3A_741] {strides = array<i32>} : memref<512xi32, #tpu.memory_space<vmem>>, vector<16xi32>,
      tpu.vector_store %arg14[%swap3A_741], %get3A_740 {strides = array<i32>} : memref<512xi32, #tpu.memory_space<vmem>>, vector<16xi32>,
      %get3A_743 = arith.constant 304 : index
      %get3A_744 = tpu.vector_load %arg11[%get3A_743] {strides = array<i32>} : memref<512xi32, #tpu.memory_space<vmem>>, vector<16xi32>,
      %swap3A_745 = arith.constant 304 : index
      %swap3A_746 = tpu.vector_load %arg14[%swap3A_745] {strides = array<i32>} : memref<512xi32, #tpu.memory_space<vmem>>, vector<16xi32>,
      tpu.vector_store %arg14[%swap3A_745], %get3A_744 {strides = array<i32>} : memref<512xi32, #tpu.memory_space<vmem>>, vector<16xi32>,
      %get3A_747 = arith.constant 320 : index
      %get3A_748 = tpu.vector_load %arg11[%get3A_747] {strides = array<i32>} : memref<512xi32, #tpu.memory_space<vmem>>, vector<16xi32>,
      %swap3A_749 = arith.constant 320 : index
      %swap3A_750 = tpu.vector_load %arg14[%swap3A_749] {strides = array<i32>} : memref<512xi32, #tpu.memory_space<vmem>>, vector<16xi32>,
      tpu.vector_store %arg14[%swap3A_749], %get3A_748 {strides = array<i32>} : memref<512xi32, #tpu.memory_space<vmem>>, vector<16xi32>,
      %get3A_751 = arith.constant 336 : index
      %get3A_752 = tpu.vector_load %arg11[%get3A_751] {strides = array<i32>} : memref<512xi32, #tpu.memory_space<vmem>>, vector<16xi32>,
      %swap3A_753 = arith.constant 336 : index
      %swap3A_754 = tpu.vector_load %arg14[%swap3A_753] {strides = array<i32>} : memref<512xi32, #tpu.memory_space<vmem>>, vector<16xi32>,
      tpu.vector_store %arg14[%swap3A_753], %get3A_752 {strides = array<i32>} : memref<512xi32, #tpu.memory_space<vmem>>, vector<16xi32>,
      %get3A_755 = arith.constant 352 : index
      %get3A_756 = tpu.vector_load %arg11[%get3A_755] {strides = array<i32>} : memref<512xi32, #tpu.memory_space<vmem>>, vector<16xi32>,
      %swap3A_757 = arith.constant 352 : index
      %swap3A_758 = tpu.vector_load %arg14[%swap3A_757] {strides = array<i32>} : memref<512xi32, #tpu.memory_space<vmem>>, vector<16xi32>,
      tpu.vector_store %arg14[%swap3A_757], %get3A_756 {strides = array<i32>} : memref<512xi32, #tpu.memory_space<vmem>>, vector<16xi32>,
      %get3A_759 = arith.constant 368 : index
      %get3A_760 = tpu.vector_load %arg11[%get3A_759] {strides = array<i32>} : memref<512xi32, #tpu.memory_space<vmem>>, vector<16xi32>,
      %swap3A_761 = arith.constant 368 : index
      %swap3A_762 = tpu.vector_load %arg14[%swap3A_761] {strides = array<i32>} : memref<512xi32, #tpu.memory_space<vmem>>, vector<16xi32>,
      tpu.vector_store %arg14[%swap3A_761], %get3A_760 {strides = array<i32>} : memref<512xi32, #tpu.memory_space<vmem>>, vector<16xi32>,
      %get3A_763 = arith.constant 384 : index
      %get3A_764 = tpu.vector_load %arg11[%get3A_763] {strides = array<i32>} : memref<512xi32, #tpu.memory_space<vmem>>, vector<16xi32>,
      %swap3A_765 = arith.constant 384 : index
      %swap3A_766 = tpu.vector_load %arg14[%swap3A_765] {strides = array<i32>} : memref<512xi32, #tpu.memory_space<vmem>>, vector<16xi32>,
      tpu.vector_store %arg14[%swap3A_765], %get3A_764 {strides = array<i32>} : memref<512xi32, #tpu.memory_space<vmem>>, vector<16xi32>,
      %get3A_767 = arith.constant 400 : index
      %get3A_768 = tpu.vector_load %arg11[%get3A_767] {strides = array<i32>} : memref<512xi32, #tpu.memory_space<vmem>>, vector<16xi32>,
      %swap3A_769 = arith.constant 400 : index
      %swap3A_770 = tpu.vector_load %arg14[%swap3A_769] {strides = array<i32>} : memref<512xi32, #tpu.memory_space<vmem>>, vector<16xi32>,
      tpu.vector_store %arg14[%swap3A_769], %get3A_768 {strides = array<i32>} : memref<512xi32, #tpu.memory_space<vmem>>, vector<16xi32>,
      %get3A_771 = arith.constant 416 : index
      %get3A_772 = tpu.vector_load %arg11[%get3A_771] {strides = array<i32>} : memref<512xi32, #tpu.memory_space<vmem>>, vector<16xi32>,
      %swap3A_773 = arith.constant 416 : index
      %swap3A_774 = tpu.vector_load %arg14[%swap3A_773] {strides = array<i32>} : memref<512xi32, #tpu.memory_space<vmem>>, vector<16xi32>,
      tpu.vector_store %arg14[%swap3A_773], %get3A_772 {strides = array<i32>} : memref<512xi32, #tpu.memory_space<vmem>>, vector<16xi32>,
      %get3A_775 = arith.constant 432 : index
      %get3A_776 = tpu.vector_load %arg11[%get3A_775] {strides = array<i32>} : memref<512xi32, #tpu.memory_space<vmem>>, vector<16xi32>,
      %swap3A_777 = arith.constant 432 : index
      %swap3A_778 = tpu.vector_load %arg14[%swap3A_777] {strides = array<i32>} : memref<512xi32, #tpu.memory_space<vmem>>, vector<16xi32>,
      tpu.vector_store %arg14[%swap3A_777], %get3A_776 {strides = array<i32>} : memref<512xi32, #tpu.memory_space<vmem>>, vector<16xi32>,
      %get3A_779 = arith.constant 448 : index
      %get3A_780 = tpu.vector_load %arg11[%get3A_779] {strides = array<i32>} : memref<512xi32, #tpu.memory_space<vmem>>, vector<16xi32>,
      %swap3A_781 = arith.constant 448 : index
      %swap3A_782 = tpu.vector_load %arg14[%swap3A_781] {strides = array<i32>} : memref<512xi32, #tpu.memory_space<vmem>>, vector<16xi32>,
      tpu.vector_store %arg14[%swap3A_781], %get3A_780 {strides = array<i32>} : memref<512xi32, #tpu.memory_space<vmem>>, vector<16xi32>,
      %get3A_783 = arith.constant 464 : index
      %get3A_784 = tpu.vector_load %arg11[%get3A_783] {strides = array<i32>} : memref<512xi32, #tpu.memory_space<vmem>>, vector<16xi32>,
      %swap3A_785 = arith.constant 464 : index
      %swap3A_786 = tpu.vector_load %arg14[%swap3A_785] {strides = array<i32>} : memref<512xi32, #tpu.memory_space<vmem>>, vector<16xi32>,
      tpu.vector_store %arg14[%swap3A_785], %get3A_784 {strides = array<i32>} : memref<512xi32, #tpu.memory_space<vmem>>, vector<16xi32>,
      %get3A_787 = arith.constant 480 : index
      %get3A_788 = tpu.vector_load %arg11[%get3A_787] {strides = array<i32>} : memref<512xi32, #tpu.memory_space<vmem>>, vector<16xi32>,
      %swap3A_789 = arith.constant 480 : index
      %swap3A_790 = tpu.vector_load %arg14[%swap3A_789] {strides = array<i32>} : memref<512xi32, #tpu.memory_space<vmem>>, vector<16xi32>,
      tpu.vector_store %arg14[%swap3A_789], %get3A_788 {strides = array<i32>} : memref<512xi32, #tpu.memory_space<vmem>>, vector<16xi32>,
      %get3A_791 = arith.constant 496 : index
      %get3A_792 = tpu.vector_load %arg11[%get3A_791] {strides = array<i32>} : memref<512xi32, #tpu.memory_space<vmem>>, vector<16xi32>,
      %swap3A_793 = arith.constant 496 : index
      %swap3A_794 = tpu.vector_load %arg14[%swap3A_793] {strides = array<i32>} : memref<512xi32, #tpu.memory_space<vmem>>, vector<16xi32>,
      tpu.vector_store %arg14[%swap3A_793], %get3A_792 {strides = array<i32>} : memref<512xi32, #tpu.memory_space<vmem>>, vector<16xi32>,
      %parallel_loop3A_795 = arith.constant 0 : i32
      %parallel_loop3A_796 = arith.constant 256 : i32
      %parallel_loop3A_797 = arith.constant 1 : i32
      scf.for %parallel_loop3A_816 = %parallel_loop3A_795 to %parallel_loop3A_796 step %parallel_loop3A_797  : i32 {
        %parallel_loop3A_817 = arith.constant 2 : i32
        %parallel_loop3A_818 = arith.muli %parallel_loop3A_816, %parallel_loop3A_817 : i32
        %parallel_loop3A_819 = arith.constant 0 : i32
        %parallel_loop3A_820 = arith.addi %parallel_loop3A_818, %parallel_loop3A_819 : i32
        %parallel_loop3A_821 = arith.index_cast %parallel_loop3A_820 : i32 to index
        %parallel_loop3A_822 = arith.constant 0 : index
        %parallel_loop3A_823 = tpu.vector_load %arg16[%parallel_loop3A_821, %parallel_loop3A_822] {strides = array<i32>} : memref<512x64xbf16, #tpu.memory_space<vmem>>, vector<32xbf16>,
        %parallel_loop3A_824 = vector.bitcast %parallel_loop3A_823 : vector<32xbf16> to vector<16xi32>
        %parallel_loop3A_825 = arith.index_cast %parallel_loop3A_820 : i32 to index
        %parallel_loop3A_826 = arith.constant 0 : index
        %parallel_loop3A_827 = tpu.vector_load %arg18[%parallel_loop3A_825, %parallel_loop3A_826] {strides = array<i32>} : memref<512x64xbf16, #tpu.memory_space<vmem>>, vector<32xbf16>,
        %parallel_loop3A_828 = vector.bitcast %parallel_loop3A_827 : vector<32xbf16> to vector<16xi32>
        %parallel_loop3A_829 = arith.index_cast %parallel_loop3A_816 : i32 to index
        %parallel_loop3A_830 = arith.constant 0 : index
        %parallel_loop3A_831 = tpu.vector_load %arg19[%parallel_loop3A_829, %parallel_loop3A_830] {strides = array<i32>} : memref<256x128xf32, #tpu.memory_space<vmem>>, vector<16xf32>,
        %parallel_loop3A_832 = arith.constant 16 : i32
        %parallel_loop3A_833 = vector.broadcast %parallel_loop3A_832 : i32 to vector<16xi32>
        %parallel_loop3A_834 = arith.shli %parallel_loop3A_824, %parallel_loop3A_833 : vector<16xi32>
        %parallel_loop3A_835 = vector.bitcast %parallel_loop3A_834 : vector<16xi32> to vector<16xf32>
        %parallel_loop3A_836 = arith.constant 16 : i32
        %parallel_loop3A_837 = vector.broadcast %parallel_loop3A_836 : i32 to vector<16xi32>
        %parallel_loop3A_838 = arith.shli %parallel_loop3A_828, %parallel_loop3A_837 : vector<16xi32>
        %parallel_loop3A_839 = vector.bitcast %parallel_loop3A_838 : vector<16xi32> to vector<16xf32>
        %parallel_loop3A_840 = arith.addf %parallel_loop3A_835, %parallel_loop3A_839 : vector<16xf32>
        %parallel_loop3A_841 = arith.addf %parallel_loop3A_840, %parallel_loop3A_831 : vector<16xf32>
        %parallel_loop3A_842 = math.exp %parallel_loop3A_841 : vector<16xf32>
        %parallel_loop3A_843 = arith.constant 1.000000e+00 : f32
        %parallel_loop3A_844 = vector.broadcast %parallel_loop3A_843 : f32 to vector<16xf32>
        %parallel_loop3A_845 = arith.addf %parallel_loop3A_842, %parallel_loop3A_844 : vector<16xf32>
        %parallel_loop3A_846 = arith.divf %mul3A_12, %parallel_loop3A_845 : vector<16xf32>
        %parallel_loop3A_847 = arith.subf %get3A_3, %parallel_loop3A_846 : vector<16xf32>
        %parallel_loop3A_848 = arith.index_cast %parallel_loop3A_816 : i32 to index
        %parallel_loop3A_849 = arith.constant 16 : index
        %parallel_loop3A_850 = tpu.vector_load %arg19[%parallel_loop3A_848, %parallel_loop3A_849] {strides = array<i32>} : memref<256x128xf32, #tpu.memory_space<vmem>>, vector<16xf32>,
        %parallel_loop3A_851 = arith.andi %parallel_loop3A_824, %broadcast_in_dim3A_25 : vector<16xi32>
        %parallel_loop3A_852 = vector.bitcast %parallel_loop3A_851 : vector<16xi32> to vector<16xf32>
        %parallel_loop3A_853 = arith.andi %parallel_loop3A_828, %broadcast_in_dim3A_25 : vector<16xi32>
        %parallel_loop3A_854 = vector.bitcast %parallel_loop3A_853 : vector<16xi32> to vector<16xf32>
        %parallel_loop3A_855 = arith.addf %parallel_loop3A_852, %parallel_loop3A_854 : vector<16xf32>
        %parallel_loop3A_856 = arith.addf %parallel_loop3A_855, %parallel_loop3A_850 : vector<16xf32>
        %parallel_loop3A_857 = math.exp %parallel_loop3A_856 : vector<16xf32>
        %parallel_loop3A_858 = arith.constant 1.000000e+00 : f32
        %parallel_loop3A_859 = vector.broadcast %parallel_loop3A_858 : f32 to vector<16xf32>
        %parallel_loop3A_860 = arith.addf %parallel_loop3A_857, %parallel_loop3A_859 : vector<16xf32>
        %parallel_loop3A_861 = arith.divf %mul3A_15, %parallel_loop3A_860 : vector<16xf32>
        %parallel_loop3A_862 = arith.subf %get3A_5, %parallel_loop3A_861 : vector<16xf32>
        %parallel_loop3A_863 = arith.addf %parallel_loop3A_847, %parallel_loop3A_862 : vector<16xf32>
        %parallel_loop3A_864 = arith.index_cast %parallel_loop3A_820 : i32 to index
        %parallel_loop3A_865 = arith.constant 32 : index
        %parallel_loop3A_866 = tpu.vector_load %arg16[%parallel_loop3A_864, %parallel_loop3A_865] {strides = array<i32>} : memref<512x64xbf16, #tpu.memory_space<vmem>>, vector<32xbf16>,
        %parallel_loop3A_867 = vector.bitcast %parallel_loop3A_866 : vector<32xbf16> to vector<16xi32>
        %parallel_loop3A_868 = arith.index_cast %parallel_loop3A_820 : i32 to index
        %parallel_loop3A_869 = arith.constant 32 : index
        %parallel_loop3A_870 = tpu.vector_load %arg18[%parallel_loop3A_868, %parallel_loop3A_869] {strides = array<i32>} : memref<512x64xbf16, #tpu.memory_space<vmem>>, vector<32xbf16>,
        %parallel_loop3A_871 = vector.bitcast %parallel_loop3A_870 : vector<32xbf16> to vector<16xi32>
        %parallel_loop3A_872 = arith.index_cast %parallel_loop3A_816 : i32 to index
        %parallel_loop3A_873 = arith.constant 32 : index
        %parallel_loop3A_874 = tpu.vector_load %arg19[%parallel_loop3A_872, %parallel_loop3A_873] {strides = array<i32>} : memref<256x128xf32, #tpu.memory_space<vmem>>, vector<16xf32>,
        %parallel_loop3A_875 = arith.constant 16 : i32
        %parallel_loop3A_876 = vector.broadcast %parallel_loop3A_875 : i32 to vector<16xi32>
        %parallel_loop3A_877 = arith.shli %parallel_loop3A_867, %parallel_loop3A_876 : vector<16xi32>
        %parallel_loop3A_878 = vector.bitcast %parallel_loop3A_877 : vector<16xi32> to vector<16xf32>
        %parallel_loop3A_879 = arith.constant 16 : i32
        %parallel_loop3A_880 = vector.broadcast %parallel_loop3A_879 : i32 to vector<16xi32>
        %parallel_loop3A_881 = arith.shli %parallel_loop3A_871, %parallel_loop3A_880 : vector<16xi32>
        %parallel_loop3A_882 = vector.bitcast %parallel_loop3A_881 : vector<16xi32> to vector<16xf32>
        %parallel_loop3A_883 = arith.addf %parallel_loop3A_878, %parallel_loop3A_882 : vector<16xf32>
        %parallel_loop3A_884 = arith.addf %parallel_loop3A_883, %parallel_loop3A_874 : vector<16xf32>
        %parallel_loop3A_885 = math.exp %parallel_loop3A_884 : vector<16xf32>
        %parallel_loop3A_886 = arith.constant 1.000000e+00 : f32
        %parallel_loop3A_887 = vector.broadcast %parallel_loop3A_886 : f32 to vector<16xf32>
        %parallel_loop3A_888 = arith.addf %parallel_loop3A_885, %parallel_loop3A_887 : vector<16xf32>
        %parallel_loop3A_889 = arith.divf %mul3A_18, %parallel_loop3A_888 : vector<16xf32>
        %parallel_loop3A_890 = arith.subf %get3A_7, %parallel_loop3A_889 : vector<16xf32>
        %parallel_loop3A_891 = arith.addf %parallel_loop3A_863, %parallel_loop3A_890 : vector<16xf32>
        %parallel_loop3A_892 = arith.index_cast %parallel_loop3A_816 : i32 to index
        %parallel_loop3A_893 = arith.constant 48 : index
        %parallel_loop3A_894 = tpu.vector_load %arg19[%parallel_loop3A_892, %parallel_loop3A_893] {strides = array<i32>} : memref<256x128xf32, #tpu.memory_space<vmem>>, vector<16xf32>,
        %parallel_loop3A_895 = arith.andi %parallel_loop3A_867, %broadcast_in_dim3A_25 : vector<16xi32>
        %parallel_loop3A_896 = vector.bitcast %parallel_loop3A_895 : vector<16xi32> to vector<16xf32>
        %parallel_loop3A_897 = arith.andi %parallel_loop3A_871, %broadcast_in_dim3A_25 : vector<16xi32>
        %parallel_loop3A_898 = vector.bitcast %parallel_loop3A_897 : vector<16xi32> to vector<16xf32>
        %parallel_loop3A_899 = arith.addf %parallel_loop3A_896, %parallel_loop3A_898 : vector<16xf32>
        %parallel_loop3A_900 = arith.addf %parallel_loop3A_899, %parallel_loop3A_894 : vector<16xf32>
        %parallel_loop3A_901 = math.exp %parallel_loop3A_900 : vector<16xf32>
        %parallel_loop3A_902 = arith.constant 1.000000e+00 : f32
        %parallel_loop3A_903 = vector.broadcast %parallel_loop3A_902 : f32 to vector<16xf32>
        %parallel_loop3A_904 = arith.addf %parallel_loop3A_901, %parallel_loop3A_903 : vector<16xf32>
        %parallel_loop3A_905 = arith.divf %mul3A_21, %parallel_loop3A_904 : vector<16xf32>
        %parallel_loop3A_906 = arith.subf %get3A_9, %parallel_loop3A_905 : vector<16xf32>
        %parallel_loop3A_907 = arith.addf %parallel_loop3A_891, %parallel_loop3A_906 : vector<16xf32>
        %parallel_loop3A_908 = vector.broadcast %parallel_loop3A_820 : i32 to vector<16xi32>
        %parallel_loop3A_909 = arith.addi %mul3A_24, %parallel_loop3A_908 : vector<16xi32>
        tpu.vector_store_idx %arg20[%parallel_loop3A_909], %parallel_loop3A_907 : memref<8192xf32, #tpu.memory_space<vmem>>[vector<16xi32>], vector<16xf32>,
        %parallel_loop3A_910 = arith.constant 1 : i32
        %parallel_loop3A_911 = arith.addi %parallel_loop3A_818, %parallel_loop3A_910 : i32
        %parallel_loop3A_912 = arith.index_cast %parallel_loop3A_911 : i32 to index
        %parallel_loop3A_913 = arith.constant 0 : index
        %parallel_loop3A_914 = tpu.vector_load %arg16[%parallel_loop3A_912, %parallel_loop3A_913] {strides = array<i32>} : memref<512x64xbf16, #tpu.memory_space<vmem>>, vector<32xbf16>,
        %parallel_loop3A_915 = vector.bitcast %parallel_loop3A_914 : vector<32xbf16> to vector<16xi32>
        %parallel_loop3A_916 = arith.index_cast %parallel_loop3A_911 : i32 to index
        %parallel_loop3A_917 = arith.constant 0 : index
        %parallel_loop3A_918 = tpu.vector_load %arg18[%parallel_loop3A_916, %parallel_loop3A_917] {strides = array<i32>} : memref<512x64xbf16, #tpu.memory_space<vmem>>, vector<32xbf16>,
        %parallel_loop3A_919 = vector.bitcast %parallel_loop3A_918 : vector<32xbf16> to vector<16xi32>
        %parallel_loop3A_920 = arith.index_cast %parallel_loop3A_816 : i32 to index
        %parallel_loop3A_921 = arith.constant 64 : index
        %parallel_loop3A_922 = tpu.vector_load %arg19[%parallel_loop3A_920, %parallel_loop3A_921] {strides = array<i32>} : memref<256x128xf32, #tpu.memory_space<vmem>>, vector<16xf32>,
        %parallel_loop3A_923 = arith.constant 16 : i32
        %parallel_loop3A_924 = vector.broadcast %parallel_loop3A_923 : i32 to vector<16xi32>
        %parallel_loop3A_925 = arith.shli %parallel_loop3A_915, %parallel_loop3A_924 : vector<16xi32>
        %parallel_loop3A_926 = vector.bitcast %parallel_loop3A_925 : vector<16xi32> to vector<16xf32>
        %parallel_loop3A_927 = arith.constant 16 : i32
        %parallel_loop3A_928 = vector.broadcast %parallel_loop3A_927 : i32 to vector<16xi32>
        %parallel_loop3A_929 = arith.shli %parallel_loop3A_919, %parallel_loop3A_928 : vector<16xi32>
        %parallel_loop3A_930 = vector.bitcast %parallel_loop3A_929 : vector<16xi32> to vector<16xf32>
        %parallel_loop3A_931 = arith.addf %parallel_loop3A_926, %parallel_loop3A_930 : vector<16xf32>
        %parallel_loop3A_932 = arith.addf %parallel_loop3A_931, %parallel_loop3A_922 : vector<16xf32>
        %parallel_loop3A_933 = math.exp %parallel_loop3A_932 : vector<16xf32>
        %parallel_loop3A_934 = arith.constant 1.000000e+00 : f32
        %parallel_loop3A_935 = vector.broadcast %parallel_loop3A_934 : f32 to vector<16xf32>
        %parallel_loop3A_936 = arith.addf %parallel_loop3A_933, %parallel_loop3A_935 : vector<16xf32>
        %parallel_loop3A_937 = arith.divf %mul3A_12, %parallel_loop3A_936 : vector<16xf32>
        %parallel_loop3A_938 = arith.subf %get3A_3, %parallel_loop3A_937 : vector<16xf32>
        %parallel_loop3A_939 = arith.index_cast %parallel_loop3A_816 : i32 to index
        %parallel_loop3A_940 = arith.constant 80 : index
        %parallel_loop3A_941 = tpu.vector_load %arg19[%parallel_loop3A_939, %parallel_loop3A_940] {strides = array<i32>} : memref<256x128xf32, #tpu.memory_space<vmem>>, vector<16xf32>,
        %parallel_loop3A_942 = arith.andi %parallel_loop3A_915, %broadcast_in_dim3A_25 : vector<16xi32>
        %parallel_loop3A_943 = vector.bitcast %parallel_loop3A_942 : vector<16xi32> to vector<16xf32>
        %parallel_loop3A_944 = arith.andi %parallel_loop3A_919, %broadcast_in_dim3A_25 : vector<16xi32>
        %parallel_loop3A_945 = vector.bitcast %parallel_loop3A_944 : vector<16xi32> to vector<16xf32>
        %parallel_loop3A_946 = arith.addf %parallel_loop3A_943, %parallel_loop3A_945 : vector<16xf32>
        %parallel_loop3A_947 = arith.addf %parallel_loop3A_946, %parallel_loop3A_941 : vector<16xf32>
        %parallel_loop3A_948 = math.exp %parallel_loop3A_947 : vector<16xf32>
        %parallel_loop3A_949 = arith.constant 1.000000e+00 : f32
        %parallel_loop3A_950 = vector.broadcast %parallel_loop3A_949 : f32 to vector<16xf32>
        %parallel_loop3A_951 = arith.addf %parallel_loop3A_948, %parallel_loop3A_950 : vector<16xf32>
        %parallel_loop3A_952 = arith.divf %mul3A_15, %parallel_loop3A_951 : vector<16xf32>
        %parallel_loop3A_953 = arith.subf %get3A_5, %parallel_loop3A_952 : vector<16xf32>
        %parallel_loop3A_954 = arith.addf %parallel_loop3A_938, %parallel_loop3A_953 : vector<16xf32>
        %parallel_loop3A_955 = arith.index_cast %parallel_loop3A_911 : i32 to index
        %parallel_loop3A_956 = arith.constant 32 : index
        %parallel_loop3A_957 = tpu.vector_load %arg16[%parallel_loop3A_955, %parallel_loop3A_956] {strides = array<i32>} : memref<512x64xbf16, #tpu.memory_space<vmem>>, vector<32xbf16>,
        %parallel_loop3A_958 = vector.bitcast %parallel_loop3A_957 : vector<32xbf16> to vector<16xi32>
        %parallel_loop3A_959 = arith.index_cast %parallel_loop3A_911 : i32 to index
        %parallel_loop3A_960 = arith.constant 32 : index
        %parallel_loop3A_961 = tpu.vector_load %arg18[%parallel_loop3A_959, %parallel_loop3A_960] {strides = array<i32>} : memref<512x64xbf16, #tpu.memory_space<vmem>>, vector<32xbf16>,
        %parallel_loop3A_962 = vector.bitcast %parallel_loop3A_961 : vector<32xbf16> to vector<16xi32>
        %parallel_loop3A_963 = arith.index_cast %parallel_loop3A_816 : i32 to index
        %parallel_loop3A_964 = arith.constant 96 : index
        %parallel_loop3A_965 = tpu.vector_load %arg19[%parallel_loop3A_963, %parallel_loop3A_964] {strides = array<i32>} : memref<256x128xf32, #tpu.memory_space<vmem>>, vector<16xf32>,
        %parallel_loop3A_966 = arith.constant 16 : i32
        %parallel_loop3A_967 = vector.broadcast %parallel_loop3A_966 : i32 to vector<16xi32>
        %parallel_loop3A_968 = arith.shli %parallel_loop3A_958, %parallel_loop3A_967 : vector<16xi32>
        %parallel_loop3A_969 = vector.bitcast %parallel_loop3A_968 : vector<16xi32> to vector<16xf32>
        %parallel_loop3A_970 = arith.constant 16 : i32
        %parallel_loop3A_971 = vector.broadcast %parallel_loop3A_970 : i32 to vector<16xi32>
        %parallel_loop3A_972 = arith.shli %parallel_loop3A_962, %parallel_loop3A_971 : vector<16xi32>
        %parallel_loop3A_973 = vector.bitcast %parallel_loop3A_972 : vector<16xi32> to vector<16xf32>
        %parallel_loop3A_974 = arith.addf %parallel_loop3A_969, %parallel_loop3A_973 : vector<16xf32>
        %parallel_loop3A_975 = arith.addf %parallel_loop3A_974, %parallel_loop3A_965 : vector<16xf32>
        %parallel_loop3A_976 = math.exp %parallel_loop3A_975 : vector<16xf32>
        %parallel_loop3A_977 = arith.constant 1.000000e+00 : f32
        %parallel_loop3A_978 = vector.broadcast %parallel_loop3A_977 : f32 to vector<16xf32>
        %parallel_loop3A_979 = arith.addf %parallel_loop3A_976, %parallel_loop3A_978 : vector<16xf32>
        %parallel_loop3A_980 = arith.divf %mul3A_18, %parallel_loop3A_979 : vector<16xf32>
        %parallel_loop3A_981 = arith.subf %get3A_7, %parallel_loop3A_980 : vector<16xf32>
        %parallel_loop3A_982 = arith.addf %parallel_loop3A_954, %parallel_loop3A_981 : vector<16xf32>
        %parallel_loop3A_983 = arith.index_cast %parallel_loop3A_816 : i32 to index
        %parallel_loop3A_984 = arith.constant 112 : index
        %parallel_loop3A_985 = tpu.vector_load %arg19[%parallel_loop3A_983, %parallel_loop3A_984] {strides = array<i32>} : memref<256x128xf32, #tpu.memory_space<vmem>>, vector<16xf32>,
        %parallel_loop3A_986 = arith.andi %parallel_loop3A_958, %broadcast_in_dim3A_25 : vector<16xi32>
        %parallel_loop3A_987 = vector.bitcast %parallel_loop3A_986 : vector<16xi32> to vector<16xf32>
        %parallel_loop3A_988 = arith.andi %parallel_loop3A_962, %broadcast_in_dim3A_25 : vector<16xi32>
        %parallel_loop3A_989 = vector.bitcast %parallel_loop3A_988 : vector<16xi32> to vector<16xf32>
        %parallel_loop3A_990 = arith.addf %parallel_loop3A_987, %parallel_loop3A_989 : vector<16xf32>
        %parallel_loop3A_991 = arith.addf %parallel_loop3A_990, %parallel_loop3A_985 : vector<16xf32>
        %parallel_loop3A_992 = math.exp %parallel_loop3A_991 : vector<16xf32>
        %parallel_loop3A_993 = arith.constant 1.000000e+00 : f32
        %parallel_loop3A_994 = vector.broadcast %parallel_loop3A_993 : f32 to vector<16xf32>
        %parallel_loop3A_995 = arith.addf %parallel_loop3A_992, %parallel_loop3A_994 : vector<16xf32>
        %parallel_loop3A_996 = arith.divf %mul3A_21, %parallel_loop3A_995 : vector<16xf32>
        %parallel_loop3A_997 = arith.subf %get3A_9, %parallel_loop3A_996 : vector<16xf32>
        %parallel_loop3A_998 = arith.addf %parallel_loop3A_982, %parallel_loop3A_997 : vector<16xf32>
        %parallel_loop3A_999 = vector.broadcast %parallel_loop3A_911 : i32 to vector<16xi32>
        %parallel_loop3A_1000 = arith.addi %mul3A_24, %parallel_loop3A_999 : vector<16xi32>
        tpu.vector_store_idx %arg20[%parallel_loop3A_1000], %parallel_loop3A_998 : memref<8192xf32, #tpu.memory_space<vmem>>[vector<16xi32>], vector<16xf32>,
      } {sc.loop_unroll_factor = 2 : i64, sc.parallel_access}
      %parallel_loop3A_798 = arith.constant 0 : i32
      %parallel_loop3A_799 = arith.constant 32 : i32
      %parallel_loop3A_800 = arith.constant 1 : i32
      scf.for %parallel_loop3A_816 = %parallel_loop3A_798 to %parallel_loop3A_799 step %parallel_loop3A_800  : i32 {
        %parallel_loop3A_817 = arith.constant 16 : i32
        %parallel_loop3A_818 = arith.muli %parallel_loop3A_816, %parallel_loop3A_817 : i32
        %parallel_loop3A_819 = arith.constant 0 : i32
        %parallel_loop3A_820 = arith.addi %parallel_loop3A_819, %parallel_loop3A_818 : i32
        %parallel_loop3A_821 = arith.index_cast %parallel_loop3A_820 : i32 to index
        %parallel_loop3A_822 = tpu.vector_load %arg20[%parallel_loop3A_821] {strides = array<i32>} : memref<8192xf32, #tpu.memory_space<vmem>>, vector<16xf32>,
        %parallel_loop3A_823 = arith.constant 512 : i32
        %parallel_loop3A_824 = arith.addi %parallel_loop3A_823, %parallel_loop3A_818 : i32
        %parallel_loop3A_825 = arith.index_cast %parallel_loop3A_824 : i32 to index
        %parallel_loop3A_826 = tpu.vector_load %arg20[%parallel_loop3A_825] {strides = array<i32>} : memref<8192xf32, #tpu.memory_space<vmem>>, vector<16xf32>,
        %parallel_loop3A_827 = arith.constant 1024 : i32
        %parallel_loop3A_828 = arith.addi %parallel_loop3A_827, %parallel_loop3A_818 : i32
        %parallel_loop3A_829 = arith.index_cast %parallel_loop3A_828 : i32 to index
        %parallel_loop3A_830 = tpu.vector_load %arg20[%parallel_loop3A_829] {strides = array<i32>} : memref<8192xf32, #tpu.memory_space<vmem>>, vector<16xf32>,
        %parallel_loop3A_831 = arith.constant 1536 : i32
        %parallel_loop3A_832 = arith.addi %parallel_loop3A_831, %parallel_loop3A_818 : i32
        %parallel_loop3A_833 = arith.index_cast %parallel_loop3A_832 : i32 to index
        %parallel_loop3A_834 = tpu.vector_load %arg20[%parallel_loop3A_833] {strides = array<i32>} : memref<8192xf32, #tpu.memory_space<vmem>>, vector<16xf32>,
        %parallel_loop3A_835 = arith.constant 2048 : i32
        %parallel_loop3A_836 = arith.addi %parallel_loop3A_835, %parallel_loop3A_818 : i32
        %parallel_loop3A_837 = arith.index_cast %parallel_loop3A_836 : i32 to index
        %parallel_loop3A_838 = tpu.vector_load %arg20[%parallel_loop3A_837] {strides = array<i32>} : memref<8192xf32, #tpu.memory_space<vmem>>, vector<16xf32>,
        %parallel_loop3A_839 = arith.addf %parallel_loop3A_822, %parallel_loop3A_838 : vector<16xf32>
        %parallel_loop3A_840 = arith.constant 2560 : i32
        %parallel_loop3A_841 = arith.addi %parallel_loop3A_840, %parallel_loop3A_818 : i32
        %parallel_loop3A_842 = arith.index_cast %parallel_loop3A_841 : i32 to index
        %parallel_loop3A_843 = tpu.vector_load %arg20[%parallel_loop3A_842] {strides = array<i32>} : memref<8192xf32, #tpu.memory_space<vmem>>, vector<16xf32>,
        %parallel_loop3A_844 = arith.addf %parallel_loop3A_826, %parallel_loop3A_843 : vector<16xf32>
        %parallel_loop3A_845 = arith.constant 3072 : i32
        %parallel_loop3A_846 = arith.addi %parallel_loop3A_845, %parallel_loop3A_818 : i32
        %parallel_loop3A_847 = arith.index_cast %parallel_loop3A_846 : i32 to index
        %parallel_loop3A_848 = tpu.vector_load %arg20[%parallel_loop3A_847] {strides = array<i32>} : memref<8192xf32, #tpu.memory_space<vmem>>, vector<16xf32>,
        %parallel_loop3A_849 = arith.addf %parallel_loop3A_830, %parallel_loop3A_848 : vector<16xf32>
        %parallel_loop3A_850 = arith.constant 3584 : i32
        %parallel_loop3A_851 = arith.addi %parallel_loop3A_850, %parallel_loop3A_818 : i32
        %parallel_loop3A_852 = arith.index_cast %parallel_loop3A_851 : i32 to index
        %parallel_loop3A_853 = tpu.vector_load %arg20[%parallel_loop3A_852] {strides = array<i32>} : memref<8192xf32, #tpu.memory_space<vmem>>, vector<16xf32>,
        %parallel_loop3A_854 = arith.addf %parallel_loop3A_834, %parallel_loop3A_853 : vector<16xf32>
        %parallel_loop3A_855 = arith.constant 4096 : i32
        %parallel_loop3A_856 = arith.addi %parallel_loop3A_855, %parallel_loop3A_818 : i32
        %parallel_loop3A_857 = arith.index_cast %parallel_loop3A_856 : i32 to index
        %parallel_loop3A_858 = tpu.vector_load %arg20[%parallel_loop3A_857] {strides = array<i32>} : memref<8192xf32, #tpu.memory_space<vmem>>, vector<16xf32>,
        %parallel_loop3A_859 = arith.addf %parallel_loop3A_839, %parallel_loop3A_858 : vector<16xf32>
        %parallel_loop3A_860 = arith.constant 4608 : i32
        %parallel_loop3A_861 = arith.addi %parallel_loop3A_860, %parallel_loop3A_818 : i32
        %parallel_loop3A_862 = arith.index_cast %parallel_loop3A_861 : i32 to index
        %parallel_loop3A_863 = tpu.vector_load %arg20[%parallel_loop3A_862] {strides = array<i32>} : memref<8192xf32, #tpu.memory_space<vmem>>, vector<16xf32>,
        %parallel_loop3A_864 = arith.addf %parallel_loop3A_844, %parallel_loop3A_863 : vector<16xf32>
        %parallel_loop3A_865 = arith.constant 5120 : i32
        %parallel_loop3A_866 = arith.addi %parallel_loop3A_865, %parallel_loop3A_818 : i32
        %parallel_loop3A_867 = arith.index_cast %parallel_loop3A_866 : i32 to index
        %parallel_loop3A_868 = tpu.vector_load %arg20[%parallel_loop3A_867] {strides = array<i32>} : memref<8192xf32, #tpu.memory_space<vmem>>, vector<16xf32>,
        %parallel_loop3A_869 = arith.addf %parallel_loop3A_849, %parallel_loop3A_868 : vector<16xf32>
        %parallel_loop3A_870 = arith.constant 5632 : i32
        %parallel_loop3A_871 = arith.addi %parallel_loop3A_870, %parallel_loop3A_818 : i32
        %parallel_loop3A_872 = arith.index_cast %parallel_loop3A_871 : i32 to index
        %parallel_loop3A_873 = tpu.vector_load %arg20[%parallel_loop3A_872] {strides = array<i32>} : memref<8192xf32, #tpu.memory_space<vmem>>, vector<16xf32>,
        %parallel_loop3A_874 = arith.addf %parallel_loop3A_854, %parallel_loop3A_873 : vector<16xf32>
        %parallel_loop3A_875 = arith.constant 6144 : i32
        %parallel_loop3A_876 = arith.addi %parallel_loop3A_875, %parallel_loop3A_818 : i32
        %parallel_loop3A_877 = arith.index_cast %parallel_loop3A_876 : i32 to index
        %parallel_loop3A_878 = tpu.vector_load %arg20[%parallel_loop3A_877] {strides = array<i32>} : memref<8192xf32, #tpu.memory_space<vmem>>, vector<16xf32>,
        %parallel_loop3A_879 = arith.addf %parallel_loop3A_859, %parallel_loop3A_878 : vector<16xf32>
        %parallel_loop3A_880 = arith.constant 6656 : i32
        %parallel_loop3A_881 = arith.addi %parallel_loop3A_880, %parallel_loop3A_818 : i32
        %parallel_loop3A_882 = arith.index_cast %parallel_loop3A_881 : i32 to index
        %parallel_loop3A_883 = tpu.vector_load %arg20[%parallel_loop3A_882] {strides = array<i32>} : memref<8192xf32, #tpu.memory_space<vmem>>, vector<16xf32>,
        %parallel_loop3A_884 = arith.addf %parallel_loop3A_864, %parallel_loop3A_883 : vector<16xf32>
        %parallel_loop3A_885 = arith.constant 7168 : i32
        %parallel_loop3A_886 = arith.addi %parallel_loop3A_885, %parallel_loop3A_818 : i32
        %parallel_loop3A_887 = arith.index_cast %parallel_loop3A_886 : i32 to index
        %parallel_loop3A_888 = tpu.vector_load %arg20[%parallel_loop3A_887] {strides = array<i32>} : memref<8192xf32, #tpu.memory_space<vmem>>, vector<16xf32>,
        %parallel_loop3A_889 = arith.addf %parallel_loop3A_869, %parallel_loop3A_888 : vector<16xf32>
        %parallel_loop3A_890 = arith.constant 7680 : i32
        %parallel_loop3A_891 = arith.addi %parallel_loop3A_890, %parallel_loop3A_818 : i32
        %parallel_loop3A_892 = arith.index_cast %parallel_loop3A_891 : i32 to index
        %parallel_loop3A_893 = tpu.vector_load %arg20[%parallel_loop3A_892] {strides = array<i32>} : memref<8192xf32, #tpu.memory_space<vmem>>, vector<16xf32>,
        %parallel_loop3A_894 = arith.addf %parallel_loop3A_874, %parallel_loop3A_893 : vector<16xf32>
        %parallel_loop3A_895 = arith.addf %parallel_loop3A_879, %parallel_loop3A_884 : vector<16xf32>
        %parallel_loop3A_896 = arith.addf %parallel_loop3A_889, %parallel_loop3A_894 : vector<16xf32>
        %parallel_loop3A_897 = arith.addf %parallel_loop3A_895, %parallel_loop3A_896 : vector<16xf32>
        %parallel_loop3A_898 = math.exp %parallel_loop3A_897 : vector<16xf32>
        %parallel_loop3A_899 = arith.index_cast %parallel_loop3A_818 : i32 to index
        %parallel_loop3A_900 = tpu.vector_load %arg22[%parallel_loop3A_899] {strides = array<i32>} : memref<512xf32, #tpu.memory_space<vmem>>, vector<16xf32>,
        tpu.vector_store %arg22[%parallel_loop3A_899], %parallel_loop3A_898 {strides = array<i32>} : memref<512xf32, #tpu.memory_space<vmem>>, vector<16xf32>,
        %parallel_loop3A_901 = arith.index_cast %parallel_loop3A_818 : i32 to index
        %parallel_loop3A_902 = tpu.vector_load %arg14[%parallel_loop3A_901] {strides = array<i32>} : memref<512xi32, #tpu.memory_space<vmem>>, vector<16xi32>,
        %parallel_loop3A_903 = arith.constant 4 : i32
        %parallel_loop3A_904 = vector.broadcast %parallel_loop3A_903 : i32 to vector<16xi32>
        %parallel_loop3A_905 = arith.shrsi %parallel_loop3A_902, %parallel_loop3A_904 : vector<16xi32>
        %parallel_loop3A_906 = arith.constant 15 : i32
        %parallel_loop3A_907 = vector.broadcast %parallel_loop3A_906 : i32 to vector<16xi32>
        %parallel_loop3A_908 = arith.andi %parallel_loop3A_902, %parallel_loop3A_907 : vector<16xi32>
        tpu.vector_store_idx %arg23[%parallel_loop3A_905, %parallel_loop3A_908], %parallel_loop3A_898 {add = true} : memref<640x16xf32, #tpu.memory_space<vmem>>[vector<16xi32>, vector<16xi32>], vector<16xf32>,
      } {sc.loop_unroll_factor = 2 : i64, sc.parallel_access}
      %lt3A_801 = arith.constant 9 : i32
      %lt3A_802 = arith.cmpi slt, %scan3A_377, %lt3A_801 : i32
      %convert_element_type3A_803 = arith.extui %lt3A_802 : i1 to i32
      %cond3A_804 = arith.constant 0 : i32
      %cond3A_805 = arith.cmpi ne, %convert_element_type3A_803, %cond3A_804 : i32
      scf.if %cond3A_805 {
        %add3A_816 = arith.constant 1 : i32
        %add3A_817 = arith.addi %add3A_619, %add3A_816 : i32
        %mul3A_818 = arith.constant 512 : i32
        %mul3A_819 = arith.muli %add3A_817, %mul3A_818 : i32
        %add3A_820 = arith.addi %mul3A_2, %mul3A_819 : i32
        %jit3A_821 = arith.constant 2 : i32
        %div3A_822 = arith.divsi %add3A_820, %jit3A_821 : i32
        %sign3A_823 = arith.constant 0 : i32
        %sign3A_824 = arith.cmpi sgt, %add3A_820, %sign3A_823 : i32
        %sign3A_825 = arith.extui %sign3A_824 : i1 to i32
        %sign3A_826 = arith.constant 0 : i32
        %sign3A_827 = arith.cmpi slt, %add3A_820, %sign3A_826 : i32
        %sign3A_828 = arith.extui %sign3A_827 : i1 to i32
        %sign3A_829 = arith.subi %sign3A_825, %sign3A_828 : i32
        %sign3A_830 = arith.constant 0 : i32
        %sign3A_831 = arith.cmpi sgt, %jit3A_821, %sign3A_830 : i32
        %sign3A_832 = arith.extui %sign3A_831 : i1 to i32
        %sign3A_833 = arith.constant 0 : i32
        %sign3A_834 = arith.cmpi slt, %jit3A_821, %sign3A_833 : i32
        %sign3A_835 = arith.extui %sign3A_834 : i1 to i32
        %sign3A_836 = arith.subi %sign3A_832, %sign3A_835 : i32
        %ne3A_837 = arith.cmpi ne, %sign3A_829, %sign3A_836 : i32
        %rem3A_838 = arith.remsi %add3A_820, %jit3A_821 : i32
        %ne3A_839 = arith.constant 0 : i32
        %ne3A_840 = arith.cmpi ne, %rem3A_838, %ne3A_839 : i32
        %and3A_841 = arith.andi %ne3A_837, %ne3A_840 : i1
        %sub3A_842 = arith.constant 1 : i32
        %sub3A_843 = arith.subi %div3A_822, %sub3A_842 : i32
        %select_n3A_844 = arith.select %and3A_841, %sub3A_843, %div3A_822 : i32
        %dma_start3A_845 = arith.constant 0 : i32
        %dma_start3A_846 = tpu.memref_slice %arg4[%select_n3A_844, %dma_start3A_845] : memref<163840x128xf32, #tpu.memory_space<hbm>> -> memref<256x128xf32, #tpu.memory_space<hbm>>
        %dma_start3A_847 = arith.constant 0 : i32
        %dma_start3A_848 = tpu.memref_slice %arg4[%select_n3A_844, %dma_start3A_847] : memref<163840x128xf32, #tpu.memory_space<hbm>> -> memref<256x128xf32, #tpu.memory_space<hbm>>
        tpu.enqueue_dma source(%dma_start3A_848 : memref<256x128xf32, #tpu.memory_space<hbm>>) target(%arg19 : memref<256x128xf32, #tpu.memory_space<vmem>>) target_semaphore(%arg33 : memref<!tpu.dma_semaphore, #tpu.memory_space<semaphore_mem>>)
      } else {
      }
      %lt3A_806 = arith.constant 9 : i32
      %lt3A_807 = arith.cmpi slt, %scan3A_377, %lt3A_806 : i32
      %convert_element_type3A_808 = arith.extui %lt3A_807 : i1 to i32
      %cond3A_809 = arith.constant 0 : i32
      %cond3A_810 = arith.cmpi ne, %convert_element_type3A_808, %cond3A_809 : i32
      scf.if %cond3A_810 {
        %add3A_816 = arith.constant 2 : i32
        %add3A_817 = arith.addi %add3A_619, %add3A_816 : i32
        %mul3A_818 = arith.constant 512 : i32
        %mul3A_819 = arith.muli %add3A_817, %mul3A_818 : i32
        %add3A_820 = arith.addi %mul3A_2, %mul3A_819 : i32
        %dma_start3A_821 = tpu.memref_slice %arg5[%add3A_820] : memref<327680xi32, #tpu.memory_space<hbm>> -> memref<512xi32, #tpu.memory_space<hbm>>
        %dma_start3A_822 = tpu.memref_slice %arg5[%add3A_820] : memref<327680xi32, #tpu.memory_space<hbm>> -> memref<512xi32, #tpu.memory_space<hbm>>
        tpu.enqueue_dma source(%dma_start3A_822 : memref<512xi32, #tpu.memory_space<hbm>>) target(%arg11 : memref<512xi32, #tpu.memory_space<vmem>>) target_semaphore(%arg28 : memref<!tpu.dma_semaphore, #tpu.memory_space<semaphore_mem>>)
        %dma_start3A_823 = tpu.memref_slice %arg6[%add3A_820] : memref<327680xi32, #tpu.memory_space<hbm>> -> memref<512xi32, #tpu.memory_space<hbm>>
        %dma_start3A_824 = tpu.memref_slice %arg6[%add3A_820] : memref<327680xi32, #tpu.memory_space<hbm>> -> memref<512xi32, #tpu.memory_space<hbm>>
        tpu.enqueue_dma source(%dma_start3A_824 : memref<512xi32, #tpu.memory_space<hbm>>) target(%arg13 : memref<512xi32, #tpu.memory_space<vmem>>) target_semaphore(%arg28 : memref<!tpu.dma_semaphore, #tpu.memory_space<semaphore_mem>>)
      } else {
      }
      %mul3A_811 = arith.constant 512 : i32
      %mul3A_812 = arith.muli %add3A_619, %mul3A_811 : i32
      %add3A_813 = arith.addi %mul3A_2, %mul3A_812 : i32
      %dma_start3A_814 = tpu.memref_slice %arg8[%add3A_813] : memref<327680xf32, #tpu.memory_space<hbm>> -> memref<512xf32, #tpu.memory_space<hbm>>
      %dma_start3A_815 = tpu.memref_slice %arg8[%add3A_813] : memref<327680xf32, #tpu.memory_space<hbm>> -> memref<512xf32, #tpu.memory_space<hbm>>
      tpu.enqueue_dma source(%arg22 : memref<512xf32, #tpu.memory_space<vmem>>) target(%dma_start3A_815 : memref<512xf32, #tpu.memory_space<hbm>>) target_semaphore(%arg32 : memref<!tpu.dma_semaphore, #tpu.memory_space<semaphore_mem>>)
    }
    %scan3A_359 = arith.constant 10 : i32
    %add3A_360 = arith.constant 9216 : i32
    %add3A_361 = arith.addi %mul3A_2, %add3A_360 : i32
    %dma_wait3A_362 = tpu.memref_slice %arg8[%add3A_361] : memref<327680xf32, #tpu.memory_space<hbm>> -> memref<512xf32, #tpu.memory_space<hbm>>
    %dma_wait3A_363 = tpu.memref_slice %arg8[%add3A_361] : memref<327680xf32, #tpu.memory_space<hbm>> -> memref<512xf32, #tpu.memory_space<hbm>>
    tpu.wait_dma2 semaphore(%arg31 : memref<!tpu.dma_semaphore, #tpu.memory_space<semaphore_mem>>) src(%arg21 : memref<512xf32, #tpu.memory_space<vmem>>) dst(%dma_wait3A_363 : memref<512xf32, #tpu.memory_space<hbm>>)
    %add3A_364 = arith.constant 9728 : i32
    %add3A_365 = arith.addi %mul3A_2, %add3A_364 : i32
    %dma_wait3A_366 = tpu.memref_slice %arg8[%add3A_365] : memref<327680xf32, #tpu.memory_space<hbm>> -> memref<512xf32, #tpu.memory_space<hbm>>
    %dma_wait3A_367 = tpu.memref_slice %arg8[%add3A_365] : memref<327680xf32, #tpu.memory_space<hbm>> -> memref<512xf32, #tpu.memory_space<hbm>>
    tpu.wait_dma2 semaphore(%arg32 : memref<!tpu.dma_semaphore, #tpu.memory_space<semaphore_mem>>) src(%arg22 : memref<512xf32, #tpu.memory_space<vmem>>) dst(%dma_wait3A_367 : memref<512xf32, #tpu.memory_space<hbm>>)
    %run_scoped3A = arith.constant 0 : i32
    "tpu.region"() ({
      %run_scoped3A_377 = tpu.sem_alloc : memref<!tpu.dma_semaphore, #tpu.memory_space<semaphore_mem>>
      %dma_start3A_378 = arith.constant 0 : i32
      %dma_start3A_379 = arith.constant 0 : i32
      %dma_start3A_380 = tpu.memref_slice %arg23[%dma_start3A_378, %dma_start3A_379] : memref<640x16xf32, #tpu.memory_space<vmem>> -> memref<128x16xf32, #tpu.memory_space<vmem>>
      %dma_start3A_381 = arith.constant 0 : i32
      %dma_start3A_382 = tpu.memref_slice %arg24[%run_scoped3A, %dma_start3A_381] : memref<5x128xi32, #tpu.memory_space<vmem>> -> memref<1x128xi32, #tpu.memory_space<vmem>>
      %dma_start3A_383 = tpu.memref_squeeze %dma_start3A_382 : memref<1x128xi32, #tpu.memory_space<vmem>> -> memref<128xi32, #tpu.memory_space<vmem>>
      %dma_start3A_384 = arith.constant 0 : i32
      %dma_start3A_385 = arith.constant 0 : i32
      %dma_start3A_386 = tpu.memref_slice %arg26[%dma_start3A_384, %dma_start3A_385] : memref<640x16xf32, #tpu.memory_space<vmem_shared>> -> memref<640x16xf32, #tpu.memory_space<vmem_shared>>
      tpu.enqueue_indirect_dma source(%dma_start3A_380 : memref<128x16xf32, #tpu.memory_space<vmem>>) target(%dma_start3A_386 : memref<640x16xf32, #tpu.memory_space<vmem_shared>>) offsets(%dma_start3A_383 : memref<128xi32, #tpu.memory_space<vmem>>) semaphore(%run_scoped3A_377 : memref<!tpu.dma_semaphore, #tpu.memory_space<semaphore_mem>>) {add = true}
      %dma_wait3A_387 = arith.constant 0 : i32
      %dma_wait3A_388 = arith.constant 0 : i32
      %dma_wait3A_389 = tpu.memref_slice %arg23[%dma_wait3A_387, %dma_wait3A_388] : memref<640x16xf32, #tpu.memory_space<vmem>> -> memref<128x16xf32, #tpu.memory_space<vmem>>
      %dma_wait3A_390 = arith.constant 0 : i32
      %dma_wait3A_391 = tpu.memref_slice %arg24[%run_scoped3A, %dma_wait3A_390] : memref<5x128xi32, #tpu.memory_space<vmem>> -> memref<1x128xi32, #tpu.memory_space<vmem>>
      %dma_wait3A_392 = tpu.memref_squeeze %dma_wait3A_391 : memref<1x128xi32, #tpu.memory_space<vmem>> -> memref<128xi32, #tpu.memory_space<vmem>>
      %dma_wait3A_393 = arith.constant 0 : i32
      %dma_wait3A_394 = arith.constant 0 : i32
      %dma_wait3A_395 = tpu.memref_slice %arg26[%dma_wait3A_393, %dma_wait3A_394] : memref<640x16xf32, #tpu.memory_space<vmem_shared>> -> memref<640x16xf32, #tpu.memory_space<vmem_shared>>
      tpu.wait_indirect_dma semaphore(%run_scoped3A_377 : memref<!tpu.dma_semaphore, #tpu.memory_space<semaphore_mem>>) src(%dma_wait3A_389 : memref<128x16xf32, #tpu.memory_space<vmem>>) dst(%dma_wait3A_395 : memref<640x16xf32, #tpu.memory_space<vmem_shared>>)
      tpu.yield
    }) : () -> ()
    %run_scoped3A_368 = arith.constant 1 : i32
    "tpu.region"() ({
      %run_scoped3A_377 = tpu.sem_alloc : memref<!tpu.dma_semaphore, #tpu.memory_space<semaphore_mem>>
      %dma_start3A_378 = arith.constant 128 : i32
      %dma_start3A_379 = arith.constant 0 : i32
      %dma_start3A_380 = tpu.memref_slice %arg23[%dma_start3A_378, %dma_start3A_379] : memref<640x16xf32, #tpu.memory_space<vmem>> -> memref<128x16xf32, #tpu.memory_space<vmem>>
      %dma_start3A_381 = arith.constant 0 : i32
      %dma_start3A_382 = tpu.memref_slice %arg24[%run_scoped3A_368, %dma_start3A_381] : memref<5x128xi32, #tpu.memory_space<vmem>> -> memref<1x128xi32, #tpu.memory_space<vmem>>
      %dma_start3A_383 = tpu.memref_squeeze %dma_start3A_382 : memref<1x128xi32, #tpu.memory_space<vmem>> -> memref<128xi32, #tpu.memory_space<vmem>>
      %dma_start3A_384 = arith.constant 0 : i32
      %dma_start3A_385 = arith.constant 0 : i32
      %dma_start3A_386 = tpu.memref_slice %arg26[%dma_start3A_384, %dma_start3A_385] : memref<640x16xf32, #tpu.memory_space<vmem_shared>> -> memref<640x16xf32, #tpu.memory_space<vmem_shared>>
      tpu.enqueue_indirect_dma source(%dma_start3A_380 : memref<128x16xf32, #tpu.memory_space<vmem>>) target(%dma_start3A_386 : memref<640x16xf32, #tpu.memory_space<vmem_shared>>) offsets(%dma_start3A_383 : memref<128xi32, #tpu.memory_space<vmem>>) semaphore(%run_scoped3A_377 : memref<!tpu.dma_semaphore, #tpu.memory_space<semaphore_mem>>) {add = true}
      %dma_wait3A_387 = arith.constant 128 : i32
      %dma_wait3A_388 = arith.constant 0 : i32
      %dma_wait3A_389 = tpu.memref_slice %arg23[%dma_wait3A_387, %dma_wait3A_388] : memref<640x16xf32, #tpu.memory_space<vmem>> -> memref<128x16xf32, #tpu.memory_space<vmem>>
      %dma_wait3A_390 = arith.constant 0 : i32
      %dma_wait3A_391 = tpu.memref_slice %arg24[%run_scoped3A_368, %dma_wait3A_390] : memref<5x128xi32, #tpu.memory_space<vmem>> -> memref<1x128xi32, #tpu.memory_space<vmem>>
      %dma_wait3A_392 = tpu.memref_squeeze %dma_wait3A_391 : memref<1x128xi32, #tpu.memory_space<vmem>> -> memref<128xi32, #tpu.memory_space<vmem>>
      %dma_wait3A_393 = arith.constant 0 : i32
      %dma_wait3A_394 = arith.constant 0 : i32
      %dma_wait3A_395 = tpu.memref_slice %arg26[%dma_wait3A_393, %dma_wait3A_394] : memref<640x16xf32, #tpu.memory_space<vmem_shared>> -> memref<640x16xf32, #tpu.memory_space<vmem_shared>>
      tpu.wait_indirect_dma semaphore(%run_scoped3A_377 : memref<!tpu.dma_semaphore, #tpu.memory_space<semaphore_mem>>) src(%dma_wait3A_389 : memref<128x16xf32, #tpu.memory_space<vmem>>) dst(%dma_wait3A_395 : memref<640x16xf32, #tpu.memory_space<vmem_shared>>)
      tpu.yield
    }) : () -> ()
    %run_scoped3A_369 = arith.constant 2 : i32
    "tpu.region"() ({
      %run_scoped3A_377 = tpu.sem_alloc : memref<!tpu.dma_semaphore, #tpu.memory_space<semaphore_mem>>
      %dma_start3A_378 = arith.constant 256 : i32
      %dma_start3A_379 = arith.constant 0 : i32
      %dma_start3A_380 = tpu.memref_slice %arg23[%dma_start3A_378, %dma_start3A_379] : memref<640x16xf32, #tpu.memory_space<vmem>> -> memref<128x16xf32, #tpu.memory_space<vmem>>
      %dma_start3A_381 = arith.constant 0 : i32
      %dma_start3A_382 = tpu.memref_slice %arg24[%run_scoped3A_369, %dma_start3A_381] : memref<5x128xi32, #tpu.memory_space<vmem>> -> memref<1x128xi32, #tpu.memory_space<vmem>>
      %dma_start3A_383 = tpu.memref_squeeze %dma_start3A_382 : memref<1x128xi32, #tpu.memory_space<vmem>> -> memref<128xi32, #tpu.memory_space<vmem>>
      %dma_start3A_384 = arith.constant 0 : i32
      %dma_start3A_385 = arith.constant 0 : i32
      %dma_start3A_386 = tpu.memref_slice %arg26[%dma_start3A_384, %dma_start3A_385] : memref<640x16xf32, #tpu.memory_space<vmem_shared>> -> memref<640x16xf32, #tpu.memory_space<vmem_shared>>
      tpu.enqueue_indirect_dma source(%dma_start3A_380 : memref<128x16xf32, #tpu.memory_space<vmem>>) target(%dma_start3A_386 : memref<640x16xf32, #tpu.memory_space<vmem_shared>>) offsets(%dma_start3A_383 : memref<128xi32, #tpu.memory_space<vmem>>) semaphore(%run_scoped3A_377 : memref<!tpu.dma_semaphore, #tpu.memory_space<semaphore_mem>>) {add = true}
      %dma_wait3A_387 = arith.constant 256 : i32
      %dma_wait3A_388 = arith.constant 0 : i32
      %dma_wait3A_389 = tpu.memref_slice %arg23[%dma_wait3A_387, %dma_wait3A_388] : memref<640x16xf32, #tpu.memory_space<vmem>> -> memref<128x16xf32, #tpu.memory_space<vmem>>
      %dma_wait3A_390 = arith.constant 0 : i32
      %dma_wait3A_391 = tpu.memref_slice %arg24[%run_scoped3A_369, %dma_wait3A_390] : memref<5x128xi32, #tpu.memory_space<vmem>> -> memref<1x128xi32, #tpu.memory_space<vmem>>
      %dma_wait3A_392 = tpu.memref_squeeze %dma_wait3A_391 : memref<1x128xi32, #tpu.memory_space<vmem>> -> memref<128xi32, #tpu.memory_space<vmem>>
      %dma_wait3A_393 = arith.constant 0 : i32
      %dma_wait3A_394 = arith.constant 0 : i32
      %dma_wait3A_395 = tpu.memref_slice %arg26[%dma_wait3A_393, %dma_wait3A_394] : memref<640x16xf32, #tpu.memory_space<vmem_shared>> -> memref<640x16xf32, #tpu.memory_space<vmem_shared>>
      tpu.wait_indirect_dma semaphore(%run_scoped3A_377 : memref<!tpu.dma_semaphore, #tpu.memory_space<semaphore_mem>>) src(%dma_wait3A_389 : memref<128x16xf32, #tpu.memory_space<vmem>>) dst(%dma_wait3A_395 : memref<640x16xf32, #tpu.memory_space<vmem_shared>>)
      tpu.yield
    }) : () -> ()
    %run_scoped3A_370 = arith.constant 3 : i32
    "tpu.region"() ({
      %run_scoped3A_377 = tpu.sem_alloc : memref<!tpu.dma_semaphore, #tpu.memory_space<semaphore_mem>>
      %dma_start3A_378 = arith.constant 384 : i32
      %dma_start3A_379 = arith.constant 0 : i32
      %dma_start3A_380 = tpu.memref_slice %arg23[%dma_start3A_378, %dma_start3A_379] : memref<640x16xf32, #tpu.memory_space<vmem>> -> memref<128x16xf32, #tpu.memory_space<vmem>>
      %dma_start3A_381 = arith.constant 0 : i32
      %dma_start3A_382 = tpu.memref_slice %arg24[%run_scoped3A_370, %dma_start3A_381] : memref<5x128xi32, #tpu.memory_space<vmem>> -> memref<1x128xi32, #tpu.memory_space<vmem>>
      %dma_start3A_383 = tpu.memref_squeeze %dma_start3A_382 : memref<1x128xi32, #tpu.memory_space<vmem>> -> memref<128xi32, #tpu.memory_space<vmem>>
      %dma_start3A_384 = arith.constant 0 : i32
      %dma_start3A_385 = arith.constant 0 : i32
      %dma_start3A_386 = tpu.memref_slice %arg26[%dma_start3A_384, %dma_start3A_385] : memref<640x16xf32, #tpu.memory_space<vmem_shared>> -> memref<640x16xf32, #tpu.memory_space<vmem_shared>>
      tpu.enqueue_indirect_dma source(%dma_start3A_380 : memref<128x16xf32, #tpu.memory_space<vmem>>) target(%dma_start3A_386 : memref<640x16xf32, #tpu.memory_space<vmem_shared>>) offsets(%dma_start3A_383 : memref<128xi32, #tpu.memory_space<vmem>>) semaphore(%run_scoped3A_377 : memref<!tpu.dma_semaphore, #tpu.memory_space<semaphore_mem>>) {add = true}
      %dma_wait3A_387 = arith.constant 384 : i32
      %dma_wait3A_388 = arith.constant 0 : i32
      %dma_wait3A_389 = tpu.memref_slice %arg23[%dma_wait3A_387, %dma_wait3A_388] : memref<640x16xf32, #tpu.memory_space<vmem>> -> memref<128x16xf32, #tpu.memory_space<vmem>>
      %dma_wait3A_390 = arith.constant 0 : i32
      %dma_wait3A_391 = tpu.memref_slice %arg24[%run_scoped3A_370, %dma_wait3A_390] : memref<5x128xi32, #tpu.memory_space<vmem>> -> memref<1x128xi32, #tpu.memory_space<vmem>>
      %dma_wait3A_392 = tpu.memref_squeeze %dma_wait3A_391 : memref<1x128xi32, #tpu.memory_space<vmem>> -> memref<128xi32, #tpu.memory_space<vmem>>
      %dma_wait3A_393 = arith.constant 0 : i32
      %dma_wait3A_394 = arith.constant 0 : i32
      %dma_wait3A_395 = tpu.memref_slice %arg26[%dma_wait3A_393, %dma_wait3A_394] : memref<640x16xf32, #tpu.memory_space<vmem_shared>> -> memref<640x16xf32, #tpu.memory_space<vmem_shared>>
      tpu.wait_indirect_dma semaphore(%run_scoped3A_377 : memref<!tpu.dma_semaphore, #tpu.memory_space<semaphore_mem>>) src(%dma_wait3A_389 : memref<128x16xf32, #tpu.memory_space<vmem>>) dst(%dma_wait3A_395 : memref<640x16xf32, #tpu.memory_space<vmem_shared>>)
      tpu.yield
    }) : () -> ()
    %run_scoped3A_371 = arith.constant 4 : i32
    "tpu.region"() ({
      %run_scoped3A_377 = tpu.sem_alloc : memref<!tpu.dma_semaphore, #tpu.memory_space<semaphore_mem>>
      %dma_start3A_378 = arith.constant 512 : i32
      %dma_start3A_379 = arith.constant 0 : i32
      %dma_start3A_380 = tpu.memref_slice %arg23[%dma_start3A_378, %dma_start3A_379] : memref<640x16xf32, #tpu.memory_space<vmem>> -> memref<128x16xf32, #tpu.memory_space<vmem>>
      %dma_start3A_381 = arith.constant 0 : i32
      %dma_start3A_382 = tpu.memref_slice %arg24[%run_scoped3A_371, %dma_start3A_381] : memref<5x128xi32, #tpu.memory_space<vmem>> -> memref<1x128xi32, #tpu.memory_space<vmem>>
      %dma_start3A_383 = tpu.memref_squeeze %dma_start3A_382 : memref<1x128xi32, #tpu.memory_space<vmem>> -> memref<128xi32, #tpu.memory_space<vmem>>
      %dma_start3A_384 = arith.constant 0 : i32
      %dma_start3A_385 = arith.constant 0 : i32
      %dma_start3A_386 = tpu.memref_slice %arg26[%dma_start3A_384, %dma_start3A_385] : memref<640x16xf32, #tpu.memory_space<vmem_shared>> -> memref<640x16xf32, #tpu.memory_space<vmem_shared>>
      tpu.enqueue_indirect_dma source(%dma_start3A_380 : memref<128x16xf32, #tpu.memory_space<vmem>>) target(%dma_start3A_386 : memref<640x16xf32, #tpu.memory_space<vmem_shared>>) offsets(%dma_start3A_383 : memref<128xi32, #tpu.memory_space<vmem>>) semaphore(%run_scoped3A_377 : memref<!tpu.dma_semaphore, #tpu.memory_space<semaphore_mem>>) {add = true}
      %dma_wait3A_387 = arith.constant 512 : i32
      %dma_wait3A_388 = arith.constant 0 : i32
      %dma_wait3A_389 = tpu.memref_slice %arg23[%dma_wait3A_387, %dma_wait3A_388] : memref<640x16xf32, #tpu.memory_space<vmem>> -> memref<128x16xf32, #tpu.memory_space<vmem>>
      %dma_wait3A_390 = arith.constant 0 : i32
      %dma_wait3A_391 = tpu.memref_slice %arg24[%run_scoped3A_371, %dma_wait3A_390] : memref<5x128xi32, #tpu.memory_space<vmem>> -> memref<1x128xi32, #tpu.memory_space<vmem>>
      %dma_wait3A_392 = tpu.memref_squeeze %dma_wait3A_391 : memref<1x128xi32, #tpu.memory_space<vmem>> -> memref<128xi32, #tpu.memory_space<vmem>>
      %dma_wait3A_393 = arith.constant 0 : i32
      %dma_wait3A_394 = arith.constant 0 : i32
      %dma_wait3A_395 = tpu.memref_slice %arg26[%dma_wait3A_393, %dma_wait3A_394] : memref<640x16xf32, #tpu.memory_space<vmem_shared>> -> memref<640x16xf32, #tpu.memory_space<vmem_shared>>
      tpu.wait_indirect_dma semaphore(%run_scoped3A_377 : memref<!tpu.dma_semaphore, #tpu.memory_space<semaphore_mem>>) src(%dma_wait3A_389 : memref<128x16xf32, #tpu.memory_space<vmem>>) dst(%dma_wait3A_395 : memref<640x16xf32, #tpu.memory_space<vmem_shared>>)
      tpu.yield
    }) : () -> ()
    %barrier3A_372 = arith.constant 0 : index
    tpu.barrier barrier_id(%barrier3A_372)
    %mul3A_373 = arith.constant 40 : i32
    %mul3A_374 = arith.muli %arg1, %mul3A_373 : i32
    %mul3A_375 = arith.constant 40 : i32
    %mul3A_376 = arith.muli %arg1, %mul3A_375 : i32
    "tpu.region"() ({
      %run_scoped3A_377 = tpu.sem_alloc : memref<!tpu.dma_semaphore, #tpu.memory_space<semaphore_mem>>
      %dma_start3A_378 = arith.constant 0 : i32
      %dma_start3A_379 = tpu.memref_slice %arg9[%arg0, %mul3A_376, %dma_start3A_378] : memref<2x640x16xf32, #tpu.memory_space<hbm>> -> memref<1x40x16xf32, #tpu.memory_space<hbm>>
      %dma_start3A_380 = tpu.memref_squeeze %dma_start3A_379 : memref<1x40x16xf32, #tpu.memory_space<hbm>> -> memref<40x16xf32, #tpu.memory_space<hbm>>
      %dma_start3A_381 = arith.constant 0 : i32
      %dma_start3A_382 = tpu.memref_slice %arg26[%mul3A_374, %dma_start3A_381] : memref<640x16xf32, #tpu.memory_space<vmem_shared>> -> memref<40x16xf32, #tpu.memory_space<vmem_shared>>
      tpu.enqueue_dma source(%dma_start3A_382 : memref<40x16xf32, #tpu.memory_space<vmem_shared>>) target(%dma_start3A_380 : memref<40x16xf32, #tpu.memory_space<hbm>>) target_semaphore(%run_scoped3A_377 : memref<!tpu.dma_semaphore, #tpu.memory_space<semaphore_mem>>)
      %dma_wait3A_383 = arith.constant 0 : i32
      %dma_wait3A_384 = tpu.memref_slice %arg9[%arg0, %mul3A_376, %dma_wait3A_383] : memref<2x640x16xf32, #tpu.memory_space<hbm>> -> memref<1x40x16xf32, #tpu.memory_space<hbm>>
      %dma_wait3A_385 = tpu.memref_squeeze %dma_wait3A_384 : memref<1x40x16xf32, #tpu.memory_space<hbm>> -> memref<40x16xf32, #tpu.memory_space<hbm>>
      %dma_wait3A_386 = arith.constant 0 : i32
      %dma_wait3A_387 = tpu.memref_slice %arg26[%mul3A_374, %dma_wait3A_386] : memref<640x16xf32, #tpu.memory_space<vmem_shared>> -> memref<40x16xf32, #tpu.memory_space<vmem_shared>>
      tpu.wait_dma2 semaphore(%run_scoped3A_377 : memref<!tpu.dma_semaphore, #tpu.memory_space<semaphore_mem>>) src(%dma_wait3A_387 : memref<40x16xf32, #tpu.memory_space<vmem_shared>>) dst(%dma_wait3A_385 : memref<40x16xf32, #tpu.memory_space<hbm>>)
      tpu.yield
    }) : () -> ()
    return
  }
}

module attributes {stable_mosaic.version = 14 : i64} {
  func.func @_proj_nodes_kernel(%arg0: i32, %arg1: memref<1024x128xf32, #tpu.memory_space<vmem>>, %arg2: memref<128x64xf32, #tpu.memory_space<vmem>>, %arg3: memref<128x64xf32, #tpu.memory_space<vmem>>, %arg4: memref<1024x64xbf16, #tpu.memory_space<vmem>>, %arg5: memref<1024x64xbf16, #tpu.memory_space<vmem>>) attributes {dimension_semantics = [#tpu.dimension_semantics<arbitrary>], iteration_bounds = array<i64: 10>, scalar_prefetch = 0 : i64, scratch_operands = 0 : i64, tpu.core_type = #tpu.core_type<tc>, window_params = [{transform_indices = @transform_0, window_bounds = array<i64: 1024, 128>}, {pipeline_mode = #tpu.pipeline_mode<synchronous>, transform_indices = @transform_1, window_bounds = array<i64: 128, 64>}, {pipeline_mode = #tpu.pipeline_mode<synchronous>, transform_indices = @transform_2, window_bounds = array<i64: 128, 64>}, {transform_indices = @transform_3, window_bounds = array<i64: 1024, 64>}, {transform_indices = @transform_4, window_bounds = array<i64: 1024, 64>}]} {
    %get3A = arith.constant 0 : index
    %get3A_0 = arith.constant 0 : index
    %get3A_1 = vector.load %arg1[%get3A, %get3A_0] : memref<1024x128xf32, #tpu.memory_space<vmem>>, vector<1024x128xf32>
    %get3A_2 = arith.constant 0 : index
    %get3A_3 = arith.constant 0 : index
    %get3A_4 = vector.load %arg2[%get3A_2, %get3A_3] : memref<128x64xf32, #tpu.memory_space<vmem>>, vector<128x64xf32>
    %dot_general3A = arith.constant dense<0.000000e+00> : vector<1024x64xf32>
    %dot_general3A_5 = tpu.matmul %get3A_1, %get3A_4, %dot_general3A {dimension_numbers = #tpu.dot_dimension_numbers<[1], [0], [0], [1], [0, 0, 1, 1], [], []>, transpose_lhs_hint = false} : vector<1024x128xf32>, vector<128x64xf32>, vector<1024x64xf32> -> vector<1024x64xf32>
    %mul3A = arith.constant 2.000000e+00 : f32
    %mul3A_6 = vector.broadcast %mul3A : f32 to vector<1024x64xf32>
    %mul3A_7 = arith.mulf %mul3A_6, %dot_general3A_5 : vector<1024x64xf32>
    %convert_element_type3A = arith.truncf %mul3A_7 : vector<1024x64xf32> to vector<1024x64xbf16>
    %swap3A = arith.constant 0 : index
    %swap3A_8 = arith.constant 0 : index
    %swap3A_9 = vector.load %arg4[%swap3A, %swap3A_8] : memref<1024x64xbf16, #tpu.memory_space<vmem>>, vector<1024x64xbf16>
    tpu.vector_store %arg4[%swap3A, %swap3A_8], %convert_element_type3A {strides = array<i32>} : memref<1024x64xbf16, #tpu.memory_space<vmem>>, vector<1024x64xbf16>,
    %get3A_10 = arith.constant 0 : index
    %get3A_11 = arith.constant 0 : index
    %get3A_12 = vector.load %arg3[%get3A_10, %get3A_11] : memref<128x64xf32, #tpu.memory_space<vmem>>, vector<128x64xf32>
    %dot_general3A_13 = arith.constant dense<0.000000e+00> : vector<1024x64xf32>
    %dot_general3A_14 = tpu.matmul %get3A_1, %get3A_12, %dot_general3A_13 {dimension_numbers = #tpu.dot_dimension_numbers<[1], [0], [0], [1], [0, 0, 1, 1], [], []>, transpose_lhs_hint = false} : vector<1024x128xf32>, vector<128x64xf32>, vector<1024x64xf32> -> vector<1024x64xf32>
    %mul3A_15 = arith.constant 2.000000e+00 : f32
    %mul3A_16 = vector.broadcast %mul3A_15 : f32 to vector<1024x64xf32>
    %mul3A_17 = arith.mulf %mul3A_16, %dot_general3A_14 : vector<1024x64xf32>
    %convert_element_type3A_18 = arith.truncf %mul3A_17 : vector<1024x64xf32> to vector<1024x64xbf16>
    %swap3A_19 = arith.constant 0 : index
    %swap3A_20 = arith.constant 0 : index
    %swap3A_21 = vector.load %arg5[%swap3A_19, %swap3A_20] : memref<1024x64xbf16, #tpu.memory_space<vmem>>, vector<1024x64xbf16>
    tpu.vector_store %arg5[%swap3A_19, %swap3A_20], %convert_element_type3A_18 {strides = array<i32>} : memref<1024x64xbf16, #tpu.memory_space<vmem>>, vector<1024x64xbf16>,
    return
  }
  func.func @transform_0(%arg0: i32) -> (i32, i32) {
    %c0_i32 = arith.constant 0 : i32
    %c0_i32_0 = arith.constant 0 : i32
    return %arg0, %c0_i32 : i32, i32
  }
  func.func @transform_1(%arg0: i32) -> (i32, i32) {
    %c0_i32 = arith.constant 0 : i32
    %c0_i32_0 = arith.constant 0 : i32
    %c0_i32_1 = arith.constant 0 : i32
    return %c0_i32, %c0_i32_0 : i32, i32
  }
  func.func @transform_2(%arg0: i32) -> (i32, i32) {
    %c0_i32 = arith.constant 0 : i32
    %c0_i32_0 = arith.constant 0 : i32
    %c0_i32_1 = arith.constant 0 : i32
    return %c0_i32, %c0_i32_0 : i32, i32
  }
  func.func @transform_3(%arg0: i32) -> (i32, i32) {
    %c0_i32 = arith.constant 0 : i32
    %c0_i32_0 = arith.constant 0 : i32
    return %arg0, %c0_i32 : i32, i32
  }
  func.func @transform_4(%arg0: i32) -> (i32, i32) {
    %c0_i32 = arith.constant 0 : i32
    %c0_i32_0 = arith.constant 0 : i32
    return %arg0, %c0_i32 : i32, i32
  }
}

module attributes {stable_mosaic.version = 14 : i64} {
  func.func @_proj_edges_kernel(%arg0: i32, %arg1: memref<8192x32xf32, #tpu.memory_space<vmem>>, %arg2: memref<32x128xf32, #tpu.memory_space<vmem>>, %arg3: memref<8192x128xf32, #tpu.memory_space<vmem>>) attributes {dimension_semantics = [#tpu.dimension_semantics<arbitrary>], iteration_bounds = array<i64: 20>, scalar_prefetch = 0 : i64, scratch_operands = 0 : i64, tpu.core_type = #tpu.core_type<tc>, window_params = [{transform_indices = @transform_0, window_bounds = array<i64: 8192, 32>}, {pipeline_mode = #tpu.pipeline_mode<synchronous>, transform_indices = @transform_1, window_bounds = array<i64: 32, 128>}, {transform_indices = @transform_2, window_bounds = array<i64: 8192, 128>}]} {
    %get3A = arith.constant 0 : index
    %get3A_0 = arith.constant 0 : index
    %get3A_1 = vector.load %arg1[%get3A, %get3A_0] : memref<8192x32xf32, #tpu.memory_space<vmem>>, vector<8192x32xf32>
    %get3A_2 = arith.constant 0 : index
    %get3A_3 = arith.constant 0 : index
    %get3A_4 = vector.load %arg2[%get3A_2, %get3A_3] : memref<32x128xf32, #tpu.memory_space<vmem>>, vector<32x128xf32>
    %dot_general3A = arith.constant dense<0.000000e+00> : vector<8192x128xf32>
    %dot_general3A_5 = tpu.matmul %get3A_1, %get3A_4, %dot_general3A {dimension_numbers = #tpu.dot_dimension_numbers<[1], [0], [0], [1], [0, 0, 1, 1], [], []>, transpose_lhs_hint = false} : vector<8192x32xf32>, vector<32x128xf32>, vector<8192x128xf32> -> vector<8192x128xf32>
    %mul3A = arith.constant 2.000000e+00 : f32
    %mul3A_6 = vector.broadcast %mul3A : f32 to vector<8192x128xf32>
    %mul3A_7 = arith.mulf %mul3A_6, %dot_general3A_5 : vector<8192x128xf32>
    %swap3A = arith.constant 0 : index
    %swap3A_8 = arith.constant 0 : index
    %swap3A_9 = vector.load %arg3[%swap3A, %swap3A_8] : memref<8192x128xf32, #tpu.memory_space<vmem>>, vector<8192x128xf32>
    tpu.vector_store %arg3[%swap3A, %swap3A_8], %mul3A_7 {strides = array<i32>} : memref<8192x128xf32, #tpu.memory_space<vmem>>, vector<8192x128xf32>,
    return
  }
  func.func @transform_0(%arg0: i32) -> (i32, i32) {
    %c0_i32 = arith.constant 0 : i32
    %c0_i32_0 = arith.constant 0 : i32
    return %arg0, %c0_i32 : i32, i32
  }
  func.func @transform_1(%arg0: i32) -> (i32, i32) {
    %c0_i32 = arith.constant 0 : i32
    %c0_i32_0 = arith.constant 0 : i32
    %c0_i32_1 = arith.constant 0 : i32
    return %c0_i32, %c0_i32_0 : i32, i32
  }
  func.func @transform_2(%arg0: i32) -> (i32, i32) {
    %c0_i32 = arith.constant 0 : i32
    %c0_i32_0 = arith.constant 0 : i32
    return %arg0, %c0_i32 : i32, i32
  }
}

</mosaic_0001>

<sc_bundles>
// kernel: kernel.6.cloned.1.call-start
scs
__scs_entry_jumppad:
0x0: {  	(pc) =	sbr.rel $0x88, $3  }
0x1: {  	(tag) =	ssettag $0x0;
	lr =	simm.s32 $0x1  }
0x2: {  	[smem:$0x3F9A] =	sst lr;
	_ =	strace $0xD0000000  }
0x3: {  	_ = 	snop  }
0x4: {  	_ = 	snop  }
0x5: {  	_ = 	snop  }
0x6: {  	_ = 	snop  }
0x7: {  	_ = 	snop  }
__scs_overlays_trampoline_lowered:
0x8: {  	[smem:$0x3FA9] =	sst s0  }
0x9: {  	[smem:$0x3FAA] =	sst s1  }
0xa: {  	[smem:$0x3FAB] =	sst s2  }
0xb: {  	[smem:$0x3FAC] =	sst s3  }
0xc: {  	[smem:$0x3FAD] =	sst s4  }
0xd: {  	[smem:$0x3FAE] =	sst s5  }
0xe: {  	[smem:$0x3FAF] =	sst s6  }
0xf: {  	[smem:$0x3FB0] =	sst s7  }
0x10: {  	[smem:$0x3FB1] =	sst s8  }
0x11: {  	[smem:$0x3FB2] =	sst s9;
	s0 =	simm.s32 @!p0 $0x0  }
0x12: {  	s1 =	sld [smem:$0x3F98];
	s0 =	simm.s32 @p0 $0x1  }
0x13: {  	[smem:$0x3FB3] =	sst s0;
	s0 =	simm.s32 @!p1 $0x0  }
0x14: {  	s2 =	sld [smem:$0x3F97];
	s0 =	simm.s32 @p1 $0x1  }
0x15: {  	[smem:$0x3FB4] =	sst s0;
	s0 =	simm.s32 @!p2 $0x0  }
0x16: {  	s3 =	sld [smem:$0x3FDB];
	s0 =	simm.s32 @p2 $0x1  }
0x17: {  	s4 =	simm.s32 $0x1BF5;
	[smem:$0x3FB6] =	sst s0  }
0x18: {  	s0 =	sld [smem:$0x3F99];
	_ =	swait.ge [sflag:s4], $0x0  }
0x19: {  	s7 =	sld [smem:$0x3F9A]  }
0x1a: {  	s8 =	sadd.s32 $0xFFFFE003, lr  }
0x1b: {  	s9 =	sadd.s32 $0xFFFFFEF7, lr;
	s5 =	simm.s32 $0xFFFFFFFF;
	p2 =	slt.u32 s8, $0xFFFFF086  }
0x1c: {  	p1 =	slt.u32 s9, $0xF7A;
	s5 =	simm.s32 @!p2 $0x0  }
0x1d: {  	s5 =	simm.s32 @p1 $0x1;
	p0 =	seq.s32 s7, s2  }
0x1e: {  	s7 =	smul.u32 @!p0 $0xF7A, s2;
	p2 =	seq.s32 @!p0 s5, $0x0  }
0x1f: {  	s9 =	smul.u32 $0xF7A, s1;
	s8 =	simm.s32 @!p0 $0x1BF5;
	p2 =	por !p2, p0  }
0x20: {  	[sflag:s8] =	ssyncset.s32 @!p0 $0xFFFFF086;
	s6 =	sadd.s32 @!p0 s3, s7;
	s7 =	simm.s32 @!p0 $0x108  }
0x21: {  	s3 =	sadd.s32 s3, s9;
	s6 =	sadd.s32 @!p0 $0x88, s6;
	s7 =	simm.s32 @p2 $0x1082  }
0x22: {  	[simem:s7], [sflag:s8] =	dma.local @!p0 [hbm:s6], $0xF7A  }
0x23: {  	s9 =	sor.u32 $0xD0000000, s2;
	s6 =	simm.s32 $0x108;
	_ =	swait.ge @!p0 [sflag:s8], $0x0  }
0x24: {  	s3 =	sadd.s32 $0x88, s3;
	s6 =	simm.s32 @!p1 $0x1082;
	[sflag:s4] =	ssyncset.s32 $0xFFFFF086  }
0x25: {  	[simem:s6], [sflag:s4] =	dma.local [hbm:s3], $0xF7A  }
0x26: {  	[smem:$0x3F9A] =	sst s1;
	(tag) =	ssettag s2;
	_ =	strace s9  }
0x27: {  	s1 =	sld [smem:$0x3FAA]  }
0x28: {  	s2 =	sld [smem:$0x3FAB]  }
0x29: {  	s4 =	sld [smem:$0x3FAD]  }
0x2a: {  	p0 =	seq.s32 s5, $0x0;
	s5 =	sld [smem:$0x3FAE]  }
0x2b: {  	s6 =	sld [smem:$0x3FAF]  }
0x2c: {  	s7 =	sld [smem:$0x3FB0]  }
0x2d: {  	s3 =	simm.s32 $0x108;
	s8 =	sld [smem:$0x3FB1]  }
0x2e: {  	s3 =	simm.s32 @!p0 $0x1082;
	s9 =	sld [smem:$0x3FB2]  }
0x2f: {  	lr =	sadd.s32 s0, s3;
	s0 =	sld [smem:$0x3FA9]  }
0x30: {  	s3 =	sld [smem:$0x3FAC]  }
0x31: {  	[smem:$0x3FB5] =	sst s10  }
0x32: {  	s10 =	sld [smem:$0x3FB3];
	_ =	sdelay $0x3  }
0x33: {  	p0 =	seq.s32 s10, $0x1;
	s10 =	sld [smem:$0x3FB5];
	_ =	sdelay $0x3  }
0x34: {  	[smem:$0x3FB5] =	sst s10  }
0x35: {  	s10 =	sld [smem:$0x3FB4];
	_ =	sdelay $0x3  }
0x36: {  	p1 =	seq.s32 s10, $0x1;
	s10 =	sld [smem:$0x3FB5];
	_ =	sdelay $0x3  }
0x37: {  	[smem:$0x3FB5] =	sst s10  }
0x38: {  	s10 =	sld [smem:$0x3FB6]  }
0x39: {  	_ = 	snop;
	(pc) =	sbr.ind lr, $3  }
0x3a: {  	_ = 	snop  }
0x3b: {  	_ = 	snop  }
0x3c: {  	p2 =	seq.s32 s10, $0x1;
	s10 =	sld [smem:$0x3FB5]  }
0x3d: {  	_ =	shalt  }
0x3e: {  	_ =	shalt  }
0x3f: {  	_ =	shalt  }
0x40: {  	_ =	shalt  }
0x41: {  	_ =	shalt  }
0x42: {  	_ =	shalt  }
0x43: {  	_ =	shalt  }
0x44: {  	_ =	shalt  }
0x45: {  	_ =	shalt  }
0x46: {  	_ =	shalt  }
0x47: {  	_ =	shalt  }
0x48: {  	_ =	shalt  }
0x49: {  	_ =	shalt  }
0x4a: {  	_ =	shalt  }
0x4b: {  	_ =	shalt  }
0x4c: {  	_ =	shalt  }
0x4d: {  	_ =	shalt  }
0x4e: {  	_ =	shalt  }
0x4f: {  	_ =	shalt  }
0x50: {  	_ =	shalt  }
0x51: {  	_ =	shalt  }
0x52: {  	_ =	shalt  }
0x53: {  	_ =	shalt  }
0x54: {  	_ =	shalt  }
0x55: {  	_ =	shalt  }
0x56: {  	_ =	shalt  }
0x57: {  	_ =	shalt  }
0x58: {  	_ =	shalt  }
0x59: {  	_ =	shalt  }
0x5a: {  	_ =	shalt  }
0x5b: {  	_ =	shalt  }
0x5c: {  	_ =	shalt  }
0x5d: {  	_ =	shalt  }
0x5e: {  	_ =	shalt  }
0x5f: {  	_ =	shalt  }
0x60: {  	_ =	shalt  }
0x61: {  	_ =	shalt  }
0x62: {  	_ =	shalt  }
0x63: {  	_ =	shalt  }
0x64: {  	_ =	shalt  }
0x65: {  	_ =	shalt  }
0x66: {  	_ =	shalt  }
0x67: {  	_ =	shalt  }
0x68: {  	_ =	shalt  }
0x69: {  	_ =	shalt  }
0x6a: {  	_ =	shalt  }
0x6b: {  	_ =	shalt  }
0x6c: {  	_ =	shalt  }
0x6d: {  	_ =	shalt  }
0x6e: {  	_ =	shalt  }
0x6f: {  	_ =	shalt  }
0x70: {  	_ =	shalt  }
0x71: {  	_ =	shalt  }
0x72: {  	_ =	shalt  }
0x73: {  	_ =	shalt  }
0x74: {  	_ =	shalt  }
0x75: {  	_ =	shalt  }
0x76: {  	_ =	shalt  }
0x77: {  	_ =	shalt  }
0x78: {  	_ =	shalt  }
0x79: {  	_ =	shalt  }
0x7a: {  	_ =	shalt  }
0x7b: {  	_ =	shalt  }
0x7c: {  	_ =	shalt  }
0x7d: {  	_ =	shalt  }
0x7e: {  	_ =	shalt  }
0x7f: {  	_ =	shalt  }
0x80: {  	_ =	shalt  }
0x81: {  	_ =	shalt  }
0x82: {  	_ =	shalt  }
0x83: {  	_ =	shalt  }
0x84: {  	_ =	shalt  }
0x85: {  	_ =	shalt  }
0x86: {  	_ =	shalt  }
0x87: {  	_ =	shalt  }
.Lfunc_end0:
.L_simem_size_0:
called_computation_lowered:
.L_overlay_start_0:
0x88: {  	s2 =	sld [smem:$0x3FD9]  }
0x89: {  	s3 =	sld [smem:$0x3FFE];
	_ =	sdelay $0x1  }
0x8a: {  	s1 =	srdreg.scid  }
0x8b: {  	s0 =	sand.u32 $0x1, s1  }
0x8c: {  	s17 =	sshll.u32 s0, $0xA;
	s2 =	sadd.s32 s3, s2  }
0x8d: {  	s2 =	sadd.s32 s2, s17  }
0x8e: {  	[smem:$0x3FC1] =	sst s2  }
0x8f: {  	_ = 	snop  }
0x90: {  	s2 =	sld [smem:$0x3FD0];
	(tm) =	ssettm $0x1  }
0x91: {  	s18 =	sld [smem:$0x3FFB];
	_ =	sdelay $0x3  }
0x92: {  	_ =	strace s18  }
0x93: {  	s3 =	sld [smem:$0x3FFC];
	_ =	sdelay $0x3  }
0x94: {  	_ =	strace s3  }
0x95: {  	s3 =	sld [smem:$0x3FFD];
	_ =	sdelay $0x3  }
0x96: {  	_ =	strace s3  }
0x97: {  	_ =	strace $0x8FFFFFFF  }
0x98: {  	s19 =	sld [smem:$0x3FDB];
	_ =	sdelay $0x1  }
0x99: {  	s4 =	simm.s32 $_scs_section_size  }
0x9a: {  	s5 =	simm.s32 $_size__tile_overlayer_lowered;
	s6 =	simm.s32 $_tile_overlayer_lowered  }
0x9b: {  	s22 =	simm.s32 $0x1BFF;
	s21 =	sshll.u32 s6, $0x1;
	s3 =	sadd.s32 s4, s19  }
0x9c: {  	s7 =	simm.s32 $0x0;
	s20 =	sshll.u32 s5, $0x1;
	s5 =	sadd.s32 s21, s3  }
0x9d: {  	[timem:s7], [sflag:s22] =	dma.local [hbm:s5], s20  }
0x9e: {  	_ =	swait.ge [sflag:s22], s20  }
0x9f: {  	s4 =	ssub.s32 $0x0, s20;
	[sflag:s22] =	ssyncset.done $0x0  }
0xa0: {  	[sflag:s22] =	ssyncadd.s32 s4;
	_ =	sdelay $0x1  }
0xa1: {  	s23 =	simm.s32 $0x1B8B  }
0xa2: {  	_ =	swait.ge [sflag:s23], $0x1  }
0xa3: {  	[sflag:s23] =	ssyncset.done $0x0  }
0xa4: {  	s25 =	simm.s32 $0x1B8E;
	s24 =	sld [smem:$0x3FFE];
	[sflag:s23] =	ssyncadd.s32 $0xFFFFFFFF  }
0xa5: {  	s26 =	simm.s32 $execute0_lowered;
	[smem:$0x3FD2] =	sst s25  }
0xa6: {  	s5 =	sshll.u32 s26, $0x1;
	_ =	strace $0x80000046;
	[dreg:$0x1] =	wrdreg $0xFFFFFFFF  }
0xa7: {  	s28 =	simm.s32 $_size_execute0_lowered;
	s3 =	sadd.s32 s3, s5;
	[dreg:$0x0] =	wrdreg $0x0  }
0xa8: {  	s5 =	sshll.u32 s28, $0x1;
	[dreg:$0x2] =	wrdreg s3  }
0xa9: {  	[dreg:$0x3] =	wrdreg s5  }
0xaa: {  	[dreg:$0x4] =	wrdreg $0xC0  }
0xab: {  	_ =	task [dreg:s7], $0x5FFFF  }
0xac: {  	[dreg:$0x1] =	wrdreg $0xFFFFFFFF  }
0xad: {  	[dreg:$0x0] =	wrdreg $0x60  }
0xae: {  	[dreg:$0x2] =	wrdreg s24  }
0xaf: {  	[dreg:$0x3] =	wrdreg s2  }
0xb0: {  	[dreg:$0x4] =	wrdreg $0x1D8C00  }
0xb1: {  	[dreg:$0x5] =	wrdreg $0x9  }
0xb2: {  	_ =	task.clear_ibuf [dreg:s7], $0x6FFFF;
	_ =	strace $0x90000046  }
0xb3: {  	s29 =	simm.s32 $0x9;
	_ =	strace $0x80000048  }
0xb4: {  	_ =	swait.ge [sflag:s29], $0x1  }
0xb5: {  	[sflag:s29] =	ssyncadd.s32 $0xFFFFFFFF  }
0xb6: {  	_ =	strace $0x90000048  }
0xb7: {  	_ =	sfence  }
0xb8: {  	s30 =	sld [smem:$0x0];
	_ =	sdelay $0x2  }
0xb9: {  	s31 =	sshll.u32 s1, $0xD;
	s1 =	sshrl.u32 s1, $0x2  }
0xba: {  	s3 =	sand.u32 $0x4000, s31;
	s1 =	sadd.s32 s1, s30  }
0xbb: {  	s0 =	sor.u32 s3, s0;
	s1 =	sshll.u32 s1, $0x11  }
0xbc: {  	s0 =	sor.u32 s1, s0  }
0xbd: {  	s0 =	sadd.s32 $0x8F2B, s0  }
0xbe: {  	[sflag:s0] =	ssyncadd.remote.s32 $0x1  }
0xbf: {  	_ =	sfence.sel $0xFFFF  }
0xc0: {  	[dreg:$0x0] =	wrdreg $0xFFFFFFFF;
	(pc) =	sbr.abs _section_cstart, $3  }
0xc1: {  	[dreg:$0x1] =	wrdreg $0xFFFFFFFF  }
0xc2: {  	_ =	task.clear_ibuf [dreg:s7], $0x2FFFF;
	_ =	strace $0x9FFFFFFF  }
0xc3: {  	(tm) =	ssettm $0x7FFFFFFF  }
tec
execute0_lowered:
.L_overlay_start_1:
0x0: {  	(tag) =	ssettag $0x1  }
0x1: {  	s0 =	rddreg [dreg:$0x0]  }
0x2: {  	s1 =	rddreg [dreg:$0x1]  }
0x3: {  	s10 =	rddreg [dreg:$0x2];
	s2 =	simm.s32 $0x0  }
0x4: {  	s4 =	srdreg.scid;
	s14 =	stileid.u32;
	v0 =	vlaneseq.u32;
	s29 =	simm.s32 $0x3  }
0x5: {  	[smem:$0x7FF] =	sst s2;
	s3 =	sadd.s32 $0xCA00, s0;
	s5 =	sand.u32 $0x1, s4;
	v2 =	vor.u32 $0x10, v0  }
0x6: {  	s4 =	sadd.s32 $0x2A00, s0;
	s6 =	sadd.s32 $0x16A00, s0;
	_ =	strace $0x80000047;
	[tilespmem:$0x1FEF0] =	vst v2;
	v2 =	vor.u32 $0x20, v0  }
0x7: {  	s7 =	sadd.s32 $0x296A00, s0;
	s11 =	sadd.s32 $0x2400, s0;
	s25 =	smul.u32 $0x280, s14;
	[tilespmem:$0x1FF00] =	vst v2;
	v2 =	vor.u32 $0x30, v0  }
0x8: {  	s8 =	sshll.u32 s5, $0x4;
	[dreg:$0x4] =	wrdreg s11;
	s11 =	sadd.s32 $0x2AAA00, s0;
	[tilespmem:$0x1FF10] =	vst v2;
	v2 =	vor.u32 $0x40, v0  }
0x9: {  	s23 =	ssub.s32 $0x2, s5;
	s5 =	smul.u32 $0x2800, s5;
	s9 =	sor.u32 s14, s8;
	[tilespmem:$0x1FF20] =	vst v2;
	v2 =	vor.u32 $0x50, v0  }
0xa: {  	p0 =	sne.s32 s14, $0x0;
	s8 =	sadd.s32 $0x2A0A00, s0;
	s15 =	smul.u32 $0x2800, s9;
	[tilespmem:$0x1FF30] =	vst v2;
	v2 =	vor.u32 $0x60, v0  }
0xb: {  	v1 =	vimm.f32 $0.0e+00;
	s12 =	sshrl.u32 s23, $0x1;
	s30 =	sadd.s32 s25, s10;
	s9 =	smul.u32 $0x14000, s9;
	[tilespmem:$0x1FF40] =	vst v2;
	v2 =	vor.u32 $0x70, v0  }
0xc: {  	v19 =	vor.u32 $0x120, v0;
	v20 =	vor.u32 $0x130, v0;
	s0 =	ssub.s32 s23, s12;
	s5 =	sadd.s32 s25, s5;
	s31 =	sshrl.u32 s30, $0x3;
	[tilespmem:$0x1FF50] =	vst v2;
	v2 =	vor.u32 $0x80, v0  }
0xd: {  	v21 =	vor.u32 $0x140, v0;
	v22 =	vor.u32 $0x150, v0;
	s23 =	simm.s32 $0x18A00;
	s12 =	simm.s32 $0x4;
	s5 =	sshrl.u32 s5, $0x3;
	[tilespmem:$0x1FF60] =	vst v2;
	v2 =	vor.u32 $0x90, v0  }
0xe: {  	v23 =	vor.u32 $0x160, v0;
	v24 =	vor.u32 $0x170, v0;
	s0 =	smax.u32 s0, $0x1;
	[dreg:$0xd] =	wrdreg s31;
	s13 =	sshrl.u32 s15, $0x3;
	[tilespmem:$0x1FF70] =	vst v2;
	v2 =	vor.u32 $0xA0, v0  }
0xf: {  	v25 =	vor.u32 $0x180, v0;
	v26 =	vor.u32 $0x190, v0;
	s9 =	sadd.s32 s6, s9;
	s28 =	sor.u32 $0x400, s15;
	[dreg:$0xc] =	wrdreg s0;
	[tilespmem:$0x1FF80] =	vst v2;
	v2 =	vor.u32 $0xB0, v0  }
0x10: {  	v27 =	vor.u32 $0x1A0, v0;
	v28 =	vor.u32 $0x1B0, v0;
	s17 =	smov.u32 s15;
	s18 =	sor.u32 $0x600, s15;
	[dreg:$0x7] =	wrdreg s9;
	[tilespmem:$0x1FF90] =	vst v2;
	v2 =	vor.u32 $0xC0, v0  }
0x11: {  	v29 =	vor.u32 $0x1C0, v0;
	v30 =	vor.u32 $0x1D0, v0;
	s1 =	sadd.s32 s1, s5;
	s15 =	simm.s32 $0x8;
	[dreg:$0xa] =	wrdreg s28;
	[tilespmem:$0x1FFA0] =	vst v2;
	v2 =	vor.u32 $0xD0, v0  }
0x12: {  	v31 =	vor.u32 $0x1E0, v0;
	v32 =	vor.u32 $0x1F0, v0;
	s0 =	simm.s32 $0x2;
	s24 =	sadd.s32 s7, s13;
	[dreg:$0xb] =	wrdreg s1;
	[tilespmem:$0x1FFB0] =	vst v2;
	v2 =	vor.u32 $0xE0, v0  }
0x13: {  	v33 =	vor.u32 $0x200, v0;
	v34 =	vor.u32 $0x210, v0;
	s16 =	sadd.s32 s8, s13;
	s26 =	sor.u32 $0x40, s13;
	[dreg:$0x5] =	wrdreg s24;
	[tilespmem:$0x1FFC0] =	vst v2;
	v2 =	vor.u32 $0xF0, v0  }
0x14: {  	v35 =	vor.u32 $0x220, v0;
	v36 =	vor.u32 $0x230, v0;
	s5 =	simm.s32 $0x7;
	[dreg:$0x6] =	wrdreg s16;
	s13 =	sadd.s32 s7, s26;
	[tilespmem:$0x1FFD0] =	vst v2;
	v2 =	vor.u32 $0x100, v0  }
0x15: {  	v37 =	vor.u32 $0x240, v0;
	v38 =	vor.u32 $0x250, v0;
	s9 =	sadd.s32 s8, s26;
	s26 =	simm.s32 $0x200;
	[dreg:$0x8] =	wrdreg s13;
	[tilespmem:$0x1FFE0] =	vst v2;
	v2 =	vor.u32 $0x110, v0  }
0x16: {  	v39 =	vor.u32 $0x260, v0;
	v40 =	vor.u32 $0x270, v0;
	v41 =	vmul.u32 $0x200, v0;
	[dreg:$0x9] =	wrdreg s9;
	s9 =	simm.s32 $0x1AE00;
	s13 =	simm.s32 $0x0;
	[tilespmem:$0x1FFF0] =	vst v2  }
.LBB2_1:
0x17: {  	[dreg:$0xe] =	wrdreg s13  }
0x18: {  	s1 =	rddreg [dreg:$0x4];
	s31 =	simm.s32 $0x1D880  }
0x19: {  	[tilespmem:s31], [sflag:$0x8] =	stream.linear.gather [hbm4b:s1+s2], $0x40, $0x38;
	[tilespmem:$0x1DB40] =	vst v63  }
0x1a: {  	_ =	swait.ge [sflag:s15], $0x40  }
0x1b: {  	[sflag:s15] =	ssyncset.done $0x0  }
0x1c: {  	[sflag:s15] =	ssyncadd.s32 $0xFFFFFFC0  }
0x1d: {  	v42 =	vld [tilespmem:$0x1D880]  }
0x1e: {  	v44 =	vld [tilespmem:$0x1D8A0]  }
0x1f: {  	v45 =	vld [tilespmem:$0x1D8B0]  }
0x20: {  	s13 =	simm.s32 $0x0;
	s1 =	simm.s32 $0x40;
	v43 =	vld [tilespmem:$0x1D890]  }
.LBB2_2:
0x21: {  	p1 =	sne.s32 s1, $0x9FC0;
	[tilespmem:s13+$0x1AE00] =	vst v1;
	s13 =	smov.u32 s1;
	s1 =	sadd.s32 $0x40, s1  }
.Ltmp0:
0x22: {  	(pc) =	sbr.rel @p1 .LBB2_2-.Ltmp0, $2  }
0x23: {  	_ =	sdelay $0x2  }
0x24: {  	s13 =	sshra.s32 s13, $0x2  }
0x25: {  	[tilespmem:s13+$0x1AE00] =	vst v1  }
0x26: {  	v2 =	vld [tilespmem:$0x1FEF0];
	_ =	sdelay $0x4  }
0x27: {  	[tilespmem:$0x1D610] =	vst v2;
	v2 =	vld [tilespmem:$0x1FF00];
	_ =	sdelay $0x4  }
0x28: {  	[tilespmem:$0x1D620] =	vst v2;
	v2 =	vld [tilespmem:$0x1FF10];
	_ =	sdelay $0x4  }
0x29: {  	[tilespmem:$0x1D630] =	vst v2;
	v2 =	vld [tilespmem:$0x1FF20];
	_ =	sdelay $0x4  }
0x2a: {  	[tilespmem:$0x1D640] =	vst v2;
	v2 =	vld [tilespmem:$0x1FF30];
	_ =	sdelay $0x4  }
0x2b: {  	[tilespmem:$0x1D650] =	vst v2;
	v2 =	vld [tilespmem:$0x1FF40];
	_ =	sdelay $0x4  }
0x2c: {  	[tilespmem:$0x1D660] =	vst v2;
	v2 =	vld [tilespmem:$0x1FF50];
	_ =	sdelay $0x4  }
0x2d: {  	[tilespmem:$0x1D670] =	vst v2;
	v2 =	vld [tilespmem:$0x1FF60];
	_ =	sdelay $0x4  }
0x2e: {  	[tilespmem:$0x1D680] =	vst v2;
	v2 =	vld [tilespmem:$0x1FF70];
	_ =	sdelay $0x4  }
0x2f: {  	[tilespmem:$0x1D690] =	vst v2;
	v2 =	vld [tilespmem:$0x1FF80];
	_ =	sdelay $0x4  }
0x30: {  	[tilespmem:$0x1D6A0] =	vst v2;
	v2 =	vld [tilespmem:$0x1FF90];
	_ =	sdelay $0x4  }
0x31: {  	[tilespmem:$0x1D6B0] =	vst v2;
	v2 =	vld [tilespmem:$0x1FFA0];
	_ =	sdelay $0x1  }
0x32: {  	[tilespmem:$0x1D600] =	vst v0  }
0x33: {  	[tilespmem:$0x1D720] =	vst v19  }
0x34: {  	[tilespmem:$0x1D730] =	vst v20  }
0x35: {  	[tilespmem:$0x1D6C0] =	vst v2;
	v2 =	vld [tilespmem:$0x1FFB0]  }
0x36: {  	[tilespmem:$0x1D740] =	vst v21  }
0x37: {  	[tilespmem:$0x1D750] =	vst v22  }
0x38: {  	[tilespmem:$0x1D760] =	vst v23  }
0x39: {  	[tilespmem:$0x1D770] =	vst v24  }
0x3a: {  	[tilespmem:$0x1D6D0] =	vst v2;
	v2 =	vld [tilespmem:$0x1FFC0]  }
0x3b: {  	[tilespmem:$0x1D780] =	vst v25  }
0x3c: {  	[tilespmem:$0x1D790] =	vst v26  }
0x3d: {  	[tilespmem:$0x1D7A0] =	vst v27  }
0x3e: {  	[tilespmem:$0x1D7B0] =	vst v28  }
0x3f: {  	[tilespmem:$0x1D6E0] =	vst v2;
	v2 =	vld [tilespmem:$0x1FFD0]  }
0x40: {  	[tilespmem:$0x1D7C0] =	vst v29  }
0x41: {  	[tilespmem:$0x1D7D0] =	vst v30  }
0x42: {  	[tilespmem:$0x1D7E0] =	vst v31  }
0x43: {  	[tilespmem:$0x1D7F0] =	vst v32  }
0x44: {  	[tilespmem:$0x1D6F0] =	vst v2;
	v2 =	vld [tilespmem:$0x1FFE0]  }
0x45: {  	[tilespmem:$0x1D800] =	vst v33  }
0x46: {  	[tilespmem:$0x1D810] =	vst v34  }
0x47: {  	[tilespmem:$0x1D820] =	vst v35  }
0x48: {  	[tilespmem:$0x1D830] =	vst v36  }
0x49: {  	[tilespmem:$0x1D700] =	vst v2;
	v2 =	vld [tilespmem:$0x1FFF0]  }
0x4a: {  	[tilespmem:$0x1D840] =	vst v37  }
0x4b: {  	[tilespmem:$0x1D850] =	vst v38  }
0x4c: {  	[tilespmem:$0x1D860] =	vst v39  }
0x4d: {  	[tilespmem:$0x1D870] =	vst v40  }
0x4e: {  	s1 =	simm.s32 @!p0 $0x1AE00;
	[tilespmem:$0x1D710] =	vst v2  }
0x4f: {  	[spmem:s10] =	stream.linear.scatter @!p0 [tilespmem:s1], [sflag:$0x8], $0x2800, $0x38;
	[tilespmem:$0x1DB40] =	vst v63  }
0x50: {  	s1 =	simm.s32 @!p0 $0x8  }
0x51: {  	_ =	swait.ge @!p0 [sflag:s1], $0x2800  }
0x52: {  	[sflag:s1] =	ssyncset.done @!p0 $0x0  }
0x53: {  	[sflag:s1] =	ssyncadd.s32 @!p0 $0xFFFFD800  }
0x54: {  	[bflag:$0x0] =	sbarrier.arrive $0xFFFF  }
0x55: {  	s14 =	simm.s32 $0x0;
	s15 =	rddreg [dreg:$0x5]  }
0x56: {  	[tilespmem:s14], [sflag:$0x1] =	stream.linear.gather [hbm4b:s15+s14], $0x200, $0x38;
	[tilespmem:$0x1DB40] =	vst v63  }
0x57: {  	s19 =	simm.s32 $0x400;
	s20 =	simm.s32 $0x1;
	s16 =	rddreg [dreg:$0x6]  }
0x58: {  	[tilespmem:s19], [sflag:$0x1] =	stream.linear.gather [hbm4b:s16+s14], $0x200, $0x38;
	[tilespmem:$0x1DB40] =	vst v63  }
0x59: {  	_ =	swait.ge [sflag:s20], $0x200  }
0x5a: {  	[sflag:s20] =	ssyncset.done $0x0  }
0x5b: {  	[sflag:s20] =	ssyncadd.s32 $0xFFFFFE00  }
0x5c: {  	_ =	swait.ge [sflag:s20], $0x200  }
0x5d: {  	[sflag:s20] =	ssyncset.done $0x0  }
0x5e: {  	s21 =	simm.s32 $0xA00;
	[sflag:s20] =	ssyncadd.s32 $0xFFFFFE00  }
0x5f: {  	[tilespmem:s21], [sflag:$0x3] =	stream.indirect.gather [hbm4b:s3+s26], $0x20, s14, s26, $0xb8;
	[tilespmem:$0x1DB40] =	vst v63  }
0x60: {  	s22 =	simm.s32 $0x8A00  }
0x61: {  	[tilespmem:s22], [sflag:$0x3] =	stream.indirect.gather [hbm4b:s4+s26], $0x20, s19, s26, $0xb8;
	[tilespmem:$0x1DB40] =	vst v63  }
0x62: {  	s25 =	simm.s32 $0x10A00;
	s24 =	rddreg [dreg:$0x7]  }
0x63: {  	[tilespmem:s25], [sflag:$0x7] =	stream.linear.gather [hbm4b:s24+s14], $0x8000, $0x38;
	[tilespmem:$0x1DB40] =	vst v63  }
0x64: {  	s28 =	rddreg [dreg:$0x8]  }
0x65: {  	[tilespmem:s26], [sflag:$0x2] =	stream.linear.gather [hbm4b:s28+s14], $0x200, $0x38;
	[tilespmem:$0x1DB40] =	vst v63  }
0x66: {  	s31 =	simm.s32 $0x600;
	v46 =	vadd.f32 v42, v42;
	v49 =	vadd.f32 v45, v45;
	s30 =	rddreg [dreg:$0x9];
	s25 =	simm.s32 $0x0  }
0x67: {  	v47 =	vadd.f32 v43, v43;
	v48 =	vadd.f32 v44, v44;
	[tilespmem:s31], [sflag:$0x2] =	stream.linear.gather [hbm4b:s30+s14], $0x200, $0x38;
	[tilespmem:$0x1DB40] =	vst v63  }
.LBB2_4:
0x68: {  	_ =	swait.ge [sflag:s0], $0x200  }
0x69: {  	[sflag:s0] =	ssyncset.done $0x0  }
0x6a: {  	[sflag:s0] =	ssyncadd.s32 $0xFFFFFE00  }
0x6b: {  	_ =	swait.ge [sflag:s0], $0x200  }
0x6c: {  	[sflag:s0] =	ssyncset.done $0x0  }
0x6d: {  	s1 =	simm.s32 $0x4A00;
	[sflag:s0] =	ssyncadd.s32 $0xFFFFFE00  }
0x6e: {  	[tilespmem:s1], [sflag:$0x4] =	stream.indirect.gather [hbm4b:s3+s26], $0x20, s26, s26, $0xb8;
	[tilespmem:$0x1DB40] =	vst v63  }
0x6f: {  	s22 =	simm.s32 $0x600;
	s10 =	simm.s32 $0xCA00  }
0x70: {  	[tilespmem:s10], [sflag:$0x4] =	stream.indirect.gather [hbm4b:s4+s26], $0x20, s22, s26, $0xb8;
	[tilespmem:$0x1DB40] =	vst v63  }
0x71: {  	_ =	swait.ge [sflag:s29], $0x4000  }
0x72: {  	[sflag:s29] =	ssyncset.done $0x0  }
0x73: {  	[sflag:s29] =	ssyncadd.s32 $0xFFFFC000  }
0x74: {  	_ =	swait.ge [sflag:s29], $0x4000  }
0x75: {  	[sflag:s29] =	ssyncset.done $0x0  }
0x76: {  	[sflag:s29] =	ssyncadd.s32 $0xFFFFC000  }
0x77: {  	_ =	swait.ge [sflag:s5], $0x8000  }
0x78: {  	p2 =	seq.s32 s25, $0x0;
	[sflag:s5] =	ssyncset.done $0x0  }
0x79: {  	s1 =	simm.s32 @!p2 $0x5;
	[sflag:s5] =	ssyncadd.s32 $0xFFFF8000  }
0x7a: {  	_ =	swait.ge @!p2 [sflag:s1], $0x200  }
0x7b: {  	[sflag:s1] =	ssyncset.done @!p2 $0x0  }
0x7c: {  	[sflag:s1] =	ssyncadd.s32 @!p2 $0xFFFFFE00  }
0x7d: {  	v2 =	vld [tilespmem:$0x0]  }
0x7e: {  	v3 =	vld [tilespmem:$0x10]  }
0x7f: {  	v4 =	vld [tilespmem:$0x20]  }
0x80: {  	v5 =	vld [tilespmem:$0x30]  }
0x81: {  	v6 =	vld [tilespmem:$0x40]  }
0x82: {  	[tilespmem:$0x800] =	vst v2;
	v2 =	vld [tilespmem:$0x50]  }
0x83: {  	[tilespmem:$0x810] =	vst v3;
	v3 =	vld [tilespmem:$0x60]  }
0x84: {  	[tilespmem:$0x820] =	vst v4;
	v4 =	vld [tilespmem:$0x70]  }
0x85: {  	[tilespmem:$0x830] =	vst v5;
	v5 =	vld [tilespmem:$0x80]  }
0x86: {  	[tilespmem:$0x840] =	vst v6;
	v6 =	vld [tilespmem:$0x90]  }
0x87: {  	[tilespmem:$0x850] =	vst v2;
	v2 =	vld [tilespmem:$0xA0]  }
0x88: {  	[tilespmem:$0x860] =	vst v3;
	v3 =	vld [tilespmem:$0xB0]  }
0x89: {  	[tilespmem:$0x870] =	vst v4;
	v4 =	vld [tilespmem:$0xC0]  }
0x8a: {  	[tilespmem:$0x880] =	vst v5;
	v5 =	vld [tilespmem:$0xD0]  }
0x8b: {  	[tilespmem:$0x890] =	vst v6;
	v6 =	vld [tilespmem:$0xE0]  }
0x8c: {  	[tilespmem:$0x8A0] =	vst v2;
	v2 =	vld [tilespmem:$0xF0]  }
0x8d: {  	[tilespmem:$0x8B0] =	vst v3;
	v3 =	vld [tilespmem:$0x100]  }
0x8e: {  	[tilespmem:$0x8C0] =	vst v4;
	v4 =	vld [tilespmem:$0x110]  }
0x8f: {  	[tilespmem:$0x8D0] =	vst v5;
	v5 =	vld [tilespmem:$0x120]  }
0x90: {  	[tilespmem:$0x8E0] =	vst v6;
	v6 =	vld [tilespmem:$0x130]  }
0x91: {  	[tilespmem:$0x8F0] =	vst v2;
	v2 =	vld [tilespmem:$0x140]  }
0x92: {  	[tilespmem:$0x900] =	vst v3;
	v3 =	vld [tilespmem:$0x150]  }
0x93: {  	[tilespmem:$0x910] =	vst v4;
	v4 =	vld [tilespmem:$0x160]  }
0x94: {  	[tilespmem:$0x920] =	vst v5;
	v5 =	vld [tilespmem:$0x170]  }
0x95: {  	[tilespmem:$0x930] =	vst v6;
	v6 =	vld [tilespmem:$0x180]  }
0x96: {  	[tilespmem:$0x940] =	vst v2;
	v2 =	vld [tilespmem:$0x190]  }
0x97: {  	[tilespmem:$0x950] =	vst v3;
	v3 =	vld [tilespmem:$0x1A0]  }
0x98: {  	[tilespmem:$0x960] =	vst v4;
	v4 =	vld [tilespmem:$0x1B0]  }
0x99: {  	[tilespmem:$0x970] =	vst v5;
	v5 =	vld [tilespmem:$0x1C0]  }
0x9a: {  	[tilespmem:$0x980] =	vst v6;
	v6 =	vld [tilespmem:$0x1D0]  }
0x9b: {  	[tilespmem:$0x990] =	vst v2;
	v2 =	vld [tilespmem:$0x1E0]  }
0x9c: {  	[tilespmem:$0x9A0] =	vst v3;
	v3 =	vld [tilespmem:$0x1F0]  }
0x9d: {  	[tilespmem:$0x9B0] =	vst v4  }
0x9e: {  	[tilespmem:$0x9C0] =	vst v5  }
0x9f: {  	[tilespmem:$0x9D0] =	vst v6  }
0xa0: {  	[tilespmem:$0x9E0] =	vst v2  }
0xa1: {  	s15 =	simm.s32 $0xA40;
	[tilespmem:$0x9F0] =	vst v3  }
0xa2: {  	s13 =	simm.s32 $0x8A40;
	v2 =	vld [tilespmem:s15+$0x0]  }
0xa3: {  	s24 =	simm.s32 $0x10A80;
	v3 =	vld [tilespmem:s13+$0x0]  }
0xa4: {  	v4 =	vld [tilespmem:s24+$0x0]  }
0xa5: {  	v5 =	vld [tilespmem:s15+$0x10]  }
0xa6: {  	v6 =	vld [tilespmem:s13+$0x10]  }
0xa7: {  	v7 =	vld [tilespmem:s24+$0x10]  }
0xa8: {  	v8 =	vshll.u32 v2, $0x10;
	v9 =	vshll.u32 v3, $0x10  }
0xa9: {  	v2 =	vand.u32 $0xFFFF0000, v2;
	v3 =	vand.u32 $0xFFFF0000, v3;
	v8 =	vadd.f32 v9, v8;
	v9 =	vld [tilespmem:s24+$0x20]  }
0xaa: {  	v2 =	vadd.f32 v3, v2  }
0xab: {  	v3 =	vadd.f32 v8, v4;
	v4 =	vshll.u32 v5, $0x10;
	v8 =	vshll.u32 v6, $0x10  }
0xac: {  	v10 =	vld [tilespmem:s24+$0x30];
	v2 =	vadd.f32 v2, v7;
	v4 =	vadd.f32 v8, v4  }
0xad: {  	v7 =	vld [tilespmem:s13+$0xFFFFFFC0];
	v5 =	vand.u32 $0xFFFF0000, v5;
	v3 =	vmul.f32 $1.442695020e+00, v3  }
0xae: {  	v6 =	vand.u32 $0xFFFF0000, v6;
	v8 =	vld [tilespmem:s15+$0xFFFFFFC0];
	v2 =	vmul.f32 $1.442695020e+00, v2;
	v4 =	vadd.f32 v4, v9  }
0xaf: {  	v5 =	vadd.f32 v6, v5;
	(erf) = vpow2.f32 v3  }
0xb0: {  	(erf) = vpow2.f32 v2;
	v2 =	vmul.f32 $1.442695020e+00, v4  }
0xb1: {  	v3 =	vadd.f32 v5, v10;
	v4 =	vld [tilespmem:s24+$0xFFFFFF80]  }
0xb2: {  	(erf) = vpow2.f32 v2  }
0xb3: {  	v5 =	vshll.u32 v7, $0x10;
	v3 =	vmul.f32 $1.442695020e+00, v3;
	v2 =	vshll.u32 v8, $0x10  }
0xb4: {  	v2 =	vadd.f32 v5, v2  }
0xb5: {  	(erf) = vpow2.f32 v3;
	v3 =	vld [tilespmem:s24+$0xFFFFFF90]  }
0xb6: {  	v5 =	vand.u32 $0xFFFF0000, v7;
	v2 =	vadd.f32 v2, v4;
	v4 =	vand.u32 $0xFFFF0000, v8  }
0xb7: {  	v4 =	vadd.f32 v5, v4  }
0xb8: {  	v2 =	vmul.f32 $1.442695020e+00, v2;
	v6 =	vpop (erf)  }
0xb9: {  	v5 =	vadd.f32 $1.000000000e+00, v6  }
0xba: {  	v3 =	vadd.f32 v4, v3;
	v6 =	vpop (erf);
	(erf) = vpow2.f32 v2  }
0xbb: {  	v2 =	vadd.f32 $1.000000000e+00, v6;
	(erf) = vrcp.f32 v5;
	v4 =	vpop (erf)  }
0xbc: {  	v4 =	vadd.f32 $1.000000000e+00, v4  }
0xbd: {  	(erf) = vrcp.f32 v2  }
0xbe: {  	v2 =	vmul.f32 $1.442695020e+00, v3;
	v3 =	vpop (erf);
	(erf) = vrcp.f32 v4;
	v4 =	vld [tilespmem:s13+$0xFFFFFFD0]  }
0xbf: {  	v3 =	vadd.f32 $1.000000000e+00, v3  }
0xc0: {  	v5 =	vld [tilespmem:s15+$0xFFFFFFD0];
	(erf) = vpow2.f32 v2  }
0xc1: {  	(erf) = vrcp.f32 v3;
	_ =	sdelay $0x1  }
0xc2: {  	v2 =	vld [tilespmem:s24+$0xFFFFFFA0];
	v3 =	vpop (erf);
	v8 =	vshll.u32 v4, $0x10  }
0xc3: {  	v9 =	vpop (erf)  }
0xc4: {  	v6 =	vld [tilespmem:s24+$0xFFFFFFB0];
	v7 =	vshll.u32 v5, $0x10;
	v5 =	vand.u32 $0xFFFF0000, v5;
	v9 =	vmul.f32 v9, v46  }
0xc5: {  	v7 =	vadd.f32 v8, v7;
	v8 =	vpop (erf)  }
0xc6: {  	v4 =	vand.u32 $0xFFFF0000, v4;
	v8 =	vmul.f32 v8, v47  }
0xc7: {  	v4 =	vadd.f32 v4, v5;
	v2 =	vadd.f32 v7, v2;
	v5 =	vpop (erf)  }
0xc8: {  	v7 =	vsub.f32 v42, v9;
	v5 =	vmul.f32 v5, v48;
	v8 =	vsub.f32 v43, v8;
	v9 =	vpop (erf)  }
0xc9: {  	v4 =	vadd.f32 v4, v6;
	v2 =	vmul.f32 $1.442695020e+00, v2;
	v6 =	vpop (erf)  }
0xca: {  	s14 =	simm.s32 $0x2;
	v5 =	vsub.f32 v44, v5;
	v7 =	vadd.f32 v8, v7;
	v6 =	vmul.f32 v6, v49  }
0xcb: {  	v8 =	vor.u32 s14, v41  }
0xcc: {  	(erf) = vpow2.f32 v2;
	v2 =	vadd.f32 v5, v7;
	v5 =	vsub.f32 v45, v6;
	_ =	sdelay $0x1  }
0xcd: {  	v4 =	vmul.f32 $1.442695020e+00, v4;
	v2 =	vadd.f32 v2, v5;
	_ =	sdelay $0x1  }
0xce: {  	v3 =	vadd.f32 $1.000000000e+00, v3;
	(erf) = vpow2.f32 v4;
	[tilespmem:v8+s23+$0x0] =	vst.idx.msk $0xffff, v2  }
0xcf: {  	v2 =	vld [tilespmem:s15+$0x20]  }
0xd0: {  	(erf) = vrcp.f32 v3;
	v3 =	vadd.f32 $1.000000000e+00, v9;
	v4 =	vld [tilespmem:s13+$0x20]  }
0xd1: {  	v5 =	vld [tilespmem:s24+$0x40]  }
0xd2: {  	(erf) = vrcp.f32 v3;
	v3 =	vld [tilespmem:s15+$0x30]  }
0xd3: {  	v7 =	vld [tilespmem:s13+$0x30]  }
0xd4: {  	v9 =	vld [tilespmem:s24+$0x50];
	v6 =	vpop (erf)  }
0xd5: {  	v6 =	vadd.f32 $1.000000000e+00, v6;
	v10 =	vshll.u32 v2, $0x10;
	v50 =	vshll.u32 v4, $0x10  }
0xd6: {  	v2 =	vand.u32 $0xFFFF0000, v2;
	v4 =	vand.u32 $0xFFFF0000, v4;
	v10 =	vadd.f32 v50, v10  }
0xd7: {  	v13 =	vld [tilespmem:s24+$0x60];
	v8 =	vpop (erf);
	v2 =	vadd.f32 v4, v2  }
0xd8: {  	v14 =	vld [tilespmem:s24+$0x70];
	v8 =	vadd.f32 $1.000000000e+00, v8;
	(erf) = vrcp.f32 v6;
	v4 =	vadd.f32 v10, v5  }
0xd9: {  	s19 =	simm.s32 $0x8AC0;
	v5 =	vshll.u32 v3, $0x10;
	v10 =	vshll.u32 v7, $0x10;
	v2 =	vadd.f32 v2, v9  }
0xda: {  	s21 =	simm.s32 $0xAC0;
	v9 =	vld [tilespmem:s19+$0x0];
	v3 =	vand.u32 $0xFFFF0000, v3;
	v7 =	vand.u32 $0xFFFF0000, v7;
	v5 =	vadd.f32 v10, v5  }
0xdb: {  	v51 =	vpop (erf);
	(erf) = vrcp.f32 v8;
	v8 =	vld [tilespmem:s21+$0x0];
	v3 =	vadd.f32 v7, v3;
	v4 =	vmul.f32 $1.442695020e+00, v4  }
0xdc: {  	v15 =	vld [tilespmem:s19+$0x10];
	s14 =	simm.s32 $0x10B80;
	v6 =	vmul.f32 v51, v46;
	v2 =	vmul.f32 $1.442695020e+00, v2;
	v10 =	vpop (erf);
	v5 =	vadd.f32 v5, v13  }
0xdd: {  	v52 =	vld [tilespmem:s14+$0x0];
	v3 =	vadd.f32 v3, v14;
	v7 =	vmul.f32 v10, v47;
	(erf) = vpow2.f32 v4  }
0xde: {  	v4 =	vld [tilespmem:s21+$0x10];
	v5 =	vmul.f32 $1.442695020e+00, v5;
	(erf) = vpow2.f32 v2;
	v2 =	vsub.f32 v42, v6  }
0xdf: {  	v55 =	vshll.u32 v9, $0x10;
	v3 =	vmul.f32 $1.442695020e+00, v3;
	v6 =	vsub.f32 v43, v7  }
0xe0: {  	v9 =	vand.u32 $0xFFFF0000, v9;
	v7 =	vshll.u32 v8, $0x10;
	v8 =	vand.u32 $0xFFFF0000, v8  }
0xe1: {  	v10 =	vld [tilespmem:s14+$0x10];
	(erf) = vpow2.f32 v5;
	v7 =	vadd.f32 v55, v7;
	v2 =	vadd.f32 v6, v2  }
0xe2: {  	v6 =	vadd.f32 v9, v8;
	(erf) = vpow2.f32 v3;
	v9 =	vshll.u32 v15, $0x10  }
0xe3: {  	v3 =	vadd.f32 v7, v52;
	v7 =	vand.u32 $0xFFFF0000, v4;
	v4 =	vshll.u32 v4, $0x10  }
0xe4: {  	v8 =	vld [tilespmem:s14+$0x20];
	v4 =	vadd.f32 v9, v4;
	v9 =	vand.u32 $0xFFFF0000, v15  }
0xe5: {  	v5 =	vpop (erf)  }
0xe6: {  	v6 =	vadd.f32 v6, v10;
	v10 =	vld [tilespmem:s14+$0x30];
	v56 =	vpop (erf);
	v3 =	vmul.f32 $1.442695020e+00, v3  }
0xe7: {  	v57 =	vld [tilespmem:s21+$0xFFFFFFC0];
	v7 =	vadd.f32 v9, v7;
	v9 =	vpop (erf)  }
0xe8: {  	v59 =	vld [tilespmem:s19+$0xFFFFFFC0];
	v6 =	vmul.f32 $1.442695020e+00, v6;
	(erf) = vpow2.f32 v3;
	v3 =	vadd.f32 $1.000000000e+00, v9  }
0xe9: {  	v5 =	vmul.f32 v5, v48;
	v4 =	vadd.f32 v4, v8;
	v8 =	vpop (erf)  }
0xea: {  	v58 =	vmul.f32 v56, v49;
	(erf) = vpow2.f32 v6;
	v6 =	vadd.f32 $1.000000000e+00, v8  }
0xeb: {  	v5 =	vsub.f32 v44, v5;
	v8 =	vld [tilespmem:s14+$0xFFFFFF80];
	v7 =	vadd.f32 v7, v10;
	(erf) = vrcp.f32 v3  }
0xec: {  	v9 =	vshll.u32 v57, $0x10;
	v4 =	vmul.f32 $1.442695020e+00, v4;
	(erf) = vrcp.f32 v6;
	v3 =	vpop (erf)  }
0xed: {  	s16 =	simm.s32 $0x0;
	v6 =	vshll.u32 v59, $0x10;
	v7 =	vmul.f32 $1.442695020e+00, v7;
	v3 =	vadd.f32 $1.000000000e+00, v3  }
0xee: {  	(erf) = vpow2.f32 v4;
	v4 =	vor.u32 s16, v41;
	v6 =	vadd.f32 v6, v9  }
0xef: {  	v2 =	vadd.f32 v5, v2;
	v5 =	vld [tilespmem:s21+$0xFFFFFFD0];
	v9 =	vpop (erf);
	(erf) = vrcp.f32 v3;
	v3 =	vsub.f32 v45, v58  }
0xf0: {  	v6 =	vadd.f32 v6, v8;
	v8 =	vadd.f32 $1.000000000e+00, v9;
	(erf) = vpow2.f32 v7;
	v7 =	vld [tilespmem:s19+$0xFFFFFFD0]  }
0xf1: {  	v2 =	vadd.f32 v2, v3;
	v3 =	vld [tilespmem:s14+$0xFFFFFF90]  }
0xf2: {  	v6 =	vmul.f32 $1.442695020e+00, v6  }
0xf3: {  	v10 =	vand.u32 $0xFFFF0000, v59;
	v9 =	vpop (erf);
	(erf) = vrcp.f32 v8;
	[tilespmem:v4+s23+$0x0] =	vst.idx.msk $0xffff, v2;
	v4 =	vand.u32 $0xFFFF0000, v57  }
0xf4: {  	v9 =	vadd.f32 $1.000000000e+00, v9;
	v8 =	vpop (erf);
	(erf) = vpow2.f32 v6;
	v4 =	vadd.f32 v10, v4  }
0xf5: {  	v61 =	vshll.u32 v5, $0x10;
	v2 =	vld [tilespmem:s14+$0xFFFFFFA0];
	v8 =	vadd.f32 $1.000000000e+00, v8;
	v62 =	vshll.u32 v7, $0x10  }
0xf6: {  	v54 =	vld [tilespmem:s14+$0xFFFFFFB0];
	v6 =	vpop (erf);
	v3 =	vadd.f32 v4, v3;
	v4 =	vadd.f32 v62, v61  }
0xf7: {  	v60 =	vld [tilespmem:s15+$0xFFFFFFE0];
	v53 =	vpop (erf)  }
0xf8: {  	v5 =	vand.u32 $0xFFFF0000, v5;
	v10 =	vld [tilespmem:s13+$0xFFFFFFE0];
	(erf) = vrcp.f32 v9;
	v7 =	vand.u32 $0xFFFF0000, v7;
	v9 =	vpop (erf)  }
0xf9: {  	(erf) = vrcp.f32 v8;
	v5 =	vadd.f32 v7, v5;
	v9 =	vadd.f32 $1.000000000e+00, v9;
	v8 =	vpop (erf)  }
0xfa: {  	v3 =	vmul.f32 $1.442695020e+00, v3;
	v2 =	vadd.f32 v4, v2;
	v4 =	vpop (erf)  }
0xfb: {  	v63 =	vld [tilespmem:s24+$0xFFFFFFC0];
	v5 =	vadd.f32 v5, v54;
	(erf) = vrcp.f32 v9;
	v4 =	vadd.f32 $1.000000000e+00, v4  }
0xfc: {  	v7 =	vshll.u32 v60, $0x10;
	(erf) = vpow2.f32 v3;
	v2 =	vmul.f32 $1.442695020e+00, v2;
	v12 =	vpop (erf)  }
0xfd: {  	v9 =	vshll.u32 v10, $0x10;
	v3 =	vld [tilespmem:s24+$0xFFFFFFD0];
	v5 =	vmul.f32 $1.442695020e+00, v5;
	v13 =	vpop (erf);
	(erf) = vrcp.f32 v4  }
0xfe: {  	v7 =	vadd.f32 v9, v7;
	v9 =	vld [tilespmem:s15+$0xFFFFFFF0];
	(erf) = vpow2.f32 v2;
	v2 =	vadd.f32 $1.000000000e+00, v13  }
0xff: {  	v6 =	vmul.f32 v6, v46;
	v10 =	vand.u32 $0xFFFF0000, v10;
	v4 =	vand.u32 $0xFFFF0000, v60  }
0x100: {  	s20 =	simm.s32 $0x6;
	v14 =	vmul.f32 v53, v47;
	v7 =	vadd.f32 v7, v63;
	v4 =	vadd.f32 v10, v4  }
0x101: {  	v6 =	vsub.f32 v42, v6;
	v60 =	vor.u32 s20, v41;
	v10 =	vld [tilespmem:s13+$0xFFFFFFF0];
	(erf) = vpow2.f32 v5;
	v5 =	vpop (erf)  }
0x102: {  	(erf) = vrcp.f32 v2;
	v3 =	vadd.f32 v4, v3;
	v4 =	vmul.f32 $1.442695020e+00, v7;
	v2 =	vpop (erf)  }
0x103: {  	v15 =	vshll.u32 v9, $0x10;
	v5 =	vmul.f32 v5, v46;
	v2 =	vmul.f32 v2, v47  }
0x104: {  	v7 =	vsub.f32 v43, v14;
	v3 =	vmul.f32 $1.442695020e+00, v3;
	(erf) = vpow2.f32 v4;
	v56 =	vpop (erf)  }
0x105: {  	v58 =	vld [tilespmem:s24+$0xFFFFFFE0];
	v4 =	vsub.f32 v42, v5;
	v5 =	vmul.f32 v56, v48;
	v57 =	vpop (erf);
	v2 =	vsub.f32 v43, v2  }
0x106: {  	v59 =	vshll.u32 v10, $0x10;
	(erf) = vpow2.f32 v3;
	v52 =	vadd.f32 $1.000000000e+00, v57;
	v55 =	vpop (erf)  }
0x107: {  	v3 =	vsub.f32 v44, v5;
	v2 =	vadd.f32 v2, v4;
	v4 =	vmul.f32 v55, v49  }
0x108: {  	v61 =	vld [tilespmem:s24+$0xFFFFFFF0];
	v6 =	vadd.f32 v7, v6;
	v7 =	vand.u32 $0xFFFF0000, v9;
	v5 =	vadd.f32 v59, v15  }
0x109: {  	(erf) = vrcp.f32 v52;
	v2 =	vadd.f32 v3, v2;
	v3 =	vsub.f32 v45, v4  }
0x10a: {  	v5 =	vadd.f32 v5, v58;
	v4 =	vmul.f32 v8, v48;
	v8 =	vand.u32 $0xFFFF0000, v10  }
0x10b: {  	v9 =	vpop (erf);
	v2 =	vadd.f32 v2, v3;
	v3 =	vadd.f32 v8, v7  }
0x10c: {  	v7 =	vadd.f32 $1.000000000e+00, v9;
	v4 =	vsub.f32 v44, v4  }
0x10d: {  	v8 =	vmul.f32 v12, v49;
	v9 =	vpop (erf);
	[tilespmem:v60+s23+$0x0] =	vst.idx.msk $0xffff, v2;
	v3 =	vadd.f32 v3, v61  }
0x10e: {  	v2 =	vmul.f32 $1.442695020e+00, v5;
	v5 =	vpop (erf);
	(erf) = vrcp.f32 v7;
	v4 =	vadd.f32 v4, v6;
	v7 =	vld [tilespmem:s21+$0x20]  }
0x10f: {  	v6 =	vadd.f32 $1.000000000e+00, v9;
	v8 =	vsub.f32 v45, v8;
	v10 =	vld [tilespmem:s19+$0x20];
	v5 =	vmul.f32 v5, v46  }
0x110: {  	v9 =	vpop (erf);
	v51 =	vld [tilespmem:s14+$0x40];
	(erf) = vpow2.f32 v2;
	v2 =	vmul.f32 $1.442695020e+00, v3  }
0x111: {  	v53 =	vadd.f32 v4, v8;
	v4 =	vld [tilespmem:s19+$0x30];
	(erf) = vrcp.f32 v6;
	v6 =	vadd.f32 $1.000000000e+00, v9;
	v3 =	vpop (erf)  }
0x112: {  	v9 =	vld [tilespmem:s21+$0x30];
	v5 =	vsub.f32 v42, v5;
	(erf) = vpow2.f32 v2;
	v62 =	vpop (erf)  }
0x113: {  	v3 =	vadd.f32 $1.000000000e+00, v3;
	(erf) = vrcp.f32 v6;
	v6 =	vld [tilespmem:s14+$0x50];
	v2 =	vmul.f32 v62, v47  }
0x114: {  	v8 =	vshll.u32 v7, $0x10;
	v63 =	vshll.u32 v10, $0x10;
	v7 =	vand.u32 $0xFFFF0000, v7  }
0x115: {  	v12 =	vld [tilespmem:s14+$0x60];
	v10 =	vand.u32 $0xFFFF0000, v10;
	v8 =	vadd.f32 v63, v8;
	(erf) = vrcp.f32 v3  }
0x116: {  	v13 =	vld [tilespmem:s14+$0x70];
	v3 =	vadd.f32 v10, v7;
	v10 =	vshll.u32 v4, $0x10;
	v2 =	vsub.f32 v43, v2  }
0x117: {  	v4 =	vand.u32 $0xFFFF0000, v4;
	v7 =	vadd.f32 v8, v51;
	v8 =	vshll.u32 v9, $0x10  }
0x118: {  	s16 =	simm.s32 $0x8B40;
	v9 =	vand.u32 $0xFFFF0000, v9;
	v2 =	vadd.f32 v2, v5;
	v3 =	vadd.f32 v3, v6  }
0x119: {  	s15 =	simm.s32 $0xB40;
	v5 =	vpop (erf);
	v6 =	vadd.f32 v10, v8;
	v10 =	vld [tilespmem:s16+$0x0];
	v4 =	vadd.f32 v4, v9  }
0x11a: {  	v14 =	vld [tilespmem:s15+$0x0];
	v5 =	vmul.f32 v5, v48;
	v7 =	vmul.f32 $1.442695020e+00, v7;
	v8 =	vpop (erf)  }
0x11b: {  	s1 =	simm.s32 $0x10C80;
	v3 =	vmul.f32 $1.442695020e+00, v3;
	v6 =	vadd.f32 v6, v12;
	v4 =	vadd.f32 v4, v13;
	v15 =	vpop (erf)  }
0x11c: {  	v56 =	vld [tilespmem:s1+$0x0];
	v5 =	vsub.f32 v44, v5;
	(erf) = vpow2.f32 v7;
	v9 =	vmul.f32 v15, v49  }
0x11d: {  	v60 =	vld [tilespmem:s16+$0x10];
	v6 =	vmul.f32 $1.442695020e+00, v6;
	(erf) = vpow2.f32 v3  }
0x11e: {  	v7 =	vld [tilespmem:s15+$0x10];
	v4 =	vmul.f32 $1.442695020e+00, v4;
	v2 =	vadd.f32 v5, v2;
	v5 =	vshll.u32 v10, $0x10  }
0x11f: {  	v3 =	vsub.f32 v45, v9;
	v9 =	vshll.u32 v14, $0x10;
	(erf) = vpow2.f32 v6  }
0x120: {  	v59 =	vld [tilespmem:s1+$0x10];
	v6 =	vand.u32 $0xFFFF0000, v14;
	v5 =	vadd.f32 v5, v9;
	v9 =	vand.u32 $0xFFFF0000, v10  }
0x121: {  	v6 =	vadd.f32 v9, v6;
	v9 =	vld [tilespmem:s1+$0x20]  }
0x122: {  	v61 =	vshll.u32 v60, $0x10;
	v8 =	vadd.f32 $1.000000000e+00, v8;
	(erf) = vpow2.f32 v4  }
0x123: {  	v58 =	vld [tilespmem:s15+$0xFFFFFFC0];
	v52 =	vpop (erf);
	v4 =	vadd.f32 v5, v56;
	v5 =	vand.u32 $0xFFFF0000, v7;
	v7 =	vshll.u32 v7, $0x10  }
0x124: {  	v54 =	vpop (erf);
	v7 =	vadd.f32 v61, v7  }
0x125: {  	s24 =	simm.s32 $0x4;
	v62 =	vld [tilespmem:s16+$0xFFFFFFC0];
	v55 =	vpop (erf);
	v6 =	vadd.f32 v6, v59;
	v4 =	vmul.f32 $1.442695020e+00, v4  }
0x126: {  	v57 =	vld [tilespmem:s1+$0x30];
	v10 =	vor.u32 s24, v41;
	(erf) = vrcp.f32 v8;
	v8 =	vpop (erf);
	v7 =	vadd.f32 v7, v9  }
0x127: {  	v6 =	vmul.f32 $1.442695020e+00, v6;
	(erf) = vpow2.f32 v4;
	v4 =	vadd.f32 $1.000000000e+00, v8  }
0x128: {  	v63 =	vshll.u32 v58, $0x10;
	v51 =	vand.u32 $0xFFFF0000, v60;
	v8 =	vpop (erf);
	v7 =	vmul.f32 $1.442695020e+00, v7  }
0x129: {  	v5 =	vadd.f32 v51, v5;
	(erf) = vpow2.f32 v6;
	v6 =	vadd.f32 $1.000000000e+00, v8;
	v8 =	vld [tilespmem:s1+$0xFFFFFF80]  }
0x12a: {  	v12 =	vshll.u32 v62, $0x10;
	v2 =	vadd.f32 v2, v3;
	(erf) = vrcp.f32 v4  }
0x12b: {  	v13 =	vand.u32 $0xFFFF0000, v62;
	v5 =	vadd.f32 v5, v57;
	(erf) = vrcp.f32 v6;
	v6 =	vld [tilespmem:s1+$0xFFFFFF90];
	v4 =	vpop (erf)  }
0x12c: {  	[tilespmem:v10+s23+$0x0] =	vst.idx.msk $0xffff, v2;
	v10 =	vadd.f32 v12, v63;
	(erf) = vpow2.f32 v7;
	v4 =	vadd.f32 $1.000000000e+00, v4;
	v7 =	vpop (erf)  }
0x12d: {  	v3 =	vld [tilespmem:s15+$0xFFFFFFD0];
	v2 =	vand.u32 $0xFFFF0000, v58;
	v5 =	vmul.f32 $1.442695020e+00, v5;
	v7 =	vadd.f32 $1.000000000e+00, v7  }
0x12e: {  	v9 =	vld [tilespmem:s16+$0xFFFFFFD0];
	v2 =	vadd.f32 v13, v2;
	v8 =	vadd.f32 v10, v8;
	(erf) = vrcp.f32 v4  }
0x12f: {  	v10 =	vld [tilespmem:s19+$0xFFFFFFE0];
	(erf) = vpow2.f32 v5  }
0x130: {  	v4 =	vld [tilespmem:s21+$0xFFFFFFE0];
	v56 =	vpop (erf);
	v2 =	vadd.f32 v2, v6;
	v6 =	vmul.f32 $1.442695020e+00, v8  }
0x131: {  	v5 =	vld [tilespmem:s1+$0xFFFFFFA0];
	(erf) = vrcp.f32 v7;
	v7 =	vpop (erf)  }
0x132: {  	v14 =	vshll.u32 v3, $0x10;
	v15 =	vpop (erf);
	v7 =	vadd.f32 $1.000000000e+00, v7;
	(erf) = vpow2.f32 v6  }
0x133: {  	s22 =	simm.s32 $0x1;
	v3 =	vand.u32 $0xFFFF0000, v3;
	v59 =	vshll.u32 v9, $0x10;
	v9 =	vand.u32 $0xFFFF0000, v9;
	v8 =	vld [tilespmem:s1+$0xFFFFFFB0]  }
0x134: {  	v50 =	vor.u32 s22, v41;
	v57 =	vadd.f32 v59, v14;
	v3 =	vadd.f32 v9, v3;
	v6 =	vpop (erf)  }
0x135: {  	v2 =	vmul.f32 $1.442695020e+00, v2;
	v9 =	vshll.u32 v10, $0x10;
	v12 =	vadd.f32 $1.000000000e+00, v15;
	v13 =	vpop (erf)  }
0x136: {  	v60 =	vshll.u32 v4, $0x10;
	v5 =	vadd.f32 v57, v5;
	(erf) = vrcp.f32 v7;
	v7 =	vpop (erf)  }
0x137: {  	v4 =	vand.u32 $0xFFFF0000, v4;
	(erf) = vrcp.f32 v12;
	v7 =	vadd.f32 $1.000000000e+00, v7;
	v14 =	vpop (erf)  }
0x138: {  	v3 =	vadd.f32 v3, v8;
	v6 =	vmul.f32 v6, v46;
	v5 =	vmul.f32 $1.442695020e+00, v5;
	v15 =	vpop (erf)  }
0x139: {  	v61 =	vld [tilespmem:s14+$0xFFFFFFC0];
	v8 =	vmul.f32 v13, v47;
	v59 =	vadd.f32 $1.000000000e+00, v15;
	(erf) = vrcp.f32 v7  }
0x13a: {  	v3 =	vmul.f32 $1.442695020e+00, v3;
	v12 =	vld [tilespmem:s19+$0xFFFFFFF0];
	v6 =	vsub.f32 v42, v6;
	v62 =	vpop (erf);
	(erf) = vpow2.f32 v2  }
0x13b: {  	v8 =	vsub.f32 v43, v8;
	v57 =	vmul.f32 v14, v48;
	v2 =	vld [tilespmem:s14+$0xFFFFFFD0];
	(erf) = vrcp.f32 v59;
	v14 =	vpop (erf)  }
0x13c: {  	v9 =	vadd.f32 v9, v60;
	v7 =	vld [tilespmem:s21+$0xFFFFFFF0];
	(erf) = vpow2.f32 v5;
	v5 =	vadd.f32 $1.000000000e+00, v14  }
0x13d: {  	v6 =	vadd.f32 v8, v6;
	v8 =	vand.u32 $0xFFFF0000, v10;
	v10 =	vsub.f32 v44, v57  }
0x13e: {  	v13 =	vmul.f32 v62, v49;
	v4 =	vadd.f32 v8, v4;
	v8 =	vadd.f32 v9, v61  }
0x13f: {  	v6 =	vadd.f32 v10, v6;
	v10 =	vshll.u32 v12, $0x10;
	(erf) = vpow2.f32 v3;
	v3 =	vpop (erf)  }
0x140: {  	(erf) = vrcp.f32 v5;
	v3 =	vmul.f32 v3, v46;
	v2 =	vadd.f32 v4, v2;
	v5 =	vpop (erf)  }
0x141: {  	v9 =	vshll.u32 v7, $0x10;
	v4 =	vmul.f32 $1.442695020e+00, v8;
	v8 =	vld [tilespmem:s14+$0xFFFFFFE0];
	v5 =	vmul.f32 v5, v47  }
0x142: {  	v9 =	vadd.f32 v10, v9;
	v3 =	vsub.f32 v42, v3;
	v2 =	vmul.f32 $1.442695020e+00, v2;
	v10 =	vpop (erf)  }
0x143: {  	(erf) = vpow2.f32 v4;
	v4 =	vsub.f32 v43, v5;
	v5 =	vmul.f32 v10, v48;
	v10 =	vpop (erf)  }
0x144: {  	v7 =	vand.u32 $0xFFFF0000, v7;
	(erf) = vpow2.f32 v2;
	v10 =	vadd.f32 $1.000000000e+00, v10;
	v15 =	vpop (erf)  }
0x145: {  	s22 =	simm.s32 $0xA;
	v2 =	vld [tilespmem:s14+$0xFFFFFFF0];
	v3 =	vadd.f32 v4, v3;
	v4 =	vsub.f32 v44, v5;
	v5 =	vmul.f32 v15, v49  }
0x146: {  	v8 =	vadd.f32 v9, v8;
	v9 =	vor.u32 s22, v41;
	(erf) = vrcp.f32 v10  }
0x147: {  	v10 =	vand.u32 $0xFFFF0000, v12;
	v3 =	vadd.f32 v4, v3;
	v4 =	vsub.f32 v45, v5  }
0x148: {  	v12 =	vpop (erf);
	v5 =	vadd.f32 v10, v7  }
0x149: {  	v7 =	vadd.f32 $1.000000000e+00, v12;
	v3 =	vadd.f32 v3, v4  }
0x14a: {  	v8 =	vmul.f32 $1.442695020e+00, v8;
	v10 =	vsub.f32 v45, v13;
	v13 =	vpop (erf);
	v2 =	vadd.f32 v5, v2  }
0x14b: {  	v57 =	vmul.f32 v56, v48;
	v4 =	vadd.f32 $1.000000000e+00, v13;
	(erf) = vrcp.f32 v7;
	[tilespmem:v9+s23+$0x0] =	vst.idx.msk $0xffff, v3  }
0x14c: {  	v14 =	vpop (erf);
	v61 =	vadd.f32 v6, v10;
	(erf) = vpow2.f32 v8;
	v2 =	vmul.f32 $1.442695020e+00, v2;
	v9 =	vld [tilespmem:s16+$0x20]  }
0x14d: {  	v5 =	vmul.f32 v14, v46;
	v6 =	vadd.f32 $1.000000000e+00, v52;
	(erf) = vrcp.f32 v4;
	v7 =	vpop (erf);
	v4 =	vld [tilespmem:s15+$0x20]  }
0x14e: {  	v7 =	vadd.f32 $1.000000000e+00, v7;
	v10 =	vpop (erf);
	v15 =	vld [tilespmem:s1+$0x40];
	(erf) = vpow2.f32 v2;
	v2 =	vmul.f32 v55, v47  }
0x14f: {  	v5 =	vsub.f32 v42, v5;
	(erf) = vrcp.f32 v6;
	v6 =	vadd.f32 $1.000000000e+00, v10;
	v10 =	vld [tilespmem:s15+$0x30];
	v62 =	vpop (erf)  }
0x150: {  	v55 =	vld [tilespmem:s16+$0x30];
	(erf) = vrcp.f32 v7;
	v60 =	vsub.f32 v43, v2;
	v7 =	vmul.f32 v62, v47  }
0x151: {  	v2 =	vld [tilespmem:s1+$0x50];
	(erf) = vrcp.f32 v6;
	v63 =	vshll.u32 v9, $0x10;
	v9 =	vand.u32 $0xFFFF0000, v9  }
0x152: {  	s24 =	simm.s32 $0x7;
	v6 =	vsub.f32 v43, v7;
	v7 =	vshll.u32 v4, $0x10;
	v4 =	vand.u32 $0xFFFF0000, v4  }
0x153: {  	v59 =	vor.u32 s24, v41;
	v13 =	vld [tilespmem:s1+$0x60];
	v7 =	vadd.f32 v63, v7;
	v4 =	vadd.f32 v9, v4  }
0x154: {  	s19 =	simm.s32 $0x8BC0;
	v12 =	vpop (erf);
	v14 =	vshll.u32 v10, $0x10;
	v63 =	vld [tilespmem:s1+$0x70];
	v10 =	vand.u32 $0xFFFF0000, v10;
	v5 =	vadd.f32 v6, v5  }
0x155: {  	s24 =	simm.s32 $0xBC0;
	v52 =	vld [tilespmem:s19+$0x0];
	v6 =	vmul.f32 v12, v48;
	v7 =	vadd.f32 v7, v15;
	v15 =	vshll.u32 v55, $0x10  }
0x156: {  	v11 =	vld [tilespmem:s24+$0x0];
	v2 =	vadd.f32 v4, v2;
	v55 =	vand.u32 $0xFFFF0000, v55;
	v4 =	vadd.f32 v15, v14  }
0x157: {  	v8 =	vmul.f32 v54, v46;
	v10 =	vadd.f32 v55, v10;
	v6 =	vsub.f32 v44, v6  }
0x158: {  	s22 =	simm.s32 $0x10D80;
	v54 =	vsub.f32 v44, v57;
	v7 =	vmul.f32 $1.442695020e+00, v7;
	v4 =	vadd.f32 v4, v13  }
0x159: {  	v57 =	vld [tilespmem:s22+$0x0];
	v62 =	vpop (erf);
	v2 =	vmul.f32 $1.442695020e+00, v2;
	v10 =	vadd.f32 v10, v63;
	v5 =	vadd.f32 v6, v5  }
0x15a: {  	v12 =	vld [tilespmem:s22+$0x10];
	v6 =	vadd.f32 $1.000000000e+00, v62;
	v62 =	vshll.u32 v52, $0x10;
	(erf) = vpow2.f32 v7  }
0x15b: {  	v9 =	vpop (erf);
	v63 =	vld [tilespmem:s19+$0x10];
	v4 =	vmul.f32 $1.442695020e+00, v4;
	(erf) = vpow2.f32 v2;
	v2 =	vshll.u32 v11, $0x10  }
0x15c: {  	v9 =	vmul.f32 v9, v49;
	v7 =	vld [tilespmem:s24+$0x10];
	v10 =	vmul.f32 $1.442695020e+00, v10;
	v2 =	vadd.f32 v62, v2  }
0x15d: {  	(erf) = vpow2.f32 v4;
	v4 =	vand.u32 $0xFFFF0000, v11;
	v11 =	vand.u32 $0xFFFF0000, v52  }
0x15e: {  	s10 =	simm.s32 $0x3;
	v4 =	vadd.f32 v11, v4  }
0x15f: {  	v58 =	vor.u32 s10, v41;
	v56 =	vpop (erf);
	v9 =	vsub.f32 v45, v9;
	v11 =	vld [tilespmem:s22+$0x20];
	(erf) = vpow2.f32 v10  }
0x160: {  	v14 =	vld [tilespmem:s19+$0xFFFFFFC0];
	v55 =	vpop (erf);
	v10 =	vadd.f32 v2, v57;
	v4 =	vadd.f32 v4, v12;
	v12 =	vshll.u32 v63, $0x10  }
0x161: {  	s10 =	simm.s32 $0x8;
	v5 =	vadd.f32 v5, v9;
	v9 =	vld [tilespmem:s24+$0xFFFFFFC0];
	v62 =	vand.u32 $0xFFFF0000, v7;
	v7 =	vshll.u32 v7, $0x10;
	v2 =	vpop (erf)  }
0x162: {  	v3 =	vor.u32 s10, v41;
	v13 =	vld [tilespmem:s22+$0x30];
	v10 =	vmul.f32 $1.442695020e+00, v10;
	v57 =	vpop (erf);
	v7 =	vadd.f32 v12, v7  }
0x163: {  	(erf) = vrcp.f32 v6;
	v63 =	vand.u32 $0xFFFF0000, v63;
	v4 =	vmul.f32 $1.442695020e+00, v4;
	v12 =	vpop (erf)  }
0x164: {  	(erf) = vpow2.f32 v10;
	v7 =	vadd.f32 v7, v11;
	v10 =	vadd.f32 $1.000000000e+00, v12;
	v11 =	vpop (erf)  }
0x165: {  	v6 =	vadd.f32 v63, v62;
	(erf) = vpow2.f32 v4;
	v4 =	vadd.f32 $1.000000000e+00, v11;
	v11 =	vld [tilespmem:s22+$0xFFFFFF80]  }
0x166: {  	v8 =	vsub.f32 v42, v8;
	v15 =	vshll.u32 v14, $0x10;
	v62 =	vshll.u32 v9, $0x10  }
0x167: {  	v63 =	vld [tilespmem:s24+$0xFFFFFFD0];
	v6 =	vadd.f32 v6, v13;
	v7 =	vmul.f32 $1.442695020e+00, v7;
	(erf) = vrcp.f32 v10  }
0x168: {  	[tilespmem:v3+s23+$0x0] =	vst.idx.msk $0xffff, v5;
	v3 =	vand.u32 $0xFFFF0000, v9;
	v9 =	vadd.f32 v15, v62;
	v12 =	vld [tilespmem:s19+$0xFFFFFFD0];
	(erf) = vrcp.f32 v4;
	v10 =	vpop (erf)  }
0x169: {  	v13 =	vld [tilespmem:s22+$0xFFFFFF90];
	v4 =	vmul.f32 $1.442695020e+00, v6;
	v6 =	vand.u32 $0xFFFF0000, v14;
	v10 =	vadd.f32 $1.000000000e+00, v10  }
0x16a: {  	(erf) = vpow2.f32 v7;
	v3 =	vadd.f32 v6, v3;
	v6 =	vadd.f32 v9, v11  }
0x16b: {  	v7 =	vpop (erf);
	(erf) = vrcp.f32 v10;
	v10 =	vld [tilespmem:s22+$0xFFFFFFA0]  }
0x16c: {  	v62 =	vadd.f32 v60, v8;
	v7 =	vadd.f32 $1.000000000e+00, v7;
	v6 =	vmul.f32 $1.442695020e+00, v6  }
0x16d: {  	v9 =	vpop (erf);
	v11 =	vshll.u32 v12, $0x10;
	(erf) = vpow2.f32 v4;
	v4 =	vshll.u32 v63, $0x10  }
0x16e: {  	v5 =	vld [tilespmem:s15+$0xFFFFFFE0];
	v3 =	vadd.f32 v3, v13;
	v60 =	vpop (erf);
	v4 =	vadd.f32 v11, v4  }
0x16f: {  	v12 =	vand.u32 $0xFFFF0000, v12;
	(erf) = vrcp.f32 v7;
	v11 =	vand.u32 $0xFFFF0000, v63;
	v63 =	vpop (erf)  }
0x170: {  	v13 =	vadd.f32 $1.000000000e+00, v60;
	v7 =	vld [tilespmem:s22+$0xFFFFFFB0];
	(erf) = vpow2.f32 v6;
	v4 =	vadd.f32 v4, v10;
	v6 =	vpop (erf)  }
0x171: {  	v8 =	vld [tilespmem:s16+$0xFFFFFFE0];
	v10 =	vadd.f32 v12, v11;
	v11 =	vadd.f32 $1.000000000e+00, v63;
	v60 =	vpop (erf)  }
0x172: {  	v12 =	vmul.f32 v60, v47  }
0x173: {  	v14 =	vshll.u32 v5, $0x10;
	v5 =	vand.u32 $0xFFFF0000, v5;
	v3 =	vmul.f32 $1.442695020e+00, v3  }
0x174: {  	(erf) = vrcp.f32 v13;
	v6 =	vmul.f32 v6, v46;
	v63 =	vpop (erf);
	v12 =	vsub.f32 v43, v12  }
0x175: {  	v7 =	vadd.f32 v10, v7;
	(erf) = vrcp.f32 v11;
	v10 =	vadd.f32 $1.000000000e+00, v63;
	v11 =	vpop (erf)  }
0x176: {  	v15 =	vld [tilespmem:s15+$0xFFFFFFF0];
	v13 =	vshll.u32 v8, $0x10;
	v6 =	vsub.f32 v42, v6;
	v60 =	vpop (erf);
	v11 =	vmul.f32 v11, v48  }
0x177: {  	v4 =	vmul.f32 $1.442695020e+00, v4;
	v63 =	vld [tilespmem:s16+$0xFFFFFFF0];
	(erf) = vrcp.f32 v10;
	v60 =	vadd.f32 $1.000000000e+00, v60  }
0x178: {  	v10 =	vld [tilespmem:s1+$0xFFFFFFC0];
	v6 =	vadd.f32 v12, v6;
	v11 =	vsub.f32 v44, v11;
	v12 =	vpop (erf);
	(erf) = vpow2.f32 v3  }
0x179: {  	v8 =	vand.u32 $0xFFFF0000, v8;
	v3 =	vld [tilespmem:s1+$0xFFFFFFD0];
	v12 =	vmul.f32 v12, v49;
	(erf) = vrcp.f32 v60  }
0x17a: {  	v5 =	vadd.f32 v8, v5;
	v7 =	vmul.f32 $1.442695020e+00, v7;
	v6 =	vadd.f32 v11, v6  }
0x17b: {  	v60 =	vpop (erf);
	(erf) = vpow2.f32 v4;
	v4 =	vadd.f32 v13, v14;
	v11 =	vsub.f32 v45, v12  }
0x17c: {  	v8 =	vadd.f32 $1.000000000e+00, v60;
	(erf) = vpow2.f32 v7;
	v7 =	vshll.u32 v15, $0x10  }
0x17d: {  	v4 =	vadd.f32 v4, v10;
	v10 =	vpop (erf);
	v6 =	vadd.f32 v6, v11;
	v11 =	vshll.u32 v63, $0x10  }
0x17e: {  	(erf) = vrcp.f32 v8;
	v3 =	vadd.f32 v5, v3;
	v5 =	vpop (erf);
	v10 =	vmul.f32 v10, v46  }
0x17f: {  	v7 =	vadd.f32 v11, v7;
	v4 =	vmul.f32 $1.442695020e+00, v4;
	v5 =	vmul.f32 v5, v47  }
0x180: {  	v11 =	vand.u32 $0xFFFF0000, v63;
	v60 =	vpop (erf);
	v3 =	vmul.f32 $1.442695020e+00, v3;
	v10 =	vsub.f32 v42, v10  }
0x181: {  	v13 =	vld [tilespmem:s1+$0xFFFFFFE0];
	v12 =	vmul.f32 v60, v48;
	(erf) = vpow2.f32 v4;
	v5 =	vsub.f32 v43, v5;
	v63 =	vpop (erf)  }
0x182: {  	v8 =	vand.u32 $0xFFFF0000, v15;
	(erf) = vpow2.f32 v3;
	v60 =	vpop (erf)  }
0x183: {  	v4 =	vld [tilespmem:s1+$0xFFFFFFF0];
	v3 =	vadd.f32 v5, v10;
	v5 =	vsub.f32 v44, v12;
	v10 =	vmul.f32 v60, v49  }
0x184: {  	s20 =	simm.s32 $0x5;
	v8 =	vadd.f32 v11, v8;
	v11 =	vadd.f32 $1.000000000e+00, v63  }
0x185: {  	v51 =	vor.u32 s20, v41;
	s15 =	simm.s32 $0xE;
	v3 =	vadd.f32 v5, v3;
	v5 =	vsub.f32 v45, v10  }
0x186: {  	s14 =	simm.s32 $0x9;
	v7 =	vadd.f32 v7, v13;
	v13 =	vor.u32 s15, v41;
	v63 =	vpop (erf);
	(erf) = vrcp.f32 v11  }
0x187: {  	v52 =	vor.u32 s14, v41;
	v12 =	vadd.f32 $1.000000000e+00, v63;
	v60 =	vpop (erf);
	v3 =	vadd.f32 v3, v5  }
0x188: {  	v2 =	vmul.f32 v2, v46;
	v7 =	vmul.f32 $1.442695020e+00, v7;
	v4 =	vadd.f32 v8, v4;
	v63 =	vpop (erf)  }
0x189: {  	v10 =	vadd.f32 $1.000000000e+00, v60;
	(erf) = vrcp.f32 v12;
	v8 =	vmul.f32 v63, v46  }
0x18a: {  	v2 =	vsub.f32 v42, v2;
	(erf) = vpow2.f32 v7;
	v4 =	vmul.f32 $1.442695020e+00, v4  }
0x18b: {  	v14 =	vmul.f32 v55, v49;
	v5 =	vadd.f32 $1.000000000e+00, v56;
	(erf) = vrcp.f32 v10;
	[tilespmem:v13+s23+$0x0] =	vst.idx.msk $0xffff, v3;
	v3 =	vpop (erf)  }
0x18c: {  	v7 =	vsub.f32 v42, v8;
	(erf) = vpow2.f32 v4;
	v8 =	vld [tilespmem:s24+$0x20];
	v3 =	vadd.f32 $1.000000000e+00, v3  }
0x18d: {  	v54 =	vadd.f32 v54, v62;
	v4 =	vmul.f32 v57, v47;
	v10 =	vld [tilespmem:s19+$0x20];
	v57 =	vpop (erf);
	(erf) = vrcp.f32 v5  }
0x18e: {  	v9 =	vmul.f32 v9, v48;
	s16 =	simm.s32 $0xB;
	v13 =	vld [tilespmem:s22+$0x40];
	v5 =	vadd.f32 $1.000000000e+00, v57;
	(erf) = vrcp.f32 v3  }
0x18f: {  	v55 =	vsub.f32 v45, v14;
	v11 =	vor.u32 s16, v41;
	v62 =	vld [tilespmem:s19+$0x30];
	v4 =	vsub.f32 v43, v4;
	v12 =	vpop (erf)  }
0x190: {  	s20 =	simm.s32 $0xD;
	s21 =	simm.s32 $0xC;
	v56 =	vsub.f32 v44, v9;
	v3 =	vld [tilespmem:s24+$0x30];
	v9 =	vmul.f32 v12, v47;
	(erf) = vrcp.f32 v5  }
0x191: {  	[tilespmem:v59+s23+$0x0] =	vst.idx.msk $0xffff, v61;
	v60 =	vor.u32 s20, v41;
	v63 =	vor.u32 s21, v41;
	v59 =	vld [tilespmem:s22+$0x50];
	v57 =	vadd.f32 v4, v2  }
0x192: {  	[tilespmem:v58+s23+$0x0] =	vst.idx.msk $0xffff, v53;
	v53 =	vpop (erf);
	v5 =	vshll.u32 v8, $0x10;
	v4 =	vsub.f32 v43, v9;
	v9 =	vshll.u32 v10, $0x10  }
0x193: {  	s30 =	simm.s32 $0x6;
	s14 =	sshll.u32 s25, $0xA;
	v61 =	vand.u32 $0xFFFF0000, v8;
	v2 =	vpop (erf);
	v10 =	vand.u32 $0xFFFF0000, v10;
	v9 =	vadd.f32 v9, v5;
	v5 =	vld [tilespmem:s22+$0x60]  }
0x194: {  	s31 =	simm.s32 $0xC40;
	s28 =	simm.s32 $0x10D80;
	s1 =	sadd.s32 s17, s14;
	v8 =	vpop (erf);
	v61 =	vadd.f32 v10, v61;
	v10 =	vshll.u32 v62, $0x10;
	v4 =	vadd.f32 v4, v7  }
0x195: {  	s13 =	simm.s32 $0x8BC0;
	s15 =	sadd.s32 $0x200, s1;
	s16 =	simm.s32 $0x2;
	[tilespmem:v11+s23+$0x0] =	vst.idx.msk $0xffff, v6;
	v6 =	vld [tilespmem:s22+$0x70];
	v7 =	vmul.f32 v53, v48;
	v53 =	vpop (erf);
	v58 =	vadd.f32 v9, v13;
	v9 =	vshll.u32 v3, $0x10  }
.LBB2_5:
0x196: {  	v11 =	vld [tilespmem:s31+$0x0];
	v8 =	vmul.f32 v8, v49;
	v12 =	vadd.f32 v61, v59;
	v9 =	vadd.f32 v10, v9;
	s19 =	sadd.s32 $0x80, s19;
	v59 =	vpop (erf)  }
0x197: {  	v3 =	vand.u32 $0xFFFF0000, v3;
	v14 =	vand.u32 $0xFFFF0000, v62;
	s22 =	sadd.s32 $0x100, s22;
	v10 =	vld [tilespmem:s19+$0x0];
	v13 =	vmul.f32 $1.442695020e+00, v58;
	v61 =	vpop (erf)  }
0x198: {  	v3 =	vadd.f32 v14, v3;
	v58 =	vmovc v51;
	v51 =	vmovc v52;
	v15 =	vld [tilespmem:s22+$0x0];
	v12 =	vmul.f32 $1.442695020e+00, v12;
	v5 =	vadd.f32 v9, v5  }
0x199: {  	v7 =	vsub.f32 v44, v7;
	v8 =	vsub.f32 v45, v8;
	v9 =	vld [tilespmem:s22+$0x10];
	(erf) = vpow2.f32 v13;
	v62 =	vpop (erf)  }
0x19a: {  	v52 =	vmovc v60;
	v13 =	vld [tilespmem:s31+$0x10];
	v5 =	vmul.f32 $1.442695020e+00, v5;
	v3 =	vadd.f32 v3, v6;
	(erf) = vpow2.f32 v12  }
0x19b: {  	v2 =	vadd.f32 $1.000000000e+00, v2;
	v4 =	vadd.f32 v7, v4;
	v6 =	vshll.u32 v11, $0x10;
	v12 =	vld [tilespmem:s19+$0x10]  }
0x19c: {  	s30 =	sadd.s32 $0x2, s30;
	v7 =	vld [tilespmem:s19+$0xFFFFFFC0];
	v14 =	vshll.u32 v10, $0x10;
	v3 =	vmul.f32 $1.442695020e+00, v3;
	(erf) = vpow2.f32 v5  }
0x19d: {  	p1 =	slt.u32 s30, $0xFE;
	v11 =	vand.u32 $0xFFFF0000, v11;
	v10 =	vand.u32 $0xFFFF0000, v10;
	v5 =	vld [tilespmem:s31+$0xFFFFFFC0];
	v6 =	vadd.f32 v14, v6  }
0x19e: {  	v4 =	vadd.f32 v4, v8;
	v10 =	vadd.f32 v10, v11;
	v11 =	vld [tilespmem:s22+$0x20];
	(erf) = vpow2.f32 v3  }
0x19f: {  	v3 =	vld [tilespmem:s31+$0xFFFFFFD0];
	v6 =	vadd.f32 v6, v15;
	v8 =	vand.u32 $0xFFFF0000, v13;
	(erf) = vrcp.f32 v2  }
0x1a0: {  	v2 =	vadd.f32 v10, v9;
	v9 =	vshll.u32 v13, $0x10;
	v16 =	vshll.u32 v12, $0x10;
	v13 =	vld [tilespmem:s22+$0x30];
	[tilespmem:v63+s23+$0x0] =	vst.idx.msk $0xffff, v4  }
0x1a1: {  	v15 =	vand.u32 $0xFFFF0000, v12;
	v4 =	vld [tilespmem:s19+$0xFFFFFFD0];
	v6 =	vmul.f32 $1.442695020e+00, v6;
	v9 =	vadd.f32 v16, v9  }
0x1a2: {  	v2 =	vmul.f32 $1.442695020e+00, v2;
	v8 =	vadd.f32 v15, v8;
	v12 =	vld [tilespmem:s22+$0xFFFFFF80];
	v14 =	vshll.u32 v5, $0x10;
	v10 =	vpop (erf)  }
0x1a3: {  	v15 =	vld [tilespmem:s22+$0xFFFFFF90];
	v9 =	vadd.f32 v9, v11;
	(erf) = vpow2.f32 v6;
	v16 =	vadd.f32 $1.000000000e+00, v10;
	v10 =	vpop (erf)  }
0x1a4: {  	v11 =	vshll.u32 v7, $0x10;
	v60 =	vld [tilespmem:s22+$0xFFFFFFA0];
	(erf) = vpow2.f32 v2;
	v17 =	vadd.f32 $1.000000000e+00, v10  }
0x1a5: {  	v10 =	vld [tilespmem:s22+$0xFFFFFFB0];
	v9 =	vmul.f32 $1.442695020e+00, v9;
	v8 =	vadd.f32 v8, v13;
	(erf) = vrcp.f32 v16;
	v6 =	vpop (erf)  }
0x1a6: {  	v5 =	vand.u32 $0xFFFF0000, v5;
	v13 =	vld [tilespmem:s24+$0xFFFFFFE0];
	v6 =	vadd.f32 $1.000000000e+00, v6;
	(erf) = vrcp.f32 v17  }
0x1a7: {  	v7 =	vand.u32 $0xFFFF0000, v7;
	v8 =	vmul.f32 $1.442695020e+00, v8;
	(erf) = vpow2.f32 v9;
	v9 =	vld [tilespmem:s13+$0xFFFFFFE0];
	v2 =	vpop (erf)  }
0x1a8: {  	v11 =	vadd.f32 v11, v14;
	v14 =	vld [tilespmem:s24+$0xFFFFFFF0];
	v63 =	vadd.f32 $1.000000000e+00, v2;
	(erf) = vrcp.f32 v6;
	v2 =	vpop (erf);
	s24 =	smov.u32 s31  }
0x1a9: {  	v5 =	vadd.f32 v7, v5;
	v6 =	vshll.u32 v3, $0x10;
	(erf) = vpow2.f32 v8;
	v7 =	vld [tilespmem:s13+$0xFFFFFFF0];
	s13 =	smov.u32 s19  }
0x1aa: {  	v8 =	vadd.f32 v11, v12;
	v11 =	vshll.u32 v4, $0x10;
	v12 =	vld [tilespmem:s28+$0xFFFFFFC0];
	(erf) = vrcp.f32 v63  }
0x1ab: {  	v5 =	vadd.f32 v5, v15;
	v3 =	vand.u32 $0xFFFF0000, v3;
	v6 =	vadd.f32 v11, v6;
	v11 =	vld [tilespmem:s28+$0xFFFFFFD0]  }
0x1ac: {  	v15 =	vpop (erf)  }
0x1ad: {  	v15 =	vadd.f32 $1.000000000e+00, v15  }
0x1ae: {  	v4 =	vand.u32 $0xFFFF0000, v4;
	v18 =	vmul.f32 $1.442695020e+00, v8;
	v63 =	vshll.u32 v13, $0x10;
	v16 =	vld [tilespmem:s28+$0xFFFFFFE0]  }
0x1af: {  	v5 =	vmul.f32 $1.442695020e+00, v5;
	v6 =	vadd.f32 v6, v60;
	v60 =	vpop (erf);
	v17 =	vld [tilespmem:s28+$0xFFFFFFF0];
	s28 =	smov.u32 s22  }
0x1b0: {  	v3 =	vadd.f32 v4, v3;
	v4 =	vshll.u32 v9, $0x10;
	(erf) = vpow2.f32 v18;
	v8 =	vpop (erf)  }
0x1b1: {  	v6 =	vmul.f32 $1.442695020e+00, v6;
	v18 =	vadd.f32 $1.000000000e+00, v60;
	(erf) = vrcp.f32 v15;
	v15 =	vpop (erf)  }
0x1b2: {  	v3 =	vadd.f32 v3, v10;
	v10 =	vpop (erf)  }
0x1b3: {  	v10 =	vadd.f32 $1.000000000e+00, v10  }
0x1b4: {  	v8 =	vmul.f32 v8, v46;
	v15 =	vmul.f32 v15, v47  }
0x1b5: {  	v13 =	vand.u32 $0xFFFF0000, v13;
	(erf) = vrcp.f32 v18;
	v60 =	vpop (erf)  }
0x1b6: {  	v8 =	vsub.f32 v42, v8;
	v18 =	vpop (erf);
	v15 =	vsub.f32 v43, v15;
	v60 =	vmul.f32 v60, v48  }
0x1b7: {  	v3 =	vmul.f32 $1.442695020e+00, v3;
	v18 =	vadd.f32 $1.000000000e+00, v18;
	(erf) = vrcp.f32 v10;
	v10 =	vpop (erf)  }
0x1b8: {  	s20 =	sadd.s32 $0x3, s21;
	v8 =	vadd.f32 v15, v8;
	v60 =	vsub.f32 v44, v60;
	v10 =	vmul.f32 v10, v49  }
0x1b9: {  	(erf) = vpow2.f32 v5;
	v5 =	vand.u32 $0xFFFF0000, v9;
	v9 =	vor.u32 s20, v41  }
0x1ba: {  	v8 =	vadd.f32 v60, v8;
	(erf) = vrcp.f32 v18;
	v10 =	vsub.f32 v45, v10  }
0x1bb: {  	v4 =	vadd.f32 v4, v63;
	v5 =	vadd.f32 v5, v13;
	v15 =	vpop (erf);
	(erf) = vpow2.f32 v6  }
0x1bc: {  	v13 =	vadd.f32 $1.000000000e+00, v15;
	(erf) = vpow2.f32 v3;
	v3 =	vpop (erf);
	v8 =	vadd.f32 v8, v10  }
0x1bd: {  	v4 =	vadd.f32 v4, v12;
	v12 =	vshll.u32 v7, $0x10;
	v10 =	vshll.u32 v14, $0x10  }
0x1be: {  	v5 =	vadd.f32 v5, v11;
	v10 =	vadd.f32 v12, v10;
	(erf) = vrcp.f32 v13;
	v6 =	vpop (erf);
	[tilespmem:v9+s23+$0x0] =	vst.idx.msk $0xffff, v8  }
0x1bf: {  	v7 =	vand.u32 $0xFFFF0000, v7;
	v4 =	vmul.f32 $1.442695020e+00, v4;
	v8 =	vand.u32 $0xFFFF0000, v14  }
0x1c0: {  	v3 =	vmul.f32 v3, v46;
	v6 =	vmul.f32 v6, v47;
	v10 =	vadd.f32 v10, v16;
	v9 =	vpop (erf)  }
0x1c1: {  	v5 =	vmul.f32 $1.442695020e+00, v5;
	v7 =	vadd.f32 v7, v8;
	(erf) = vpow2.f32 v4  }
0x1c2: {  	v3 =	vsub.f32 v42, v3;
	v4 =	vsub.f32 v43, v6;
	v11 =	vmul.f32 v9, v48;
	v8 =	vpop (erf)  }
0x1c3: {  	s21 =	sadd.s32 $0x4, s21;
	v10 =	vmul.f32 $1.442695020e+00, v10;
	v12 =	vadd.f32 $1.000000000e+00, v8;
	v9 =	vpop (erf);
	(erf) = vpow2.f32 v5  }
0x1c4: {  	s10 =	sadd.s32 $0x2, s21;
	s20 =	sadd.s32 $0x1, s21;
	v3 =	vadd.f32 v4, v3;
	v4 =	vsub.f32 v44, v11;
	v5 =	vmul.f32 v9, v49;
	v6 =	vpop (erf)  }
0x1c5: {  	v9 =	vor.u32 s10, v41;
	v6 =	vadd.f32 $1.000000000e+00, v6;
	(erf) = vrcp.f32 v12;
	v8 =	vpop (erf)  }
0x1c6: {  	v63 =	vor.u32 s21, v41;
	v3 =	vadd.f32 v4, v3;
	v4 =	vsub.f32 v45, v5  }
0x1c7: {  	v5 =	vadd.f32 $1.000000000e+00, v8;
	v8 =	vpop (erf);
	(erf) = vrcp.f32 v6;
	v6 =	vadd.f32 v7, v17  }
0x1c8: {  	v7 =	vmul.f32 v8, v46;
	v8 =	vadd.f32 v3, v4;
	(erf) = vpow2.f32 v10  }
0x1c9: {  	(erf) = vrcp.f32 v5;
	v4 =	vmul.f32 $1.442695020e+00, v6;
	v5 =	vadd.f32 $1.000000000e+00, v53  }
0x1ca: {  	v60 =	vor.u32 s20, v41;
	v6 =	vsub.f32 v42, v7;
	[tilespmem:v9+s23+$0x0] =	vst.idx.msk $0xffff, v8;
	v3 =	vpop (erf);
	v7 =	vmul.f32 v61, v46  }
0x1cb: {  	v8 =	vld [tilespmem:s31+$0x20];
	v3 =	vadd.f32 $1.000000000e+00, v3;
	(erf) = vpow2.f32 v4;
	v4 =	vmul.f32 v62, v47  }
0x1cc: {  	v2 =	vmul.f32 v2, v48;
	v9 =	vld [tilespmem:s19+$0x20];
	v10 =	vpop (erf);
	v7 =	vsub.f32 v42, v7;
	(erf) = vrcp.f32 v5  }
0x1cd: {  	v11 =	vld [tilespmem:s22+$0x40];
	v5 =	vadd.f32 $1.000000000e+00, v10;
	(erf) = vrcp.f32 v3;
	v4 =	vsub.f32 v43, v4  }
0x1ce: {  	v13 =	vmul.f32 v59, v49;
	v12 =	vadd.f32 v56, v57;
	v56 =	vsub.f32 v44, v2;
	v3 =	vld [tilespmem:s31+$0x30];
	v10 =	vpop (erf)  }
0x1cf: {  	v10 =	vmul.f32 v10, v47;
	v62 =	vld [tilespmem:s19+$0x30];
	(erf) = vrcp.f32 v5;
	v57 =	vadd.f32 v4, v7  }
.Ltmp1:
0x1d0: {  	v4 =	vadd.f32 v54, v55;
	v55 =	vsub.f32 v45, v13;
	v54 =	vmov v12;
	v59 =	vld [tilespmem:s22+$0x50];
	v7 =	vpop (erf);
	(pc) =	sbr.rel @p1 .LBB2_5-.Ltmp1, $4  }
0x1d1: {  	v5 =	vshll.u32 v8, $0x10;
	v10 =	vsub.f32 v43, v10;
	v12 =	vshll.u32 v9, $0x10;
	v2 =	vpop (erf)  }
0x1d2: {  	v13 =	vand.u32 $0xFFFF0000, v8;
	v9 =	vand.u32 $0xFFFF0000, v9;
	v12 =	vadd.f32 v12, v5;
	v5 =	vld [tilespmem:s22+$0x60];
	v8 =	vpop (erf);
	[tilespmem:v50+s23+$0x0] =	vst.idx.msk $0xffff, v4  }
0x1d3: {  	v7 =	vmul.f32 v7, v48;
	v61 =	vadd.f32 v9, v13;
	v50 =	vmovc v58;
	v4 =	vadd.f32 v10, v6  }
0x1d4: {  	s31 =	sadd.s32 $0x80, s31;
	v9 =	vshll.u32 v3, $0x10;
	v58 =	vadd.f32 v12, v11;
	v10 =	vshll.u32 v62, $0x10;
	v6 =	vld [tilespmem:s22+$0x70];
	v53 =	vpop (erf)  }
0x1d5: {  	v8 =	vmul.f32 v8, v49;
	v7 =	vsub.f32 v44, v7  }
0x1d6: {  	v11 =	vadd.f32 v61, v59;
	v9 =	vadd.f32 v10, v9;
	v3 =	vand.u32 $0xFFFF0000, v3  }
0x1d7: {  	v12 =	vand.u32 $0xFFFF0000, v62;
	v8 =	vsub.f32 v45, v8;
	v4 =	vadd.f32 v7, v4  }
0x1d8: {  	v10 =	vmul.f32 $1.442695020e+00, v58;
	v3 =	vadd.f32 v12, v3;
	v5 =	vadd.f32 v9, v5  }
0x1d9: {  	v11 =	vmul.f32 $1.442695020e+00, v11;
	v4 =	vadd.f32 v4, v8  }
0x1da: {  	(erf) = vpow2.f32 v10;
	v5 =	vmul.f32 $1.442695020e+00, v5;
	v3 =	vadd.f32 v3, v6  }
0x1db: {  	(erf) = vpow2.f32 v11;
	[tilespmem:v63+s23+$0x0] =	vst.idx.msk $0xffff, v4  }
0x1dc: {  	v3 =	vmul.f32 $1.442695020e+00, v3;
	(erf) = vpow2.f32 v5;
	v5 =	vld [tilespmem:s13+$0xFFFFFFE0]  }
0x1dd: {  	v7 =	vld [tilespmem:s24+$0xFFFFFFF0]  }
0x1de: {  	v9 =	vld [tilespmem:s13+$0xFFFFFFF0];
	(erf) = vpow2.f32 v3  }
0x1df: {  	v3 =	vld [tilespmem:s24+$0xFFFFFFE0]  }
0x1e0: {  	v2 =	vadd.f32 $1.000000000e+00, v2;
	v4 =	vpop (erf)  }
0x1e1: {  	v6 =	vpop (erf)  }
0x1e2: {  	v11 =	vld [tilespmem:s28+$0xFFFFFFC0];
	(erf) = vrcp.f32 v2;
	v8 =	vpop (erf);
	v14 =	vshll.u32 v5, $0x10  }
0x1e3: {  	v59 =	vld [tilespmem:s28+$0xFFFFFFD0];
	v10 =	vpop (erf);
	v5 =	vand.u32 $0xFFFF0000, v5;
	v61 =	vshll.u32 v7, $0x10;
	v62 =	vshll.u32 v9, $0x10  }
0x1e4: {  	v16 =	vld [tilespmem:s28+$0xFFFFFFE0];
	v7 =	vand.u32 $0xFFFF0000, v7;
	v2 =	vadd.f32 $1.000000000e+00, v10;
	v10 =	vpop (erf);
	v13 =	vshll.u32 v3, $0x10  }
0x1e5: {  	v3 =	vand.u32 $0xFFFF0000, v3;
	v10 =	vadd.f32 $1.000000000e+00, v10;
	v13 =	vadd.f32 v14, v13;
	v15 =	vpop (erf)  }
0x1e6: {  	v3 =	vadd.f32 v5, v3;
	(erf) = vrcp.f32 v2;
	v2 =	vadd.f32 $1.000000000e+00, v15  }
0x1e7: {  	v11 =	vadd.f32 v13, v11;
	(erf) = vrcp.f32 v10;
	v10 =	vld [tilespmem:s28+$0xFFFFFFF0];
	v13 =	vadd.f32 v62, v61;
	v5 =	vpop (erf)  }
0x1e8: {  	v5 =	vadd.f32 $1.000000000e+00, v5;
	(erf) = vrcp.f32 v2;
	v2 =	vadd.f32 v3, v59  }
0x1e9: {  	v9 =	vand.u32 $0xFFFF0000, v9;
	v3 =	vmul.f32 $1.442695020e+00, v11;
	v11 =	vadd.f32 v13, v16  }
0x1ea: {  	(erf) = vrcp.f32 v5;
	v2 =	vmul.f32 $1.442695020e+00, v2;
	v5 =	vadd.f32 v9, v7  }
0x1eb: {  	(erf) = vpow2.f32 v3  }
0x1ec: {  	v3 =	vmul.f32 $1.442695020e+00, v11;
	(erf) = vpow2.f32 v2;
	v2 =	vadd.f32 v5, v10;
	_ =	sdelay $0x1  }
0x1ed: {  	v2 =	vmul.f32 $1.442695020e+00, v2;
	_ =	sdelay $0x1  }
0x1ee: {  	(erf) = vpow2.f32 v3;
	v3 =	vpop (erf)  }
0x1ef: {  	v5 =	vpop (erf)  }
0x1f0: {  	(erf) = vpow2.f32 v2;
	v2 =	vpop (erf)  }
0x1f1: {  	v7 =	vpop (erf)  }
0x1f2: {  	v9 =	vpop (erf)  }
0x1f3: {  	v10 =	vadd.f32 $1.000000000e+00, v53;
	v11 =	vpop (erf)  }
0x1f4: {  	v63 =	vpop (erf)  }
0x1f5: {  	(erf) = vrcp.f32 v10;
	v11 =	vadd.f32 $1.000000000e+00, v11;
	v10 =	vadd.f32 $1.000000000e+00, v63  }
0x1f6: {  	v5 =	vmul.f32 v5, v46  }
0x1f7: {  	v2 =	vmul.f32 v2, v47;
	v53 =	vpop (erf);
	(erf) = vrcp.f32 v11  }
0x1f8: {  	v11 =	vadd.f32 $1.000000000e+00, v53;
	(erf) = vrcp.f32 v10  }
0x1f9: {  	v5 =	vsub.f32 v42, v5;
	v2 =	vsub.f32 v43, v2;
	v10 =	vpop (erf)  }
0x1fa: {  	v7 =	vmul.f32 v7, v48;
	(erf) = vrcp.f32 v11;
	v10 =	vadd.f32 $1.000000000e+00, v10  }
0x1fb: {  	v6 =	vmul.f32 v6, v46;
	v2 =	vadd.f32 v2, v5  }
0x1fc: {  	v5 =	vsub.f32 v44, v7;
	v7 =	vmul.f32 v9, v49;
	(erf) = vrcp.f32 v10;
	_ =	sdelay $0x1  }
0x1fd: {  	v2 =	vadd.f32 v5, v2;
	v5 =	vsub.f32 v45, v7  }
0x1fe: {  	v4 =	vmul.f32 v4, v49;
	v7 =	vmul.f32 v8, v47;
	v8 =	vpop (erf)  }
0x1ff: {  	v3 =	vmul.f32 v3, v48;
	v2 =	vadd.f32 v2, v5;
	v5 =	vsub.f32 v42, v6;
	v6 =	vpop (erf)  }
0x200: {  	v4 =	vsub.f32 v45, v4;
	v7 =	vsub.f32 v43, v7;
	v10 =	vpop (erf)  }
0x201: {  	s10 =	sadd.s32 $0x3, s21;
	v3 =	vsub.f32 v44, v3;
	v6 =	vmul.f32 v6, v46;
	v10 =	vmul.f32 v10, v47  }
0x202: {  	v9 =	vor.u32 s10, v41;
	v11 =	vadd.f32 v56, v57;
	v5 =	vadd.f32 v7, v5;
	v56 =	vpop (erf)  }
0x203: {  	v6 =	vsub.f32 v42, v6;
	v7 =	vmul.f32 v56, v48;
	v10 =	vsub.f32 v43, v10  }
0x204: {  	v57 =	vadd.f32 v54, v55;
	v8 =	vmul.f32 v8, v49;
	v3 =	vadd.f32 v3, v5;
	v58 =	vpop (erf)  }
0x205: {  	v7 =	vsub.f32 v44, v7;
	v5 =	vadd.f32 v10, v6;
	v6 =	vmul.f32 v58, v49  }
0x206: {  	v4 =	vadd.f32 v11, v4;
	v8 =	vsub.f32 v45, v8  }
0x207: {  	[tilespmem:v9+s23+$0x0] =	vst.idx.msk $0xffff, v2;
	v2 =	vadd.f32 v7, v5;
	v5 =	vsub.f32 v45, v6  }
0x208: {  	[tilespmem:v50+s23+$0x0] =	vst.idx.msk $0xffff, v57;
	v3 =	vadd.f32 v3, v8  }
0x209: {  	[tilespmem:v51+s23+$0x0] =	vst.idx.msk $0xffff, v4;
	v2 =	vadd.f32 v2, v5  }
0x20a: {  	[tilespmem:v52+s23+$0x0] =	vst.idx.msk $0xffff, v3  }
0x20b: {  	s30 =	simm.s32 $0x19A00;
	[tilespmem:v60+s23+$0x0] =	vst.idx.msk $0xffff, v2  }
0x20c: {  	v2 =	vld [tilespmem:s30+$0x810]  }
0x20d: {  	v3 =	vld [tilespmem:s30+$0xA10]  }
0x20e: {  	v4 =	vld [tilespmem:s30+$0x10]  }
0x20f: {  	v5 =	vld [tilespmem:s30+$0x210]  }
0x210: {  	v6 =	vld [tilespmem:s30+$0xFFFFF010]  }
0x211: {  	v7 =	vld [tilespmem:s30+$0xFFFFF210]  }
0x212: {  	v8 =	vld [tilespmem:s30+$0xFFFFF410]  }
0x213: {  	v9 =	vld [tilespmem:s30+$0xFFFFF610]  }
0x214: {  	v10 =	vld [tilespmem:s30+$0xFFFFF810]  }
0x215: {  	v11 =	vld [tilespmem:s30+$0xFFFFFA10]  }
0x216: {  	v12 =	vld [tilespmem:s30+$0xFFFFFC10]  }
0x217: {  	v59 =	vld [tilespmem:s30+$0xFFFFFE10]  }
0x218: {  	v60 =	vld [tilespmem:s30+$0x410]  }
0x219: {  	v61 =	vld [tilespmem:s30+$0x610]  }
0x21a: {  	v16 =	vld [tilespmem:s30+$0xC10]  }
0x21b: {  	v13 =	vld [tilespmem:s30+$0x400]  }
0x21c: {  	v62 =	vld [tilespmem:s30+$0x800]  }
0x21d: {  	v63 =	vld [tilespmem:s30+$0xA00]  }
0x21e: {  	s31 =	simm.s32 $0x19A20;
	v17 =	vld [tilespmem:s30+$0xE00]  }
0x21f: {  	v18 =	vld [tilespmem:s31+$0x810]  }
0x220: {  	v50 =	vld [tilespmem:s31+$0xA10]  }
0x221: {  	v51 =	vld [tilespmem:s31+$0x10]  }
0x222: {  	v52 =	vld [tilespmem:s31+$0x210]  }
0x223: {  	v6 =	vadd.f32 v10, v6;
	v7 =	vadd.f32 v11, v7;
	v10 =	vld [tilespmem:s30+$0xE10]  }
0x224: {  	v54 =	vld [tilespmem:s31+$0xFFFFF010];
	v8 =	vadd.f32 v12, v8;
	v9 =	vadd.f32 v59, v9  }
0x225: {  	v11 =	vld [tilespmem:s30+$0x0];
	v4 =	vadd.f32 v4, v6;
	v5 =	vadd.f32 v5, v7  }
0x226: {  	v6 =	vld [tilespmem:s30+$0xFFFFF200];
	v7 =	vadd.f32 v60, v8;
	v8 =	vadd.f32 v61, v9  }
0x227: {  	v9 =	vld [tilespmem:s30+$0xFFFFF400];
	v2 =	vadd.f32 v2, v4;
	v3 =	vadd.f32 v3, v5  }
0x228: {  	v61 =	vld [tilespmem:s31+$0xFFFFF810];
	v5 =	vadd.f32 v16, v7;
	v7 =	vadd.f32 v10, v8  }
0x229: {  	v4 =	vld [tilespmem:s30+$0xFFFFF600]  }
0x22a: {  	v8 =	vld [tilespmem:s30+$0xFFFFF800];
	v2 =	vadd.f32 v3, v2;
	v3 =	vadd.f32 v7, v5  }
0x22b: {  	v10 =	vld [tilespmem:s30+$0xFFFFFA00]  }
0x22c: {  	v5 =	vld [tilespmem:s30+$0xFFFFFC00];
	v2 =	vadd.f32 v3, v2  }
0x22d: {  	v7 =	vld [tilespmem:s30+$0xFFFFFE00]  }
0x22e: {  	v3 =	vld [tilespmem:s30+$0xFFFFF000];
	v2 =	vmul.f32 $1.442695020e+00, v2  }
0x22f: {  	v12 =	vld [tilespmem:s30+$0x200]  }
0x230: {  	(erf) = vpow2.f32 v2;
	v2 =	vld [tilespmem:s30+$0x600]  }
0x231: {  	v16 =	vld [tilespmem:s30+$0xC00];
	v59 =	vadd.f32 v61, v54  }
0x232: {  	v57 =	vld [tilespmem:s31+$0xFFFFF410];
	v6 =	vadd.f32 v10, v6;
	v5 =	vadd.f32 v5, v9  }
0x233: {  	v58 =	vld [tilespmem:s31+$0xFFFFF610];
	v4 =	vadd.f32 v7, v4;
	v3 =	vadd.f32 v8, v3  }
0x234: {  	v60 =	vld [tilespmem:s31+$0xFFFFF210];
	v6 =	vadd.f32 v12, v6;
	v5 =	vadd.f32 v13, v5  }
0x235: {  	v61 =	vld [tilespmem:s31+$0xFFFFFE00];
	v3 =	vadd.f32 v11, v3;
	v2 =	vadd.f32 v2, v4  }
0x236: {  	v7 =	vld [tilespmem:s31+$0xFFFFFC10];
	v6 =	vadd.f32 v63, v6;
	v5 =	vadd.f32 v16, v5  }
0x237: {  	v8 =	vld [tilespmem:s31+$0xFFFFFA10];
	v3 =	vadd.f32 v62, v3;
	v2 =	vadd.f32 v17, v2  }
0x238: {  	v9 =	vld [tilespmem:s31+$0xFFFFFE10]  }
0x239: {  	v4 =	vld [tilespmem:s31+$0x410];
	v3 =	vadd.f32 v6, v3;
	v2 =	vadd.f32 v2, v5  }
0x23a: {  	v10 =	vld [tilespmem:s31+$0x610]  }
0x23b: {  	v11 =	vld [tilespmem:s31+$0xC10];
	v2 =	vadd.f32 v2, v3  }
0x23c: {  	v7 =	vadd.f32 v7, v57;
	v62 =	vld [tilespmem:s31+$0xE10];
	v8 =	vadd.f32 v8, v60  }
0x23d: {  	v63 =	vld [tilespmem:s31+$0xFFFFF800];
	v9 =	vadd.f32 v9, v58;
	v2 =	vmul.f32 $1.442695020e+00, v2  }
0x23e: {  	v16 =	vld [tilespmem:s31+$0xFFFFFC00];
	v8 =	vadd.f32 v52, v8;
	v4 =	vadd.f32 v4, v7  }
0x23f: {  	v60 =	vld [tilespmem:s31+$0xFFFFFA00];
	v53 =	vpop (erf);
	v7 =	vadd.f32 v10, v9;
	(erf) = vpow2.f32 v2;
	v2 =	vadd.f32 v51, v59  }
0x240: {  	v6 =	vld [tilespmem:s31+$0xFFFFF400];
	v8 =	vadd.f32 v50, v8;
	v4 =	vadd.f32 v11, v4  }
0x241: {  	v17 =	vld [tilespmem:s31+$0x600];
	v7 =	vadd.f32 v62, v7;
	v2 =	vadd.f32 v18, v2  }
0x242: {  	v9 =	vld [tilespmem:s31+$0xFFFFF000]  }
0x243: {  	s13 =	simm.s32 $0x1AA10;
	v5 =	vld [tilespmem:s31+$0xFFFFF200];
	v4 =	vadd.f32 v7, v4;
	v2 =	vadd.f32 v8, v2  }
0x244: {  	s19 =	simm.s32 $0x810;
	[tilespmem:s13+$0x0] =	vst v53;
	v10 =	vld [tilespmem:s31+$0x0]  }
0x245: {  	v55 =	vld [tilespmem:s19+$0x0];
	v7 =	vadd.f32 v4, v2  }
0x246: {  	v3 =	vld [tilespmem:s31+$0xFFFFF600]  }
0x247: {  	v62 =	vld [tilespmem:s31+$0x400];
	v8 =	vadd.f32 v63, v9;
	v63 =	vmul.f32 $1.442695020e+00, v7  }
0x248: {  	v11 =	vld [tilespmem:s31+$0x200]  }
0x249: {  	v18 =	vld [tilespmem:s31+$0x800];
	v2 =	vpop (erf);
	(erf) = vpow2.f32 v63  }
0x24a: {  	v6 =	vadd.f32 v16, v6;
	v4 =	vld [tilespmem:s31+$0xA00]  }
0x24b: {  	v3 =	vadd.f32 v61, v3;
	v9 =	vadd.f32 v60, v5;
	v5 =	vld [tilespmem:s31+$0xC00]  }
0x24c: {  	v10 =	vadd.f32 v10, v8;
	v8 =	vadd.f32 v62, v6;
	v6 =	vld [tilespmem:s31+$0xE00];
	[tilespmem:s13+$0xFFFFFFF0] =	vst v2  }
0x24d: {  	v50 =	vadd.f32 v17, v3;
	v7 =	vadd.f32 v11, v9;
	v3 =	vld [tilespmem:s19+$0xFFFFFFF0]  }
0x24e: {  	s21 =	simm.s32 $0x19A40;
	[tilespmem:v55+s9+$0x0] =	vst.idx.add.f32.msk $0xffff, v53;
	v9 =	vadd.f32 v18, v10  }
.LBB2_7:
0x24f: {  	v10 =	vld [tilespmem:s21+$0x810];
	v4 =	vadd.f32 v4, v7  }
0x250: {  	v7 =	vld [tilespmem:s21+$0xA10];
	v5 =	vadd.f32 v5, v8  }
0x251: {  	v8 =	vld [tilespmem:s21+$0x10];
	v6 =	vadd.f32 v6, v50;
	v4 =	vadd.f32 v4, v9  }
0x252: {  	s13 =	sadd.s32 $0x20, s13;
	v9 =	vld [tilespmem:s21+$0x210];
	v11 =	vpop (erf);
	v12 =	vmov v3  }
0x253: {  	s19 =	sadd.s32 $0x20, s19;
	v3 =	vld [tilespmem:s21+$0xFFFFF010];
	v5 =	vadd.f32 v6, v5;
	[tilespmem:s13+$0x0] =	vst v11  }
0x254: {  	v6 =	vld [tilespmem:s19+$0x0]  }
0x255: {  	v13 =	vld [tilespmem:s21+$0xFFFFF210];
	v4 =	vadd.f32 v5, v4  }
0x256: {  	v5 =	vld [tilespmem:s21+$0xFFFFF410]  }
0x257: {  	v14 =	vld [tilespmem:s21+$0xFFFFF610];
	v4 =	vmul.f32 $1.442695020e+00, v4  }
0x258: {  	v15 =	vld [tilespmem:s21+$0xFFFFF810]  }
0x259: {  	v16 =	vld [tilespmem:s21+$0xFFFFFA10];
	(erf) = vpow2.f32 v4  }
0x25a: {  	v4 =	vld [tilespmem:s21+$0xFFFFFC10]  }
0x25b: {  	v17 =	vld [tilespmem:s21+$0xFFFFFE10]  }
0x25c: {  	s16 =	sadd.s32 $0x2, s16;
	[tilespmem:v6+s9+$0x0] =	vst.idx.add.f32.msk $0xffff, v11  }
0x25d: {  	p1 =	slt.u32 s16, $0x1E;
	v6 =	vld [tilespmem:s21+$0x410]  }
0x25e: {  	v11 =	vld [tilespmem:s21+$0x610]  }
0x25f: {  	v18 =	vld [tilespmem:s21+$0xC10]  }
0x260: {  	v3 =	vadd.f32 v15, v3;
	v50 =	vadd.f32 v16, v13;
	v15 =	vld [tilespmem:s21+$0xE10]  }
0x261: {  	v4 =	vadd.f32 v4, v5;
	v5 =	vadd.f32 v17, v14;
	v16 =	vld [tilespmem:s21+$0xFFFFF200]  }
0x262: {  	v3 =	vadd.f32 v8, v3;
	v8 =	vadd.f32 v9, v50;
	v14 =	vld [tilespmem:s21+$0xFFFFF400];
	v13 =	vpop (erf)  }
0x263: {  	v4 =	vadd.f32 v6, v4;
	v9 =	vld [tilespmem:s21+$0xFFFFF600];
	v5 =	vadd.f32 v11, v5;
	[tilespmem:s13+$0xFFFFFFF0] =	vst v13  }
0x264: {  	v3 =	vadd.f32 v10, v3;
	v7 =	vadd.f32 v7, v8;
	v6 =	vld [tilespmem:s21+$0xFFFFF800]  }
0x265: {  	v4 =	vadd.f32 v18, v4;
	v8 =	vld [tilespmem:s21+$0xFFFFFA00];
	v5 =	vadd.f32 v15, v5  }
0x266: {  	v10 =	vld [tilespmem:s21+$0xFFFFFC00]  }
0x267: {  	v3 =	vadd.f32 v7, v3;
	v11 =	vld [tilespmem:s21+$0xFFFFFE00];
	v4 =	vadd.f32 v5, v4  }
0x268: {  	v5 =	vld [tilespmem:s21+$0xFFFFF000]  }
0x269: {  	v7 =	vld [tilespmem:s21+$0x0];
	v3 =	vadd.f32 v4, v3  }
0x26a: {  	v8 =	vadd.f32 v8, v16;
	v15 =	vld [tilespmem:s21+$0x200]  }
0x26b: {  	v10 =	vadd.f32 v10, v14;
	v14 =	vld [tilespmem:s21+$0x400];
	v3 =	vmul.f32 $1.442695020e+00, v3  }
0x26c: {  	v9 =	vadd.f32 v11, v9;
	v11 =	vld [tilespmem:s21+$0x600]  }
0x26d: {  	v5 =	vadd.f32 v6, v5;
	v16 =	vld [tilespmem:s21+$0x800];
	(erf) = vpow2.f32 v3  }
.Ltmp2:
0x26e: {  	v4 =	vld [tilespmem:s21+$0xA00];
	(pc) =	sbr.rel @p1 .LBB2_7-.Ltmp2, $4  }
0x26f: {  	v17 =	vadd.f32 v7, v5;
	v7 =	vadd.f32 v15, v8;
	v5 =	vld [tilespmem:s21+$0xC00]  }
0x270: {  	v8 =	vadd.f32 v14, v10;
	v6 =	vld [tilespmem:s21+$0xE00]  }
0x271: {  	v50 =	vadd.f32 v11, v9;
	v3 =	vld [tilespmem:s19+$0xFFFFFFF0]  }
0x272: {  	s21 =	sadd.s32 $0x20, s21;
	v9 =	vadd.f32 v16, v17;
	[tilespmem:v12+s9+$0x0] =	vst.idx.add.f32.msk $0xffff, v2;
	v2 =	vmov v13  }
0x273: {  	_ = 	snop  }
0x274: {  	v4 =	vadd.f32 v4, v7  }
0x275: {  	v5 =	vadd.f32 v5, v8;
	v6 =	vadd.f32 v6, v50;
	_ =	sdelay $0x1  }
0x276: {  	v4 =	vadd.f32 v4, v9;
	v5 =	vadd.f32 v6, v5;
	_ =	sdelay $0x1  }
0x277: {  	v4 =	vadd.f32 v5, v4;
	_ =	sdelay $0x1  }
0x278: {  	v4 =	vmul.f32 $1.442695020e+00, v4;
	_ =	sdelay $0x1  }
0x279: {  	(erf) = vpow2.f32 v4;
	_ =	sdelay $0x7  }
0x27a: {  	s10 =	sadd.s32 $0x20, s13;
	v4 =	vpop (erf)  }
0x27b: {  	s24 =	sadd.s32 $0x20, s19;
	[tilespmem:s10+$0x0] =	vst v4;
	v6 =	vpop (erf)  }
0x27c: {  	v5 =	vld [tilespmem:s24+$0x0];
	[tilespmem:s10+$0xFFFFFFF0] =	vst v6  }
0x27d: {  	v7 =	vld [tilespmem:s24+$0xFFFFFFF0];
	_ =	sdelay $0x5  }
0x27e: {  	s13 =	sshll.u32 s15, $0x3;
	[tilespmem:v3+s9+$0x0] =	vst.idx.add.f32.msk $0xffff, v2  }
0x27f: {  	s10 =	sand.u32 $0x1FFFF000, s13;
	[tilespmem:v5+s9+$0x0] =	vst.idx.add.f32.msk $0xffff, v4  }
0x280: {  	s16 =	simm.s32 $0x10A00;
	p1 =	seq.s32 s25, $0x9;
	s10 =	sadd.s32 s6, s10;
	[tilespmem:v7+s9+$0x0] =	vst.idx.add.f32.msk $0xffff, v6  }
0x281: {  	[tilespmem:s16], [sflag:$0x7] =	stream.linear.gather [hbm4b:s10+s2], $0x8000, $0x38;
	[tilespmem:$0x1DB40] =	vst v63  }
0x282: {  	s10 =	sshrl.u32 @p1 s1, $0x3  }
0x283: {  	s13 =	simm.s32 @p1 $0x0;
	s16 =	simm.s32 @p1 $0x1AA00;
	s10 =	sadd.s32 @p1 s11, s10  }
0x284: {  	[hbm4b:s10+s13] =	stream.linear.scatter @p1 [tilespmem:s16], [sflag:$0x5], $0x200, $0x38;
	[tilespmem:$0x1DB40] =	vst v63  }
0x285: {  	s10 =	rddreg [dreg:$0xa]  }
0x286: {  	s16 =	sadd.s32 @!p1 s14, s10  }
0x287: {  	s10 =	sshrl.u32 @!p1 s16, $0x3  }
0x288: {  	s19 =	simm.s32 @!p1 $0x0;
	s13 =	sadd.s32 @!p1 s7, s10  }
0x289: {  	[tilespmem:s19], [sflag:$0x1] =	stream.linear.gather @!p1 [hbm4b:s13+s19], $0x200, $0x38;
	[tilespmem:$0x1DB40] =	vst v63  }
0x28a: {  	s1 =	sshrl.u32 @!p1 s1, $0x3;
	s10 =	sadd.s32 @!p1 s8, s10;
	s13 =	simm.s32 @!p1 $0x400  }
0x28b: {  	[tilespmem:s13], [sflag:$0x1] =	stream.linear.gather @!p1 [hbm4b:s10+s19], $0x200, $0x38;
	[tilespmem:$0x1DB40] =	vst v63  }
0x28c: {  	s1 =	sadd.s32 @!p1 s11, s1;
	s10 =	simm.s32 @!p1 $0x1AA00  }
0x28d: {  	[hbm4b:s1+s19] =	stream.linear.scatter @!p1 [tilespmem:s10], [sflag:$0x5], $0x200, $0x38;
	[tilespmem:$0x1DB40] =	vst v63  }
0x28e: {  	s1 =	simm.s32 @!p1 $0x1  }
0x28f: {  	_ =	swait.ge @!p1 [sflag:s1], $0x200  }
0x290: {  	[sflag:s1] =	ssyncset.done @!p1 $0x0  }
0x291: {  	[sflag:s1] =	ssyncadd.s32 @!p1 $0xFFFFFE00  }
0x292: {  	_ =	swait.ge @!p1 [sflag:s1], $0x200  }
0x293: {  	[sflag:s1] =	ssyncset.done @!p1 $0x0  }
0x294: {  	s10 =	simm.s32 @!p1 $0xA00;
	[sflag:s1] =	ssyncadd.s32 @!p1 $0xFFFFFE00;
	s1 =	simm.s32 @!p1 $0x200  }
0x295: {  	[tilespmem:s10], [sflag:$0x3] =	stream.indirect.gather @!p1 [hbm4b:s3+s1], $0x20, s19, s1, $0xb8;
	[tilespmem:$0x1DB40] =	vst v63  }
0x296: {  	s10 =	simm.s32 @!p1 $0x8A00  }
0x297: {  	[tilespmem:s10], [sflag:$0x3] =	stream.indirect.gather @!p1 [hbm4b:s4+s1], $0x20, s13, s1, $0xb8;
	[tilespmem:$0x1DB40] =	vst v63  }
0x298: {  	_ =	swait.ge [sflag:s12], $0x4000  }
0x299: {  	[sflag:s12] =	ssyncset.done $0x0  }
0x29a: {  	[sflag:s12] =	ssyncadd.s32 $0xFFFFC000  }
0x29b: {  	_ =	swait.ge [sflag:s12], $0x4000  }
0x29c: {  	[sflag:s12] =	ssyncset.done $0x0  }
0x29d: {  	[sflag:s12] =	ssyncadd.s32 $0xFFFFC000  }
0x29e: {  	_ =	swait.ge [sflag:s5], $0x8000  }
0x29f: {  	[sflag:s5] =	ssyncset.done $0x0  }
0x2a0: {  	s1 =	simm.s32 @!p2 $0x6;
	[sflag:s5] =	ssyncadd.s32 $0xFFFF8000  }
0x2a1: {  	_ =	swait.ge @!p2 [sflag:s1], $0x200  }
0x2a2: {  	[sflag:s1] =	ssyncset.done @!p2 $0x0  }
0x2a3: {  	[sflag:s1] =	ssyncadd.s32 @!p2 $0xFFFFFE00  }
0x2a4: {  	v2 =	vld [tilespmem:$0x200]  }
0x2a5: {  	v3 =	vld [tilespmem:$0x210]  }
0x2a6: {  	v4 =	vld [tilespmem:$0x220]  }
0x2a7: {  	v5 =	vld [tilespmem:$0x230]  }
0x2a8: {  	v6 =	vld [tilespmem:$0x240]  }
0x2a9: {  	[tilespmem:$0x800] =	vst v2;
	v2 =	vld [tilespmem:$0x250]  }
0x2aa: {  	[tilespmem:$0x810] =	vst v3;
	v3 =	vld [tilespmem:$0x260]  }
0x2ab: {  	[tilespmem:$0x820] =	vst v4;
	v4 =	vld [tilespmem:$0x270]  }
0x2ac: {  	[tilespmem:$0x830] =	vst v5;
	v5 =	vld [tilespmem:$0x280]  }
0x2ad: {  	[tilespmem:$0x840] =	vst v6;
	v6 =	vld [tilespmem:$0x290]  }
0x2ae: {  	[tilespmem:$0x850] =	vst v2;
	v2 =	vld [tilespmem:$0x2A0]  }
0x2af: {  	[tilespmem:$0x860] =	vst v3;
	v3 =	vld [tilespmem:$0x2B0]  }
0x2b0: {  	[tilespmem:$0x870] =	vst v4;
	v4 =	vld [tilespmem:$0x2C0]  }
0x2b1: {  	[tilespmem:$0x880] =	vst v5;
	v5 =	vld [tilespmem:$0x2D0]  }
0x2b2: {  	[tilespmem:$0x890] =	vst v6;
	v6 =	vld [tilespmem:$0x2E0]  }
0x2b3: {  	[tilespmem:$0x8A0] =	vst v2;
	v2 =	vld [tilespmem:$0x2F0]  }
0x2b4: {  	[tilespmem:$0x8B0] =	vst v3;
	v3 =	vld [tilespmem:$0x300]  }
0x2b5: {  	[tilespmem:$0x8C0] =	vst v4;
	v4 =	vld [tilespmem:$0x310]  }
0x2b6: {  	[tilespmem:$0x8D0] =	vst v5;
	v5 =	vld [tilespmem:$0x320]  }
0x2b7: {  	[tilespmem:$0x8E0] =	vst v6;
	v6 =	vld [tilespmem:$0x330]  }
0x2b8: {  	[tilespmem:$0x8F0] =	vst v2;
	v2 =	vld [tilespmem:$0x340]  }
0x2b9: {  	[tilespmem:$0x900] =	vst v3;
	v3 =	vld [tilespmem:$0x350]  }
0x2ba: {  	[tilespmem:$0x910] =	vst v4;
	v4 =	vld [tilespmem:$0x360]  }
0x2bb: {  	[tilespmem:$0x920] =	vst v5;
	v5 =	vld [tilespmem:$0x370]  }
0x2bc: {  	[tilespmem:$0x930] =	vst v6;
	v6 =	vld [tilespmem:$0x380]  }
0x2bd: {  	[tilespmem:$0x940] =	vst v2;
	v2 =	vld [tilespmem:$0x390]  }
0x2be: {  	[tilespmem:$0x950] =	vst v3;
	v3 =	vld [tilespmem:$0x3A0]  }
0x2bf: {  	[tilespmem:$0x960] =	vst v4;
	v4 =	vld [tilespmem:$0x3B0]  }
0x2c0: {  	[tilespmem:$0x970] =	vst v5;
	v5 =	vld [tilespmem:$0x3C0]  }
0x2c1: {  	[tilespmem:$0x980] =	vst v6;
	v6 =	vld [tilespmem:$0x3D0]  }
0x2c2: {  	[tilespmem:$0x990] =	vst v2;
	v2 =	vld [tilespmem:$0x3E0]  }
0x2c3: {  	[tilespmem:$0x9A0] =	vst v3;
	v3 =	vld [tilespmem:$0x3F0]  }
0x2c4: {  	[tilespmem:$0x9B0] =	vst v4  }
0x2c5: {  	[tilespmem:$0x9C0] =	vst v5  }
0x2c6: {  	[tilespmem:$0x9D0] =	vst v6  }
0x2c7: {  	[tilespmem:$0x9E0] =	vst v2  }
0x2c8: {  	s21 =	simm.s32 $0x4A40;
	[tilespmem:$0x9F0] =	vst v3  }
0x2c9: {  	s13 =	simm.s32 $0xCA40;
	v2 =	vld [tilespmem:s21+$0x0]  }
0x2ca: {  	s1 =	simm.s32 $0x10A80;
	v3 =	vld [tilespmem:s13+$0x0]  }
0x2cb: {  	v4 =	vld [tilespmem:s1+$0x0]  }
0x2cc: {  	v5 =	vld [tilespmem:s21+$0x10]  }
0x2cd: {  	v6 =	vld [tilespmem:s13+$0x10]  }
0x2ce: {  	v7 =	vld [tilespmem:s1+$0x10]  }
0x2cf: {  	v8 =	vshll.u32 v2, $0x10;
	v9 =	vshll.u32 v3, $0x10  }
0x2d0: {  	v2 =	vand.u32 $0xFFFF0000, v2;
	v3 =	vand.u32 $0xFFFF0000, v3;
	v8 =	vadd.f32 v9, v8;
	v9 =	vld [tilespmem:s1+$0x20]  }
0x2d1: {  	v2 =	vadd.f32 v3, v2  }
0x2d2: {  	v3 =	vadd.f32 v8, v4;
	v4 =	vshll.u32 v5, $0x10;
	v8 =	vshll.u32 v6, $0x10  }
0x2d3: {  	v10 =	vld [tilespmem:s1+$0x30];
	v2 =	vadd.f32 v2, v7;
	v4 =	vadd.f32 v8, v4  }
0x2d4: {  	v7 =	vld [tilespmem:s13+$0xFFFFFFC0];
	v5 =	vand.u32 $0xFFFF0000, v5;
	v3 =	vmul.f32 $1.442695020e+00, v3  }
0x2d5: {  	v6 =	vand.u32 $0xFFFF0000, v6;
	v8 =	vld [tilespmem:s21+$0xFFFFFFC0];
	v2 =	vmul.f32 $1.442695020e+00, v2;
	v4 =	vadd.f32 v4, v9  }
0x2d6: {  	v5 =	vadd.f32 v6, v5;
	(erf) = vpow2.f32 v3  }
0x2d7: {  	(erf) = vpow2.f32 v2;
	v2 =	vmul.f32 $1.442695020e+00, v4  }
0x2d8: {  	v3 =	vadd.f32 v5, v10;
	v4 =	vld [tilespmem:s1+$0xFFFFFF80]  }
0x2d9: {  	(erf) = vpow2.f32 v2  }
0x2da: {  	v5 =	vshll.u32 v7, $0x10;
	v3 =	vmul.f32 $1.442695020e+00, v3;
	v2 =	vshll.u32 v8, $0x10  }
0x2db: {  	v2 =	vadd.f32 v5, v2  }
0x2dc: {  	(erf) = vpow2.f32 v3;
	v3 =	vld [tilespmem:s1+$0xFFFFFF90]  }
0x2dd: {  	v5 =	vand.u32 $0xFFFF0000, v7;
	v2 =	vadd.f32 v2, v4;
	v4 =	vand.u32 $0xFFFF0000, v8  }
0x2de: {  	v4 =	vadd.f32 v5, v4  }
0x2df: {  	v2 =	vmul.f32 $1.442695020e+00, v2;
	v6 =	vpop (erf)  }
0x2e0: {  	v5 =	vadd.f32 $1.000000000e+00, v6  }
0x2e1: {  	v3 =	vadd.f32 v4, v3;
	v6 =	vpop (erf);
	(erf) = vpow2.f32 v2  }
0x2e2: {  	v2 =	vadd.f32 $1.000000000e+00, v6;
	(erf) = vrcp.f32 v5;
	v4 =	vpop (erf)  }
0x2e3: {  	v4 =	vadd.f32 $1.000000000e+00, v4  }
0x2e4: {  	(erf) = vrcp.f32 v2  }
0x2e5: {  	v2 =	vmul.f32 $1.442695020e+00, v3;
	v3 =	vpop (erf);
	(erf) = vrcp.f32 v4;
	v4 =	vld [tilespmem:s13+$0xFFFFFFD0]  }
0x2e6: {  	v3 =	vadd.f32 $1.000000000e+00, v3  }
0x2e7: {  	v5 =	vld [tilespmem:s21+$0xFFFFFFD0];
	(erf) = vpow2.f32 v2  }
0x2e8: {  	(erf) = vrcp.f32 v3;
	_ =	sdelay $0x1  }
0x2e9: {  	v2 =	vld [tilespmem:s1+$0xFFFFFFA0];
	v3 =	vpop (erf);
	v8 =	vshll.u32 v4, $0x10  }
0x2ea: {  	v9 =	vpop (erf)  }
0x2eb: {  	v6 =	vld [tilespmem:s1+$0xFFFFFFB0];
	v7 =	vshll.u32 v5, $0x10;
	v5 =	vand.u32 $0xFFFF0000, v5;
	v9 =	vmul.f32 v9, v46  }
0x2ec: {  	v7 =	vadd.f32 v8, v7;
	v8 =	vpop (erf)  }
0x2ed: {  	v4 =	vand.u32 $0xFFFF0000, v4;
	v8 =	vmul.f32 v8, v47  }
0x2ee: {  	v4 =	vadd.f32 v4, v5;
	v2 =	vadd.f32 v7, v2;
	v5 =	vpop (erf)  }
0x2ef: {  	v7 =	vsub.f32 v42, v9;
	v5 =	vmul.f32 v5, v48;
	v8 =	vsub.f32 v43, v8;
	v9 =	vpop (erf)  }
0x2f0: {  	v4 =	vadd.f32 v4, v6;
	v2 =	vmul.f32 $1.442695020e+00, v2;
	v6 =	vpop (erf)  }
0x2f1: {  	s19 =	simm.s32 $0x2;
	v5 =	vsub.f32 v44, v5;
	v7 =	vadd.f32 v8, v7;
	v6 =	vmul.f32 v6, v49  }
0x2f2: {  	v8 =	vor.u32 s19, v41  }
0x2f3: {  	(erf) = vpow2.f32 v2;
	v2 =	vadd.f32 v5, v7;
	v5 =	vsub.f32 v45, v6;
	_ =	sdelay $0x1  }
0x2f4: {  	v4 =	vmul.f32 $1.442695020e+00, v4;
	v2 =	vadd.f32 v2, v5;
	_ =	sdelay $0x1  }
0x2f5: {  	v3 =	vadd.f32 $1.000000000e+00, v3;
	(erf) = vpow2.f32 v4;
	[tilespmem:v8+s23+$0x0] =	vst.idx.msk $0xffff, v2  }
0x2f6: {  	v2 =	vld [tilespmem:s21+$0x20]  }
0x2f7: {  	(erf) = vrcp.f32 v3;
	v3 =	vadd.f32 $1.000000000e+00, v9;
	v4 =	vld [tilespmem:s13+$0x20]  }
0x2f8: {  	v5 =	vld [tilespmem:s1+$0x40]  }
0x2f9: {  	(erf) = vrcp.f32 v3;
	v3 =	vld [tilespmem:s21+$0x30]  }
0x2fa: {  	v7 =	vld [tilespmem:s13+$0x30]  }
0x2fb: {  	v9 =	vld [tilespmem:s1+$0x50];
	v6 =	vpop (erf)  }
0x2fc: {  	v6 =	vadd.f32 $1.000000000e+00, v6;
	v10 =	vshll.u32 v2, $0x10;
	v11 =	vshll.u32 v4, $0x10  }
0x2fd: {  	v2 =	vand.u32 $0xFFFF0000, v2;
	v4 =	vand.u32 $0xFFFF0000, v4;
	v10 =	vadd.f32 v11, v10  }
0x2fe: {  	v8 =	vpop (erf);
	v11 =	vld [tilespmem:s1+$0x60];
	v2 =	vadd.f32 v4, v2  }
0x2ff: {  	v60 =	vld [tilespmem:s1+$0x70];
	v8 =	vadd.f32 $1.000000000e+00, v8;
	(erf) = vrcp.f32 v6;
	v4 =	vadd.f32 v10, v5  }
0x300: {  	s22 =	simm.s32 $0xCAC0;
	v5 =	vshll.u32 v3, $0x10;
	v10 =	vshll.u32 v7, $0x10;
	v2 =	vadd.f32 v2, v9  }
0x301: {  	s24 =	simm.s32 $0x4AC0;
	v9 =	vld [tilespmem:s22+$0x0];
	v3 =	vand.u32 $0xFFFF0000, v3;
	v7 =	vand.u32 $0xFFFF0000, v7;
	v5 =	vadd.f32 v10, v5  }
0x302: {  	s19 =	simm.s32 $0x10B80;
	v12 =	vpop (erf);
	(erf) = vrcp.f32 v8;
	v8 =	vld [tilespmem:s24+$0x0];
	v3 =	vadd.f32 v7, v3;
	v4 =	vmul.f32 $1.442695020e+00, v4  }
0x303: {  	v13 =	vld [tilespmem:s19+$0x0];
	v6 =	vmul.f32 v12, v46;
	v2 =	vmul.f32 $1.442695020e+00, v2;
	v10 =	vpop (erf);
	v5 =	vadd.f32 v5, v11  }
0x304: {  	v3 =	vadd.f32 v3, v60;
	v11 =	vld [tilespmem:s22+$0x10];
	v7 =	vmul.f32 v10, v47;
	(erf) = vpow2.f32 v4  }
0x305: {  	v4 =	vld [tilespmem:s24+$0x10];
	v5 =	vmul.f32 $1.442695020e+00, v5;
	(erf) = vpow2.f32 v2;
	v2 =	vsub.f32 v42, v6  }
0x306: {  	v61 =	vshll.u32 v9, $0x10;
	v3 =	vmul.f32 $1.442695020e+00, v3;
	v6 =	vsub.f32 v43, v7  }
0x307: {  	v9 =	vand.u32 $0xFFFF0000, v9;
	v7 =	vshll.u32 v8, $0x10;
	v8 =	vand.u32 $0xFFFF0000, v8  }
0x308: {  	v10 =	vld [tilespmem:s19+$0x10];
	(erf) = vpow2.f32 v5;
	v7 =	vadd.f32 v61, v7;
	v2 =	vadd.f32 v6, v2  }
0x309: {  	v6 =	vadd.f32 v9, v8;
	(erf) = vpow2.f32 v3;
	v9 =	vshll.u32 v11, $0x10  }
0x30a: {  	v3 =	vadd.f32 v7, v13;
	v7 =	vand.u32 $0xFFFF0000, v4;
	v4 =	vshll.u32 v4, $0x10  }
0x30b: {  	v8 =	vld [tilespmem:s19+$0x20];
	v4 =	vadd.f32 v9, v4;
	v9 =	vand.u32 $0xFFFF0000, v11  }
0x30c: {  	v63 =	vld [tilespmem:s24+$0xFFFFFFC0];
	v5 =	vpop (erf)  }
0x30d: {  	v6 =	vadd.f32 v6, v10;
	v10 =	vld [tilespmem:s19+$0x30];
	v62 =	vpop (erf);
	v3 =	vmul.f32 $1.442695020e+00, v3  }
0x30e: {  	v5 =	vmul.f32 v5, v48;
	v7 =	vadd.f32 v9, v7;
	v9 =	vpop (erf)  }
0x30f: {  	v50 =	vld [tilespmem:s22+$0xFFFFFFC0];
	v6 =	vmul.f32 $1.442695020e+00, v6;
	(erf) = vpow2.f32 v3;
	v3 =	vadd.f32 $1.000000000e+00, v9  }
0x310: {  	v11 =	vmul.f32 v62, v49;
	v4 =	vadd.f32 v4, v8;
	v8 =	vpop (erf)  }
0x311: {  	v5 =	vsub.f32 v44, v5;
	(erf) = vpow2.f32 v6;
	v6 =	vadd.f32 $1.000000000e+00, v8  }
0x312: {  	v9 =	vshll.u32 v63, $0x10;
	v8 =	vld [tilespmem:s19+$0xFFFFFF80];
	v7 =	vadd.f32 v7, v10;
	(erf) = vrcp.f32 v3  }
0x313: {  	v2 =	vadd.f32 v5, v2;
	v4 =	vmul.f32 $1.442695020e+00, v4;
	(erf) = vrcp.f32 v6;
	v3 =	vpop (erf)  }
0x314: {  	s20 =	simm.s32 $0x0;
	v6 =	vshll.u32 v50, $0x10;
	v7 =	vmul.f32 $1.442695020e+00, v7;
	v3 =	vadd.f32 $1.000000000e+00, v3  }
0x315: {  	v5 =	vld [tilespmem:s24+$0xFFFFFFD0];
	(erf) = vpow2.f32 v4;
	v4 =	vor.u32 s20, v41;
	v6 =	vadd.f32 v6, v9  }
0x316: {  	v9 =	vpop (erf);
	(erf) = vrcp.f32 v3;
	v3 =	vsub.f32 v45, v11  }
0x317: {  	v6 =	vadd.f32 v6, v8;
	v8 =	vadd.f32 $1.000000000e+00, v9;
	(erf) = vpow2.f32 v7;
	v7 =	vld [tilespmem:s22+$0xFFFFFFD0]  }
0x318: {  	v2 =	vadd.f32 v2, v3;
	v3 =	vld [tilespmem:s19+$0xFFFFFF90]  }
0x319: {  	v6 =	vmul.f32 $1.442695020e+00, v6  }
0x31a: {  	v10 =	vand.u32 $0xFFFF0000, v50;
	v51 =	vshll.u32 v5, $0x10;
	v9 =	vpop (erf);
	[tilespmem:v4+s23+$0x0] =	vst.idx.msk $0xffff, v2;
	v4 =	vand.u32 $0xFFFF0000, v63  }
0x31b: {  	(erf) = vrcp.f32 v8;
	v9 =	vadd.f32 $1.000000000e+00, v9;
	v8 =	vpop (erf);
	v4 =	vadd.f32 v10, v4  }
0x31c: {  	(erf) = vpow2.f32 v6;
	v2 =	vld [tilespmem:s19+$0xFFFFFFA0];
	v8 =	vadd.f32 $1.000000000e+00, v8;
	v52 =	vshll.u32 v7, $0x10  }
0x31d: {  	v15 =	vld [tilespmem:s19+$0xFFFFFFB0];
	v6 =	vpop (erf);
	v3 =	vadd.f32 v4, v3;
	v4 =	vadd.f32 v52, v51  }
0x31e: {  	v11 =	vld [tilespmem:s21+$0xFFFFFFE0];
	v14 =	vpop (erf)  }
0x31f: {  	v5 =	vand.u32 $0xFFFF0000, v5;
	(erf) = vrcp.f32 v9;
	v9 =	vpop (erf)  }
0x320: {  	v10 =	vld [tilespmem:s13+$0xFFFFFFE0];
	(erf) = vrcp.f32 v8;
	v7 =	vand.u32 $0xFFFF0000, v7;
	v9 =	vadd.f32 $1.000000000e+00, v9;
	v8 =	vpop (erf)  }
0x321: {  	v5 =	vadd.f32 v7, v5;
	v3 =	vmul.f32 $1.442695020e+00, v3;
	v2 =	vadd.f32 v4, v2;
	v4 =	vpop (erf)  }
0x322: {  	(erf) = vrcp.f32 v9;
	v4 =	vadd.f32 $1.000000000e+00, v4  }
0x323: {  	v53 =	vld [tilespmem:s1+$0xFFFFFFC0];
	v5 =	vadd.f32 v5, v15;
	v7 =	vshll.u32 v11, $0x10;
	(erf) = vpow2.f32 v3  }
0x324: {  	v2 =	vmul.f32 $1.442695020e+00, v2;
	(erf) = vrcp.f32 v4;
	v4 =	vand.u32 $0xFFFF0000, v11;
	v11 =	vpop (erf)  }
0x325: {  	v9 =	vshll.u32 v10, $0x10;
	v3 =	vld [tilespmem:s1+$0xFFFFFFD0];
	v5 =	vmul.f32 $1.442695020e+00, v5;
	v54 =	vpop (erf)  }
0x326: {  	v7 =	vadd.f32 v9, v7;
	v9 =	vld [tilespmem:s21+$0xFFFFFFF0];
	(erf) = vpow2.f32 v2;
	v2 =	vadd.f32 $1.000000000e+00, v54  }
0x327: {  	v6 =	vmul.f32 v6, v46;
	v10 =	vand.u32 $0xFFFF0000, v10  }
0x328: {  	v7 =	vadd.f32 v7, v53;
	v4 =	vadd.f32 v10, v4  }
0x329: {  	v55 =	vmul.f32 v14, v47;
	v6 =	vsub.f32 v42, v6;
	v10 =	vld [tilespmem:s13+$0xFFFFFFF0];
	(erf) = vpow2.f32 v5;
	v5 =	vpop (erf)  }
0x32a: {  	v3 =	vadd.f32 v4, v3;
	v4 =	vmul.f32 $1.442695020e+00, v7;
	(erf) = vrcp.f32 v2;
	v2 =	vpop (erf)  }
0x32b: {  	v56 =	vshll.u32 v9, $0x10;
	v5 =	vmul.f32 v5, v46;
	v2 =	vmul.f32 v2, v47  }
0x32c: {  	v7 =	vsub.f32 v43, v55;
	v3 =	vmul.f32 $1.442695020e+00, v3;
	(erf) = vpow2.f32 v4;
	v57 =	vpop (erf)  }
0x32d: {  	v59 =	vld [tilespmem:s1+$0xFFFFFFE0];
	v4 =	vsub.f32 v42, v5;
	v5 =	vmul.f32 v57, v48;
	v58 =	vpop (erf);
	v2 =	vsub.f32 v43, v2  }
0x32e: {  	v6 =	vadd.f32 v7, v6;
	v60 =	vshll.u32 v10, $0x10;
	(erf) = vpow2.f32 v3;
	v16 =	vpop (erf)  }
0x32f: {  	s21 =	simm.s32 $0x6;
	v3 =	vsub.f32 v44, v5;
	v2 =	vadd.f32 v2, v4;
	v4 =	vmul.f32 v16, v49  }
0x330: {  	v61 =	vor.u32 s21, v41;
	v13 =	vadd.f32 $1.000000000e+00, v58;
	v5 =	vadd.f32 v60, v56  }
0x331: {  	v62 =	vld [tilespmem:s1+$0xFFFFFFF0];
	v2 =	vadd.f32 v3, v2;
	v3 =	vsub.f32 v45, v4  }
0x332: {  	v7 =	vand.u32 $0xFFFF0000, v9;
	(erf) = vrcp.f32 v13;
	v5 =	vadd.f32 v5, v59  }
0x333: {  	v9 =	vpop (erf);
	v4 =	vmul.f32 v8, v48;
	v8 =	vand.u32 $0xFFFF0000, v10;
	v2 =	vadd.f32 v2, v3  }
0x334: {  	v3 =	vadd.f32 v8, v7;
	v7 =	vadd.f32 $1.000000000e+00, v9  }
0x335: {  	v4 =	vsub.f32 v44, v4;
	[tilespmem:v61+s23+$0x0] =	vst.idx.msk $0xffff, v2  }
0x336: {  	v9 =	vpop (erf);
	v2 =	vmul.f32 $1.442695020e+00, v5;
	(erf) = vrcp.f32 v7;
	v3 =	vadd.f32 v3, v62;
	v7 =	vld [tilespmem:s24+$0x20]  }
0x337: {  	v8 =	vmul.f32 v11, v49;
	v5 =	vpop (erf);
	v4 =	vadd.f32 v4, v6;
	v6 =	vadd.f32 $1.000000000e+00, v9;
	v10 =	vld [tilespmem:s22+$0x20]  }
0x338: {  	v9 =	vpop (erf);
	(erf) = vpow2.f32 v2;
	v2 =	vmul.f32 $1.442695020e+00, v3  }
0x339: {  	v8 =	vsub.f32 v45, v8;
	v11 =	vld [tilespmem:s19+$0x40];
	(erf) = vrcp.f32 v6;
	v6 =	vadd.f32 $1.000000000e+00, v9  }
0x33a: {  	v5 =	vmul.f32 v5, v46;
	v9 =	vld [tilespmem:s24+$0x30];
	v3 =	vpop (erf);
	(erf) = vpow2.f32 v2  }
0x33b: {  	v53 =	vadd.f32 v4, v8;
	v4 =	vld [tilespmem:s22+$0x30];
	v63 =	vpop (erf);
	v3 =	vadd.f32 $1.000000000e+00, v3;
	(erf) = vrcp.f32 v6  }
0x33c: {  	v6 =	vld [tilespmem:s19+$0x50];
	v2 =	vmul.f32 v63, v47;
	v8 =	vshll.u32 v7, $0x10;
	v54 =	vshll.u32 v10, $0x10  }
0x33d: {  	v5 =	vsub.f32 v42, v5;
	v7 =	vand.u32 $0xFFFF0000, v7;
	v8 =	vadd.f32 v54, v8  }
0x33e: {  	v55 =	vld [tilespmem:s19+$0x60];
	v10 =	vand.u32 $0xFFFF0000, v10;
	(erf) = vrcp.f32 v3;
	v2 =	vsub.f32 v43, v2  }
0x33f: {  	v3 =	vadd.f32 v10, v7;
	v7 =	vadd.f32 v8, v11;
	v8 =	vshll.u32 v9, $0x10  }
0x340: {  	s28 =	simm.s32 $0xCB40;
	v10 =	vshll.u32 v4, $0x10;
	v11 =	vld [tilespmem:s19+$0x70];
	v2 =	vadd.f32 v2, v5  }
0x341: {  	s21 =	simm.s32 $0x4B40;
	v4 =	vand.u32 $0xFFFF0000, v4;
	v5 =	vpop (erf);
	v3 =	vadd.f32 v3, v6;
	v6 =	vadd.f32 v10, v8;
	v10 =	vld [tilespmem:s28+$0x0]  }
0x342: {  	v56 =	vld [tilespmem:s21+$0x0];
	v9 =	vand.u32 $0xFFFF0000, v9;
	v5 =	vmul.f32 v5, v48;
	v7 =	vmul.f32 $1.442695020e+00, v7;
	v8 =	vpop (erf)  }
0x343: {  	s1 =	simm.s32 $0x10C80;
	v4 =	vadd.f32 v4, v9;
	v3 =	vmul.f32 $1.442695020e+00, v3;
	v6 =	vadd.f32 v6, v55;
	v57 =	vpop (erf)  }
0x344: {  	v58 =	vld [tilespmem:s1+$0x0];
	v5 =	vsub.f32 v44, v5;
	(erf) = vpow2.f32 v7;
	v9 =	vmul.f32 v57, v49  }
0x345: {  	v7 =	vld [tilespmem:s21+$0x10];
	v6 =	vmul.f32 $1.442695020e+00, v6;
	v4 =	vadd.f32 v4, v11;
	(erf) = vpow2.f32 v3  }
0x346: {  	v11 =	vld [tilespmem:s28+$0x10];
	v2 =	vadd.f32 v5, v2;
	v5 =	vshll.u32 v10, $0x10;
	v3 =	vsub.f32 v45, v9  }
0x347: {  	v9 =	vshll.u32 v56, $0x10;
	v4 =	vmul.f32 $1.442695020e+00, v4;
	(erf) = vpow2.f32 v6  }
0x348: {  	v59 =	vld [tilespmem:s1+$0x10];
	v6 =	vand.u32 $0xFFFF0000, v56;
	v5 =	vadd.f32 v5, v9;
	v9 =	vand.u32 $0xFFFF0000, v10  }
0x349: {  	v6 =	vadd.f32 v9, v6;
	v9 =	vld [tilespmem:s1+$0x20]  }
0x34a: {  	v8 =	vadd.f32 $1.000000000e+00, v8;
	(erf) = vpow2.f32 v4;
	v4 =	vadd.f32 v5, v58  }
0x34b: {  	v52 =	vpop (erf);
	v5 =	vand.u32 $0xFFFF0000, v7;
	v7 =	vshll.u32 v7, $0x10;
	v60 =	vshll.u32 v11, $0x10  }
0x34c: {  	v62 =	vld [tilespmem:s21+$0xFFFFFFC0];
	v54 =	vpop (erf);
	v7 =	vadd.f32 v60, v7  }
0x34d: {  	s20 =	simm.s32 $0x4;
	v63 =	vld [tilespmem:s28+$0xFFFFFFC0];
	v55 =	vpop (erf);
	v6 =	vadd.f32 v6, v59;
	v4 =	vmul.f32 $1.442695020e+00, v4  }
0x34e: {  	v61 =	vld [tilespmem:s1+$0x30];
	v10 =	vor.u32 s20, v41;
	(erf) = vrcp.f32 v8;
	v8 =	vpop (erf);
	v7 =	vadd.f32 v7, v9  }
0x34f: {  	v6 =	vmul.f32 $1.442695020e+00, v6;
	(erf) = vpow2.f32 v4;
	v4 =	vadd.f32 $1.000000000e+00, v8  }
0x350: {  	v2 =	vadd.f32 v2, v3;
	v11 =	vand.u32 $0xFFFF0000, v11;
	v8 =	vpop (erf);
	v7 =	vmul.f32 $1.442695020e+00, v7  }
0x351: {  	v5 =	vadd.f32 v11, v5;
	(erf) = vpow2.f32 v6;
	v6 =	vadd.f32 $1.000000000e+00, v8;
	v8 =	vld [tilespmem:s1+$0xFFFFFF80]  }
0x352: {  	v51 =	vshll.u32 v63, $0x10;
	v11 =	vshll.u32 v62, $0x10;
	(erf) = vrcp.f32 v4  }
0x353: {  	v5 =	vadd.f32 v5, v61;
	[tilespmem:v10+s23+$0x0] =	vst.idx.msk $0xffff, v2;
	v2 =	vand.u32 $0xFFFF0000, v62;
	(erf) = vrcp.f32 v6;
	v6 =	vld [tilespmem:s1+$0xFFFFFF90];
	v4 =	vpop (erf)  }
0x354: {  	v10 =	vadd.f32 v51, v11;
	(erf) = vpow2.f32 v7;
	v4 =	vadd.f32 $1.000000000e+00, v4;
	v7 =	vpop (erf)  }
0x355: {  	v3 =	vld [tilespmem:s21+$0xFFFFFFD0];
	v11 =	vand.u32 $0xFFFF0000, v63;
	v5 =	vmul.f32 $1.442695020e+00, v5;
	v7 =	vadd.f32 $1.000000000e+00, v7  }
0x356: {  	v9 =	vld [tilespmem:s28+$0xFFFFFFD0];
	v2 =	vadd.f32 v11, v2;
	v8 =	vadd.f32 v10, v8;
	(erf) = vrcp.f32 v4  }
0x357: {  	v10 =	vld [tilespmem:s22+$0xFFFFFFE0];
	(erf) = vpow2.f32 v5  }
0x358: {  	v4 =	vld [tilespmem:s24+$0xFFFFFFE0];
	v11 =	vpop (erf);
	v2 =	vadd.f32 v2, v6;
	v6 =	vmul.f32 $1.442695020e+00, v8  }
0x359: {  	v5 =	vld [tilespmem:s1+$0xFFFFFFA0];
	(erf) = vrcp.f32 v7;
	v7 =	vpop (erf)  }
0x35a: {  	v56 =	vshll.u32 v3, $0x10;
	v59 =	vpop (erf);
	v7 =	vadd.f32 $1.000000000e+00, v7;
	(erf) = vpow2.f32 v6  }
0x35b: {  	v3 =	vand.u32 $0xFFFF0000, v3;
	v57 =	vshll.u32 v9, $0x10;
	v9 =	vand.u32 $0xFFFF0000, v9;
	v8 =	vld [tilespmem:s1+$0xFFFFFFB0]  }
0x35c: {  	v12 =	vadd.f32 v57, v56;
	v3 =	vadd.f32 v9, v3;
	v6 =	vpop (erf)  }
0x35d: {  	v2 =	vmul.f32 $1.442695020e+00, v2;
	v9 =	vshll.u32 v10, $0x10;
	v61 =	vadd.f32 $1.000000000e+00, v59;
	v62 =	vpop (erf)  }
0x35e: {  	v60 =	vshll.u32 v4, $0x10;
	v5 =	vadd.f32 v12, v5;
	(erf) = vrcp.f32 v7;
	v7 =	vpop (erf)  }
0x35f: {  	v4 =	vand.u32 $0xFFFF0000, v4;
	(erf) = vrcp.f32 v61;
	v7 =	vadd.f32 $1.000000000e+00, v7;
	v63 =	vpop (erf)  }
0x360: {  	v3 =	vadd.f32 v3, v8;
	v6 =	vmul.f32 v6, v46;
	v5 =	vmul.f32 $1.442695020e+00, v5;
	v56 =	vpop (erf)  }
0x361: {  	v57 =	vld [tilespmem:s19+$0xFFFFFFC0];
	v8 =	vmul.f32 v62, v47;
	v13 =	vadd.f32 $1.000000000e+00, v56;
	(erf) = vrcp.f32 v7  }
0x362: {  	v59 =	vld [tilespmem:s22+$0xFFFFFFF0];
	v3 =	vmul.f32 $1.442695020e+00, v3;
	v6 =	vsub.f32 v42, v6;
	v16 =	vpop (erf);
	(erf) = vpow2.f32 v2  }
0x363: {  	v8 =	vsub.f32 v43, v8;
	v12 =	vmul.f32 v63, v48;
	v2 =	vld [tilespmem:s19+$0xFFFFFFD0];
	(erf) = vrcp.f32 v13;
	v61 =	vpop (erf)  }
0x364: {  	v9 =	vadd.f32 v9, v60;
	v7 =	vld [tilespmem:s24+$0xFFFFFFF0];
	(erf) = vpow2.f32 v5;
	v5 =	vadd.f32 $1.000000000e+00, v61  }
0x365: {  	v6 =	vadd.f32 v8, v6;
	v8 =	vand.u32 $0xFFFF0000, v10;
	v10 =	vsub.f32 v44, v12  }
0x366: {  	v4 =	vadd.f32 v8, v4;
	v8 =	vadd.f32 v9, v57  }
0x367: {  	v6 =	vadd.f32 v10, v6;
	v10 =	vshll.u32 v59, $0x10;
	(erf) = vpow2.f32 v3;
	v3 =	vpop (erf)  }
0x368: {  	(erf) = vrcp.f32 v5;
	v3 =	vmul.f32 v3, v46;
	v2 =	vadd.f32 v4, v2;
	v5 =	vpop (erf)  }
0x369: {  	v9 =	vshll.u32 v7, $0x10;
	v4 =	vmul.f32 $1.442695020e+00, v8;
	v8 =	vld [tilespmem:s19+$0xFFFFFFE0];
	v5 =	vmul.f32 v5, v47  }
0x36a: {  	v9 =	vadd.f32 v10, v9;
	v3 =	vsub.f32 v42, v3;
	v2 =	vmul.f32 $1.442695020e+00, v2;
	v10 =	vpop (erf)  }
0x36b: {  	(erf) = vpow2.f32 v4;
	v4 =	vsub.f32 v43, v5;
	v5 =	vmul.f32 v10, v48;
	v10 =	vpop (erf)  }
0x36c: {  	v7 =	vand.u32 $0xFFFF0000, v7;
	(erf) = vpow2.f32 v2;
	v10 =	vadd.f32 $1.000000000e+00, v10;
	v62 =	vpop (erf)  }
0x36d: {  	s24 =	simm.s32 $0xA;
	v2 =	vld [tilespmem:s19+$0xFFFFFFF0];
	v3 =	vadd.f32 v4, v3;
	v4 =	vsub.f32 v44, v5;
	v5 =	vmul.f32 v62, v49  }
0x36e: {  	v8 =	vadd.f32 v9, v8;
	v9 =	vor.u32 s24, v41;
	(erf) = vrcp.f32 v10  }
0x36f: {  	v10 =	vand.u32 $0xFFFF0000, v59;
	v3 =	vadd.f32 v4, v3;
	v4 =	vsub.f32 v45, v5  }
0x370: {  	v60 =	vmul.f32 v16, v49;
	v63 =	vpop (erf);
	v5 =	vadd.f32 v10, v7  }
0x371: {  	v11 =	vmul.f32 v11, v48;
	v56 =	vpop (erf);
	v7 =	vadd.f32 $1.000000000e+00, v63;
	v3 =	vadd.f32 v3, v4  }
0x372: {  	v8 =	vmul.f32 $1.442695020e+00, v8;
	v10 =	vsub.f32 v45, v60;
	v57 =	vpop (erf);
	v2 =	vadd.f32 v5, v2  }
0x373: {  	v4 =	vadd.f32 $1.000000000e+00, v56;
	(erf) = vrcp.f32 v7;
	v5 =	vmul.f32 v57, v46;
	[tilespmem:v9+s23+$0x0] =	vst.idx.msk $0xffff, v3  }
0x374: {  	v61 =	vadd.f32 v6, v10;
	(erf) = vpow2.f32 v8;
	v2 =	vmul.f32 $1.442695020e+00, v2;
	v9 =	vld [tilespmem:s28+$0x20]  }
0x375: {  	v6 =	vadd.f32 $1.000000000e+00, v52;
	v8 =	vmul.f32 v54, v46;
	(erf) = vrcp.f32 v4;
	v7 =	vpop (erf);
	v63 =	vld [tilespmem:s28+$0x30]  }
0x376: {  	v54 =	vsub.f32 v44, v11;
	v4 =	vld [tilespmem:s21+$0x20];
	v7 =	vadd.f32 $1.000000000e+00, v7;
	v10 =	vpop (erf);
	(erf) = vpow2.f32 v2  }
0x377: {  	s19 =	simm.s32 $0x8;
	v60 =	vld [tilespmem:s1+$0x40];
	v2 =	vmul.f32 v55, v47;
	(erf) = vrcp.f32 v6;
	v6 =	vadd.f32 $1.000000000e+00, v10  }
0x378: {  	v3 =	vor.u32 s19, v41;
	v5 =	vsub.f32 v42, v5;
	v10 =	vld [tilespmem:s21+$0x30];
	v62 =	vpop (erf);
	(erf) = vrcp.f32 v7  }
0x379: {  	v17 =	vld [tilespmem:s1+$0x70];
	v14 =	vsub.f32 v43, v2;
	v7 =	vmul.f32 v62, v47;
	(erf) = vrcp.f32 v6  }
0x37a: {  	s19 =	simm.s32 $0xCBC0;
	v2 =	vld [tilespmem:s1+$0x50];
	v11 =	vshll.u32 v9, $0x10;
	v9 =	vand.u32 $0xFFFF0000, v9;
	v56 =	vshll.u32 v63, $0x10  }
0x37b: {  	v57 =	vld [tilespmem:s19+$0x0];
	v6 =	vsub.f32 v43, v7;
	v7 =	vshll.u32 v4, $0x10;
	v4 =	vand.u32 $0xFFFF0000, v4  }
0x37c: {  	v13 =	vand.u32 $0xFFFF0000, v63;
	v7 =	vadd.f32 v11, v7;
	v11 =	vld [tilespmem:s1+$0x60];
	v4 =	vadd.f32 v9, v4  }
0x37d: {  	v52 =	vpop (erf);
	v55 =	vshll.u32 v10, $0x10;
	v10 =	vand.u32 $0xFFFF0000, v10;
	v5 =	vadd.f32 v6, v5  }
0x37e: {  	s24 =	simm.s32 $0x4BC0;
	v6 =	vmul.f32 v52, v48;
	v10 =	vadd.f32 v13, v10;
	v7 =	vadd.f32 v7, v60  }
0x37f: {  	v18 =	vld [tilespmem:s24+$0x0];
	v16 =	vpop (erf);
	v2 =	vadd.f32 v4, v2;
	v4 =	vadd.f32 v56, v55  }
0x380: {  	s22 =	simm.s32 $0x10D80;
	v62 =	vld [tilespmem:s19+$0x10];
	v12 =	vand.u32 $0xFFFF0000, v57;
	v9 =	vpop (erf);
	v6 =	vsub.f32 v44, v6;
	v7 =	vmul.f32 $1.442695020e+00, v7  }
0x381: {  	v9 =	vmul.f32 v9, v49;
	v60 =	vld [tilespmem:s22+$0x0];
	v10 =	vadd.f32 v10, v17;
	v4 =	vadd.f32 v4, v11  }
0x382: {  	v2 =	vmul.f32 $1.442695020e+00, v2;
	v5 =	vadd.f32 v6, v5;
	(erf) = vpow2.f32 v7;
	v7 =	vld [tilespmem:s24+$0x10]  }
0x383: {  	v11 =	vld [tilespmem:s22+$0x10];
	v6 =	vadd.f32 $1.000000000e+00, v16;
	v16 =	vshll.u32 v57, $0x10;
	v4 =	vmul.f32 $1.442695020e+00, v4  }
0x384: {  	v10 =	vmul.f32 $1.442695020e+00, v10;
	(erf) = vpow2.f32 v2;
	v2 =	vshll.u32 v18, $0x10  }
0x385: {  	v2 =	vadd.f32 v16, v2;
	(erf) = vpow2.f32 v4;
	v4 =	vand.u32 $0xFFFF0000, v18  }
0x386: {  	v9 =	vsub.f32 v45, v9;
	v4 =	vadd.f32 v12, v4  }
0x387: {  	(erf) = vpow2.f32 v10;
	v10 =	vadd.f32 v2, v60;
	v60 =	vand.u32 $0xFFFF0000, v7  }
0x388: {  	v63 =	vld [tilespmem:s22+$0x20];
	v56 =	vpop (erf);
	v7 =	vshll.u32 v7, $0x10;
	v4 =	vadd.f32 v4, v11;
	v11 =	vshll.u32 v62, $0x10  }
0x389: {  	v17 =	vld [tilespmem:s19+$0xFFFFFFC0];
	v55 =	vpop (erf);
	v7 =	vadd.f32 v11, v7;
	v11 =	vand.u32 $0xFFFF0000, v62  }
0x38a: {  	v5 =	vadd.f32 v5, v9;
	v9 =	vld [tilespmem:s24+$0xFFFFFFC0];
	v2 =	vpop (erf)  }
0x38b: {  	v10 =	vmul.f32 $1.442695020e+00, v10;
	v57 =	vpop (erf)  }
0x38c: {  	v16 =	vld [tilespmem:s22+$0x30];
	(erf) = vrcp.f32 v6;
	v6 =	vadd.f32 v11, v60;
	v11 =	vpop (erf)  }
0x38d: {  	(erf) = vpow2.f32 v10;
	v10 =	vadd.f32 $1.000000000e+00, v11  }
0x38e: {  	v4 =	vmul.f32 $1.442695020e+00, v4;
	v7 =	vadd.f32 v7, v63  }
0x38f: {  	v13 =	vld [tilespmem:s24+$0xFFFFFFD0];
	v18 =	vshll.u32 v17, $0x10;
	[tilespmem:v3+s23+$0x0] =	vst.idx.msk $0xffff, v5;
	v3 =	vand.u32 $0xFFFF0000, v9;
	v11 =	vpop (erf)  }
0x390: {  	(erf) = vpow2.f32 v4;
	v7 =	vmul.f32 $1.442695020e+00, v7;
	v4 =	vadd.f32 $1.000000000e+00, v11;
	v11 =	vld [tilespmem:s22+$0xFFFFFF80]  }
0x391: {  	v12 =	vld [tilespmem:s19+$0xFFFFFFD0];
	v62 =	vshll.u32 v9, $0x10;
	v6 =	vadd.f32 v6, v16;
	(erf) = vrcp.f32 v10;
	v10 =	vpop (erf)  }
0x392: {  	v9 =	vadd.f32 v18, v62;
	(erf) = vrcp.f32 v4;
	v10 =	vadd.f32 $1.000000000e+00, v10  }
0x393: {  	v16 =	vld [tilespmem:s22+$0xFFFFFF90];
	v4 =	vmul.f32 $1.442695020e+00, v6;
	v6 =	vand.u32 $0xFFFF0000, v17;
	(erf) = vpow2.f32 v7  }
0x394: {  	v8 =	vsub.f32 v42, v8;
	v3 =	vadd.f32 v6, v3;
	v7 =	vpop (erf);
	(erf) = vrcp.f32 v10;
	v10 =	vld [tilespmem:s22+$0xFFFFFFA0]  }
0x395: {  	v7 =	vadd.f32 $1.000000000e+00, v7;
	v6 =	vadd.f32 v9, v11  }
0x396: {  	v5 =	vld [tilespmem:s21+$0xFFFFFFE0];
	v11 =	vshll.u32 v12, $0x10;
	(erf) = vpow2.f32 v4;
	v4 =	vshll.u32 v13, $0x10  }
0x397: {  	v62 =	vadd.f32 v14, v8;
	v9 =	vpop (erf);
	v6 =	vmul.f32 $1.442695020e+00, v6;
	v4 =	vadd.f32 v11, v4  }
0x398: {  	v8 =	vld [tilespmem:s28+$0xFFFFFFE0];
	v3 =	vadd.f32 v3, v16;
	v12 =	vand.u32 $0xFFFF0000, v12;
	v63 =	vpop (erf);
	(erf) = vrcp.f32 v7  }
0x399: {  	v60 =	vpop (erf);
	v7 =	vld [tilespmem:s22+$0xFFFFFFB0];
	v11 =	vand.u32 $0xFFFF0000, v13;
	v13 =	vadd.f32 $1.000000000e+00, v63;
	v4 =	vadd.f32 v4, v10  }
0x39a: {  	v10 =	vadd.f32 v12, v11;
	v11 =	vadd.f32 $1.000000000e+00, v60  }
0x39b: {  	v14 =	vshll.u32 v5, $0x10;
	(erf) = vpow2.f32 v6;
	v6 =	vpop (erf)  }
0x39c: {  	v5 =	vand.u32 $0xFFFF0000, v5;
	v3 =	vmul.f32 $1.442695020e+00, v3;
	(erf) = vrcp.f32 v13;
	v63 =	vpop (erf)  }
0x39d: {  	v13 =	vshll.u32 v8, $0x10;
	v6 =	vmul.f32 v6, v46;
	v60 =	vpop (erf);
	v12 =	vmul.f32 v63, v47  }
0x39e: {  	v7 =	vadd.f32 v10, v7;
	(erf) = vrcp.f32 v11;
	v10 =	vadd.f32 $1.000000000e+00, v60;
	v11 =	vpop (erf)  }
0x39f: {  	v6 =	vsub.f32 v42, v6;
	v12 =	vsub.f32 v43, v12;
	v16 =	vpop (erf);
	v11 =	vmul.f32 v11, v48  }
0x3a0: {  	v15 =	vld [tilespmem:s21+$0xFFFFFFF0];
	v8 =	vand.u32 $0xFFFF0000, v8;
	v4 =	vmul.f32 $1.442695020e+00, v4;
	v16 =	vadd.f32 $1.000000000e+00, v16  }
0x3a1: {  	(erf) = vrcp.f32 v10;
	v10 =	vld [tilespmem:s1+$0xFFFFFFC0];
	v6 =	vadd.f32 v12, v6;
	v63 =	vpop (erf);
	v11 =	vsub.f32 v44, v11  }
0x3a2: {  	v17 =	vld [tilespmem:s28+$0xFFFFFFF0];
	v5 =	vadd.f32 v8, v5;
	(erf) = vpow2.f32 v3;
	v12 =	vmul.f32 v63, v49  }
0x3a3: {  	v7 =	vmul.f32 $1.442695020e+00, v7;
	v3 =	vld [tilespmem:s1+$0xFFFFFFD0];
	(erf) = vrcp.f32 v16;
	v6 =	vadd.f32 v11, v6  }
0x3a4: {  	v60 =	vpop (erf);
	v11 =	vsub.f32 v45, v12;
	(erf) = vpow2.f32 v4;
	v4 =	vadd.f32 v13, v14  }
0x3a5: {  	v63 =	vld [tilespmem:s1+$0xFFFFFFE0];
	v8 =	vadd.f32 $1.000000000e+00, v60  }
0x3a6: {  	(erf) = vpow2.f32 v7;
	v7 =	vadd.f32 v6, v11;
	v4 =	vadd.f32 v4, v10  }
0x3a7: {  	v6 =	vshll.u32 v15, $0x10;
	v10 =	vpop (erf);
	v11 =	vshll.u32 v17, $0x10;
	(erf) = vrcp.f32 v8  }
0x3a8: {  	s13 =	simm.s32 $0x1;
	v3 =	vadd.f32 v5, v3;
	v5 =	vpop (erf);
	v6 =	vadd.f32 v11, v6;
	v10 =	vmul.f32 v10, v46  }
0x3a9: {  	v50 =	vor.u32 s13, v41;
	v4 =	vmul.f32 $1.442695020e+00, v4;
	v5 =	vmul.f32 v5, v47  }
0x3aa: {  	v3 =	vmul.f32 $1.442695020e+00, v3;
	v60 =	vpop (erf);
	v6 =	vadd.f32 v6, v63;
	v10 =	vsub.f32 v42, v10  }
0x3ab: {  	(erf) = vpow2.f32 v4;
	v5 =	vsub.f32 v43, v5;
	v12 =	vmul.f32 v60, v48;
	v63 =	vpop (erf)  }
0x3ac: {  	v8 =	vand.u32 $0xFFFF0000, v15;
	v11 =	vand.u32 $0xFFFF0000, v17;
	(erf) = vpow2.f32 v3;
	v60 =	vpop (erf)  }
0x3ad: {  	s13 =	simm.s32 $0x3;
	v4 =	vld [tilespmem:s1+$0xFFFFFFF0];
	v3 =	vadd.f32 v5, v10;
	v5 =	vsub.f32 v44, v12;
	v10 =	vmul.f32 v60, v49  }
0x3ae: {  	s20 =	simm.s32 $0x5;
	v58 =	vor.u32 s13, v41;
	v8 =	vadd.f32 v11, v8;
	v11 =	vadd.f32 $1.000000000e+00, v63  }
0x3af: {  	s10 =	simm.s32 $0xE;
	s13 =	simm.s32 $0x7;
	v51 =	vor.u32 s20, v41;
	v3 =	vadd.f32 v5, v3;
	v5 =	vsub.f32 v45, v10  }
0x3b0: {  	v59 =	vor.u32 s13, v41;
	v13 =	vor.u32 s10, v41;
	v63 =	vpop (erf);
	(erf) = vrcp.f32 v11  }
0x3b1: {  	s20 =	simm.s32 $0x9;
	v2 =	vmul.f32 v2, v46;
	v12 =	vadd.f32 $1.000000000e+00, v63;
	v3 =	vadd.f32 v3, v5  }
0x3b2: {  	v52 =	vor.u32 s20, v41;
	v6 =	vmul.f32 $1.442695020e+00, v6;
	v60 =	vpop (erf);
	v4 =	vadd.f32 v8, v4  }
0x3b3: {  	v2 =	vsub.f32 v42, v2;
	v10 =	vadd.f32 $1.000000000e+00, v60;
	v63 =	vpop (erf);
	(erf) = vrcp.f32 v12  }
0x3b4: {  	v54 =	vadd.f32 v54, v62;
	(erf) = vpow2.f32 v6;
	v4 =	vmul.f32 $1.442695020e+00, v4  }
0x3b5: {  	v14 =	vmul.f32 v55, v49;
	v5 =	vadd.f32 $1.000000000e+00, v56;
	(erf) = vrcp.f32 v10;
	[tilespmem:v13+s23+$0x0] =	vst.idx.msk $0xffff, v3;
	v3 =	vpop (erf)  }
0x3b6: {  	v9 =	vmul.f32 v9, v48;
	(erf) = vpow2.f32 v4;
	v6 =	vld [tilespmem:s24+$0x20];
	v3 =	vadd.f32 $1.000000000e+00, v3  }
0x3b7: {  	s13 =	simm.s32 $0xB;
	v55 =	vsub.f32 v45, v14;
	v4 =	vmul.f32 v57, v47;
	v10 =	vld [tilespmem:s19+$0x20];
	v57 =	vpop (erf);
	(erf) = vrcp.f32 v5  }
0x3b8: {  	s20 =	simm.s32 $0xD;
	v11 =	vor.u32 s13, v41;
	v13 =	vld [tilespmem:s22+$0x40];
	v5 =	vadd.f32 $1.000000000e+00, v57;
	(erf) = vrcp.f32 v3  }
0x3b9: {  	v60 =	vor.u32 s20, v41;
	v8 =	vmul.f32 v63, v46;
	v62 =	vld [tilespmem:s19+$0x30];
	v4 =	vsub.f32 v43, v4;
	v12 =	vpop (erf)  }
0x3ba: {  	s21 =	simm.s32 $0xC;
	v56 =	vsub.f32 v44, v9;
	v3 =	vld [tilespmem:s24+$0x30];
	v9 =	vmul.f32 v12, v47;
	(erf) = vrcp.f32 v5  }
0x3bb: {  	v63 =	vor.u32 s21, v41;
	v8 =	vsub.f32 v42, v8;
	v57 =	vadd.f32 v4, v2;
	v5 =	vld [tilespmem:s22+$0x50]  }
0x3bc: {  	[tilespmem:v58+s23+$0x0] =	vst.idx.msk $0xffff, v53;
	v53 =	vpop (erf);
	v58 =	vshll.u32 v10, $0x10;
	v4 =	vsub.f32 v43, v9;
	v9 =	vshll.u32 v6, $0x10  }
0x3bd: {  	[tilespmem:v59+s23+$0x0] =	vst.idx.msk $0xffff, v61;
	v61 =	vand.u32 $0xFFFF0000, v6;
	v10 =	vand.u32 $0xFFFF0000, v10;
	v2 =	vpop (erf);
	v6 =	vld [tilespmem:s22+$0x60];
	v9 =	vadd.f32 v58, v9  }
0x3be: {  	s30 =	simm.s32 $0x6;
	s31 =	simm.s32 $0x4C40;
	v61 =	vadd.f32 v10, v61;
	v10 =	vshll.u32 v62, $0x10;
	v59 =	vpop (erf);
	v4 =	vadd.f32 v4, v8  }
0x3bf: {  	s28 =	simm.s32 $0x10D80;
	s1 =	simm.s32 $0x2;
	s13 =	simm.s32 $0xCBC0;
	[tilespmem:v11+s23+$0x0] =	vst.idx.msk $0xffff, v7;
	v7 =	vld [tilespmem:s22+$0x70];
	v8 =	vmul.f32 v53, v48;
	v53 =	vpop (erf);
	v58 =	vadd.f32 v9, v13;
	v9 =	vshll.u32 v3, $0x10  }
.LBB2_9:
0x3c0: {  	v11 =	vld [tilespmem:s31+$0x0];
	v12 =	vmul.f32 v59, v49;
	v5 =	vadd.f32 v61, v5;
	v9 =	vadd.f32 v10, v9;
	s19 =	sadd.s32 $0x80, s19;
	v59 =	vpop (erf)  }
0x3c1: {  	v3 =	vand.u32 $0xFFFF0000, v3;
	v14 =	vand.u32 $0xFFFF0000, v62;
	s22 =	sadd.s32 $0x100, s22;
	v10 =	vld [tilespmem:s19+$0x0];
	v13 =	vmul.f32 $1.442695020e+00, v58;
	v61 =	vpop (erf)  }
0x3c2: {  	v3 =	vadd.f32 v14, v3;
	v58 =	vmovc v51;
	v51 =	vmovc v52;
	v15 =	vld [tilespmem:s22+$0x0];
	v5 =	vmul.f32 $1.442695020e+00, v5;
	v6 =	vadd.f32 v9, v6  }
0x3c3: {  	v8 =	vsub.f32 v44, v8;
	v12 =	vsub.f32 v45, v12;
	v9 =	vld [tilespmem:s22+$0x10];
	(erf) = vpow2.f32 v13;
	v62 =	vpop (erf)  }
0x3c4: {  	v52 =	vmovc v60;
	v13 =	vld [tilespmem:s31+$0x10];
	v6 =	vmul.f32 $1.442695020e+00, v6;
	v3 =	vadd.f32 v3, v7;
	(erf) = vpow2.f32 v5  }
0x3c5: {  	v2 =	vadd.f32 $1.000000000e+00, v2;
	v4 =	vadd.f32 v8, v4;
	v5 =	vshll.u32 v11, $0x10;
	v7 =	vld [tilespmem:s19+$0x10]  }
0x3c6: {  	s30 =	sadd.s32 $0x2, s30;
	v8 =	vld [tilespmem:s19+$0xFFFFFFC0];
	v14 =	vshll.u32 v10, $0x10;
	v3 =	vmul.f32 $1.442695020e+00, v3;
	(erf) = vpow2.f32 v6  }
0x3c7: {  	p2 =	slt.u32 s30, $0xFE;
	v11 =	vand.u32 $0xFFFF0000, v11;
	v10 =	vand.u32 $0xFFFF0000, v10;
	v6 =	vld [tilespmem:s31+$0xFFFFFFC0];
	v5 =	vadd.f32 v14, v5  }
0x3c8: {  	v4 =	vadd.f32 v4, v12;
	v10 =	vadd.f32 v10, v11;
	v11 =	vld [tilespmem:s22+$0x20];
	(erf) = vpow2.f32 v3  }
0x3c9: {  	v3 =	vld [tilespmem:s31+$0xFFFFFFD0];
	v5 =	vadd.f32 v5, v15;
	v12 =	vand.u32 $0xFFFF0000, v13;
	(erf) = vrcp.f32 v2  }
0x3ca: {  	v2 =	vadd.f32 v10, v9;
	v9 =	vshll.u32 v13, $0x10;
	v10 =	vshll.u32 v7, $0x10;
	v13 =	vld [tilespmem:s22+$0x30];
	[tilespmem:v63+s23+$0x0] =	vst.idx.msk $0xffff, v4  }
0x3cb: {  	v7 =	vand.u32 $0xFFFF0000, v7;
	v4 =	vld [tilespmem:s19+$0xFFFFFFD0];
	v5 =	vmul.f32 $1.442695020e+00, v5;
	v9 =	vadd.f32 v10, v9  }
0x3cc: {  	v2 =	vmul.f32 $1.442695020e+00, v2;
	v7 =	vadd.f32 v7, v12;
	v10 =	vld [tilespmem:s22+$0xFFFFFF80];
	v14 =	vshll.u32 v6, $0x10;
	v12 =	vpop (erf)  }
0x3cd: {  	v15 =	vld [tilespmem:s22+$0xFFFFFF90];
	v9 =	vadd.f32 v9, v11;
	(erf) = vpow2.f32 v5;
	v17 =	vadd.f32 $1.000000000e+00, v12;
	v11 =	vpop (erf)  }
0x3ce: {  	v12 =	vshll.u32 v8, $0x10;
	v16 =	vld [tilespmem:s22+$0xFFFFFFA0];
	(erf) = vpow2.f32 v2;
	v18 =	vadd.f32 $1.000000000e+00, v11  }
0x3cf: {  	v11 =	vld [tilespmem:s22+$0xFFFFFFB0];
	v9 =	vmul.f32 $1.442695020e+00, v9;
	v7 =	vadd.f32 v7, v13;
	(erf) = vrcp.f32 v17;
	v5 =	vpop (erf)  }
0x3d0: {  	v6 =	vand.u32 $0xFFFF0000, v6;
	v13 =	vld [tilespmem:s24+$0xFFFFFFE0];
	v5 =	vadd.f32 $1.000000000e+00, v5;
	(erf) = vrcp.f32 v18  }
0x3d1: {  	v8 =	vand.u32 $0xFFFF0000, v8;
	v7 =	vmul.f32 $1.442695020e+00, v7;
	(erf) = vpow2.f32 v9;
	v9 =	vld [tilespmem:s13+$0xFFFFFFE0];
	v2 =	vpop (erf)  }
0x3d2: {  	v12 =	vadd.f32 v12, v14;
	v14 =	vld [tilespmem:s24+$0xFFFFFFF0];
	v17 =	vadd.f32 $1.000000000e+00, v2;
	(erf) = vrcp.f32 v5;
	v2 =	vpop (erf);
	s24 =	smov.u32 s31  }
0x3d3: {  	v5 =	vadd.f32 v8, v6;
	v6 =	vshll.u32 v3, $0x10;
	(erf) = vpow2.f32 v7;
	v7 =	vld [tilespmem:s13+$0xFFFFFFF0];
	s13 =	smov.u32 s19  }
0x3d4: {  	v8 =	vadd.f32 v12, v10;
	v10 =	vshll.u32 v4, $0x10;
	v12 =	vld [tilespmem:s28+$0xFFFFFFC0];
	(erf) = vrcp.f32 v17  }
0x3d5: {  	v3 =	vand.u32 $0xFFFF0000, v3;
	v6 =	vadd.f32 v10, v6;
	v5 =	vadd.f32 v5, v15;
	v10 =	vld [tilespmem:s28+$0xFFFFFFD0]  }
0x3d6: {  	v15 =	vpop (erf)  }
0x3d7: {  	v15 =	vadd.f32 $1.000000000e+00, v15  }
0x3d8: {  	v4 =	vand.u32 $0xFFFF0000, v4;
	v63 =	vmul.f32 $1.442695020e+00, v8;
	v17 =	vshll.u32 v13, $0x10;
	v18 =	vld [tilespmem:s28+$0xFFFFFFE0]  }
0x3d9: {  	v6 =	vadd.f32 v6, v16;
	v5 =	vmul.f32 $1.442695020e+00, v5;
	v16 =	vpop (erf);
	v60 =	vld [tilespmem:s28+$0xFFFFFFF0];
	s28 =	smov.u32 s22  }
0x3da: {  	v3 =	vadd.f32 v4, v3;
	v4 =	vshll.u32 v9, $0x10;
	(erf) = vpow2.f32 v63;
	v8 =	vpop (erf)  }
0x3db: {  	v6 =	vmul.f32 $1.442695020e+00, v6;
	v63 =	vadd.f32 $1.000000000e+00, v16;
	(erf) = vrcp.f32 v15;
	v15 =	vpop (erf)  }
0x3dc: {  	v3 =	vadd.f32 v3, v11;
	v11 =	vpop (erf)  }
0x3dd: {  	v11 =	vadd.f32 $1.000000000e+00, v11  }
0x3de: {  	v8 =	vmul.f32 v8, v46;
	v15 =	vmul.f32 v15, v47  }
0x3df: {  	v13 =	vand.u32 $0xFFFF0000, v13;
	(erf) = vrcp.f32 v63;
	v16 =	vpop (erf)  }
0x3e0: {  	v8 =	vsub.f32 v42, v8;
	v63 =	vpop (erf);
	v15 =	vsub.f32 v43, v15;
	v16 =	vmul.f32 v16, v48  }
0x3e1: {  	v3 =	vmul.f32 $1.442695020e+00, v3;
	v63 =	vadd.f32 $1.000000000e+00, v63;
	(erf) = vrcp.f32 v11;
	v11 =	vpop (erf)  }
0x3e2: {  	s10 =	sadd.s32 $0x3, s21;
	v8 =	vadd.f32 v15, v8;
	v16 =	vsub.f32 v44, v16;
	v11 =	vmul.f32 v11, v49  }
0x3e3: {  	(erf) = vpow2.f32 v5;
	v5 =	vand.u32 $0xFFFF0000, v9;
	v9 =	vor.u32 s10, v41  }
0x3e4: {  	v8 =	vadd.f32 v16, v8;
	(erf) = vrcp.f32 v63;
	v11 =	vsub.f32 v45, v11  }
0x3e5: {  	v4 =	vadd.f32 v4, v17;
	v5 =	vadd.f32 v5, v13;
	v15 =	vpop (erf);
	(erf) = vpow2.f32 v6  }
0x3e6: {  	v13 =	vadd.f32 $1.000000000e+00, v15;
	(erf) = vpow2.f32 v3;
	v3 =	vpop (erf);
	v8 =	vadd.f32 v8, v11  }
0x3e7: {  	v4 =	vadd.f32 v4, v12;
	v12 =	vshll.u32 v7, $0x10;
	v11 =	vshll.u32 v14, $0x10  }
0x3e8: {  	v5 =	vadd.f32 v5, v10;
	v10 =	vadd.f32 v12, v11;
	(erf) = vrcp.f32 v13;
	v6 =	vpop (erf);
	[tilespmem:v9+s23+$0x0] =	vst.idx.msk $0xffff, v8  }
0x3e9: {  	v7 =	vand.u32 $0xFFFF0000, v7;
	v4 =	vmul.f32 $1.442695020e+00, v4;
	v8 =	vand.u32 $0xFFFF0000, v14  }
0x3ea: {  	v3 =	vmul.f32 v3, v46;
	v6 =	vmul.f32 v6, v47;
	v10 =	vadd.f32 v10, v18;
	v9 =	vpop (erf)  }
0x3eb: {  	v5 =	vmul.f32 $1.442695020e+00, v5;
	v7 =	vadd.f32 v7, v8;
	(erf) = vpow2.f32 v4  }
0x3ec: {  	v3 =	vsub.f32 v42, v3;
	v4 =	vsub.f32 v43, v6;
	v11 =	vmul.f32 v9, v48;
	v8 =	vpop (erf)  }
0x3ed: {  	s21 =	sadd.s32 $0x4, s21;
	v10 =	vmul.f32 $1.442695020e+00, v10;
	v12 =	vadd.f32 $1.000000000e+00, v8;
	v9 =	vpop (erf);
	(erf) = vpow2.f32 v5  }
0x3ee: {  	s20 =	sadd.s32 $0x2, s21;
	s10 =	sadd.s32 $0x1, s21;
	v3 =	vadd.f32 v4, v3;
	v4 =	vsub.f32 v44, v11;
	v5 =	vmul.f32 v9, v49;
	v6 =	vpop (erf)  }
0x3ef: {  	v9 =	vor.u32 s20, v41;
	v6 =	vadd.f32 $1.000000000e+00, v6;
	(erf) = vrcp.f32 v12;
	v8 =	vpop (erf)  }
0x3f0: {  	v63 =	vor.u32 s21, v41;
	v3 =	vadd.f32 v4, v3;
	v4 =	vsub.f32 v45, v5  }
0x3f1: {  	v5 =	vadd.f32 $1.000000000e+00, v8;
	v8 =	vpop (erf);
	(erf) = vrcp.f32 v6;
	v6 =	vadd.f32 v7, v60  }
0x3f2: {  	v7 =	vmul.f32 v8, v46;
	v8 =	vadd.f32 v3, v4;
	(erf) = vpow2.f32 v10  }
0x3f3: {  	(erf) = vrcp.f32 v5;
	v4 =	vmul.f32 $1.442695020e+00, v6;
	v5 =	vadd.f32 $1.000000000e+00, v53  }
0x3f4: {  	v60 =	vor.u32 s10, v41;
	v6 =	vmul.f32 v61, v46;
	v7 =	vsub.f32 v42, v7;
	[tilespmem:v9+s23+$0x0] =	vst.idx.msk $0xffff, v8;
	v3 =	vpop (erf)  }
0x3f5: {  	v8 =	vld [tilespmem:s31+$0x20];
	v3 =	vadd.f32 $1.000000000e+00, v3;
	(erf) = vpow2.f32 v4;
	v4 =	vmul.f32 v62, v47  }
0x3f6: {  	v2 =	vmul.f32 v2, v48;
	v6 =	vsub.f32 v42, v6;
	v9 =	vld [tilespmem:s19+$0x20];
	v10 =	vpop (erf);
	(erf) = vrcp.f32 v5  }
0x3f7: {  	v11 =	vld [tilespmem:s22+$0x40];
	v5 =	vadd.f32 $1.000000000e+00, v10;
	(erf) = vrcp.f32 v3;
	v4 =	vsub.f32 v43, v4  }
0x3f8: {  	v14 =	vmul.f32 v59, v49;
	v12 =	vadd.f32 v56, v57;
	v56 =	vsub.f32 v44, v2;
	v3 =	vld [tilespmem:s31+$0x30];
	v10 =	vpop (erf)  }
0x3f9: {  	v10 =	vmul.f32 v10, v47;
	v62 =	vld [tilespmem:s19+$0x30];
	(erf) = vrcp.f32 v5;
	v57 =	vadd.f32 v4, v6  }
.Ltmp3:
0x3fa: {  	v4 =	vadd.f32 v54, v55;
	v55 =	vsub.f32 v45, v14;
	v54 =	vmov v12;
	v5 =	vld [tilespmem:s22+$0x50];
	v13 =	vpop (erf);
	(pc) =	sbr.rel @p2 .LBB2_9-.Ltmp3, $4  }
0x3fb: {  	v6 =	vshll.u32 v8, $0x10;
	v10 =	vsub.f32 v43, v10;
	v12 =	vshll.u32 v9, $0x10;
	v2 =	vpop (erf)  }
0x3fc: {  	v14 =	vand.u32 $0xFFFF0000, v8;
	v9 =	vand.u32 $0xFFFF0000, v9;
	v12 =	vadd.f32 v12, v6;
	v6 =	vld [tilespmem:s22+$0x60];
	v59 =	vpop (erf);
	[tilespmem:v50+s23+$0x0] =	vst.idx.msk $0xffff, v4  }
0x3fd: {  	v8 =	vmul.f32 v13, v48;
	v61 =	vadd.f32 v9, v14;
	v50 =	vmovc v58;
	v4 =	vadd.f32 v10, v7  }
0x3fe: {  	s31 =	sadd.s32 $0x80, s31;
	v9 =	vshll.u32 v3, $0x10;
	v58 =	vadd.f32 v12, v11;
	v10 =	vshll.u32 v62, $0x10;
	v7 =	vld [tilespmem:s22+$0x70];
	v53 =	vpop (erf)  }
0x3ff: {  	v9 =	vadd.f32 v10, v9  }
0x400: {  	v11 =	vmul.f32 v59, v49;
	v8 =	vsub.f32 v44, v8  }
0x401: {  	v5 =	vadd.f32 v61, v5;
	v3 =	vand.u32 $0xFFFF0000, v3;
	v6 =	vadd.f32 v9, v6  }
0x402: {  	v12 =	vand.u32 $0xFFFF0000, v62;
	v9 =	vsub.f32 v45, v11;
	v4 =	vadd.f32 v8, v4  }
0x403: {  	v10 =	vmul.f32 $1.442695020e+00, v58;
	v3 =	vadd.f32 v12, v3  }
0x404: {  	v5 =	vmul.f32 $1.442695020e+00, v5;
	v4 =	vadd.f32 v4, v9  }
0x405: {  	(erf) = vpow2.f32 v10;
	v6 =	vmul.f32 $1.442695020e+00, v6;
	v3 =	vadd.f32 v3, v7  }
0x406: {  	(erf) = vpow2.f32 v5;
	[tilespmem:v63+s23+$0x0] =	vst.idx.msk $0xffff, v4  }
0x407: {  	v3 =	vmul.f32 $1.442695020e+00, v3;
	(erf) = vpow2.f32 v6;
	v5 =	vld [tilespmem:s13+$0xFFFFFFE0]  }
0x408: {  	v7 =	vld [tilespmem:s24+$0xFFFFFFF0]  }
0x409: {  	v9 =	vld [tilespmem:s13+$0xFFFFFFF0];
	(erf) = vpow2.f32 v3  }
0x40a: {  	v3 =	vld [tilespmem:s24+$0xFFFFFFE0]  }
0x40b: {  	v2 =	vadd.f32 $1.000000000e+00, v2;
	v4 =	vpop (erf)  }
0x40c: {  	v6 =	vpop (erf)  }
0x40d: {  	v11 =	vld [tilespmem:s28+$0xFFFFFFC0];
	(erf) = vrcp.f32 v2;
	v8 =	vpop (erf);
	v14 =	vshll.u32 v5, $0x10  }
0x40e: {  	v59 =	vld [tilespmem:s28+$0xFFFFFFD0];
	v10 =	vpop (erf);
	v5 =	vand.u32 $0xFFFF0000, v5;
	v61 =	vshll.u32 v7, $0x10;
	v62 =	vshll.u32 v9, $0x10  }
0x40f: {  	v16 =	vld [tilespmem:s28+$0xFFFFFFE0];
	v7 =	vand.u32 $0xFFFF0000, v7;
	v2 =	vadd.f32 $1.000000000e+00, v10;
	v10 =	vpop (erf);
	v13 =	vshll.u32 v3, $0x10  }
0x410: {  	v3 =	vand.u32 $0xFFFF0000, v3;
	v10 =	vadd.f32 $1.000000000e+00, v10;
	v13 =	vadd.f32 v14, v13;
	v15 =	vpop (erf)  }
0x411: {  	v3 =	vadd.f32 v5, v3;
	(erf) = vrcp.f32 v2;
	v2 =	vadd.f32 $1.000000000e+00, v15  }
0x412: {  	v11 =	vadd.f32 v13, v11;
	(erf) = vrcp.f32 v10;
	v10 =	vld [tilespmem:s28+$0xFFFFFFF0];
	v13 =	vadd.f32 v62, v61;
	v5 =	vpop (erf)  }
0x413: {  	v5 =	vadd.f32 $1.000000000e+00, v5;
	(erf) = vrcp.f32 v2;
	v2 =	vadd.f32 v3, v59  }
0x414: {  	v9 =	vand.u32 $0xFFFF0000, v9;
	v3 =	vmul.f32 $1.442695020e+00, v11;
	v11 =	vadd.f32 v13, v16  }
0x415: {  	(erf) = vrcp.f32 v5;
	v2 =	vmul.f32 $1.442695020e+00, v2;
	v5 =	vadd.f32 v9, v7  }
0x416: {  	(erf) = vpow2.f32 v3  }
0x417: {  	v3 =	vmul.f32 $1.442695020e+00, v11;
	(erf) = vpow2.f32 v2;
	v2 =	vadd.f32 v5, v10;
	_ =	sdelay $0x1  }
0x418: {  	v2 =	vmul.f32 $1.442695020e+00, v2;
	_ =	sdelay $0x1  }
0x419: {  	(erf) = vpow2.f32 v3;
	v3 =	vpop (erf)  }
0x41a: {  	v5 =	vpop (erf)  }
0x41b: {  	(erf) = vpow2.f32 v2;
	v2 =	vpop (erf)  }
0x41c: {  	v7 =	vpop (erf)  }
0x41d: {  	v9 =	vpop (erf)  }
0x41e: {  	v10 =	vadd.f32 $1.000000000e+00, v53;
	v11 =	vpop (erf)  }
0x41f: {  	v63 =	vpop (erf)  }
0x420: {  	(erf) = vrcp.f32 v10;
	v11 =	vadd.f32 $1.000000000e+00, v11;
	v10 =	vadd.f32 $1.000000000e+00, v63  }
0x421: {  	v5 =	vmul.f32 v5, v46  }
0x422: {  	v2 =	vmul.f32 v2, v47;
	v53 =	vpop (erf);
	(erf) = vrcp.f32 v11  }
0x423: {  	v11 =	vadd.f32 $1.000000000e+00, v53;
	(erf) = vrcp.f32 v10  }
0x424: {  	v5 =	vsub.f32 v42, v5;
	v2 =	vsub.f32 v43, v2;
	v10 =	vpop (erf)  }
0x425: {  	v7 =	vmul.f32 v7, v48;
	(erf) = vrcp.f32 v11;
	v10 =	vadd.f32 $1.000000000e+00, v10  }
0x426: {  	v6 =	vmul.f32 v6, v46;
	v2 =	vadd.f32 v2, v5  }
0x427: {  	v5 =	vsub.f32 v44, v7;
	v7 =	vmul.f32 v9, v49;
	(erf) = vrcp.f32 v10;
	_ =	sdelay $0x1  }
0x428: {  	v2 =	vadd.f32 v5, v2;
	v5 =	vsub.f32 v45, v7  }
0x429: {  	v4 =	vmul.f32 v4, v49;
	v7 =	vmul.f32 v8, v47;
	v8 =	vpop (erf)  }
0x42a: {  	v3 =	vmul.f32 v3, v48;
	v2 =	vadd.f32 v2, v5;
	v5 =	vsub.f32 v42, v6;
	v6 =	vpop (erf)  }
0x42b: {  	v4 =	vsub.f32 v45, v4;
	v7 =	vsub.f32 v43, v7;
	v10 =	vpop (erf)  }
0x42c: {  	s10 =	sadd.s32 $0x3, s21;
	v3 =	vsub.f32 v44, v3;
	v6 =	vmul.f32 v6, v46;
	v10 =	vmul.f32 v10, v47  }
0x42d: {  	v9 =	vor.u32 s10, v41;
	v11 =	vadd.f32 v56, v57;
	v5 =	vadd.f32 v7, v5;
	v56 =	vpop (erf)  }
0x42e: {  	v6 =	vsub.f32 v42, v6;
	v7 =	vmul.f32 v56, v48;
	v10 =	vsub.f32 v43, v10  }
0x42f: {  	v57 =	vadd.f32 v54, v55;
	v8 =	vmul.f32 v8, v49;
	v3 =	vadd.f32 v3, v5;
	v58 =	vpop (erf)  }
0x430: {  	v7 =	vsub.f32 v44, v7;
	v5 =	vadd.f32 v10, v6;
	v6 =	vmul.f32 v58, v49  }
0x431: {  	v4 =	vadd.f32 v11, v4;
	v8 =	vsub.f32 v45, v8  }
0x432: {  	[tilespmem:v9+s23+$0x0] =	vst.idx.msk $0xffff, v2;
	v2 =	vadd.f32 v7, v5;
	v5 =	vsub.f32 v45, v6  }
0x433: {  	[tilespmem:v50+s23+$0x0] =	vst.idx.msk $0xffff, v57;
	v3 =	vadd.f32 v3, v8  }
0x434: {  	[tilespmem:v51+s23+$0x0] =	vst.idx.msk $0xffff, v4;
	v2 =	vadd.f32 v2, v5  }
0x435: {  	[tilespmem:v52+s23+$0x0] =	vst.idx.msk $0xffff, v3  }
0x436: {  	s30 =	simm.s32 $0x19A00;
	[tilespmem:v60+s23+$0x0] =	vst.idx.msk $0xffff, v2  }
0x437: {  	v2 =	vld [tilespmem:s30+$0x810]  }
0x438: {  	v3 =	vld [tilespmem:s30+$0xA10]  }
0x439: {  	v4 =	vld [tilespmem:s30+$0x10]  }
0x43a: {  	v5 =	vld [tilespmem:s30+$0x210]  }
0x43b: {  	v6 =	vld [tilespmem:s30+$0xFFFFF010]  }
0x43c: {  	v7 =	vld [tilespmem:s30+$0xFFFFF210]  }
0x43d: {  	v8 =	vld [tilespmem:s30+$0xFFFFF410]  }
0x43e: {  	v9 =	vld [tilespmem:s30+$0xFFFFF610]  }
0x43f: {  	v10 =	vld [tilespmem:s30+$0xFFFFF810]  }
0x440: {  	v11 =	vld [tilespmem:s30+$0xFFFFFA10]  }
0x441: {  	v12 =	vld [tilespmem:s30+$0xFFFFFC10]  }
0x442: {  	v59 =	vld [tilespmem:s30+$0xFFFFFE10]  }
0x443: {  	v60 =	vld [tilespmem:s30+$0x410]  }
0x444: {  	v61 =	vld [tilespmem:s30+$0x610]  }
0x445: {  	v16 =	vld [tilespmem:s30+$0xC10]  }
0x446: {  	v13 =	vld [tilespmem:s30+$0x400]  }
0x447: {  	v62 =	vld [tilespmem:s30+$0x800]  }
0x448: {  	v63 =	vld [tilespmem:s30+$0xA00]  }
0x449: {  	s31 =	simm.s32 $0x19A20;
	v17 =	vld [tilespmem:s30+$0xE00]  }
0x44a: {  	v18 =	vld [tilespmem:s31+$0x810]  }
0x44b: {  	v50 =	vld [tilespmem:s31+$0xA10]  }
0x44c: {  	v51 =	vld [tilespmem:s31+$0x10]  }
0x44d: {  	v52 =	vld [tilespmem:s31+$0x210]  }
0x44e: {  	v6 =	vadd.f32 v10, v6;
	v7 =	vadd.f32 v11, v7;
	v10 =	vld [tilespmem:s30+$0xE10]  }
0x44f: {  	v54 =	vld [tilespmem:s31+$0xFFFFF010];
	v8 =	vadd.f32 v12, v8;
	v9 =	vadd.f32 v59, v9  }
0x450: {  	v11 =	vld [tilespmem:s30+$0x0];
	v4 =	vadd.f32 v4, v6;
	v5 =	vadd.f32 v5, v7  }
0x451: {  	v6 =	vld [tilespmem:s30+$0xFFFFF200];
	v7 =	vadd.f32 v60, v8;
	v8 =	vadd.f32 v61, v9  }
0x452: {  	v9 =	vld [tilespmem:s30+$0xFFFFF400];
	v2 =	vadd.f32 v2, v4;
	v3 =	vadd.f32 v3, v5  }
0x453: {  	v61 =	vld [tilespmem:s31+$0xFFFFF810];
	v5 =	vadd.f32 v16, v7;
	v7 =	vadd.f32 v10, v8  }
0x454: {  	v4 =	vld [tilespmem:s30+$0xFFFFF600]  }
0x455: {  	v8 =	vld [tilespmem:s30+$0xFFFFF800];
	v2 =	vadd.f32 v3, v2;
	v3 =	vadd.f32 v7, v5  }
0x456: {  	v10 =	vld [tilespmem:s30+$0xFFFFFA00]  }
0x457: {  	v5 =	vld [tilespmem:s30+$0xFFFFFC00];
	v2 =	vadd.f32 v3, v2  }
0x458: {  	v7 =	vld [tilespmem:s30+$0xFFFFFE00]  }
0x459: {  	v3 =	vld [tilespmem:s30+$0xFFFFF000];
	v2 =	vmul.f32 $1.442695020e+00, v2  }
0x45a: {  	v12 =	vld [tilespmem:s30+$0x200]  }
0x45b: {  	(erf) = vpow2.f32 v2;
	v2 =	vld [tilespmem:s30+$0x600]  }
0x45c: {  	v16 =	vld [tilespmem:s30+$0xC00];
	v59 =	vadd.f32 v61, v54  }
0x45d: {  	v57 =	vld [tilespmem:s31+$0xFFFFF410];
	v6 =	vadd.f32 v10, v6;
	v5 =	vadd.f32 v5, v9  }
0x45e: {  	v58 =	vld [tilespmem:s31+$0xFFFFF610];
	v4 =	vadd.f32 v7, v4;
	v3 =	vadd.f32 v8, v3  }
0x45f: {  	v60 =	vld [tilespmem:s31+$0xFFFFF210];
	v6 =	vadd.f32 v12, v6;
	v5 =	vadd.f32 v13, v5  }
0x460: {  	v61 =	vld [tilespmem:s31+$0xFFFFFE00];
	v3 =	vadd.f32 v11, v3;
	v2 =	vadd.f32 v2, v4  }
0x461: {  	v7 =	vld [tilespmem:s31+$0xFFFFFC10];
	v6 =	vadd.f32 v63, v6;
	v5 =	vadd.f32 v16, v5  }
0x462: {  	v8 =	vld [tilespmem:s31+$0xFFFFFA10];
	v3 =	vadd.f32 v62, v3;
	v2 =	vadd.f32 v17, v2  }
0x463: {  	v9 =	vld [tilespmem:s31+$0xFFFFFE10]  }
0x464: {  	v4 =	vld [tilespmem:s31+$0x410];
	v3 =	vadd.f32 v6, v3;
	v2 =	vadd.f32 v2, v5  }
0x465: {  	v10 =	vld [tilespmem:s31+$0x610]  }
0x466: {  	v11 =	vld [tilespmem:s31+$0xC10];
	v2 =	vadd.f32 v2, v3  }
0x467: {  	v7 =	vadd.f32 v7, v57;
	v62 =	vld [tilespmem:s31+$0xE10];
	v8 =	vadd.f32 v8, v60  }
0x468: {  	v63 =	vld [tilespmem:s31+$0xFFFFF800];
	v9 =	vadd.f32 v9, v58;
	v2 =	vmul.f32 $1.442695020e+00, v2  }
0x469: {  	v16 =	vld [tilespmem:s31+$0xFFFFFC00];
	v8 =	vadd.f32 v52, v8;
	v4 =	vadd.f32 v4, v7  }
0x46a: {  	v60 =	vld [tilespmem:s31+$0xFFFFFA00];
	v53 =	vpop (erf);
	v7 =	vadd.f32 v10, v9;
	(erf) = vpow2.f32 v2;
	v2 =	vadd.f32 v51, v59  }
0x46b: {  	v6 =	vld [tilespmem:s31+$0xFFFFF400];
	v8 =	vadd.f32 v50, v8;
	v4 =	vadd.f32 v11, v4  }
0x46c: {  	v17 =	vld [tilespmem:s31+$0x600];
	v7 =	vadd.f32 v62, v7;
	v2 =	vadd.f32 v18, v2  }
0x46d: {  	v9 =	vld [tilespmem:s31+$0xFFFFF000]  }
0x46e: {  	s13 =	simm.s32 $0x1AC10;
	v5 =	vld [tilespmem:s31+$0xFFFFF200];
	v4 =	vadd.f32 v7, v4;
	v2 =	vadd.f32 v8, v2  }
0x46f: {  	s19 =	simm.s32 $0x810;
	[tilespmem:s13+$0x0] =	vst v53;
	v10 =	vld [tilespmem:s31+$0x0]  }
0x470: {  	v55 =	vld [tilespmem:s19+$0x0];
	v7 =	vadd.f32 v4, v2  }
0x471: {  	v3 =	vld [tilespmem:s31+$0xFFFFF600]  }
0x472: {  	v62 =	vld [tilespmem:s31+$0x400];
	v8 =	vadd.f32 v63, v9;
	v63 =	vmul.f32 $1.442695020e+00, v7  }
0x473: {  	v11 =	vld [tilespmem:s31+$0x200]  }
0x474: {  	v18 =	vld [tilespmem:s31+$0x800];
	v2 =	vpop (erf);
	(erf) = vpow2.f32 v63  }
0x475: {  	v6 =	vadd.f32 v16, v6;
	v4 =	vld [tilespmem:s31+$0xA00]  }
0x476: {  	v3 =	vadd.f32 v61, v3;
	v9 =	vadd.f32 v60, v5;
	v5 =	vld [tilespmem:s31+$0xC00]  }
0x477: {  	v10 =	vadd.f32 v10, v8;
	v8 =	vadd.f32 v62, v6;
	v6 =	vld [tilespmem:s31+$0xE00];
	[tilespmem:s13+$0xFFFFFFF0] =	vst v2  }
0x478: {  	v50 =	vadd.f32 v17, v3;
	v7 =	vadd.f32 v11, v9;
	v3 =	vld [tilespmem:s19+$0xFFFFFFF0]  }
0x479: {  	s21 =	simm.s32 $0x19A40;
	[tilespmem:v55+s9+$0x0] =	vst.idx.add.f32.msk $0xffff, v53;
	v9 =	vadd.f32 v18, v10  }
.LBB2_11:
0x47a: {  	v10 =	vld [tilespmem:s21+$0x810];
	v4 =	vadd.f32 v4, v7  }
0x47b: {  	v7 =	vld [tilespmem:s21+$0xA10];
	v5 =	vadd.f32 v5, v8  }
0x47c: {  	v8 =	vld [tilespmem:s21+$0x10];
	v6 =	vadd.f32 v6, v50;
	v4 =	vadd.f32 v4, v9  }
0x47d: {  	s13 =	sadd.s32 $0x20, s13;
	v9 =	vld [tilespmem:s21+$0x210];
	v11 =	vpop (erf);
	v12 =	vmov v3  }
0x47e: {  	s19 =	sadd.s32 $0x20, s19;
	v3 =	vld [tilespmem:s21+$0xFFFFF010];
	v5 =	vadd.f32 v6, v5;
	[tilespmem:s13+$0x0] =	vst v11  }
0x47f: {  	v6 =	vld [tilespmem:s19+$0x0]  }
0x480: {  	v13 =	vld [tilespmem:s21+$0xFFFFF210];
	v4 =	vadd.f32 v5, v4  }
0x481: {  	v5 =	vld [tilespmem:s21+$0xFFFFF410]  }
0x482: {  	v14 =	vld [tilespmem:s21+$0xFFFFF610];
	v4 =	vmul.f32 $1.442695020e+00, v4  }
0x483: {  	v15 =	vld [tilespmem:s21+$0xFFFFF810]  }
0x484: {  	v16 =	vld [tilespmem:s21+$0xFFFFFA10];
	(erf) = vpow2.f32 v4  }
0x485: {  	v4 =	vld [tilespmem:s21+$0xFFFFFC10]  }
0x486: {  	v17 =	vld [tilespmem:s21+$0xFFFFFE10]  }
0x487: {  	s1 =	sadd.s32 $0x2, s1;
	[tilespmem:v6+s9+$0x0] =	vst.idx.add.f32.msk $0xffff, v11  }
0x488: {  	p2 =	slt.u32 s1, $0x1E;
	v6 =	vld [tilespmem:s21+$0x410]  }
0x489: {  	v11 =	vld [tilespmem:s21+$0x610]  }
0x48a: {  	v18 =	vld [tilespmem:s21+$0xC10]  }
0x48b: {  	v3 =	vadd.f32 v15, v3;
	v50 =	vadd.f32 v16, v13;
	v15 =	vld [tilespmem:s21+$0xE10]  }
0x48c: {  	v4 =	vadd.f32 v4, v5;
	v5 =	vadd.f32 v17, v14;
	v16 =	vld [tilespmem:s21+$0xFFFFF200]  }
0x48d: {  	v3 =	vadd.f32 v8, v3;
	v8 =	vadd.f32 v9, v50;
	v14 =	vld [tilespmem:s21+$0xFFFFF400];
	v13 =	vpop (erf)  }
0x48e: {  	v4 =	vadd.f32 v6, v4;
	v9 =	vld [tilespmem:s21+$0xFFFFF600];
	v5 =	vadd.f32 v11, v5;
	[tilespmem:s13+$0xFFFFFFF0] =	vst v13  }
0x48f: {  	v3 =	vadd.f32 v10, v3;
	v7 =	vadd.f32 v7, v8;
	v6 =	vld [tilespmem:s21+$0xFFFFF800]  }
0x490: {  	v4 =	vadd.f32 v18, v4;
	v8 =	vld [tilespmem:s21+$0xFFFFFA00];
	v5 =	vadd.f32 v15, v5  }
0x491: {  	v10 =	vld [tilespmem:s21+$0xFFFFFC00]  }
0x492: {  	v3 =	vadd.f32 v7, v3;
	v11 =	vld [tilespmem:s21+$0xFFFFFE00];
	v4 =	vadd.f32 v5, v4  }
0x493: {  	v5 =	vld [tilespmem:s21+$0xFFFFF000]  }
0x494: {  	v7 =	vld [tilespmem:s21+$0x0];
	v3 =	vadd.f32 v4, v3  }
0x495: {  	v8 =	vadd.f32 v8, v16;
	v15 =	vld [tilespmem:s21+$0x200]  }
0x496: {  	v10 =	vadd.f32 v10, v14;
	v14 =	vld [tilespmem:s21+$0x400];
	v3 =	vmul.f32 $1.442695020e+00, v3  }
0x497: {  	v9 =	vadd.f32 v11, v9;
	v11 =	vld [tilespmem:s21+$0x600]  }
0x498: {  	v5 =	vadd.f32 v6, v5;
	v16 =	vld [tilespmem:s21+$0x800];
	(erf) = vpow2.f32 v3  }
.Ltmp4:
0x499: {  	v4 =	vld [tilespmem:s21+$0xA00];
	(pc) =	sbr.rel @p2 .LBB2_11-.Ltmp4, $4  }
0x49a: {  	v17 =	vadd.f32 v7, v5;
	v7 =	vadd.f32 v15, v8;
	v5 =	vld [tilespmem:s21+$0xC00]  }
0x49b: {  	v8 =	vadd.f32 v14, v10;
	v6 =	vld [tilespmem:s21+$0xE00]  }
0x49c: {  	v50 =	vadd.f32 v11, v9;
	v3 =	vld [tilespmem:s19+$0xFFFFFFF0]  }
0x49d: {  	s21 =	sadd.s32 $0x20, s21;
	v9 =	vadd.f32 v16, v17;
	[tilespmem:v12+s9+$0x0] =	vst.idx.add.f32.msk $0xffff, v2;
	v2 =	vmov v13  }
0x49e: {  	_ = 	snop  }
0x49f: {  	v4 =	vadd.f32 v4, v7  }
0x4a0: {  	v5 =	vadd.f32 v5, v8;
	v6 =	vadd.f32 v6, v50;
	_ =	sdelay $0x1  }
0x4a1: {  	v4 =	vadd.f32 v4, v9;
	v5 =	vadd.f32 v6, v5;
	_ =	sdelay $0x1  }
0x4a2: {  	v4 =	vadd.f32 v5, v4;
	_ =	sdelay $0x1  }
0x4a3: {  	v4 =	vmul.f32 $1.442695020e+00, v4;
	_ =	sdelay $0x1  }
0x4a4: {  	(erf) = vpow2.f32 v4;
	_ =	sdelay $0x7  }
0x4a5: {  	s1 =	sadd.s32 $0x20, s13;
	v60 =	vpop (erf)  }
0x4a6: {  	s10 =	sadd.s32 $0x20, s19;
	[tilespmem:s1+$0x0] =	vst v60;
	v62 =	vpop (erf)  }
0x4a7: {  	v61 =	vld [tilespmem:s10+$0x0];
	[tilespmem:s1+$0xFFFFFFF0] =	vst v62  }
0x4a8: {  	v63 =	vld [tilespmem:s10+$0xFFFFFFF0];
	_ =	sdelay $0x5  }
0x4a9: {  	[tilespmem:v3+s9+$0x0] =	vst.idx.add.f32.msk $0xffff, v2;
	s1 =	sshll.u32 @!p1 s16, $0x3  }
0x4aa: {  	[tilespmem:v61+s9+$0x0] =	vst.idx.add.f32.msk $0xffff, v60;
	s1 =	sand.u32 @!p1 $0x1FFFE000, s1  }
0x4ab: {  	s13 =	simm.s32 @!p1 $0x10A00;
	s10 =	simm.s32 @!p1 $0x0;
	s1 =	sadd.s32 @!p1 s6, s1;
	[tilespmem:v63+s9+$0x0] =	vst.idx.add.f32.msk $0xffff, v62  }
0x4ac: {  	[tilespmem:s13], [sflag:$0x7] =	stream.linear.gather @!p1 [hbm4b:s1+s10], $0x8000, $0x38;
	[tilespmem:$0x1DB40] =	vst v63  }
0x4ad: {  	s1 =	sadd.s32 @!p1 s14, s18  }
0x4ae: {  	s1 =	sshrl.u32 @!p1 s1, $0x3  }
0x4af: {  	s14 =	simm.s32 @!p1 $0x200;
	s13 =	sadd.s32 @!p1 s7, s1  }
0x4b0: {  	[tilespmem:s14], [sflag:$0x2] =	stream.linear.gather @!p1 [hbm4b:s13+s10], $0x200, $0x38;
	[tilespmem:$0x1DB40] =	vst v63  }
0x4b1: {  	s25 =	sadd.s32 $0x1, s25;
	s1 =	sadd.s32 @!p1 s8, s1;
	s13 =	simm.s32 @!p1 $0x600  }
0x4b2: {  	[tilespmem:s13], [sflag:$0x2] =	stream.linear.gather @!p1 [hbm4b:s1+s10], $0x200, $0x38;
	[tilespmem:$0x1DB40] =	vst v63  }
0x4b3: {  	p1 =	sne.s32 s25, $0xA  }
.Ltmp5:
0x4b4: {  	_ = 	snop;
	(pc) =	sbr.rel @p1 .LBB2_4-.Ltmp5, $4  }
0x4b5: {  	_ = 	snop  }
0x4b6: {  	s30 =	sshrl.u32 s15, $0x3  }
0x4b7: {  	s31 =	simm.s32 $0x1AC00;
	s1 =	sadd.s32 s11, s30  }
0x4b8: {  	[hbm4b:s1+s2] =	stream.linear.scatter [tilespmem:s31], [sflag:$0x6], $0x200, $0x38;
	[tilespmem:$0x1DB40] =	vst v63  }
0x4b9: {  	s1 =	simm.s32 $0x5  }
0x4ba: {  	_ =	swait.ge [sflag:s1], $0x200  }
0x4bb: {  	[sflag:s1] =	ssyncset.done $0x0  }
0x4bc: {  	s28 =	simm.s32 $0x6;
	[sflag:s1] =	ssyncadd.s32 $0xFFFFFE00  }
0x4bd: {  	_ =	swait.ge [sflag:s28], $0x200  }
0x4be: {  	[sflag:s28] =	ssyncset.done $0x0  }
0x4bf: {  	s30 =	simm.s32 $0x80;
	[sflag:s28] =	ssyncadd.s32 $0xFFFFFE00  }
0x4c0: {  	s13 =	simm.s32 $0x1D600;
	s15 =	simm.s32 $0x8;
	s10 =	rddreg [dreg:$0x2]  }
0x4c1: {  	[spmem:s10] =	stream.indirect.scatter.add.f32 [tilespmem:s9], [sflag:$0x8], $0x10, s13, s30, $0xb8;
	[tilespmem:$0x1DB40] =	vst v63  }
0x4c2: {  	_ =	swait.ge [sflag:s15], $0x800  }
0x4c3: {  	[sflag:s15] =	ssyncset.done $0x0  }
0x4c4: {  	s31 =	simm.s32 $0x1D680;
	s14 =	simm.s32 $0x1B600;
	[sflag:s15] =	ssyncadd.s32 $0xFFFFF800  }
0x4c5: {  	[spmem:s10] =	stream.indirect.scatter.add.f32 [tilespmem:s14], [sflag:$0x8], $0x10, s31, s30, $0xb8;
	[tilespmem:$0x1DB40] =	vst v63  }
0x4c6: {  	_ =	swait.ge [sflag:s15], $0x800  }
0x4c7: {  	[sflag:s15] =	ssyncset.done $0x0  }
0x4c8: {  	s16 =	simm.s32 $0x1BE00;
	s14 =	simm.s32 $0x1D700;
	[sflag:s15] =	ssyncadd.s32 $0xFFFFF800  }
0x4c9: {  	[spmem:s10] =	stream.indirect.scatter.add.f32 [tilespmem:s16], [sflag:$0x8], $0x10, s14, s30, $0xb8;
	[tilespmem:$0x1DB40] =	vst v63  }
0x4ca: {  	_ =	swait.ge [sflag:s15], $0x800  }
0x4cb: {  	[sflag:s15] =	ssyncset.done $0x0  }
0x4cc: {  	s19 =	simm.s32 $0x1D780;
	s20 =	simm.s32 $0x1C600;
	[sflag:s15] =	ssyncadd.s32 $0xFFFFF800  }
0x4cd: {  	[spmem:s10] =	stream.indirect.scatter.add.f32 [tilespmem:s20], [sflag:$0x8], $0x10, s19, s30, $0xb8;
	[tilespmem:$0x1DB40] =	vst v63  }
0x4ce: {  	_ =	swait.ge [sflag:s15], $0x800  }
0x4cf: {  	[sflag:s15] =	ssyncset.done $0x0  }
0x4d0: {  	s21 =	simm.s32 $0x1D800;
	s22 =	simm.s32 $0x1CE00;
	[sflag:s15] =	ssyncadd.s32 $0xFFFFF800  }
0x4d1: {  	[spmem:s10] =	stream.indirect.scatter.add.f32 [tilespmem:s22], [sflag:$0x8], $0x10, s21, s30, $0xb8;
	[tilespmem:$0x1DB40] =	vst v63  }
0x4d2: {  	_ =	swait.ge [sflag:s15], $0x800  }
0x4d3: {  	[sflag:s15] =	ssyncset.done $0x0  }
0x4d4: {  	[sflag:s15] =	ssyncadd.s32 $0xFFFFF800  }
0x4d5: {  	s24 =	stileid.u32;
	[bflag:$0x0] =	sbarrier.arrive $0xFFFF  }
0x4d6: {  	s1 =	sshll.u32 s24, $0x6;
	s25 =	rddreg [dreg:$0xb]  }
0x4d7: {  	s1 =	sor.u32 $0x1C08, s1;
	s28 =	rddreg [dreg:$0xd]  }
0x4d8: {  	[hbm:s25], [sflag:s1] =	dma.local [spmem:s28], $0x50  }
0x4d9: {  	_ =	swait.ge [sflag:s15], $0x50  }
0x4da: {  	s30 =	rddreg [dreg:$0xe]  }
0x4db: {  	s31 =	rddreg [dreg:$0xc];
	s13 =	sadd.s32 $0x1, s30  }
0x4dc: {  	p1 =	sne.s32 s13, s31  }
.Ltmp6:
0x4dd: {  	_ = 	snop;
	(pc) =	sbr.rel @p1 .LBB2_1-.Ltmp6, $3  }
0x4de: {  	_ =	sdelay $0x1  }
0x4df: {  	[sflag:s15] =	ssyncset.done $0x0  }
0x4e0: {  	[sflag:s15] =	ssyncadd.s32 $0xFFFFFFB0  }
0x4e1: {  	_ =	sfence.sel $0x180000  }
0x4e2: {  	[bflag:$0x0] =	sbarrier.arrive $0xFFFF  }
0x4e3: {  	_ =	strace $0x90000047  }
0x4e4: {  	[bflag:$0x2] =	sbarrier.arrive $0xFFFF  }
0x4e5: {  	s0 =	rddreg [dreg:$0x3]  }
0x4e6: {  	s0 =	sadd.s32 @!p0 $0x100000, s0  }
0x4e7: {  	[sflag:s0] =	ssyncadd.tile.s32 @!p0 $0x1;
	_ =	shalt  }
.Lfunc_end2:
_tile_overlayer_lowered:
.L_overlay_start_2:
0x4e8: {  	(tag) =	ssettag $0x2  }
0x4e9: {  	s0 =	rddreg [dreg:$0x0];
	s2 =	stileid.u32  }
0x4ea: {  	s1 =	rddreg [dreg:$0x1];
	p0 =	sne.s32 s2, $0x0  }
0x4eb: {  	s3 =	rddreg [dreg:$0x2];
	[bflag:$0x3] =	sbarrier.arrive $0xFFFF;
	s2 =	simm.s32 @!p0 $0x1C08  }
0x4ec: {  	[timem:s3], [sflag:s2] =	dma.local @!p0 [hbm:s0], s1  }
0x4ed: {  	s0 =	simm.s32 @!p0 $0x8  }
0x4ee: {  	_ =	swait.ge @!p0 [sflag:s0], s1  }
0x4ef: {  	s1 =	ssub.s32 @!p0 $0x0, s1;
	[sflag:s0] =	ssyncset.done @!p0 $0x0  }
0x4f0: {  	[sflag:s0] =	ssyncadd.s32 @!p0 s1  }
0x4f1: {  	[bflag:$0x3] =	sbarrier.arrive $0xFFFF  }
0x4f2: {  	_ =	shalt  }

// kernel: kernel.9.cloned.1.call-start
scs
__scs_entry_jumppad:
0x0: {  	(pc) =	sbr.rel $0x88, $3  }
0x1: {  	(tag) =	ssettag $0x0;
	lr =	simm.s32 $0x1  }
0x2: {  	[smem:$0x3F9A] =	sst lr;
	_ =	strace $0xD0000000  }
0x3: {  	_ = 	snop  }
0x4: {  	_ = 	snop  }
0x5: {  	_ = 	snop  }
0x6: {  	_ = 	snop  }
0x7: {  	_ = 	snop  }
__scs_overlays_trampoline_lowered:
0x8: {  	[smem:$0x3FA9] =	sst s0  }
0x9: {  	[smem:$0x3FAA] =	sst s1  }
0xa: {  	[smem:$0x3FAB] =	sst s2  }
0xb: {  	[smem:$0x3FAC] =	sst s3  }
0xc: {  	[smem:$0x3FAD] =	sst s4  }
0xd: {  	[smem:$0x3FAE] =	sst s5  }
0xe: {  	[smem:$0x3FAF] =	sst s6  }
0xf: {  	[smem:$0x3FB0] =	sst s7  }
0x10: {  	[smem:$0x3FB1] =	sst s8  }
0x11: {  	[smem:$0x3FB2] =	sst s9;
	s0 =	simm.s32 @!p0 $0x0  }
0x12: {  	s1 =	sld [smem:$0x3F98];
	s0 =	simm.s32 @p0 $0x1  }
0x13: {  	[smem:$0x3FB3] =	sst s0;
	s0 =	simm.s32 @!p1 $0x0  }
0x14: {  	s2 =	sld [smem:$0x3F97];
	s0 =	simm.s32 @p1 $0x1  }
0x15: {  	[smem:$0x3FB4] =	sst s0;
	s0 =	simm.s32 @!p2 $0x0  }
0x16: {  	s3 =	sld [smem:$0x3FDB];
	s0 =	simm.s32 @p2 $0x1  }
0x17: {  	s4 =	simm.s32 $0x1BF5;
	[smem:$0x3FB6] =	sst s0  }
0x18: {  	s0 =	sld [smem:$0x3F99];
	_ =	swait.ge [sflag:s4], $0x0  }
0x19: {  	s7 =	sld [smem:$0x3F9A]  }
0x1a: {  	s8 =	sadd.s32 $0xFFFFE003, lr  }
0x1b: {  	s9 =	sadd.s32 $0xFFFFFEF7, lr;
	s5 =	simm.s32 $0xFFFFFFFF;
	p2 =	slt.u32 s8, $0xFFFFF086  }
0x1c: {  	p1 =	slt.u32 s9, $0xF7A;
	s5 =	simm.s32 @!p2 $0x0  }
0x1d: {  	s5 =	simm.s32 @p1 $0x1;
	p0 =	seq.s32 s7, s2  }
0x1e: {  	s7 =	smul.u32 @!p0 $0xF7A, s2;
	p2 =	seq.s32 @!p0 s5, $0x0  }
0x1f: {  	s9 =	smul.u32 $0xF7A, s1;
	s8 =	simm.s32 @!p0 $0x1BF5;
	p2 =	por !p2, p0  }
0x20: {  	[sflag:s8] =	ssyncset.s32 @!p0 $0xFFFFF086;
	s6 =	sadd.s32 @!p0 s3, s7;
	s7 =	simm.s32 @!p0 $0x108  }
0x21: {  	s3 =	sadd.s32 s3, s9;
	s6 =	sadd.s32 @!p0 $0x88, s6;
	s7 =	simm.s32 @p2 $0x1082  }
0x22: {  	[simem:s7], [sflag:s8] =	dma.local @!p0 [hbm:s6], $0xF7A  }
0x23: {  	s9 =	sor.u32 $0xD0000000, s2;
	s6 =	simm.s32 $0x108;
	_ =	swait.ge @!p0 [sflag:s8], $0x0  }
0x24: {  	s3 =	sadd.s32 $0x88, s3;
	s6 =	simm.s32 @!p1 $0x1082;
	[sflag:s4] =	ssyncset.s32 $0xFFFFF086  }
0x25: {  	[simem:s6], [sflag:s4] =	dma.local [hbm:s3], $0xF7A  }
0x26: {  	[smem:$0x3F9A] =	sst s1;
	(tag) =	ssettag s2;
	_ =	strace s9  }
0x27: {  	s1 =	sld [smem:$0x3FAA]  }
0x28: {  	s2 =	sld [smem:$0x3FAB]  }
0x29: {  	s4 =	sld [smem:$0x3FAD]  }
0x2a: {  	p0 =	seq.s32 s5, $0x0;
	s5 =	sld [smem:$0x3FAE]  }
0x2b: {  	s6 =	sld [smem:$0x3FAF]  }
0x2c: {  	s7 =	sld [smem:$0x3FB0]  }
0x2d: {  	s3 =	simm.s32 $0x108;
	s8 =	sld [smem:$0x3FB1]  }
0x2e: {  	s3 =	simm.s32 @!p0 $0x1082;
	s9 =	sld [smem:$0x3FB2]  }
0x2f: {  	lr =	sadd.s32 s0, s3;
	s0 =	sld [smem:$0x3FA9]  }
0x30: {  	s3 =	sld [smem:$0x3FAC]  }
0x31: {  	[smem:$0x3FB5] =	sst s10  }
0x32: {  	s10 =	sld [smem:$0x3FB3];
	_ =	sdelay $0x3  }
0x33: {  	p0 =	seq.s32 s10, $0x1;
	s10 =	sld [smem:$0x3FB5];
	_ =	sdelay $0x3  }
0x34: {  	[smem:$0x3FB5] =	sst s10  }
0x35: {  	s10 =	sld [smem:$0x3FB4];
	_ =	sdelay $0x3  }
0x36: {  	p1 =	seq.s32 s10, $0x1;
	s10 =	sld [smem:$0x3FB5];
	_ =	sdelay $0x3  }
0x37: {  	[smem:$0x3FB5] =	sst s10  }
0x38: {  	s10 =	sld [smem:$0x3FB6]  }
0x39: {  	_ = 	snop;
	(pc) =	sbr.ind lr, $3  }
0x3a: {  	_ = 	snop  }
0x3b: {  	_ = 	snop  }
0x3c: {  	p2 =	seq.s32 s10, $0x1;
	s10 =	sld [smem:$0x3FB5]  }
0x3d: {  	_ =	shalt  }
0x3e: {  	_ =	shalt  }
0x3f: {  	_ =	shalt  }
0x40: {  	_ =	shalt  }
0x41: {  	_ =	shalt  }
0x42: {  	_ =	shalt  }
0x43: {  	_ =	shalt  }
0x44: {  	_ =	shalt  }
0x45: {  	_ =	shalt  }
0x46: {  	_ =	shalt  }
0x47: {  	_ =	shalt  }
0x48: {  	_ =	shalt  }
0x49: {  	_ =	shalt  }
0x4a: {  	_ =	shalt  }
0x4b: {  	_ =	shalt  }
0x4c: {  	_ =	shalt  }
0x4d: {  	_ =	shalt  }
0x4e: {  	_ =	shalt  }
0x4f: {  	_ =	shalt  }
0x50: {  	_ =	shalt  }
0x51: {  	_ =	shalt  }
0x52: {  	_ =	shalt  }
0x53: {  	_ =	shalt  }
0x54: {  	_ =	shalt  }
0x55: {  	_ =	shalt  }
0x56: {  	_ =	shalt  }
0x57: {  	_ =	shalt  }
0x58: {  	_ =	shalt  }
0x59: {  	_ =	shalt  }
0x5a: {  	_ =	shalt  }
0x5b: {  	_ =	shalt  }
0x5c: {  	_ =	shalt  }
0x5d: {  	_ =	shalt  }
0x5e: {  	_ =	shalt  }
0x5f: {  	_ =	shalt  }
0x60: {  	_ =	shalt  }
0x61: {  	_ =	shalt  }
0x62: {  	_ =	shalt  }
0x63: {  	_ =	shalt  }
0x64: {  	_ =	shalt  }
0x65: {  	_ =	shalt  }
0x66: {  	_ =	shalt  }
0x67: {  	_ =	shalt  }
0x68: {  	_ =	shalt  }
0x69: {  	_ =	shalt  }
0x6a: {  	_ =	shalt  }
0x6b: {  	_ =	shalt  }
0x6c: {  	_ =	shalt  }
0x6d: {  	_ =	shalt  }
0x6e: {  	_ =	shalt  }
0x6f: {  	_ =	shalt  }
0x70: {  	_ =	shalt  }
0x71: {  	_ =	shalt  }
0x72: {  	_ =	shalt  }
0x73: {  	_ =	shalt  }
0x74: {  	_ =	shalt  }
0x75: {  	_ =	shalt  }
0x76: {  	_ =	shalt  }
0x77: {  	_ =	shalt  }
0x78: {  	_ =	shalt  }
0x79: {  	_ =	shalt  }
0x7a: {  	_ =	shalt  }
0x7b: {  	_ =	shalt  }
0x7c: {  	_ =	shalt  }
0x7d: {  	_ =	shalt  }
0x7e: {  	_ =	shalt  }
0x7f: {  	_ =	shalt  }
0x80: {  	_ =	shalt  }
0x81: {  	_ =	shalt  }
0x82: {  	_ =	shalt  }
0x83: {  	_ =	shalt  }
0x84: {  	_ =	shalt  }
0x85: {  	_ =	shalt  }
0x86: {  	_ =	shalt  }
0x87: {  	_ =	shalt  }
.Lfunc_end0:
.L_simem_size_0:
called_computation.1_lowered:
.L_overlay_start_0:
0x88: {  	s2 =	sld [smem:$0x3FD9]  }
0x89: {  	s3 =	sld [smem:$0x3FFE];
	_ =	sdelay $0x1  }
0x8a: {  	s1 =	srdreg.scid  }
0x8b: {  	s0 =	sand.u32 $0x1, s1  }
0x8c: {  	s17 =	sshll.u32 s0, $0xA;
	s2 =	sadd.s32 s3, s2  }
0x8d: {  	s2 =	sadd.s32 s2, s17  }
0x8e: {  	[smem:$0x3FC1] =	sst s2  }
0x8f: {  	_ = 	snop  }
0x90: {  	s2 =	sld [smem:$0x3FD0];
	(tm) =	ssettm $0x1  }
0x91: {  	s18 =	sld [smem:$0x3FFB];
	_ =	sdelay $0x3  }
0x92: {  	_ =	strace s18  }
0x93: {  	s3 =	sld [smem:$0x3FFC];
	_ =	sdelay $0x3  }
0x94: {  	_ =	strace s3  }
0x95: {  	s3 =	sld [smem:$0x3FFD];
	_ =	sdelay $0x3  }
0x96: {  	_ =	strace s3  }
0x97: {  	_ =	strace $0x8FFFFFFF  }
0x98: {  	s19 =	sld [smem:$0x3FDB];
	_ =	sdelay $0x1  }
0x99: {  	s4 =	simm.s32 $_scs_section_size  }
0x9a: {  	s5 =	simm.s32 $_size__tile_overlayer_lowered;
	s6 =	simm.s32 $_tile_overlayer_lowered  }
0x9b: {  	s22 =	simm.s32 $0x1BFF;
	s21 =	sshll.u32 s6, $0x1;
	s3 =	sadd.s32 s4, s19  }
0x9c: {  	s7 =	simm.s32 $0x0;
	s20 =	sshll.u32 s5, $0x1;
	s5 =	sadd.s32 s21, s3  }
0x9d: {  	[timem:s7], [sflag:s22] =	dma.local [hbm:s5], s20  }
0x9e: {  	_ =	swait.ge [sflag:s22], s20  }
0x9f: {  	s4 =	ssub.s32 $0x0, s20;
	[sflag:s22] =	ssyncset.done $0x0  }
0xa0: {  	[sflag:s22] =	ssyncadd.s32 s4;
	_ =	sdelay $0x1  }
0xa1: {  	s23 =	simm.s32 $0x1B8B  }
0xa2: {  	_ =	swait.ge [sflag:s23], $0x1  }
0xa3: {  	[sflag:s23] =	ssyncset.done $0x0  }
0xa4: {  	s25 =	simm.s32 $0x1B8E;
	s24 =	sld [smem:$0x3FFE];
	[sflag:s23] =	ssyncadd.s32 $0xFFFFFFFF  }
0xa5: {  	s26 =	simm.s32 $execute0_lowered;
	[smem:$0x3FD2] =	sst s25  }
0xa6: {  	s5 =	sshll.u32 s26, $0x1;
	_ =	strace $0x80000049;
	[dreg:$0x1] =	wrdreg $0xFFFFFFFF  }
0xa7: {  	s28 =	simm.s32 $_size_execute0_lowered;
	s3 =	sadd.s32 s3, s5;
	[dreg:$0x0] =	wrdreg $0x0  }
0xa8: {  	s5 =	sshll.u32 s28, $0x1;
	[dreg:$0x2] =	wrdreg s3  }
0xa9: {  	[dreg:$0x3] =	wrdreg s5  }
0xaa: {  	[dreg:$0x4] =	wrdreg $0xC0  }
0xab: {  	_ =	task [dreg:s7], $0x5FFFF  }
0xac: {  	[dreg:$0x1] =	wrdreg $0xFFFFFFFF  }
0xad: {  	[dreg:$0x0] =	wrdreg $0x60  }
0xae: {  	[dreg:$0x2] =	wrdreg s2  }
0xaf: {  	[dreg:$0x3] =	wrdreg s24  }
0xb0: {  	[dreg:$0x4] =	wrdreg $0x9  }
0xb1: {  	_ =	task.clear_ibuf [dreg:s7], $0x5FFFF;
	_ =	strace $0x90000049  }
0xb2: {  	s29 =	simm.s32 $0x9;
	_ =	strace $0x8000004B  }
0xb3: {  	_ =	swait.ge [sflag:s29], $0x1  }
0xb4: {  	[sflag:s29] =	ssyncadd.s32 $0xFFFFFFFF  }
0xb5: {  	_ =	strace $0x9000004B  }
0xb6: {  	_ =	sfence  }
0xb7: {  	s30 =	sld [smem:$0x0];
	_ =	sdelay $0x2  }
0xb8: {  	s31 =	sshll.u32 s1, $0xD;
	s1 =	sshrl.u32 s1, $0x2  }
0xb9: {  	s3 =	sand.u32 $0x4000, s31;
	s1 =	sadd.s32 s1, s30  }
0xba: {  	s0 =	sor.u32 s3, s0;
	s1 =	sshll.u32 s1, $0x11  }
0xbb: {  	s0 =	sor.u32 s1, s0  }
0xbc: {  	s0 =	sadd.s32 $0x8F2B, s0  }
0xbd: {  	[sflag:s0] =	ssyncadd.remote.s32 $0x1  }
0xbe: {  	_ =	sfence.sel $0xFFFF  }
0xbf: {  	[dreg:$0x0] =	wrdreg $0xFFFFFFFF;
	(pc) =	sbr.abs _section_cstart, $3  }
0xc0: {  	[dreg:$0x1] =	wrdreg $0xFFFFFFFF  }
0xc1: {  	_ =	task.clear_ibuf [dreg:s7], $0x2FFFF;
	_ =	strace $0x9FFFFFFF  }
0xc2: {  	(tm) =	ssettm $0x7FFFFFFF  }
0xc3: {  	_ =	shalt  }
tec
execute0_lowered:
.L_overlay_start_1:
0x0: {  	(tag) =	ssettag $0x1  }
0x1: {  	s0 =	srdreg.scid;
	s2 =	rddreg [dreg:$0x0]  }
0x2: {  	s5 =	rddreg [dreg:$0x1];
	s1 =	stileid.u32  }
0x3: {  	s3 =	simm.s32 $0x0;
	s10 =	simm.s32 $0x5000;
	s4 =	sand.u32 $0x1, s0  }
0x4: {  	s11 =	simm.s32 $0x7800;
	s12 =	simm.s32 $0x1;
	s6 =	sshll.u32 s4, $0x4  }
0x5: {  	s13 =	simm.s32 $0xA000;
	s14 =	simm.s32 $0x2;
	s6 =	sor.u32 s1, s6  }
0x6: {  	s15 =	simm.s32 $0x0;
	[smem:$0x7FF] =	sst s3;
	s6 =	smul.u32 $0x500, s6  }
0x7: {  	s0 =	rddreg [dreg:$0x2];
	_ =	strace $0x8000004A;
	s7 =	ssub.s32 $0x2, s4  }
0x8: {  	s4 =	sadd.s32 $0x500, s2;
	s31 =	sshrl.u32 s7, $0x1;
	s8 =	sadd.s32 s6, s5  }
0x9: {  	s9 =	ssub.s32 s7, s31;
	s5 =	sadd.s32 $0x2AAA00, s8;
	s6 =	sadd.s32 $0x296A00, s8  }
0xa: {  	s7 =	sadd.s32 $0x2A0A00, s8;
	s8 =	smax.u32 s9, $0x1;
	s9 =	simm.s32 $0x2800  }
.LBB2_1:
0xb: {  	[tilespmem:s3], [sflag:$0x1] =	stream.linear.gather [hbm4b:s2+s3], $0x2800, $0x38;
	[tilespmem:$0xC800] =	vst v63  }
0xc: {  	_ = 	snop  }
0xd: {  	[tilespmem:s9], [sflag:$0x1] =	stream.linear.gather [hbm4b:s4+s3], $0x2800, $0x38;
	[tilespmem:$0xC800] =	vst v63  }
0xe: {  	_ = 	snop  }
0xf: {  	[tilespmem:s10], [sflag:$0x1] =	stream.linear.gather [hbm4b:s5+s3], $0x2800, $0x38;
	[tilespmem:$0xC800] =	vst v63  }
0x10: {  	_ = 	snop  }
0x11: {  	[tilespmem:s11], [sflag:$0x1] =	stream.linear.gather [hbm4b:s6+s3], $0x2800, $0x38;
	[tilespmem:$0xC800] =	vst v63  }
0x12: {  	_ =	swait.ge [sflag:s12], $0x2800  }
0x13: {  	[sflag:s12] =	ssyncset.done $0x0  }
0x14: {  	[sflag:s12] =	ssyncadd.s32 $0xFFFFD800  }
0x15: {  	_ =	swait.ge [sflag:s12], $0x2800  }
0x16: {  	[sflag:s12] =	ssyncset.done $0x0  }
0x17: {  	s16 =	simm.s32 $0x0;
	[sflag:s12] =	ssyncadd.s32 $0xFFFFD800  }
0x18: {  	v0 =	vld [tilespmem:s16+$0x0]  }
0x19: {  	v1 =	vld [tilespmem:s16+$0x2800]  }
0x1a: {  	s17 =	simm.s32 $0x10  }
0x1b: {  	v2 =	vld [tilespmem:s17+$0x0]  }
0x1c: {  	v3 =	vld [tilespmem:s17+$0x2800];
	_ =	sdelay $0x1  }
0x1d: {  	v0 =	vadd.f32 v1, v0;
	_ =	sdelay $0x1  }
0x1e: {  	v0 =	vadd.f32 $1.000000020e-16, v0  }
0x1f: {  	v1 =	vadd.f32 v3, v2  }
0x20: {  	(erf) = vrcp.f32 v0  }
0x21: {  	s18 =	simm.s32 $0x20;
	v2 =	vadd.f32 $1.000000020e-16, v1  }
0x22: {  	v1 =	vld [tilespmem:s18+$0x2800]  }
0x23: {  	v0 =	vld [tilespmem:s18+$0x0];
	(erf) = vrcp.f32 v2;
	_ =	sdelay $0x2  }
0x24: {  	s19 =	simm.s32 $0xC0  }
.LBB2_2:
0x25: {  	s20 =	sshra.s32 s19, $0x2;
	p0 =	sne.s32 s19, $0x9FC0  }
.Ltmp0:
0x26: {  	s19 =	sadd.s32 $0x40, s19;
	v2 =	vadd.f32 v1, v0;
	v0 =	vld [tilespmem:s20+$0x0];
	(pc) =	sbr.rel @p0 .LBB2_2-.Ltmp0, $4  }
0x27: {  	v1 =	vld [tilespmem:s20+$0x2800];
	v3 =	vpop (erf)  }
0x28: {  	v2 =	vadd.f32 $1.000000020e-16, v2;
	[tilespmem:s16+$0x0] =	vst v3;
	s16 =	smov.u32 s17;
	s17 =	smov.u32 s18;
	s18 =	smov.u32 s20  }
0x29: {  	_ = 	snop  }
0x2a: {  	(erf) = vrcp.f32 v2  }
0x2b: {  	_ = 	snop  }
0x2c: {  	v0 =	vadd.f32 v1, v0;
	_ =	sdelay $0x1  }
0x2d: {  	v0 =	vadd.f32 $1.000000020e-16, v0;
	_ =	sdelay $0x1  }
0x2e: {  	(erf) = vrcp.f32 v0;
	_ =	sdelay $0x6  }
0x2f: {  	v0 =	vpop (erf)  }
0x30: {  	[tilespmem:s16+$0x0] =	vst v0;
	v0 =	vpop (erf)  }
0x31: {  	[tilespmem:s17+$0x0] =	vst v0;
	v0 =	vpop (erf)  }
0x32: {  	[tilespmem:s18+$0x0] =	vst v0  }
0x33: {  	_ =	swait.ge [sflag:s12], $0x2800  }
0x34: {  	[sflag:s12] =	ssyncset.done $0x0  }
0x35: {  	[sflag:s12] =	ssyncadd.s32 $0xFFFFD800  }
0x36: {  	_ =	swait.ge [sflag:s12], $0x2800  }
0x37: {  	[sflag:s12] =	ssyncset.done $0x0  }
0x38: {  	s29 =	simm.s32 $0x7810;
	[sflag:s12] =	ssyncadd.s32 $0xFFFFD800  }
0x39: {  	v0 =	vld [tilespmem:s29+$0x0]  }
0x3a: {  	v1 =	vld [tilespmem:s29+$0xFFFFFFF0];
	_ =	sdelay $0x2  }
0x3b: {  	s30 =	simm.s32 $0x5010  }
0x3c: {  	s31 =	simm.s32 $0x7830;
	v2 =	vld [tilespmem:s30+$0x0]  }
0x3d: {  	v3 =	vld [tilespmem:s31+$0x0]  }
0x3e: {  	v5 =	vld [tilespmem:s30+$0xFFFFFFF0]  }
0x3f: {  	v0 =	vld.idx.msk [tilespmem:v0+s3+$0x0], $0xffff  }
0x40: {  	v4 =	vld.idx.msk [tilespmem:v1+s3+$0x0], $0xffff  }
0x41: {  	v1 =	vld [tilespmem:s31+$0xFFFFFFF0];
	_ =	sdelay $0x2  }
0x42: {  	s17 =	simm.s32 $0x5030;
	v2 =	vmul.f32 v2, v0  }
0x43: {  	s16 =	simm.s32 $0xA010;
	v0 =	vld [tilespmem:s17+$0x0]  }
0x44: {  	s19 =	simm.s32 $0x7850;
	s18 =	simm.s32 $0x2;
	[tilespmem:s16+$0x0] =	vst v2;
	v2 =	vld.idx.msk [tilespmem:v3+s3+$0x0], $0xffff;
	v3 =	vmul.f32 v5, v4  }
.LBB2_4:
0x45: {  	v4 =	vld [tilespmem:s19+$0x0];
	s18 =	sadd.s32 $0x2, s18  }
0x46: {  	v5 =	vld [tilespmem:s19+$0xFFFFFFF0];
	p0 =	slt.u32 s18, $0x27E;
	[tilespmem:s16+$0xFFFFFFF0] =	vst v3  }
0x47: {  	v3 =	vld.idx.msk [tilespmem:v1+s3+$0x0], $0xffff  }
0x48: {  	v6 =	vld [tilespmem:s17+$0xFFFFFFF0]  }
.Ltmp1:
0x49: {  	(pc) =	sbr.rel @p0 .LBB2_4-.Ltmp1, $4  }
0x4a: {  	v2 =	vmul.f32 v0, v2  }
0x4b: {  	s16 =	sadd.s32 $0x20, s16;
	s17 =	sadd.s32 $0x20, s17;
	v1 =	vmov v5  }
0x4c: {  	v0 =	vld [tilespmem:s17+$0x0];
	[tilespmem:s16+$0x0] =	vst v2  }
0x4d: {  	s19 =	sadd.s32 $0x20, s19;
	v2 =	vld.idx.msk [tilespmem:v4+s3+$0x0], $0xffff;
	v3 =	vmul.f32 v6, v3  }
0x4e: {  	_ =	sdelay $0x3  }
0x4f: {  	v1 =	vld.idx.msk [tilespmem:v1+s3+$0x0], $0xffff  }
0x50: {  	v4 =	vld [tilespmem:s17+$0xFFFFFFF0];
	_ =	sdelay $0x3  }
0x51: {  	v0 =	vmul.f32 v0, v2  }
0x52: {  	s31 =	sadd.s32 $0x20, s16;
	s15 =	sadd.s32 $0x1, s15;
	[tilespmem:s16+$0xFFFFFFF0] =	vst v3;
	v1 =	vmul.f32 v4, v1  }
0x53: {  	p0 =	sne.s32 s15, s8;
	[tilespmem:s31+$0x0] =	vst v0  }
.Ltmp2:
0x54: {  	[tilespmem:s31+$0xFFFFFFF0] =	vst v1;
	(pc) =	sbr.rel @p0 .LBB2_1-.Ltmp2, $4  }
0x55: {  	[hbm4b:s7+s3] =	stream.linear.scatter [tilespmem:s13], [sflag:$0x2], $0x2800, $0x38;
	[tilespmem:$0xC800] =	vst v63  }
0x56: {  	_ =	swait.ge [sflag:s14], $0x2800  }
0x57: {  	[sflag:s14] =	ssyncset.done $0x0  }
0x58: {  	[sflag:s14] =	ssyncadd.s32 $0xFFFFD800  }
0x59: {  	_ =	sfence.sel $0x180000  }
0x5a: {  	[bflag:$0x0] =	sbarrier.arrive $0xFFFF  }
0x5b: {  	p0 =	sne.s32 s1, $0x0;
	_ =	strace $0x9000004A  }
0x5c: {  	s0 =	sadd.s32 @!p0 $0x100000, s0;
	[bflag:$0x2] =	sbarrier.arrive $0xFFFF  }
0x5d: {  	[sflag:s0] =	ssyncadd.tile.s32 @!p0 $0x1;
	_ =	shalt  }
.Lfunc_end2:
_tile_overlayer_lowered:
.L_overlay_start_2:
0x5e: {  	(tag) =	ssettag $0x2  }
0x5f: {  	s0 =	rddreg [dreg:$0x0];
	s2 =	stileid.u32  }
0x60: {  	s1 =	rddreg [dreg:$0x1];
	p0 =	sne.s32 s2, $0x0  }
0x61: {  	s3 =	rddreg [dreg:$0x2];
	[bflag:$0x3] =	sbarrier.arrive $0xFFFF;
	s2 =	simm.s32 @!p0 $0x1C02  }
0x62: {  	[timem:s3], [sflag:s2] =	dma.local @!p0 [hbm:s0], s1  }
0x63: {  	s0 =	simm.s32 @!p0 $0x2  }
0x64: {  	_ =	swait.ge @!p0 [sflag:s0], s1  }
0x65: {  	s1 =	ssub.s32 @!p0 $0x0, s1;
	[sflag:s0] =	ssyncset.done @!p0 $0x0  }
0x66: {  	[sflag:s0] =	ssyncadd.s32 @!p0 s1  }
0x67: {  	[bflag:$0x3] =	sbarrier.arrive $0xFFFF  }
0x68: {  	_ =	shalt  }

</sc_bundles>
